<compile_context>
chip_gen: v7x
topology: tpu7x:2x2x1
jax: 0.10.2.dev20260603
libtpu: 0.0.44.dev20260713+nightly
codegen_flags: <defaults>
</compile_context>

<pallas_src>
import numpy as np
import jax
import jax.numpy as jnp
from jax import lax
from jax.experimental import pallas as pl
from jax.experimental.pallas import tpu as pltpu
from jax.experimental.pallas import tpu_sc as plsc

_SIZE = 193
_MAXR = 96
_MAXR2 = _MAXR * _MAXR
_Y = _SIZE
_X = _SIZE // 2 + 1
_XP = 112
_NG = _XP // 16
_B = 128
_RC = 8
_NCH = 25
_YPAD = _RC * _NCH
_NPC = _RC * _XP
_OUT = 192
_EDGE = 5.0
_SCALE = 1.0 / (_SIZE - 1)


def _index_tables():
    z = np.arange(_SIZE) - _MAXR
    zz, yy = np.meshgrid(z, z, indexing="ij")
    rem = _MAXR2 - zz * zz - yy * yy
    xmax = np.where(rem > 0,
                    np.floor(np.sqrt(np.maximum(rem - 1, 0))).astype(np.int64),
                    -1)
    counts = xmax + 1
    rowstart = np.concatenate(
        [[0], np.cumsum(counts.reshape(-1))[:-1]]).reshape(_SIZE, _SIZE)
    wc = int(counts.sum())
    packed = (rowstart * 128 + counts).astype(np.int32).reshape(-1)
    packed = np.concatenate([packed, np.zeros((-packed.size) % 8, np.int32)])
    return packed, wc


_PACKED_TBL, _WC = _index_tables()
_TBL_N = _PACKED_TBL.size


def _circ_mask():
    c = _OUT // 2
    yy, xx = np.meshgrid(np.arange(_OUT) - c, np.arange(_OUT) - c, indexing="ij")
    r = np.sqrt((yy * yy + xx * xx).astype(np.float32))
    radius = (_OUT - _EDGE) / 2.0
    t = np.clip((r - (radius - _EDGE)) / _EDGE, 0.0, 1.0)
    return (0.5 * (1.0 + np.cos(np.pi * t))).astype(np.float32)


_CMASK = _circ_mask()


def _body(p_hbm, wtab_hbm, tbl_hbm, out_hbm,
          tblv, pv, i0, i1, i2, i3, g0, g1, g2, g3, wb, mb, oc, sem):
    wid = lax.axis_index("s") * 2 + lax.axis_index("c")
    pltpu.sync_copy(tbl_hbm, tblv)
    iota = lax.iota(jnp.int32, 16)
    zeros16 = jnp.zeros((16,), jnp.int32)
    ones16 = jnp.ones((16,), jnp.int32)
    two16 = jnp.full((16,), 2, jnp.int32)
    three16 = jnp.full((16,), 3, jnp.int32)
    null = jnp.full((16,), _WC, jnp.int32)
    ibufs = [i0, i1, i2, i3]
    gbufs = [g0, g1, g2, g3]

    def outer(bi, carry):
        b = wid * 4 + bi

        def chunkfn(ch, c2):
            pltpu.sync_copy(p_hbm.at[b, pl.ds(ch * _RC, _RC)], pv)

            def comp(ri, c3):
                cyf = (ch * _RC + ri - _MAXR).astype(jnp.float32)
                cyv = jnp.full((16,), cyf)
                for j in range(_NG):
                    sl = pl.ds(ri * _XP + j * 16, 16)
                    cx = (iota + (16 * j)).astype(jnp.float32)
                    r2 = cx * cx + cyv * cyv
                    m = jnp.where(r2 < float(_MAXR2), jnp.float32(_SCALE),
                                  jnp.float32(0.0))
                    psl = pl.ds(j * 16, 16)
                    px = pv[ri, 0, psl]
                    py = pv[ri, 1, psl]
                    pz = pv[ri, 2, psl]
                    s = jnp.where(px < 0.0, jnp.float32(-1.0), jnp.float32(1.0))
                    px = px * s
                    py = py * s
                    pz = pz * s
                    xi = px.astype(jnp.int32)
                    yi0 = py.astype(jnp.int32)
                    yi = yi0 - jnp.where(py < yi0.astype(jnp.float32), 1, 0)
                    zi0 = pz.astype(jnp.int32)
                    zi = zi0 - jnp.where(pz < zi0.astype(jnp.float32), 1, 0)
                    fx = px - xi.astype(jnp.float32)
                    fy = py - yi.astype(jnp.float32)
                    fz = pz - zi.astype(jnp.float32)
                    zg = jnp.clip(zi + _MAXR, 0, _SIZE - 1)
                    yg = jnp.clip(yi + _MAXR, 0, _SIZE - 1)
                    xg = jnp.clip(xi, 0, _X - 1)
                    xg1 = xg + 1
                    zg1 = jnp.minimum(zg + 1, _SIZE - 1)
                    yg1 = jnp.minimum(yg + 1, _SIZE - 1)
                    mz0 = zg * _SIZE
                    mz1 = zg1 * _SIZE
                    wz1 = fz
                    wz0 = 1.0 - fz
                    wy1 = fy
                    wy0 = 1.0 - fy
                    wx1 = fx
                    wx0 = 1.0 - fx
                    c = 0
                    for mz, wz in ((mz0, wz0), (mz1, wz1)):
                        for my, wy in ((yg, wy0), (yg1, wy1)):
                            pk = plsc.load_gather(tblv, [mz + my])
                            xm = (pk & 127) - 1
                            rs = lax.shift_right_arithmetic(pk, 7)
                            wzy = wz * wy
                            idx = jnp.where(xg <= xm, rs + xg, null)
                            m1 = jnp.where(xg1 <= xm, jnp.float32(1.0),
                                           jnp.float32(0.0))
                            ibufs[c][sl] = idx
                            wb[c, sl] = wzy * wx0
                            wb[4 + c, sl] = wzy * wx1 * m1
                            c += 1
                    mb[0, sl] = m
                    mb[1, sl] = m * s
                return c3

            lax.fori_loop(0, _RC, comp, 0)
            cps = [pltpu.async_copy(wtab_hbm.at[ibufs[c2_]], gbufs[c2_], sem)
                   for c2_ in range(4)]
            for cp in cps:
                cp.wait()

            def cons(ri, c3):
                for j in range(_NG):
                    sl = pl.ds(ri * _XP + j * 16, 16)
                    rows16 = iota + (ri * _XP + j * 16)
                    are = jnp.zeros((16,), jnp.float32)
                    aim = jnp.zeros((16,), jnp.float32)
                    for cc in range(4):
                        gc = gbufs[cc]
                        t = wb[cc, sl]
                        u = wb[4 + cc, sl]
                        v0re = plsc.load_gather(gc, [rows16, zeros16])
                        v0im = plsc.load_gather(gc, [rows16, ones16])
                        v1re = plsc.load_gather(gc, [rows16, two16])
                        v1im = plsc.load_gather(gc, [rows16, three16])
                        are = are + t * v0re + u * v1re
                        aim = aim + t * v0im + u * v1im
                    psl = pl.ds(j * 16, 16)
                    oc[ri, 0, psl] = are * mb[0, sl]
                    oc[ri, 1, psl] = aim * mb[1, sl]
                return c3

            lax.fori_loop(0, _RC, cons, 0)
            pltpu.sync_copy(oc, out_hbm.at[b, pl.ds(ch * _RC, _RC)])
            return c2

        lax.fori_loop(0, _NCH, chunkfn, 0)
        return carry

    lax.fori_loop(0, 4, outer, 0)


_sc_call = pl.kernel(
    _body,
    out_type=jax.ShapeDtypeStruct((_B, _YPAD, 2, _XP), jnp.float32),
    mesh=plsc.VectorSubcoreMesh(core_axis_name="c", subcore_axis_name="s"),
    scratch_types=[
        pltpu.VMEM((_TBL_N,), jnp.int32),
        pltpu.VMEM((_RC, 3, _XP), jnp.float32),
        pltpu.VMEM((_NPC,), jnp.int32),
        pltpu.VMEM((_NPC,), jnp.int32),
        pltpu.VMEM((_NPC,), jnp.int32),
        pltpu.VMEM((_NPC,), jnp.int32),
        pltpu.VMEM((_NPC, 8), jnp.float32),
        pltpu.VMEM((_NPC, 8), jnp.float32),
        pltpu.VMEM((_NPC, 8), jnp.float32),
        pltpu.VMEM((_NPC, 8), jnp.float32),
        pltpu.VMEM((8, _NPC), jnp.float32),
        pltpu.VMEM((2, _NPC), jnp.float32),
        pltpu.VMEM((_RC, 2, _XP), jnp.float32),
        pltpu.SemaphoreType.DMA,
    ],
    compiler_params=pltpu.CompilerParams(needs_layout_passes=False,
                                         use_tc_tiling_on_sc=False),
)


_DENSE_COORD = np.stack(
    [np.tile(np.arange(_XP), _Y),
     np.repeat(np.arange(_Y) - _MAXR, _XP)], -1).astype(np.float32)


@jax.jit
def _projector(rot_matrices, weight):
    p = jnp.einsum('bdk,nk->bnd', rot_matrices[:, :, :2],
                   jnp.asarray(_DENSE_COORD))
    p = p.reshape(_B, _Y, _XP, 3).transpose(0, 1, 3, 2)
    p = jnp.pad(p, ((0, 0), (0, _YPAD - _Y), (0, 0), (0, 0)))
    w2 = weight.reshape(-1, 2)
    wshift = jnp.concatenate([w2[1:], jnp.zeros((1, 2), jnp.float32)], axis=0)
    wtab = jnp.concatenate(
        [w2, wshift, jnp.zeros((w2.shape[0], 4), jnp.float32)], axis=1)
    tbl = jnp.asarray(_PACKED_TBL)
    out = _sc_call(p, wtab, tbl)
    full = lax.complex(out[:, :_Y, 0, :_X], out[:, :_Y, 1, :_X])
    h = full[:, 1:, :]
    sp = jnp.fft.ifftshift(h, axes=(-2,))
    img = jnp.fft.irfftn(sp, s=(_OUT, _OUT), axes=(-2, -1))
    img = jnp.fft.fftshift(img, axes=(-2, -1)).real.astype(jnp.float32)
    return img * jnp.asarray(_CMASK)[None]


def kernel(rot_matrices, weight, grid3d_index):
    del grid3d_index
    return _projector(rot_matrices, weight)

# --- scband reference (transcript-rebuilt; emitter-appended) ---
"""Pipeline reference for scband-projector-32220844654683 (READ-ONLY COPY).

The authoritative reference and input builder live on the scoring server;
editing this copy changes nothing except your own understanding.
"""

import jax, jax.numpy as jnp
import numpy as np

SIZE_IN = 192   # Projector(size=192); internally size becomes 193 (odd, symmetrized)
B = 128
M = 3           # index_margin
MASK_EDGE = 5.0
OUTPUT_SIZE = 192


def _build_grid3d_index():
    size = SIZE_IN + 1
    bz = size
    bz_2 = bz // 2
    bz_x = bz_2 + 1
    maxr = size // 2
    max_r2 = maxr * maxr
    z, y, x = np.meshgrid(np.arange(bz, dtype=np.int64),
                          np.arange(bz, dtype=np.int64),
                          np.arange(bz_x, dtype=np.int64), indexing='ij')
    z = z - bz_2
    y = y - bz_2
    mask3 = (z * z + y * y + x * x) < max_r2
    weight_count = int(mask3.sum())
    grid = np.full((bz, bz, bz_x), weight_count, dtype=np.int64)  # null index everywhere
    grid[mask3] = np.arange(weight_count, dtype=np.int64)
    gm = np.full((bz + 2 * M, bz + 2 * M, bz_2 + M + 1), weight_count, dtype=np.int64)
    gm[M:-M, M:-M, :-M] = grid
    return gm, weight_count + 1


def _grid2d(size, max_r):
    Y = size
    X = size // 2 + 1
    ys = np.arange(Y) - Y // 2
    xs = np.arange(X)
    yg, xg = np.meshgrid(ys, xs, indexing='ij')
    m = (xg * xg + yg * yg) < max_r * max_r
    coord = np.stack([xg[m], yg[m]], axis=-1).astype(np.float32)  # (x, y) pairs
    return coord, m.reshape(-1)


def _circular_mask(n, radius, edge):
    c = n // 2
    yy, xx = np.meshgrid(np.arange(n) - c, np.arange(n) - c, indexing='ij')
    r = np.sqrt((yy * yy + xx * xx).astype(np.float32))
    t = np.clip((r - (radius - edge)) / edge, 0.0, 1.0)
    return (0.5 * (1.0 + np.cos(np.pi * t))).astype(np.float32)


def setup_inputs(seed: int = 0) -> dict:
    key = jax.random.key(seed)
    k1, k2 = jax.random.split(key)
    a = jax.random.normal(k1, (B, 3, 3), dtype=jnp.float32)
    q, _ = jnp.linalg.qr(a)
    det = jnp.linalg.det(q)
    rot = (q * det[:, None, None]).astype(jnp.float32)  # proper rotations (keeps coords in-bounds)
    gm, wc = _build_grid3d_index()
    w = jax.random.normal(k2, (wc, 1, 2), dtype=jnp.float32) * 0.1
    w = w.at[-1].set(0.0)  # null voxel (outside sphere) stays zero
    return {"rot_matrices": rot, "weight": w, "grid3d_index": jnp.asarray(gm)}


def reference(rot_matrices, weight, grid3d_index):
    size = SIZE_IN + 1
    maxr = size // 2
    coord_np, mask2_np = _grid2d(size, maxr)
    coord = jnp.asarray(coord_np)
    mask_idx = jnp.asarray(np.nonzero(mask2_np)[0])
    # rotate 2D Fourier-plane coords into 3D: p = R @ [x, y, 0]
    p = jnp.einsum('bdk,nk->bnd', rot_matrices[:, :, :2], coord)
    flip = p[..., 0] < 0  # hermitian half-transform: mirror + conjugate
    p = jnp.where(flip[..., None], -p, p)
    px, py, pz = p[..., 0], p[..., 1], p[..., 2]
    x0f = jnp.floor(px); y0f = jnp.floor(py); z0f = jnp.floor(pz)
    fx = px - x0f; fy = py - y0f; fz = pz - z0f
    off = size // 2 + M
    ix0 = x0f.astype(jnp.int32)
    iy0 = y0f.astype(jnp.int32) + off
    iz0 = z0f.astype(jnp.int32) + off
    out_re = jnp.zeros(px.shape, jnp.float32)
    out_im = jnp.zeros(px.shape, jnp.float32)
    for dz in (0, 1):
        wz = fz if dz else (1.0 - fz)
        for dy in (0, 1):
            wy = fy if dy else (1.0 - fy)
            for dx in (0, 1):
                wx = fx if dx else (1.0 - fx)
                idx = grid3d_index[iz0 + dz, iy0 + dy, ix0 + dx]  # gather voxel ids
                v = weight[idx, 0, :]                              # gather complex values
                wtri = wz * wy * wx
                out_re = out_re + wtri * v[..., 0]
                out_im = out_im + wtri * v[..., 1]
    out_im = jnp.where(flip, -out_im, out_im)
    scale = 1.0 / (size - 1)
    pc = (out_re * scale) + 1j * (out_im * scale)
    Y = size; X = size // 2 + 1
    full = jnp.zeros((rot_matrices.shape[0], Y * X), dtype=pc.dtype)
    full = full.at[:, mask_idx].set(pc)      # scatter masked freqs into full half-grid
    full = full.reshape(-1, Y, X)
    h = full[:, 1:, :]                        # dt_desymmetrize: drop duplicated Nyquist row
    sp = jnp.fft.ifftshift(h, axes=(-2,))
    img = jnp.fft.irfftn(sp, s=(SIZE_IN, SIZE_IN), axes=(-2, -1))
    img = jnp.fft.fftshift(img, axes=(-2, -1)).real.astype(jnp.float32)
    cmask = jnp.asarray(_circular_mask(OUTPUT_SIZE, (OUTPUT_SIZE - MASK_EDGE) / 2.0, MASK_EDGE))
    return img * cmask[None]

if __name__ == "__main__":
    import jax
    _d = setup_inputs()
    print(jax.jit(kernel)(*tuple(_d.values())))

</pallas_src>

<mosaic_0001>
#map = affine_map<(d0, d1) -> (0, 0, 0, 0)>
#map1 = affine_map<(d0, d1) -> (0, 0)>
#map2 = affine_map<(d0, d1) -> (0)>
module attributes {stable_mosaic.version = 14 : i64} {
  func.func @_body(%arg0: i32, %arg1: i32, %arg2: memref<128x200x3x112xf32, #tpu.memory_space<hbm>>, %arg3: memref<1866989x8xf32, #tpu.memory_space<hbm>>, %arg4: memref<37256xi32, #tpu.memory_space<hbm>>, %arg5: memref<128x200x2x112xf32, #tpu.memory_space<hbm>>, %arg6: memref<37256xi32, #tpu.memory_space<vmem>>, %arg7: memref<8x3x112xf32, #tpu.memory_space<vmem>>, %arg8: memref<896xi32, #tpu.memory_space<vmem>>, %arg9: memref<896xi32, #tpu.memory_space<vmem>>, %arg10: memref<896xi32, #tpu.memory_space<vmem>>, %arg11: memref<896xi32, #tpu.memory_space<vmem>>, %arg12: memref<896x8xf32, #tpu.memory_space<vmem>>, %arg13: memref<896x8xf32, #tpu.memory_space<vmem>>, %arg14: memref<896x8xf32, #tpu.memory_space<vmem>>, %arg15: memref<896x8xf32, #tpu.memory_space<vmem>>, %arg16: memref<8x896xf32, #tpu.memory_space<vmem>>, %arg17: memref<2x896xf32, #tpu.memory_space<vmem>>, %arg18: memref<8x2x112xf32, #tpu.memory_space<vmem>>, %arg19: memref<!tpu.dma_semaphore, #tpu.memory_space<semaphore_mem>>) attributes {dimension_semantics = [#tpu.dimension_semantics<core_parallel>, #tpu.dimension_semantics<subcore_parallel>], iteration_bounds = array<i64: 2, 16>, scalar_prefetch = 0 : i64, scratch_operands = 14 : i64, tpu.core_type = #tpu.core_type<sc_vector_subcore>, window_params = [{transform_indices = #map}, {transform_indices = #map1}, {transform_indices = #map2}, {transform_indices = #map}]} {
    %mul3A = arith.constant 2 : i32
    %mul3A_0 = arith.muli %arg1, %mul3A : i32
    %add3A = arith.addi %mul3A_0, %arg0 : i32
    "tpu.region"() ({
      %run_scoped3A = tpu.sem_alloc : memref<!tpu.dma_semaphore, #tpu.memory_space<semaphore_mem>>
      tpu.enqueue_dma source(%arg4 : memref<37256xi32, #tpu.memory_space<hbm>>) target(%arg6 : memref<37256xi32, #tpu.memory_space<vmem>>) target_semaphore(%run_scoped3A : memref<!tpu.dma_semaphore, #tpu.memory_space<semaphore_mem>>)
      tpu.wait_dma2 semaphore(%run_scoped3A : memref<!tpu.dma_semaphore, #tpu.memory_space<semaphore_mem>>) src(%arg4 : memref<37256xi32, #tpu.memory_space<hbm>>) dst(%arg6 : memref<37256xi32, #tpu.memory_space<vmem>>)
      tpu.yield
    }) : () -> ()
    %iota3A = tpu.iota {dimensions = array<i32: 0>} : vector<16xi32>
    %broadcast_in_dim3A = arith.constant 0 : i32
    %broadcast_in_dim3A_1 = vector.broadcast %broadcast_in_dim3A : i32 to vector<16xi32>
    %broadcast_in_dim3A_2 = arith.constant 1 : i32
    %broadcast_in_dim3A_3 = vector.broadcast %broadcast_in_dim3A_2 : i32 to vector<16xi32>
    %broadcast_in_dim3A_4 = arith.constant 2 : i32
    %broadcast_in_dim3A_5 = vector.broadcast %broadcast_in_dim3A_4 : i32 to vector<16xi32>
    %broadcast_in_dim3A_6 = arith.constant 3 : i32
    %broadcast_in_dim3A_7 = vector.broadcast %broadcast_in_dim3A_6 : i32 to vector<16xi32>
    %broadcast_in_dim3A_8 = arith.constant 1866988 : i32
    %broadcast_in_dim3A_9 = vector.broadcast %broadcast_in_dim3A_8 : i32 to vector<16xi32>
    %scan3A = arith.constant 0 : i32
    %scan3A_10 = arith.constant 0 : i32
    %scan3A_11 = arith.constant 4 : i32
    %scan3A_12 = arith.addi %scan3A_10, %scan3A_11 : i32
    %scan3A_13 = arith.constant 1 : i32
    scf.for %scan3A_15 = %scan3A_10 to %scan3A_12 step %scan3A_13  : i32 {
      %mul3A_16 = arith.constant 4 : i32
      %mul3A_17 = arith.muli %add3A, %mul3A_16 : i32
      %add3A_18 = arith.addi %mul3A_17, %scan3A_15 : i32
      %scan3A_19 = arith.constant 0 : i32
      %scan3A_20 = arith.constant 0 : i32
      %scan3A_21 = arith.constant 25 : i32
      %scan3A_22 = arith.addi %scan3A_20, %scan3A_21 : i32
      %scan3A_23 = arith.constant 1 : i32
      scf.for %scan3A_25 = %scan3A_20 to %scan3A_22 step %scan3A_23  : i32 {
        %mul3A_26 = arith.constant 8 : i32
        %mul3A_27 = arith.muli %scan3A_25, %mul3A_26 : i32
        "tpu.region"() ({
          %run_scoped3A = tpu.sem_alloc : memref<!tpu.dma_semaphore, #tpu.memory_space<semaphore_mem>>
          %dma_start3A_64 = arith.constant 0 : i32
          %dma_start3A_65 = arith.constant 0 : i32
          %dma_start3A_66 = tpu.memref_slice %arg2[%add3A_18, %mul3A_27, %dma_start3A_64, %dma_start3A_65] : memref<128x200x3x112xf32, #tpu.memory_space<hbm>> -> memref<1x8x3x112xf32, #tpu.memory_space<hbm>>
          %dma_start3A_67 = tpu.memref_squeeze %dma_start3A_66 : memref<1x8x3x112xf32, #tpu.memory_space<hbm>> -> memref<8x3x112xf32, #tpu.memory_space<hbm>>
          %dma_start3A_68 = arith.constant 0 : i32
          %dma_start3A_69 = arith.constant 0 : i32
          %dma_start3A_70 = tpu.memref_slice %arg2[%add3A_18, %mul3A_27, %dma_start3A_68, %dma_start3A_69] : memref<128x200x3x112xf32, #tpu.memory_space<hbm>> -> memref<1x8x3x112xf32, #tpu.memory_space<hbm>>
          %dma_start3A_71 = tpu.memref_squeeze %dma_start3A_70 : memref<1x8x3x112xf32, #tpu.memory_space<hbm>> -> memref<8x3x112xf32, #tpu.memory_space<hbm>>
          tpu.enqueue_dma source(%dma_start3A_71 : memref<8x3x112xf32, #tpu.memory_space<hbm>>) target(%arg7 : memref<8x3x112xf32, #tpu.memory_space<vmem>>) target_semaphore(%run_scoped3A : memref<!tpu.dma_semaphore, #tpu.memory_space<semaphore_mem>>)
          %dma_wait3A_72 = arith.constant 0 : i32
          %dma_wait3A_73 = arith.constant 0 : i32
          %dma_wait3A_74 = tpu.memref_slice %arg2[%add3A_18, %mul3A_27, %dma_wait3A_72, %dma_wait3A_73] : memref<128x200x3x112xf32, #tpu.memory_space<hbm>> -> memref<1x8x3x112xf32, #tpu.memory_space<hbm>>
          %dma_wait3A_75 = tpu.memref_squeeze %dma_wait3A_74 : memref<1x8x3x112xf32, #tpu.memory_space<hbm>> -> memref<8x3x112xf32, #tpu.memory_space<hbm>>
          %dma_wait3A_76 = arith.constant 0 : i32
          %dma_wait3A_77 = arith.constant 0 : i32
          %dma_wait3A_78 = tpu.memref_slice %arg2[%add3A_18, %mul3A_27, %dma_wait3A_76, %dma_wait3A_77] : memref<128x200x3x112xf32, #tpu.memory_space<hbm>> -> memref<1x8x3x112xf32, #tpu.memory_space<hbm>>
          %dma_wait3A_79 = tpu.memref_squeeze %dma_wait3A_78 : memref<1x8x3x112xf32, #tpu.memory_space<hbm>> -> memref<8x3x112xf32, #tpu.memory_space<hbm>>
          tpu.wait_dma2 semaphore(%run_scoped3A : memref<!tpu.dma_semaphore, #tpu.memory_space<semaphore_mem>>) src(%dma_wait3A_79 : memref<8x3x112xf32, #tpu.memory_space<hbm>>) dst(%arg7 : memref<8x3x112xf32, #tpu.memory_space<vmem>>)
          tpu.yield
        }) : () -> ()
        %scan3A_28 = arith.constant 0 : i32
        %scan3A_29 = arith.constant 0 : i32
        %scan3A_30 = arith.constant 8 : i32
        %scan3A_31 = arith.addi %scan3A_29, %scan3A_30 : i32
        %scan3A_32 = arith.constant 1 : i32
        scf.for %scan3A_64 = %scan3A_29 to %scan3A_31 step %scan3A_32  : i32 {
          %mul3A_65 = arith.constant 8 : i32
          %mul3A_66 = arith.muli %scan3A_25, %mul3A_65 : i32
          %add3A_67 = arith.addi %mul3A_66, %scan3A_64 : i32
          %sub3A = arith.constant 96 : i32
          %sub3A_68 = arith.subi %add3A_67, %sub3A : i32
          %convert_element_type3A = arith.sitofp %sub3A_68 : i32 to f32
          %broadcast_in_dim3A_69 = vector.broadcast %convert_element_type3A : f32 to vector<16xf32>
          %mul3A_70 = arith.constant 112 : i32
          %mul3A_71 = arith.muli %scan3A_64, %mul3A_70 : i32
          %add3A_72 = arith.constant 0 : i32
          %add3A_73 = arith.addi %mul3A_71, %add3A_72 : i32
          %add3A_74 = arith.constant 0 : i32
          %add3A_75 = vector.broadcast %add3A_74 : i32 to vector<16xi32>
          %add3A_76 = arith.addi %iota3A, %add3A_75 : vector<16xi32>
          %convert_element_type3A_77 = arith.sitofp %add3A_76 : vector<16xi32> to vector<16xf32>
          %mul3A_78 = arith.mulf %convert_element_type3A_77, %convert_element_type3A_77 : vector<16xf32>
          %mul3A_79 = arith.mulf %broadcast_in_dim3A_69, %broadcast_in_dim3A_69 : vector<16xf32>
          %add3A_80 = arith.addf %mul3A_78, %mul3A_79 : vector<16xf32>
          %lt3A = arith.constant 9.216000e+03 : f32
          %lt3A_81 = vector.broadcast %lt3A : f32 to vector<16xf32>
          %lt3A_82 = arith.cmpf olt, %add3A_80, %lt3A_81 : vector<16xf32>
          %jit3A = arith.constant 0.00520833349 : f32
          %jit3A_83 = arith.constant 0.000000e+00 : f32
          %broadcast_in_dim3A_84 = vector.broadcast %jit3A : f32 to vector<16xf32>
          %broadcast_in_dim3A_85 = vector.broadcast %jit3A_83 : f32 to vector<16xf32>
          %select_n3A = arith.select %lt3A_82, %broadcast_in_dim3A_84, %broadcast_in_dim3A_85 : vector<16xi1>, vector<16xf32>
          %get3A = arith.constant 0 : i32
          %get3A_86 = arith.index_cast %scan3A_64 : i32 to index
          %get3A_87 = arith.index_cast %get3A : i32 to index
          %get3A_88 = arith.constant 0 : index
          %get3A_89 = tpu.vector_load %arg7[%get3A_86, %get3A_87, %get3A_88] {strides = array<i32>} : memref<8x3x112xf32, #tpu.memory_space<vmem>>, vector<16xf32>,
          %get3A_90 = arith.constant 1 : i32
          %get3A_91 = arith.index_cast %scan3A_64 : i32 to index
          %get3A_92 = arith.index_cast %get3A_90 : i32 to index
          %get3A_93 = arith.constant 0 : index
          %get3A_94 = tpu.vector_load %arg7[%get3A_91, %get3A_92, %get3A_93] {strides = array<i32>} : memref<8x3x112xf32, #tpu.memory_space<vmem>>, vector<16xf32>,
          %get3A_95 = arith.constant 2 : i32
          %get3A_96 = arith.index_cast %scan3A_64 : i32 to index
          %get3A_97 = arith.index_cast %get3A_95 : i32 to index
          %get3A_98 = arith.constant 0 : index
          %get3A_99 = tpu.vector_load %arg7[%get3A_96, %get3A_97, %get3A_98] {strides = array<i32>} : memref<8x3x112xf32, #tpu.memory_space<vmem>>, vector<16xf32>,
          %lt3A_100 = arith.constant 0.000000e+00 : f32
          %lt3A_101 = vector.broadcast %lt3A_100 : f32 to vector<16xf32>
          %lt3A_102 = arith.cmpf olt, %get3A_89, %lt3A_101 : vector<16xf32>
          %jit3A_103 = arith.constant -1.000000e+00 : f32
          %jit3A_104 = arith.constant 1.000000e+00 : f32
          %broadcast_in_dim3A_105 = vector.broadcast %jit3A_103 : f32 to vector<16xf32>
          %broadcast_in_dim3A_106 = vector.broadcast %jit3A_104 : f32 to vector<16xf32>
          %select_n3A_107 = arith.select %lt3A_102, %broadcast_in_dim3A_105, %broadcast_in_dim3A_106 : vector<16xi1>, vector<16xf32>
          %mul3A_108 = arith.mulf %get3A_89, %select_n3A_107 : vector<16xf32>
          %mul3A_109 = arith.mulf %get3A_94, %select_n3A_107 : vector<16xf32>
          %mul3A_110 = arith.mulf %get3A_99, %select_n3A_107 : vector<16xf32>
          %convert_element_type3A_111 = arith.fptosi %mul3A_108 : vector<16xf32> to vector<16xi32>
          %convert_element_type3A_112 = arith.fptosi %mul3A_109 : vector<16xf32> to vector<16xi32>
          %convert_element_type3A_113 = arith.sitofp %convert_element_type3A_112 : vector<16xi32> to vector<16xf32>
          %lt3A_114 = arith.cmpf olt, %mul3A_109, %convert_element_type3A_113 : vector<16xf32>
          %jit3A_115 = arith.constant 1 : i32
          %jit3A_116 = arith.constant 0 : i32
          %broadcast_in_dim3A_117 = vector.broadcast %jit3A_115 : i32 to vector<16xi32>
          %broadcast_in_dim3A_118 = vector.broadcast %jit3A_116 : i32 to vector<16xi32>
          %select_n3A_119 = arith.select %lt3A_114, %broadcast_in_dim3A_117, %broadcast_in_dim3A_118 : vector<16xi1>, vector<16xi32>
          %sub3A_120 = arith.subi %convert_element_type3A_112, %select_n3A_119 : vector<16xi32>
          %convert_element_type3A_121 = arith.fptosi %mul3A_110 : vector<16xf32> to vector<16xi32>
          %convert_element_type3A_122 = arith.sitofp %convert_element_type3A_121 : vector<16xi32> to vector<16xf32>
          %lt3A_123 = arith.cmpf olt, %mul3A_110, %convert_element_type3A_122 : vector<16xf32>
          %jit3A_124 = arith.constant 1 : i32
          %jit3A_125 = arith.constant 0 : i32
          %broadcast_in_dim3A_126 = vector.broadcast %jit3A_124 : i32 to vector<16xi32>
          %broadcast_in_dim3A_127 = vector.broadcast %jit3A_125 : i32 to vector<16xi32>
          %select_n3A_128 = arith.select %lt3A_123, %broadcast_in_dim3A_126, %broadcast_in_dim3A_127 : vector<16xi1>, vector<16xi32>
          %sub3A_129 = arith.subi %convert_element_type3A_121, %select_n3A_128 : vector<16xi32>
          %convert_element_type3A_130 = arith.sitofp %convert_element_type3A_111 : vector<16xi32> to vector<16xf32>
          %sub3A_131 = arith.subf %mul3A_108, %convert_element_type3A_130 : vector<16xf32>
          %convert_element_type3A_132 = arith.sitofp %sub3A_120 : vector<16xi32> to vector<16xf32>
          %sub3A_133 = arith.subf %mul3A_109, %convert_element_type3A_132 : vector<16xf32>
          %convert_element_type3A_134 = arith.sitofp %sub3A_129 : vector<16xi32> to vector<16xf32>
          %sub3A_135 = arith.subf %mul3A_110, %convert_element_type3A_134 : vector<16xf32>
          %add3A_136 = arith.constant 96 : i32
          %add3A_137 = vector.broadcast %add3A_136 : i32 to vector<16xi32>
          %add3A_138 = arith.addi %sub3A_129, %add3A_137 : vector<16xi32>
          %jit3A_139 = arith.constant 0 : i32
          %jit3A_140 = arith.constant 192 : i32
          %max3A = vector.broadcast %jit3A_139 : i32 to vector<16xi32>
          %max3A_141 = arith.maxsi %max3A, %add3A_138 : vector<16xi32>
          %min3A = vector.broadcast %jit3A_140 : i32 to vector<16xi32>
          %min3A_142 = arith.minsi %min3A, %max3A_141 : vector<16xi32>
          %add3A_143 = arith.constant 96 : i32
          %add3A_144 = vector.broadcast %add3A_143 : i32 to vector<16xi32>
          %add3A_145 = arith.addi %sub3A_120, %add3A_144 : vector<16xi32>
          %jit3A_146 = arith.constant 0 : i32
          %jit3A_147 = arith.constant 192 : i32
          %max3A_148 = vector.broadcast %jit3A_146 : i32 to vector<16xi32>
          %max3A_149 = arith.maxsi %max3A_148, %add3A_145 : vector<16xi32>
          %min3A_150 = vector.broadcast %jit3A_147 : i32 to vector<16xi32>
          %min3A_151 = arith.minsi %min3A_150, %max3A_149 : vector<16xi32>
          %jit3A_152 = arith.constant 0 : i32
          %jit3A_153 = arith.constant 96 : i32
          %max3A_154 = vector.broadcast %jit3A_152 : i32 to vector<16xi32>
          %max3A_155 = arith.maxsi %max3A_154, %convert_element_type3A_111 : vector<16xi32>
          %min3A_156 = vector.broadcast %jit3A_153 : i32 to vector<16xi32>
          %min3A_157 = arith.minsi %min3A_156, %max3A_155 : vector<16xi32>
          %add3A_158 = arith.constant 1 : i32
          %add3A_159 = vector.broadcast %add3A_158 : i32 to vector<16xi32>
          %add3A_160 = arith.addi %min3A_157, %add3A_159 : vector<16xi32>
          %add3A_161 = arith.constant 1 : i32
          %add3A_162 = vector.broadcast %add3A_161 : i32 to vector<16xi32>
          %add3A_163 = arith.addi %min3A_142, %add3A_162 : vector<16xi32>
          %min3A_164 = arith.constant 192 : i32
          %min3A_165 = vector.broadcast %min3A_164 : i32 to vector<16xi32>
          %min3A_166 = arith.minsi %add3A_163, %min3A_165 : vector<16xi32>
          %add3A_167 = arith.constant 1 : i32
          %add3A_168 = vector.broadcast %add3A_167 : i32 to vector<16xi32>
          %add3A_169 = arith.addi %min3A_151, %add3A_168 : vector<16xi32>
          %min3A_170 = arith.constant 192 : i32
          %min3A_171 = vector.broadcast %min3A_170 : i32 to vector<16xi32>
          %min3A_172 = arith.minsi %add3A_169, %min3A_171 : vector<16xi32>
          %mul3A_173 = arith.constant 193 : i32
          %mul3A_174 = vector.broadcast %mul3A_173 : i32 to vector<16xi32>
          %mul3A_175 = arith.muli %min3A_142, %mul3A_174 : vector<16xi32>
          %mul3A_176 = arith.constant 193 : i32
          %mul3A_177 = vector.broadcast %mul3A_176 : i32 to vector<16xi32>
          %mul3A_178 = arith.muli %min3A_166, %mul3A_177 : vector<16xi32>
          %sub3A_179 = arith.constant 1.000000e+00 : f32
          %sub3A_180 = vector.broadcast %sub3A_179 : f32 to vector<16xf32>
          %sub3A_181 = arith.subf %sub3A_180, %sub3A_135 : vector<16xf32>
          %sub3A_182 = arith.constant 1.000000e+00 : f32
          %sub3A_183 = vector.broadcast %sub3A_182 : f32 to vector<16xf32>
          %sub3A_184 = arith.subf %sub3A_183, %sub3A_133 : vector<16xf32>
          %sub3A_185 = arith.constant 1.000000e+00 : f32
          %sub3A_186 = vector.broadcast %sub3A_185 : f32 to vector<16xf32>
          %sub3A_187 = arith.subf %sub3A_186, %sub3A_131 : vector<16xf32>
          %add3A_188 = arith.addi %mul3A_175, %min3A_151 : vector<16xi32>
          %gather3A = tpu.vector_load_idx %arg6[%add3A_188] : memref<37256xi32, #tpu.memory_space<vmem>>[vector<16xi32>], vector<16xi32>,
          %and3A = arith.constant 127 : i32
          %and3A_189 = vector.broadcast %and3A : i32 to vector<16xi32>
          %and3A_190 = arith.andi %gather3A, %and3A_189 : vector<16xi32>
          %sub3A_191 = arith.constant 1 : i32
          %sub3A_192 = vector.broadcast %sub3A_191 : i32 to vector<16xi32>
          %sub3A_193 = arith.subi %and3A_190, %sub3A_192 : vector<16xi32>
          %shift_right_arithmetic3A = arith.constant 7 : i32
          %shift_right_arithmetic3A_194 = vector.broadcast %shift_right_arithmetic3A : i32 to vector<16xi32>
          %shift_right_arithmetic3A_195 = arith.shrsi %gather3A, %shift_right_arithmetic3A_194 : vector<16xi32>
          %mul3A_196 = arith.mulf %sub3A_181, %sub3A_184 : vector<16xf32>
          %le3A = arith.cmpi sle, %min3A_157, %sub3A_193 : vector<16xi32>
          %add3A_197 = arith.addi %shift_right_arithmetic3A_195, %min3A_157 : vector<16xi32>
          %select_n3A_198 = arith.select %le3A, %add3A_197, %broadcast_in_dim3A_9 : vector<16xi1>, vector<16xi32>
          %le3A_199 = arith.cmpi sle, %add3A_160, %sub3A_193 : vector<16xi32>
          %jit3A_200 = arith.constant 1.000000e+00 : f32
          %jit3A_201 = arith.constant 0.000000e+00 : f32
          %broadcast_in_dim3A_202 = vector.broadcast %jit3A_200 : f32 to vector<16xf32>
          %broadcast_in_dim3A_203 = vector.broadcast %jit3A_201 : f32 to vector<16xf32>
          %select_n3A_204 = arith.select %le3A_199, %broadcast_in_dim3A_202, %broadcast_in_dim3A_203 : vector<16xi1>, vector<16xf32>
          %swap3A = arith.index_cast %add3A_73 : i32 to index
          %swap3A_205 = tpu.vector_load %arg8[%swap3A] {strides = array<i32>} : memref<896xi32, #tpu.memory_space<vmem>>, vector<16xi32>,
          tpu.vector_store %arg8[%swap3A], %select_n3A_198 {strides = array<i32>} : memref<896xi32, #tpu.memory_space<vmem>>, vector<16xi32>,
          %mul3A_206 = arith.mulf %mul3A_196, %sub3A_187 : vector<16xf32>
          %swap3A_207 = arith.constant 0 : i32
          %swap3A_208 = arith.index_cast %swap3A_207 : i32 to index
          %swap3A_209 = arith.index_cast %add3A_73 : i32 to index
          %swap3A_210 = tpu.vector_load %arg16[%swap3A_208, %swap3A_209] {strides = array<i32>} : memref<8x896xf32, #tpu.memory_space<vmem>>, vector<16xf32>,
          tpu.vector_store %arg16[%swap3A_208, %swap3A_209], %mul3A_206 {strides = array<i32>} : memref<8x896xf32, #tpu.memory_space<vmem>>, vector<16xf32>,
          %mul3A_211 = arith.mulf %mul3A_196, %sub3A_131 : vector<16xf32>
          %mul3A_212 = arith.mulf %mul3A_211, %select_n3A_204 : vector<16xf32>
          %swap3A_213 = arith.constant 4 : i32
          %swap3A_214 = arith.index_cast %swap3A_213 : i32 to index
          %swap3A_215 = arith.index_cast %add3A_73 : i32 to index
          %swap3A_216 = tpu.vector_load %arg16[%swap3A_214, %swap3A_215] {strides = array<i32>} : memref<8x896xf32, #tpu.memory_space<vmem>>, vector<16xf32>,
          tpu.vector_store %arg16[%swap3A_214, %swap3A_215], %mul3A_212 {strides = array<i32>} : memref<8x896xf32, #tpu.memory_space<vmem>>, vector<16xf32>,
          %add3A_217 = arith.addi %mul3A_175, %min3A_172 : vector<16xi32>
          %gather3A_218 = tpu.vector_load_idx %arg6[%add3A_217] : memref<37256xi32, #tpu.memory_space<vmem>>[vector<16xi32>], vector<16xi32>,
          %and3A_219 = arith.constant 127 : i32
          %and3A_220 = vector.broadcast %and3A_219 : i32 to vector<16xi32>
          %and3A_221 = arith.andi %gather3A_218, %and3A_220 : vector<16xi32>
          %sub3A_222 = arith.constant 1 : i32
          %sub3A_223 = vector.broadcast %sub3A_222 : i32 to vector<16xi32>
          %sub3A_224 = arith.subi %and3A_221, %sub3A_223 : vector<16xi32>
          %shift_right_arithmetic3A_225 = arith.constant 7 : i32
          %shift_right_arithmetic3A_226 = vector.broadcast %shift_right_arithmetic3A_225 : i32 to vector<16xi32>
          %shift_right_arithmetic3A_227 = arith.shrsi %gather3A_218, %shift_right_arithmetic3A_226 : vector<16xi32>
          %mul3A_228 = arith.mulf %sub3A_181, %sub3A_133 : vector<16xf32>
          %le3A_229 = arith.cmpi sle, %min3A_157, %sub3A_224 : vector<16xi32>
          %add3A_230 = arith.addi %shift_right_arithmetic3A_227, %min3A_157 : vector<16xi32>
          %select_n3A_231 = arith.select %le3A_229, %add3A_230, %broadcast_in_dim3A_9 : vector<16xi1>, vector<16xi32>
          %le3A_232 = arith.cmpi sle, %add3A_160, %sub3A_224 : vector<16xi32>
          %jit3A_233 = arith.constant 1.000000e+00 : f32
          %jit3A_234 = arith.constant 0.000000e+00 : f32
          %broadcast_in_dim3A_235 = vector.broadcast %jit3A_233 : f32 to vector<16xf32>
          %broadcast_in_dim3A_236 = vector.broadcast %jit3A_234 : f32 to vector<16xf32>
          %select_n3A_237 = arith.select %le3A_232, %broadcast_in_dim3A_235, %broadcast_in_dim3A_236 : vector<16xi1>, vector<16xf32>
          %swap3A_238 = arith.index_cast %add3A_73 : i32 to index
          %swap3A_239 = tpu.vector_load %arg9[%swap3A_238] {strides = array<i32>} : memref<896xi32, #tpu.memory_space<vmem>>, vector<16xi32>,
          tpu.vector_store %arg9[%swap3A_238], %select_n3A_231 {strides = array<i32>} : memref<896xi32, #tpu.memory_space<vmem>>, vector<16xi32>,
          %mul3A_240 = arith.mulf %mul3A_228, %sub3A_187 : vector<16xf32>
          %swap3A_241 = arith.constant 1 : i32
          %swap3A_242 = arith.index_cast %swap3A_241 : i32 to index
          %swap3A_243 = arith.index_cast %add3A_73 : i32 to index
          %swap3A_244 = tpu.vector_load %arg16[%swap3A_242, %swap3A_243] {strides = array<i32>} : memref<8x896xf32, #tpu.memory_space<vmem>>, vector<16xf32>,
          tpu.vector_store %arg16[%swap3A_242, %swap3A_243], %mul3A_240 {strides = array<i32>} : memref<8x896xf32, #tpu.memory_space<vmem>>, vector<16xf32>,
          %mul3A_245 = arith.mulf %mul3A_228, %sub3A_131 : vector<16xf32>
          %mul3A_246 = arith.mulf %mul3A_245, %select_n3A_237 : vector<16xf32>
          %swap3A_247 = arith.constant 5 : i32
          %swap3A_248 = arith.index_cast %swap3A_247 : i32 to index
          %swap3A_249 = arith.index_cast %add3A_73 : i32 to index
          %swap3A_250 = tpu.vector_load %arg16[%swap3A_248, %swap3A_249] {strides = array<i32>} : memref<8x896xf32, #tpu.memory_space<vmem>>, vector<16xf32>,
          tpu.vector_store %arg16[%swap3A_248, %swap3A_249], %mul3A_246 {strides = array<i32>} : memref<8x896xf32, #tpu.memory_space<vmem>>, vector<16xf32>,
          %add3A_251 = arith.addi %mul3A_178, %min3A_151 : vector<16xi32>
          %gather3A_252 = tpu.vector_load_idx %arg6[%add3A_251] : memref<37256xi32, #tpu.memory_space<vmem>>[vector<16xi32>], vector<16xi32>,
          %and3A_253 = arith.constant 127 : i32
          %and3A_254 = vector.broadcast %and3A_253 : i32 to vector<16xi32>
          %and3A_255 = arith.andi %gather3A_252, %and3A_254 : vector<16xi32>
          %sub3A_256 = arith.constant 1 : i32
          %sub3A_257 = vector.broadcast %sub3A_256 : i32 to vector<16xi32>
          %sub3A_258 = arith.subi %and3A_255, %sub3A_257 : vector<16xi32>
          %shift_right_arithmetic3A_259 = arith.constant 7 : i32
          %shift_right_arithmetic3A_260 = vector.broadcast %shift_right_arithmetic3A_259 : i32 to vector<16xi32>
          %shift_right_arithmetic3A_261 = arith.shrsi %gather3A_252, %shift_right_arithmetic3A_260 : vector<16xi32>
          %mul3A_262 = arith.mulf %sub3A_135, %sub3A_184 : vector<16xf32>
          %le3A_263 = arith.cmpi sle, %min3A_157, %sub3A_258 : vector<16xi32>
          %add3A_264 = arith.addi %shift_right_arithmetic3A_261, %min3A_157 : vector<16xi32>
          %select_n3A_265 = arith.select %le3A_263, %add3A_264, %broadcast_in_dim3A_9 : vector<16xi1>, vector<16xi32>
          %le3A_266 = arith.cmpi sle, %add3A_160, %sub3A_258 : vector<16xi32>
          %jit3A_267 = arith.constant 1.000000e+00 : f32
          %jit3A_268 = arith.constant 0.000000e+00 : f32
          %broadcast_in_dim3A_269 = vector.broadcast %jit3A_267 : f32 to vector<16xf32>
          %broadcast_in_dim3A_270 = vector.broadcast %jit3A_268 : f32 to vector<16xf32>
          %select_n3A_271 = arith.select %le3A_266, %broadcast_in_dim3A_269, %broadcast_in_dim3A_270 : vector<16xi1>, vector<16xf32>
          %swap3A_272 = arith.index_cast %add3A_73 : i32 to index
          %swap3A_273 = tpu.vector_load %arg10[%swap3A_272] {strides = array<i32>} : memref<896xi32, #tpu.memory_space<vmem>>, vector<16xi32>,
          tpu.vector_store %arg10[%swap3A_272], %select_n3A_265 {strides = array<i32>} : memref<896xi32, #tpu.memory_space<vmem>>, vector<16xi32>,
          %mul3A_274 = arith.mulf %mul3A_262, %sub3A_187 : vector<16xf32>
          %swap3A_275 = arith.constant 2 : i32
          %swap3A_276 = arith.index_cast %swap3A_275 : i32 to index
          %swap3A_277 = arith.index_cast %add3A_73 : i32 to index
          %swap3A_278 = tpu.vector_load %arg16[%swap3A_276, %swap3A_277] {strides = array<i32>} : memref<8x896xf32, #tpu.memory_space<vmem>>, vector<16xf32>,
          tpu.vector_store %arg16[%swap3A_276, %swap3A_277], %mul3A_274 {strides = array<i32>} : memref<8x896xf32, #tpu.memory_space<vmem>>, vector<16xf32>,
          %mul3A_279 = arith.mulf %mul3A_262, %sub3A_131 : vector<16xf32>
          %mul3A_280 = arith.mulf %mul3A_279, %select_n3A_271 : vector<16xf32>
          %swap3A_281 = arith.constant 6 : i32
          %swap3A_282 = arith.index_cast %swap3A_281 : i32 to index
          %swap3A_283 = arith.index_cast %add3A_73 : i32 to index
          %swap3A_284 = tpu.vector_load %arg16[%swap3A_282, %swap3A_283] {strides = array<i32>} : memref<8x896xf32, #tpu.memory_space<vmem>>, vector<16xf32>,
          tpu.vector_store %arg16[%swap3A_282, %swap3A_283], %mul3A_280 {strides = array<i32>} : memref<8x896xf32, #tpu.memory_space<vmem>>, vector<16xf32>,
          %add3A_285 = arith.addi %mul3A_178, %min3A_172 : vector<16xi32>
          %gather3A_286 = tpu.vector_load_idx %arg6[%add3A_285] : memref<37256xi32, #tpu.memory_space<vmem>>[vector<16xi32>], vector<16xi32>,
          %and3A_287 = arith.constant 127 : i32
          %and3A_288 = vector.broadcast %and3A_287 : i32 to vector<16xi32>
          %and3A_289 = arith.andi %gather3A_286, %and3A_288 : vector<16xi32>
          %sub3A_290 = arith.constant 1 : i32
          %sub3A_291 = vector.broadcast %sub3A_290 : i32 to vector<16xi32>
          %sub3A_292 = arith.subi %and3A_289, %sub3A_291 : vector<16xi32>
          %shift_right_arithmetic3A_293 = arith.constant 7 : i32
          %shift_right_arithmetic3A_294 = vector.broadcast %shift_right_arithmetic3A_293 : i32 to vector<16xi32>
          %shift_right_arithmetic3A_295 = arith.shrsi %gather3A_286, %shift_right_arithmetic3A_294 : vector<16xi32>
          %mul3A_296 = arith.mulf %sub3A_135, %sub3A_133 : vector<16xf32>
          %le3A_297 = arith.cmpi sle, %min3A_157, %sub3A_292 : vector<16xi32>
          %add3A_298 = arith.addi %shift_right_arithmetic3A_295, %min3A_157 : vector<16xi32>
          %select_n3A_299 = arith.select %le3A_297, %add3A_298, %broadcast_in_dim3A_9 : vector<16xi1>, vector<16xi32>
          %le3A_300 = arith.cmpi sle, %add3A_160, %sub3A_292 : vector<16xi32>
          %jit3A_301 = arith.constant 1.000000e+00 : f32
          %jit3A_302 = arith.constant 0.000000e+00 : f32
          %broadcast_in_dim3A_303 = vector.broadcast %jit3A_301 : f32 to vector<16xf32>
          %broadcast_in_dim3A_304 = vector.broadcast %jit3A_302 : f32 to vector<16xf32>
          %select_n3A_305 = arith.select %le3A_300, %broadcast_in_dim3A_303, %broadcast_in_dim3A_304 : vector<16xi1>, vector<16xf32>
          %swap3A_306 = arith.index_cast %add3A_73 : i32 to index
          %swap3A_307 = tpu.vector_load %arg11[%swap3A_306] {strides = array<i32>} : memref<896xi32, #tpu.memory_space<vmem>>, vector<16xi32>,
          tpu.vector_store %arg11[%swap3A_306], %select_n3A_299 {strides = array<i32>} : memref<896xi32, #tpu.memory_space<vmem>>, vector<16xi32>,
          %mul3A_308 = arith.mulf %mul3A_296, %sub3A_187 : vector<16xf32>
          %swap3A_309 = arith.constant 3 : i32
          %swap3A_310 = arith.index_cast %swap3A_309 : i32 to index
          %swap3A_311 = arith.index_cast %add3A_73 : i32 to index
          %swap3A_312 = tpu.vector_load %arg16[%swap3A_310, %swap3A_311] {strides = array<i32>} : memref<8x896xf32, #tpu.memory_space<vmem>>, vector<16xf32>,
          tpu.vector_store %arg16[%swap3A_310, %swap3A_311], %mul3A_308 {strides = array<i32>} : memref<8x896xf32, #tpu.memory_space<vmem>>, vector<16xf32>,
          %mul3A_313 = arith.mulf %mul3A_296, %sub3A_131 : vector<16xf32>
          %mul3A_314 = arith.mulf %mul3A_313, %select_n3A_305 : vector<16xf32>
          %swap3A_315 = arith.constant 7 : i32
          %swap3A_316 = arith.index_cast %swap3A_315 : i32 to index
          %swap3A_317 = arith.index_cast %add3A_73 : i32 to index
          %swap3A_318 = tpu.vector_load %arg16[%swap3A_316, %swap3A_317] {strides = array<i32>} : memref<8x896xf32, #tpu.memory_space<vmem>>, vector<16xf32>,
          tpu.vector_store %arg16[%swap3A_316, %swap3A_317], %mul3A_314 {strides = array<i32>} : memref<8x896xf32, #tpu.memory_space<vmem>>, vector<16xf32>,
          %swap3A_319 = arith.constant 0 : i32
          %swap3A_320 = arith.index_cast %swap3A_319 : i32 to index
          %swap3A_321 = arith.index_cast %add3A_73 : i32 to index
          %swap3A_322 = tpu.vector_load %arg17[%swap3A_320, %swap3A_321] {strides = array<i32>} : memref<2x896xf32, #tpu.memory_space<vmem>>, vector<16xf32>,
          tpu.vector_store %arg17[%swap3A_320, %swap3A_321], %select_n3A {strides = array<i32>} : memref<2x896xf32, #tpu.memory_space<vmem>>, vector<16xf32>,
          %mul3A_323 = arith.mulf %select_n3A, %select_n3A_107 : vector<16xf32>
          %swap3A_324 = arith.constant 1 : i32
          %swap3A_325 = arith.index_cast %swap3A_324 : i32 to index
          %swap3A_326 = arith.index_cast %add3A_73 : i32 to index
          %swap3A_327 = tpu.vector_load %arg17[%swap3A_325, %swap3A_326] {strides = array<i32>} : memref<2x896xf32, #tpu.memory_space<vmem>>, vector<16xf32>,
          tpu.vector_store %arg17[%swap3A_325, %swap3A_326], %mul3A_323 {strides = array<i32>} : memref<2x896xf32, #tpu.memory_space<vmem>>, vector<16xf32>,
          %mul3A_328 = arith.constant 112 : i32
          %mul3A_329 = arith.muli %scan3A_64, %mul3A_328 : i32
          %add3A_330 = arith.constant 16 : i32
          %add3A_331 = arith.addi %mul3A_329, %add3A_330 : i32
          %add3A_332 = arith.constant 16 : i32
          %add3A_333 = vector.broadcast %add3A_332 : i32 to vector<16xi32>
          %add3A_334 = arith.addi %iota3A, %add3A_333 : vector<16xi32>
          %convert_element_type3A_335 = arith.sitofp %add3A_334 : vector<16xi32> to vector<16xf32>
          %mul3A_336 = arith.mulf %convert_element_type3A_335, %convert_element_type3A_335 : vector<16xf32>
          %mul3A_337 = arith.mulf %broadcast_in_dim3A_69, %broadcast_in_dim3A_69 : vector<16xf32>
          %add3A_338 = arith.addf %mul3A_336, %mul3A_337 : vector<16xf32>
          %lt3A_339 = arith.constant 9.216000e+03 : f32
          %lt3A_340 = vector.broadcast %lt3A_339 : f32 to vector<16xf32>
          %lt3A_341 = arith.cmpf olt, %add3A_338, %lt3A_340 : vector<16xf32>
          %jit3A_342 = arith.constant 0.00520833349 : f32
          %jit3A_343 = arith.constant 0.000000e+00 : f32
          %broadcast_in_dim3A_344 = vector.broadcast %jit3A_342 : f32 to vector<16xf32>
          %broadcast_in_dim3A_345 = vector.broadcast %jit3A_343 : f32 to vector<16xf32>
          %select_n3A_346 = arith.select %lt3A_341, %broadcast_in_dim3A_344, %broadcast_in_dim3A_345 : vector<16xi1>, vector<16xf32>
          %get3A_347 = arith.constant 0 : i32
          %get3A_348 = arith.index_cast %scan3A_64 : i32 to index
          %get3A_349 = arith.index_cast %get3A_347 : i32 to index
          %get3A_350 = arith.constant 16 : index
          %get3A_351 = tpu.vector_load %arg7[%get3A_348, %get3A_349, %get3A_350] {strides = array<i32>} : memref<8x3x112xf32, #tpu.memory_space<vmem>>, vector<16xf32>,
          %get3A_352 = arith.constant 1 : i32
          %get3A_353 = arith.index_cast %scan3A_64 : i32 to index
          %get3A_354 = arith.index_cast %get3A_352 : i32 to index
          %get3A_355 = arith.constant 16 : index
          %get3A_356 = tpu.vector_load %arg7[%get3A_353, %get3A_354, %get3A_355] {strides = array<i32>} : memref<8x3x112xf32, #tpu.memory_space<vmem>>, vector<16xf32>,
          %get3A_357 = arith.constant 2 : i32
          %get3A_358 = arith.index_cast %scan3A_64 : i32 to index
          %get3A_359 = arith.index_cast %get3A_357 : i32 to index
          %get3A_360 = arith.constant 16 : index
          %get3A_361 = tpu.vector_load %arg7[%get3A_358, %get3A_359, %get3A_360] {strides = array<i32>} : memref<8x3x112xf32, #tpu.memory_space<vmem>>, vector<16xf32>,
          %lt3A_362 = arith.constant 0.000000e+00 : f32
          %lt3A_363 = vector.broadcast %lt3A_362 : f32 to vector<16xf32>
          %lt3A_364 = arith.cmpf olt, %get3A_351, %lt3A_363 : vector<16xf32>
          %jit3A_365 = arith.constant -1.000000e+00 : f32
          %jit3A_366 = arith.constant 1.000000e+00 : f32
          %broadcast_in_dim3A_367 = vector.broadcast %jit3A_365 : f32 to vector<16xf32>
          %broadcast_in_dim3A_368 = vector.broadcast %jit3A_366 : f32 to vector<16xf32>
          %select_n3A_369 = arith.select %lt3A_364, %broadcast_in_dim3A_367, %broadcast_in_dim3A_368 : vector<16xi1>, vector<16xf32>
          %mul3A_370 = arith.mulf %get3A_351, %select_n3A_369 : vector<16xf32>
          %mul3A_371 = arith.mulf %get3A_356, %select_n3A_369 : vector<16xf32>
          %mul3A_372 = arith.mulf %get3A_361, %select_n3A_369 : vector<16xf32>
          %convert_element_type3A_373 = arith.fptosi %mul3A_370 : vector<16xf32> to vector<16xi32>
          %convert_element_type3A_374 = arith.fptosi %mul3A_371 : vector<16xf32> to vector<16xi32>
          %convert_element_type3A_375 = arith.sitofp %convert_element_type3A_374 : vector<16xi32> to vector<16xf32>
          %lt3A_376 = arith.cmpf olt, %mul3A_371, %convert_element_type3A_375 : vector<16xf32>
          %jit3A_377 = arith.constant 1 : i32
          %jit3A_378 = arith.constant 0 : i32
          %broadcast_in_dim3A_379 = vector.broadcast %jit3A_377 : i32 to vector<16xi32>
          %broadcast_in_dim3A_380 = vector.broadcast %jit3A_378 : i32 to vector<16xi32>
          %select_n3A_381 = arith.select %lt3A_376, %broadcast_in_dim3A_379, %broadcast_in_dim3A_380 : vector<16xi1>, vector<16xi32>
          %sub3A_382 = arith.subi %convert_element_type3A_374, %select_n3A_381 : vector<16xi32>
          %convert_element_type3A_383 = arith.fptosi %mul3A_372 : vector<16xf32> to vector<16xi32>
          %convert_element_type3A_384 = arith.sitofp %convert_element_type3A_383 : vector<16xi32> to vector<16xf32>
          %lt3A_385 = arith.cmpf olt, %mul3A_372, %convert_element_type3A_384 : vector<16xf32>
          %jit3A_386 = arith.constant 1 : i32
          %jit3A_387 = arith.constant 0 : i32
          %broadcast_in_dim3A_388 = vector.broadcast %jit3A_386 : i32 to vector<16xi32>
          %broadcast_in_dim3A_389 = vector.broadcast %jit3A_387 : i32 to vector<16xi32>
          %select_n3A_390 = arith.select %lt3A_385, %broadcast_in_dim3A_388, %broadcast_in_dim3A_389 : vector<16xi1>, vector<16xi32>
          %sub3A_391 = arith.subi %convert_element_type3A_383, %select_n3A_390 : vector<16xi32>
          %convert_element_type3A_392 = arith.sitofp %convert_element_type3A_373 : vector<16xi32> to vector<16xf32>
          %sub3A_393 = arith.subf %mul3A_370, %convert_element_type3A_392 : vector<16xf32>
          %convert_element_type3A_394 = arith.sitofp %sub3A_382 : vector<16xi32> to vector<16xf32>
          %sub3A_395 = arith.subf %mul3A_371, %convert_element_type3A_394 : vector<16xf32>
          %convert_element_type3A_396 = arith.sitofp %sub3A_391 : vector<16xi32> to vector<16xf32>
          %sub3A_397 = arith.subf %mul3A_372, %convert_element_type3A_396 : vector<16xf32>
          %add3A_398 = arith.constant 96 : i32
          %add3A_399 = vector.broadcast %add3A_398 : i32 to vector<16xi32>
          %add3A_400 = arith.addi %sub3A_391, %add3A_399 : vector<16xi32>
          %jit3A_401 = arith.constant 0 : i32
          %jit3A_402 = arith.constant 192 : i32
          %max3A_403 = vector.broadcast %jit3A_401 : i32 to vector<16xi32>
          %max3A_404 = arith.maxsi %max3A_403, %add3A_400 : vector<16xi32>
          %min3A_405 = vector.broadcast %jit3A_402 : i32 to vector<16xi32>
          %min3A_406 = arith.minsi %min3A_405, %max3A_404 : vector<16xi32>
          %add3A_407 = arith.constant 96 : i32
          %add3A_408 = vector.broadcast %add3A_407 : i32 to vector<16xi32>
          %add3A_409 = arith.addi %sub3A_382, %add3A_408 : vector<16xi32>
          %jit3A_410 = arith.constant 0 : i32
          %jit3A_411 = arith.constant 192 : i32
          %max3A_412 = vector.broadcast %jit3A_410 : i32 to vector<16xi32>
          %max3A_413 = arith.maxsi %max3A_412, %add3A_409 : vector<16xi32>
          %min3A_414 = vector.broadcast %jit3A_411 : i32 to vector<16xi32>
          %min3A_415 = arith.minsi %min3A_414, %max3A_413 : vector<16xi32>
          %jit3A_416 = arith.constant 0 : i32
          %jit3A_417 = arith.constant 96 : i32
          %max3A_418 = vector.broadcast %jit3A_416 : i32 to vector<16xi32>
          %max3A_419 = arith.maxsi %max3A_418, %convert_element_type3A_373 : vector<16xi32>
          %min3A_420 = vector.broadcast %jit3A_417 : i32 to vector<16xi32>
          %min3A_421 = arith.minsi %min3A_420, %max3A_419 : vector<16xi32>
          %add3A_422 = arith.constant 1 : i32
          %add3A_423 = vector.broadcast %add3A_422 : i32 to vector<16xi32>
          %add3A_424 = arith.addi %min3A_421, %add3A_423 : vector<16xi32>
          %add3A_425 = arith.constant 1 : i32
          %add3A_426 = vector.broadcast %add3A_425 : i32 to vector<16xi32>
          %add3A_427 = arith.addi %min3A_406, %add3A_426 : vector<16xi32>
          %min3A_428 = arith.constant 192 : i32
          %min3A_429 = vector.broadcast %min3A_428 : i32 to vector<16xi32>
          %min3A_430 = arith.minsi %add3A_427, %min3A_429 : vector<16xi32>
          %add3A_431 = arith.constant 1 : i32
          %add3A_432 = vector.broadcast %add3A_431 : i32 to vector<16xi32>
          %add3A_433 = arith.addi %min3A_415, %add3A_432 : vector<16xi32>
          %min3A_434 = arith.constant 192 : i32
          %min3A_435 = vector.broadcast %min3A_434 : i32 to vector<16xi32>
          %min3A_436 = arith.minsi %add3A_433, %min3A_435 : vector<16xi32>
          %mul3A_437 = arith.constant 193 : i32
          %mul3A_438 = vector.broadcast %mul3A_437 : i32 to vector<16xi32>
          %mul3A_439 = arith.muli %min3A_406, %mul3A_438 : vector<16xi32>
          %mul3A_440 = arith.constant 193 : i32
          %mul3A_441 = vector.broadcast %mul3A_440 : i32 to vector<16xi32>
          %mul3A_442 = arith.muli %min3A_430, %mul3A_441 : vector<16xi32>
          %sub3A_443 = arith.constant 1.000000e+00 : f32
          %sub3A_444 = vector.broadcast %sub3A_443 : f32 to vector<16xf32>
          %sub3A_445 = arith.subf %sub3A_444, %sub3A_397 : vector<16xf32>
          %sub3A_446 = arith.constant 1.000000e+00 : f32
          %sub3A_447 = vector.broadcast %sub3A_446 : f32 to vector<16xf32>
          %sub3A_448 = arith.subf %sub3A_447, %sub3A_395 : vector<16xf32>
          %sub3A_449 = arith.constant 1.000000e+00 : f32
          %sub3A_450 = vector.broadcast %sub3A_449 : f32 to vector<16xf32>
          %sub3A_451 = arith.subf %sub3A_450, %sub3A_393 : vector<16xf32>
          %add3A_452 = arith.addi %mul3A_439, %min3A_415 : vector<16xi32>
          %gather3A_453 = tpu.vector_load_idx %arg6[%add3A_452] : memref<37256xi32, #tpu.memory_space<vmem>>[vector<16xi32>], vector<16xi32>,
          %and3A_454 = arith.constant 127 : i32
          %and3A_455 = vector.broadcast %and3A_454 : i32 to vector<16xi32>
          %and3A_456 = arith.andi %gather3A_453, %and3A_455 : vector<16xi32>
          %sub3A_457 = arith.constant 1 : i32
          %sub3A_458 = vector.broadcast %sub3A_457 : i32 to vector<16xi32>
          %sub3A_459 = arith.subi %and3A_456, %sub3A_458 : vector<16xi32>
          %shift_right_arithmetic3A_460 = arith.constant 7 : i32
          %shift_right_arithmetic3A_461 = vector.broadcast %shift_right_arithmetic3A_460 : i32 to vector<16xi32>
          %shift_right_arithmetic3A_462 = arith.shrsi %gather3A_453, %shift_right_arithmetic3A_461 : vector<16xi32>
          %mul3A_463 = arith.mulf %sub3A_445, %sub3A_448 : vector<16xf32>
          %le3A_464 = arith.cmpi sle, %min3A_421, %sub3A_459 : vector<16xi32>
          %add3A_465 = arith.addi %shift_right_arithmetic3A_462, %min3A_421 : vector<16xi32>
          %select_n3A_466 = arith.select %le3A_464, %add3A_465, %broadcast_in_dim3A_9 : vector<16xi1>, vector<16xi32>
          %le3A_467 = arith.cmpi sle, %add3A_424, %sub3A_459 : vector<16xi32>
          %jit3A_468 = arith.constant 1.000000e+00 : f32
          %jit3A_469 = arith.constant 0.000000e+00 : f32
          %broadcast_in_dim3A_470 = vector.broadcast %jit3A_468 : f32 to vector<16xf32>
          %broadcast_in_dim3A_471 = vector.broadcast %jit3A_469 : f32 to vector<16xf32>
          %select_n3A_472 = arith.select %le3A_467, %broadcast_in_dim3A_470, %broadcast_in_dim3A_471 : vector<16xi1>, vector<16xf32>
          %swap3A_473 = arith.index_cast %add3A_331 : i32 to index
          %swap3A_474 = tpu.vector_load %arg8[%swap3A_473] {strides = array<i32>} : memref<896xi32, #tpu.memory_space<vmem>>, vector<16xi32>,
          tpu.vector_store %arg8[%swap3A_473], %select_n3A_466 {strides = array<i32>} : memref<896xi32, #tpu.memory_space<vmem>>, vector<16xi32>,
          %mul3A_475 = arith.mulf %mul3A_463, %sub3A_451 : vector<16xf32>
          %swap3A_476 = arith.constant 0 : i32
          %swap3A_477 = arith.index_cast %swap3A_476 : i32 to index
          %swap3A_478 = arith.index_cast %add3A_331 : i32 to index
          %swap3A_479 = tpu.vector_load %arg16[%swap3A_477, %swap3A_478] {strides = array<i32>} : memref<8x896xf32, #tpu.memory_space<vmem>>, vector<16xf32>,
          tpu.vector_store %arg16[%swap3A_477, %swap3A_478], %mul3A_475 {strides = array<i32>} : memref<8x896xf32, #tpu.memory_space<vmem>>, vector<16xf32>,
          %mul3A_480 = arith.mulf %mul3A_463, %sub3A_393 : vector<16xf32>
          %mul3A_481 = arith.mulf %mul3A_480, %select_n3A_472 : vector<16xf32>
          %swap3A_482 = arith.constant 4 : i32
          %swap3A_483 = arith.index_cast %swap3A_482 : i32 to index
          %swap3A_484 = arith.index_cast %add3A_331 : i32 to index
          %swap3A_485 = tpu.vector_load %arg16[%swap3A_483, %swap3A_484] {strides = array<i32>} : memref<8x896xf32, #tpu.memory_space<vmem>>, vector<16xf32>,
          tpu.vector_store %arg16[%swap3A_483, %swap3A_484], %mul3A_481 {strides = array<i32>} : memref<8x896xf32, #tpu.memory_space<vmem>>, vector<16xf32>,
          %add3A_486 = arith.addi %mul3A_439, %min3A_436 : vector<16xi32>
          %gather3A_487 = tpu.vector_load_idx %arg6[%add3A_486] : memref<37256xi32, #tpu.memory_space<vmem>>[vector<16xi32>], vector<16xi32>,
          %and3A_488 = arith.constant 127 : i32
          %and3A_489 = vector.broadcast %and3A_488 : i32 to vector<16xi32>
          %and3A_490 = arith.andi %gather3A_487, %and3A_489 : vector<16xi32>
          %sub3A_491 = arith.constant 1 : i32
          %sub3A_492 = vector.broadcast %sub3A_491 : i32 to vector<16xi32>
          %sub3A_493 = arith.subi %and3A_490, %sub3A_492 : vector<16xi32>
          %shift_right_arithmetic3A_494 = arith.constant 7 : i32
          %shift_right_arithmetic3A_495 = vector.broadcast %shift_right_arithmetic3A_494 : i32 to vector<16xi32>
          %shift_right_arithmetic3A_496 = arith.shrsi %gather3A_487, %shift_right_arithmetic3A_495 : vector<16xi32>
          %mul3A_497 = arith.mulf %sub3A_445, %sub3A_395 : vector<16xf32>
          %le3A_498 = arith.cmpi sle, %min3A_421, %sub3A_493 : vector<16xi32>
          %add3A_499 = arith.addi %shift_right_arithmetic3A_496, %min3A_421 : vector<16xi32>
          %select_n3A_500 = arith.select %le3A_498, %add3A_499, %broadcast_in_dim3A_9 : vector<16xi1>, vector<16xi32>
          %le3A_501 = arith.cmpi sle, %add3A_424, %sub3A_493 : vector<16xi32>
          %jit3A_502 = arith.constant 1.000000e+00 : f32
          %jit3A_503 = arith.constant 0.000000e+00 : f32
          %broadcast_in_dim3A_504 = vector.broadcast %jit3A_502 : f32 to vector<16xf32>
          %broadcast_in_dim3A_505 = vector.broadcast %jit3A_503 : f32 to vector<16xf32>
          %select_n3A_506 = arith.select %le3A_501, %broadcast_in_dim3A_504, %broadcast_in_dim3A_505 : vector<16xi1>, vector<16xf32>
          %swap3A_507 = arith.index_cast %add3A_331 : i32 to index
          %swap3A_508 = tpu.vector_load %arg9[%swap3A_507] {strides = array<i32>} : memref<896xi32, #tpu.memory_space<vmem>>, vector<16xi32>,
          tpu.vector_store %arg9[%swap3A_507], %select_n3A_500 {strides = array<i32>} : memref<896xi32, #tpu.memory_space<vmem>>, vector<16xi32>,
          %mul3A_509 = arith.mulf %mul3A_497, %sub3A_451 : vector<16xf32>
          %swap3A_510 = arith.constant 1 : i32
          %swap3A_511 = arith.index_cast %swap3A_510 : i32 to index
          %swap3A_512 = arith.index_cast %add3A_331 : i32 to index
          %swap3A_513 = tpu.vector_load %arg16[%swap3A_511, %swap3A_512] {strides = array<i32>} : memref<8x896xf32, #tpu.memory_space<vmem>>, vector<16xf32>,
          tpu.vector_store %arg16[%swap3A_511, %swap3A_512], %mul3A_509 {strides = array<i32>} : memref<8x896xf32, #tpu.memory_space<vmem>>, vector<16xf32>,
          %mul3A_514 = arith.mulf %mul3A_497, %sub3A_393 : vector<16xf32>
          %mul3A_515 = arith.mulf %mul3A_514, %select_n3A_506 : vector<16xf32>
          %swap3A_516 = arith.constant 5 : i32
          %swap3A_517 = arith.index_cast %swap3A_516 : i32 to index
          %swap3A_518 = arith.index_cast %add3A_331 : i32 to index
          %swap3A_519 = tpu.vector_load %arg16[%swap3A_517, %swap3A_518] {strides = array<i32>} : memref<8x896xf32, #tpu.memory_space<vmem>>, vector<16xf32>,
          tpu.vector_store %arg16[%swap3A_517, %swap3A_518], %mul3A_515 {strides = array<i32>} : memref<8x896xf32, #tpu.memory_space<vmem>>, vector<16xf32>,
          %add3A_520 = arith.addi %mul3A_442, %min3A_415 : vector<16xi32>
          %gather3A_521 = tpu.vector_load_idx %arg6[%add3A_520] : memref<37256xi32, #tpu.memory_space<vmem>>[vector<16xi32>], vector<16xi32>,
          %and3A_522 = arith.constant 127 : i32
          %and3A_523 = vector.broadcast %and3A_522 : i32 to vector<16xi32>
          %and3A_524 = arith.andi %gather3A_521, %and3A_523 : vector<16xi32>
          %sub3A_525 = arith.constant 1 : i32
          %sub3A_526 = vector.broadcast %sub3A_525 : i32 to vector<16xi32>
          %sub3A_527 = arith.subi %and3A_524, %sub3A_526 : vector<16xi32>
          %shift_right_arithmetic3A_528 = arith.constant 7 : i32
          %shift_right_arithmetic3A_529 = vector.broadcast %shift_right_arithmetic3A_528 : i32 to vector<16xi32>
          %shift_right_arithmetic3A_530 = arith.shrsi %gather3A_521, %shift_right_arithmetic3A_529 : vector<16xi32>
          %mul3A_531 = arith.mulf %sub3A_397, %sub3A_448 : vector<16xf32>
          %le3A_532 = arith.cmpi sle, %min3A_421, %sub3A_527 : vector<16xi32>
          %add3A_533 = arith.addi %shift_right_arithmetic3A_530, %min3A_421 : vector<16xi32>
          %select_n3A_534 = arith.select %le3A_532, %add3A_533, %broadcast_in_dim3A_9 : vector<16xi1>, vector<16xi32>
          %le3A_535 = arith.cmpi sle, %add3A_424, %sub3A_527 : vector<16xi32>
          %jit3A_536 = arith.constant 1.000000e+00 : f32
          %jit3A_537 = arith.constant 0.000000e+00 : f32
          %broadcast_in_dim3A_538 = vector.broadcast %jit3A_536 : f32 to vector<16xf32>
          %broadcast_in_dim3A_539 = vector.broadcast %jit3A_537 : f32 to vector<16xf32>
          %select_n3A_540 = arith.select %le3A_535, %broadcast_in_dim3A_538, %broadcast_in_dim3A_539 : vector<16xi1>, vector<16xf32>
          %swap3A_541 = arith.index_cast %add3A_331 : i32 to index
          %swap3A_542 = tpu.vector_load %arg10[%swap3A_541] {strides = array<i32>} : memref<896xi32, #tpu.memory_space<vmem>>, vector<16xi32>,
          tpu.vector_store %arg10[%swap3A_541], %select_n3A_534 {strides = array<i32>} : memref<896xi32, #tpu.memory_space<vmem>>, vector<16xi32>,
          %mul3A_543 = arith.mulf %mul3A_531, %sub3A_451 : vector<16xf32>
          %swap3A_544 = arith.constant 2 : i32
          %swap3A_545 = arith.index_cast %swap3A_544 : i32 to index
          %swap3A_546 = arith.index_cast %add3A_331 : i32 to index
          %swap3A_547 = tpu.vector_load %arg16[%swap3A_545, %swap3A_546] {strides = array<i32>} : memref<8x896xf32, #tpu.memory_space<vmem>>, vector<16xf32>,
          tpu.vector_store %arg16[%swap3A_545, %swap3A_546], %mul3A_543 {strides = array<i32>} : memref<8x896xf32, #tpu.memory_space<vmem>>, vector<16xf32>,
          %mul3A_548 = arith.mulf %mul3A_531, %sub3A_393 : vector<16xf32>
          %mul3A_549 = arith.mulf %mul3A_548, %select_n3A_540 : vector<16xf32>
          %swap3A_550 = arith.constant 6 : i32
          %swap3A_551 = arith.index_cast %swap3A_550 : i32 to index
          %swap3A_552 = arith.index_cast %add3A_331 : i32 to index
          %swap3A_553 = tpu.vector_load %arg16[%swap3A_551, %swap3A_552] {strides = array<i32>} : memref<8x896xf32, #tpu.memory_space<vmem>>, vector<16xf32>,
          tpu.vector_store %arg16[%swap3A_551, %swap3A_552], %mul3A_549 {strides = array<i32>} : memref<8x896xf32, #tpu.memory_space<vmem>>, vector<16xf32>,
          %add3A_554 = arith.addi %mul3A_442, %min3A_436 : vector<16xi32>
          %gather3A_555 = tpu.vector_load_idx %arg6[%add3A_554] : memref<37256xi32, #tpu.memory_space<vmem>>[vector<16xi32>], vector<16xi32>,
          %and3A_556 = arith.constant 127 : i32
          %and3A_557 = vector.broadcast %and3A_556 : i32 to vector<16xi32>
          %and3A_558 = arith.andi %gather3A_555, %and3A_557 : vector<16xi32>
          %sub3A_559 = arith.constant 1 : i32
          %sub3A_560 = vector.broadcast %sub3A_559 : i32 to vector<16xi32>
          %sub3A_561 = arith.subi %and3A_558, %sub3A_560 : vector<16xi32>
          %shift_right_arithmetic3A_562 = arith.constant 7 : i32
          %shift_right_arithmetic3A_563 = vector.broadcast %shift_right_arithmetic3A_562 : i32 to vector<16xi32>
          %shift_right_arithmetic3A_564 = arith.shrsi %gather3A_555, %shift_right_arithmetic3A_563 : vector<16xi32>
          %mul3A_565 = arith.mulf %sub3A_397, %sub3A_395 : vector<16xf32>
          %le3A_566 = arith.cmpi sle, %min3A_421, %sub3A_561 : vector<16xi32>
          %add3A_567 = arith.addi %shift_right_arithmetic3A_564, %min3A_421 : vector<16xi32>
          %select_n3A_568 = arith.select %le3A_566, %add3A_567, %broadcast_in_dim3A_9 : vector<16xi1>, vector<16xi32>
          %le3A_569 = arith.cmpi sle, %add3A_424, %sub3A_561 : vector<16xi32>
          %jit3A_570 = arith.constant 1.000000e+00 : f32
          %jit3A_571 = arith.constant 0.000000e+00 : f32
          %broadcast_in_dim3A_572 = vector.broadcast %jit3A_570 : f32 to vector<16xf32>
          %broadcast_in_dim3A_573 = vector.broadcast %jit3A_571 : f32 to vector<16xf32>
          %select_n3A_574 = arith.select %le3A_569, %broadcast_in_dim3A_572, %broadcast_in_dim3A_573 : vector<16xi1>, vector<16xf32>
          %swap3A_575 = arith.index_cast %add3A_331 : i32 to index
          %swap3A_576 = tpu.vector_load %arg11[%swap3A_575] {strides = array<i32>} : memref<896xi32, #tpu.memory_space<vmem>>, vector<16xi32>,
          tpu.vector_store %arg11[%swap3A_575], %select_n3A_568 {strides = array<i32>} : memref<896xi32, #tpu.memory_space<vmem>>, vector<16xi32>,
          %mul3A_577 = arith.mulf %mul3A_565, %sub3A_451 : vector<16xf32>
          %swap3A_578 = arith.constant 3 : i32
          %swap3A_579 = arith.index_cast %swap3A_578 : i32 to index
          %swap3A_580 = arith.index_cast %add3A_331 : i32 to index
          %swap3A_581 = tpu.vector_load %arg16[%swap3A_579, %swap3A_580] {strides = array<i32>} : memref<8x896xf32, #tpu.memory_space<vmem>>, vector<16xf32>,
          tpu.vector_store %arg16[%swap3A_579, %swap3A_580], %mul3A_577 {strides = array<i32>} : memref<8x896xf32, #tpu.memory_space<vmem>>, vector<16xf32>,
          %mul3A_582 = arith.mulf %mul3A_565, %sub3A_393 : vector<16xf32>
          %mul3A_583 = arith.mulf %mul3A_582, %select_n3A_574 : vector<16xf32>
          %swap3A_584 = arith.constant 7 : i32
          %swap3A_585 = arith.index_cast %swap3A_584 : i32 to index
          %swap3A_586 = arith.index_cast %add3A_331 : i32 to index
          %swap3A_587 = tpu.vector_load %arg16[%swap3A_585, %swap3A_586] {strides = array<i32>} : memref<8x896xf32, #tpu.memory_space<vmem>>, vector<16xf32>,
          tpu.vector_store %arg16[%swap3A_585, %swap3A_586], %mul3A_583 {strides = array<i32>} : memref<8x896xf32, #tpu.memory_space<vmem>>, vector<16xf32>,
          %swap3A_588 = arith.constant 0 : i32
          %swap3A_589 = arith.index_cast %swap3A_588 : i32 to index
          %swap3A_590 = arith.index_cast %add3A_331 : i32 to index
          %swap3A_591 = tpu.vector_load %arg17[%swap3A_589, %swap3A_590] {strides = array<i32>} : memref<2x896xf32, #tpu.memory_space<vmem>>, vector<16xf32>,
          tpu.vector_store %arg17[%swap3A_589, %swap3A_590], %select_n3A_346 {strides = array<i32>} : memref<2x896xf32, #tpu.memory_space<vmem>>, vector<16xf32>,
          %mul3A_592 = arith.mulf %select_n3A_346, %select_n3A_369 : vector<16xf32>
          %swap3A_593 = arith.constant 1 : i32
          %swap3A_594 = arith.index_cast %swap3A_593 : i32 to index
          %swap3A_595 = arith.index_cast %add3A_331 : i32 to index
          %swap3A_596 = tpu.vector_load %arg17[%swap3A_594, %swap3A_595] {strides = array<i32>} : memref<2x896xf32, #tpu.memory_space<vmem>>, vector<16xf32>,
          tpu.vector_store %arg17[%swap3A_594, %swap3A_595], %mul3A_592 {strides = array<i32>} : memref<2x896xf32, #tpu.memory_space<vmem>>, vector<16xf32>,
          %mul3A_597 = arith.constant 112 : i32
          %mul3A_598 = arith.muli %scan3A_64, %mul3A_597 : i32
          %add3A_599 = arith.constant 32 : i32
          %add3A_600 = arith.addi %mul3A_598, %add3A_599 : i32
          %add3A_601 = arith.constant 32 : i32
          %add3A_602 = vector.broadcast %add3A_601 : i32 to vector<16xi32>
          %add3A_603 = arith.addi %iota3A, %add3A_602 : vector<16xi32>
          %convert_element_type3A_604 = arith.sitofp %add3A_603 : vector<16xi32> to vector<16xf32>
          %mul3A_605 = arith.mulf %convert_element_type3A_604, %convert_element_type3A_604 : vector<16xf32>
          %mul3A_606 = arith.mulf %broadcast_in_dim3A_69, %broadcast_in_dim3A_69 : vector<16xf32>
          %add3A_607 = arith.addf %mul3A_605, %mul3A_606 : vector<16xf32>
          %lt3A_608 = arith.constant 9.216000e+03 : f32
          %lt3A_609 = vector.broadcast %lt3A_608 : f32 to vector<16xf32>
          %lt3A_610 = arith.cmpf olt, %add3A_607, %lt3A_609 : vector<16xf32>
          %jit3A_611 = arith.constant 0.00520833349 : f32
          %jit3A_612 = arith.constant 0.000000e+00 : f32
          %broadcast_in_dim3A_613 = vector.broadcast %jit3A_611 : f32 to vector<16xf32>
          %broadcast_in_dim3A_614 = vector.broadcast %jit3A_612 : f32 to vector<16xf32>
          %select_n3A_615 = arith.select %lt3A_610, %broadcast_in_dim3A_613, %broadcast_in_dim3A_614 : vector<16xi1>, vector<16xf32>
          %get3A_616 = arith.constant 0 : i32
          %get3A_617 = arith.index_cast %scan3A_64 : i32 to index
          %get3A_618 = arith.index_cast %get3A_616 : i32 to index
          %get3A_619 = arith.constant 32 : index
          %get3A_620 = tpu.vector_load %arg7[%get3A_617, %get3A_618, %get3A_619] {strides = array<i32>} : memref<8x3x112xf32, #tpu.memory_space<vmem>>, vector<16xf32>,
          %get3A_621 = arith.constant 1 : i32
          %get3A_622 = arith.index_cast %scan3A_64 : i32 to index
          %get3A_623 = arith.index_cast %get3A_621 : i32 to index
          %get3A_624 = arith.constant 32 : index
          %get3A_625 = tpu.vector_load %arg7[%get3A_622, %get3A_623, %get3A_624] {strides = array<i32>} : memref<8x3x112xf32, #tpu.memory_space<vmem>>, vector<16xf32>,
          %get3A_626 = arith.constant 2 : i32
          %get3A_627 = arith.index_cast %scan3A_64 : i32 to index
          %get3A_628 = arith.index_cast %get3A_626 : i32 to index
          %get3A_629 = arith.constant 32 : index
          %get3A_630 = tpu.vector_load %arg7[%get3A_627, %get3A_628, %get3A_629] {strides = array<i32>} : memref<8x3x112xf32, #tpu.memory_space<vmem>>, vector<16xf32>,
          %lt3A_631 = arith.constant 0.000000e+00 : f32
          %lt3A_632 = vector.broadcast %lt3A_631 : f32 to vector<16xf32>
          %lt3A_633 = arith.cmpf olt, %get3A_620, %lt3A_632 : vector<16xf32>
          %jit3A_634 = arith.constant -1.000000e+00 : f32
          %jit3A_635 = arith.constant 1.000000e+00 : f32
          %broadcast_in_dim3A_636 = vector.broadcast %jit3A_634 : f32 to vector<16xf32>
          %broadcast_in_dim3A_637 = vector.broadcast %jit3A_635 : f32 to vector<16xf32>
          %select_n3A_638 = arith.select %lt3A_633, %broadcast_in_dim3A_636, %broadcast_in_dim3A_637 : vector<16xi1>, vector<16xf32>
          %mul3A_639 = arith.mulf %get3A_620, %select_n3A_638 : vector<16xf32>
          %mul3A_640 = arith.mulf %get3A_625, %select_n3A_638 : vector<16xf32>
          %mul3A_641 = arith.mulf %get3A_630, %select_n3A_638 : vector<16xf32>
          %convert_element_type3A_642 = arith.fptosi %mul3A_639 : vector<16xf32> to vector<16xi32>
          %convert_element_type3A_643 = arith.fptosi %mul3A_640 : vector<16xf32> to vector<16xi32>
          %convert_element_type3A_644 = arith.sitofp %convert_element_type3A_643 : vector<16xi32> to vector<16xf32>
          %lt3A_645 = arith.cmpf olt, %mul3A_640, %convert_element_type3A_644 : vector<16xf32>
          %jit3A_646 = arith.constant 1 : i32
          %jit3A_647 = arith.constant 0 : i32
          %broadcast_in_dim3A_648 = vector.broadcast %jit3A_646 : i32 to vector<16xi32>
          %broadcast_in_dim3A_649 = vector.broadcast %jit3A_647 : i32 to vector<16xi32>
          %select_n3A_650 = arith.select %lt3A_645, %broadcast_in_dim3A_648, %broadcast_in_dim3A_649 : vector<16xi1>, vector<16xi32>
          %sub3A_651 = arith.subi %convert_element_type3A_643, %select_n3A_650 : vector<16xi32>
          %convert_element_type3A_652 = arith.fptosi %mul3A_641 : vector<16xf32> to vector<16xi32>
          %convert_element_type3A_653 = arith.sitofp %convert_element_type3A_652 : vector<16xi32> to vector<16xf32>
          %lt3A_654 = arith.cmpf olt, %mul3A_641, %convert_element_type3A_653 : vector<16xf32>
          %jit3A_655 = arith.constant 1 : i32
          %jit3A_656 = arith.constant 0 : i32
          %broadcast_in_dim3A_657 = vector.broadcast %jit3A_655 : i32 to vector<16xi32>
          %broadcast_in_dim3A_658 = vector.broadcast %jit3A_656 : i32 to vector<16xi32>
          %select_n3A_659 = arith.select %lt3A_654, %broadcast_in_dim3A_657, %broadcast_in_dim3A_658 : vector<16xi1>, vector<16xi32>
          %sub3A_660 = arith.subi %convert_element_type3A_652, %select_n3A_659 : vector<16xi32>
          %convert_element_type3A_661 = arith.sitofp %convert_element_type3A_642 : vector<16xi32> to vector<16xf32>
          %sub3A_662 = arith.subf %mul3A_639, %convert_element_type3A_661 : vector<16xf32>
          %convert_element_type3A_663 = arith.sitofp %sub3A_651 : vector<16xi32> to vector<16xf32>
          %sub3A_664 = arith.subf %mul3A_640, %convert_element_type3A_663 : vector<16xf32>
          %convert_element_type3A_665 = arith.sitofp %sub3A_660 : vector<16xi32> to vector<16xf32>
          %sub3A_666 = arith.subf %mul3A_641, %convert_element_type3A_665 : vector<16xf32>
          %add3A_667 = arith.constant 96 : i32
          %add3A_668 = vector.broadcast %add3A_667 : i32 to vector<16xi32>
          %add3A_669 = arith.addi %sub3A_660, %add3A_668 : vector<16xi32>
          %jit3A_670 = arith.constant 0 : i32
          %jit3A_671 = arith.constant 192 : i32
          %max3A_672 = vector.broadcast %jit3A_670 : i32 to vector<16xi32>
          %max3A_673 = arith.maxsi %max3A_672, %add3A_669 : vector<16xi32>
          %min3A_674 = vector.broadcast %jit3A_671 : i32 to vector<16xi32>
          %min3A_675 = arith.minsi %min3A_674, %max3A_673 : vector<16xi32>
          %add3A_676 = arith.constant 96 : i32
          %add3A_677 = vector.broadcast %add3A_676 : i32 to vector<16xi32>
          %add3A_678 = arith.addi %sub3A_651, %add3A_677 : vector<16xi32>
          %jit3A_679 = arith.constant 0 : i32
          %jit3A_680 = arith.constant 192 : i32
          %max3A_681 = vector.broadcast %jit3A_679 : i32 to vector<16xi32>
          %max3A_682 = arith.maxsi %max3A_681, %add3A_678 : vector<16xi32>
          %min3A_683 = vector.broadcast %jit3A_680 : i32 to vector<16xi32>
          %min3A_684 = arith.minsi %min3A_683, %max3A_682 : vector<16xi32>
          %jit3A_685 = arith.constant 0 : i32
          %jit3A_686 = arith.constant 96 : i32
          %max3A_687 = vector.broadcast %jit3A_685 : i32 to vector<16xi32>
          %max3A_688 = arith.maxsi %max3A_687, %convert_element_type3A_642 : vector<16xi32>
          %min3A_689 = vector.broadcast %jit3A_686 : i32 to vector<16xi32>
          %min3A_690 = arith.minsi %min3A_689, %max3A_688 : vector<16xi32>
          %add3A_691 = arith.constant 1 : i32
          %add3A_692 = vector.broadcast %add3A_691 : i32 to vector<16xi32>
          %add3A_693 = arith.addi %min3A_690, %add3A_692 : vector<16xi32>
          %add3A_694 = arith.constant 1 : i32
          %add3A_695 = vector.broadcast %add3A_694 : i32 to vector<16xi32>
          %add3A_696 = arith.addi %min3A_675, %add3A_695 : vector<16xi32>
          %min3A_697 = arith.constant 192 : i32
          %min3A_698 = vector.broadcast %min3A_697 : i32 to vector<16xi32>
          %min3A_699 = arith.minsi %add3A_696, %min3A_698 : vector<16xi32>
          %add3A_700 = arith.constant 1 : i32
          %add3A_701 = vector.broadcast %add3A_700 : i32 to vector<16xi32>
          %add3A_702 = arith.addi %min3A_684, %add3A_701 : vector<16xi32>
          %min3A_703 = arith.constant 192 : i32
          %min3A_704 = vector.broadcast %min3A_703 : i32 to vector<16xi32>
          %min3A_705 = arith.minsi %add3A_702, %min3A_704 : vector<16xi32>
          %mul3A_706 = arith.constant 193 : i32
          %mul3A_707 = vector.broadcast %mul3A_706 : i32 to vector<16xi32>
          %mul3A_708 = arith.muli %min3A_675, %mul3A_707 : vector<16xi32>
          %mul3A_709 = arith.constant 193 : i32
          %mul3A_710 = vector.broadcast %mul3A_709 : i32 to vector<16xi32>
          %mul3A_711 = arith.muli %min3A_699, %mul3A_710 : vector<16xi32>
          %sub3A_712 = arith.constant 1.000000e+00 : f32
          %sub3A_713 = vector.broadcast %sub3A_712 : f32 to vector<16xf32>
          %sub3A_714 = arith.subf %sub3A_713, %sub3A_666 : vector<16xf32>
          %sub3A_715 = arith.constant 1.000000e+00 : f32
          %sub3A_716 = vector.broadcast %sub3A_715 : f32 to vector<16xf32>
          %sub3A_717 = arith.subf %sub3A_716, %sub3A_664 : vector<16xf32>
          %sub3A_718 = arith.constant 1.000000e+00 : f32
          %sub3A_719 = vector.broadcast %sub3A_718 : f32 to vector<16xf32>
          %sub3A_720 = arith.subf %sub3A_719, %sub3A_662 : vector<16xf32>
          %add3A_721 = arith.addi %mul3A_708, %min3A_684 : vector<16xi32>
          %gather3A_722 = tpu.vector_load_idx %arg6[%add3A_721] : memref<37256xi32, #tpu.memory_space<vmem>>[vector<16xi32>], vector<16xi32>,
          %and3A_723 = arith.constant 127 : i32
          %and3A_724 = vector.broadcast %and3A_723 : i32 to vector<16xi32>
          %and3A_725 = arith.andi %gather3A_722, %and3A_724 : vector<16xi32>
          %sub3A_726 = arith.constant 1 : i32
          %sub3A_727 = vector.broadcast %sub3A_726 : i32 to vector<16xi32>
          %sub3A_728 = arith.subi %and3A_725, %sub3A_727 : vector<16xi32>
          %shift_right_arithmetic3A_729 = arith.constant 7 : i32
          %shift_right_arithmetic3A_730 = vector.broadcast %shift_right_arithmetic3A_729 : i32 to vector<16xi32>
          %shift_right_arithmetic3A_731 = arith.shrsi %gather3A_722, %shift_right_arithmetic3A_730 : vector<16xi32>
          %mul3A_732 = arith.mulf %sub3A_714, %sub3A_717 : vector<16xf32>
          %le3A_733 = arith.cmpi sle, %min3A_690, %sub3A_728 : vector<16xi32>
          %add3A_734 = arith.addi %shift_right_arithmetic3A_731, %min3A_690 : vector<16xi32>
          %select_n3A_735 = arith.select %le3A_733, %add3A_734, %broadcast_in_dim3A_9 : vector<16xi1>, vector<16xi32>
          %le3A_736 = arith.cmpi sle, %add3A_693, %sub3A_728 : vector<16xi32>
          %jit3A_737 = arith.constant 1.000000e+00 : f32
          %jit3A_738 = arith.constant 0.000000e+00 : f32
          %broadcast_in_dim3A_739 = vector.broadcast %jit3A_737 : f32 to vector<16xf32>
          %broadcast_in_dim3A_740 = vector.broadcast %jit3A_738 : f32 to vector<16xf32>
          %select_n3A_741 = arith.select %le3A_736, %broadcast_in_dim3A_739, %broadcast_in_dim3A_740 : vector<16xi1>, vector<16xf32>
          %swap3A_742 = arith.index_cast %add3A_600 : i32 to index
          %swap3A_743 = tpu.vector_load %arg8[%swap3A_742] {strides = array<i32>} : memref<896xi32, #tpu.memory_space<vmem>>, vector<16xi32>,
          tpu.vector_store %arg8[%swap3A_742], %select_n3A_735 {strides = array<i32>} : memref<896xi32, #tpu.memory_space<vmem>>, vector<16xi32>,
          %mul3A_744 = arith.mulf %mul3A_732, %sub3A_720 : vector<16xf32>
          %swap3A_745 = arith.constant 0 : i32
          %swap3A_746 = arith.index_cast %swap3A_745 : i32 to index
          %swap3A_747 = arith.index_cast %add3A_600 : i32 to index
          %swap3A_748 = tpu.vector_load %arg16[%swap3A_746, %swap3A_747] {strides = array<i32>} : memref<8x896xf32, #tpu.memory_space<vmem>>, vector<16xf32>,
          tpu.vector_store %arg16[%swap3A_746, %swap3A_747], %mul3A_744 {strides = array<i32>} : memref<8x896xf32, #tpu.memory_space<vmem>>, vector<16xf32>,
          %mul3A_749 = arith.mulf %mul3A_732, %sub3A_662 : vector<16xf32>
          %mul3A_750 = arith.mulf %mul3A_749, %select_n3A_741 : vector<16xf32>
          %swap3A_751 = arith.constant 4 : i32
          %swap3A_752 = arith.index_cast %swap3A_751 : i32 to index
          %swap3A_753 = arith.index_cast %add3A_600 : i32 to index
          %swap3A_754 = tpu.vector_load %arg16[%swap3A_752, %swap3A_753] {strides = array<i32>} : memref<8x896xf32, #tpu.memory_space<vmem>>, vector<16xf32>,
          tpu.vector_store %arg16[%swap3A_752, %swap3A_753], %mul3A_750 {strides = array<i32>} : memref<8x896xf32, #tpu.memory_space<vmem>>, vector<16xf32>,
          %add3A_755 = arith.addi %mul3A_708, %min3A_705 : vector<16xi32>
          %gather3A_756 = tpu.vector_load_idx %arg6[%add3A_755] : memref<37256xi32, #tpu.memory_space<vmem>>[vector<16xi32>], vector<16xi32>,
          %and3A_757 = arith.constant 127 : i32
          %and3A_758 = vector.broadcast %and3A_757 : i32 to vector<16xi32>
          %and3A_759 = arith.andi %gather3A_756, %and3A_758 : vector<16xi32>
          %sub3A_760 = arith.constant 1 : i32
          %sub3A_761 = vector.broadcast %sub3A_760 : i32 to vector<16xi32>
          %sub3A_762 = arith.subi %and3A_759, %sub3A_761 : vector<16xi32>
          %shift_right_arithmetic3A_763 = arith.constant 7 : i32
          %shift_right_arithmetic3A_764 = vector.broadcast %shift_right_arithmetic3A_763 : i32 to vector<16xi32>
          %shift_right_arithmetic3A_765 = arith.shrsi %gather3A_756, %shift_right_arithmetic3A_764 : vector<16xi32>
          %mul3A_766 = arith.mulf %sub3A_714, %sub3A_664 : vector<16xf32>
          %le3A_767 = arith.cmpi sle, %min3A_690, %sub3A_762 : vector<16xi32>
          %add3A_768 = arith.addi %shift_right_arithmetic3A_765, %min3A_690 : vector<16xi32>
          %select_n3A_769 = arith.select %le3A_767, %add3A_768, %broadcast_in_dim3A_9 : vector<16xi1>, vector<16xi32>
          %le3A_770 = arith.cmpi sle, %add3A_693, %sub3A_762 : vector<16xi32>
          %jit3A_771 = arith.constant 1.000000e+00 : f32
          %jit3A_772 = arith.constant 0.000000e+00 : f32
          %broadcast_in_dim3A_773 = vector.broadcast %jit3A_771 : f32 to vector<16xf32>
          %broadcast_in_dim3A_774 = vector.broadcast %jit3A_772 : f32 to vector<16xf32>
          %select_n3A_775 = arith.select %le3A_770, %broadcast_in_dim3A_773, %broadcast_in_dim3A_774 : vector<16xi1>, vector<16xf32>
          %swap3A_776 = arith.index_cast %add3A_600 : i32 to index
          %swap3A_777 = tpu.vector_load %arg9[%swap3A_776] {strides = array<i32>} : memref<896xi32, #tpu.memory_space<vmem>>, vector<16xi32>,
          tpu.vector_store %arg9[%swap3A_776], %select_n3A_769 {strides = array<i32>} : memref<896xi32, #tpu.memory_space<vmem>>, vector<16xi32>,
          %mul3A_778 = arith.mulf %mul3A_766, %sub3A_720 : vector<16xf32>
          %swap3A_779 = arith.constant 1 : i32
          %swap3A_780 = arith.index_cast %swap3A_779 : i32 to index
          %swap3A_781 = arith.index_cast %add3A_600 : i32 to index
          %swap3A_782 = tpu.vector_load %arg16[%swap3A_780, %swap3A_781] {strides = array<i32>} : memref<8x896xf32, #tpu.memory_space<vmem>>, vector<16xf32>,
          tpu.vector_store %arg16[%swap3A_780, %swap3A_781], %mul3A_778 {strides = array<i32>} : memref<8x896xf32, #tpu.memory_space<vmem>>, vector<16xf32>,
          %mul3A_783 = arith.mulf %mul3A_766, %sub3A_662 : vector<16xf32>
          %mul3A_784 = arith.mulf %mul3A_783, %select_n3A_775 : vector<16xf32>
          %swap3A_785 = arith.constant 5 : i32
          %swap3A_786 = arith.index_cast %swap3A_785 : i32 to index
          %swap3A_787 = arith.index_cast %add3A_600 : i32 to index
          %swap3A_788 = tpu.vector_load %arg16[%swap3A_786, %swap3A_787] {strides = array<i32>} : memref<8x896xf32, #tpu.memory_space<vmem>>, vector<16xf32>,
          tpu.vector_store %arg16[%swap3A_786, %swap3A_787], %mul3A_784 {strides = array<i32>} : memref<8x896xf32, #tpu.memory_space<vmem>>, vector<16xf32>,
          %add3A_789 = arith.addi %mul3A_711, %min3A_684 : vector<16xi32>
          %gather3A_790 = tpu.vector_load_idx %arg6[%add3A_789] : memref<37256xi32, #tpu.memory_space<vmem>>[vector<16xi32>], vector<16xi32>,
          %and3A_791 = arith.constant 127 : i32
          %and3A_792 = vector.broadcast %and3A_791 : i32 to vector<16xi32>
          %and3A_793 = arith.andi %gather3A_790, %and3A_792 : vector<16xi32>
          %sub3A_794 = arith.constant 1 : i32
          %sub3A_795 = vector.broadcast %sub3A_794 : i32 to vector<16xi32>
          %sub3A_796 = arith.subi %and3A_793, %sub3A_795 : vector<16xi32>
          %shift_right_arithmetic3A_797 = arith.constant 7 : i32
          %shift_right_arithmetic3A_798 = vector.broadcast %shift_right_arithmetic3A_797 : i32 to vector<16xi32>
          %shift_right_arithmetic3A_799 = arith.shrsi %gather3A_790, %shift_right_arithmetic3A_798 : vector<16xi32>
          %mul3A_800 = arith.mulf %sub3A_666, %sub3A_717 : vector<16xf32>
          %le3A_801 = arith.cmpi sle, %min3A_690, %sub3A_796 : vector<16xi32>
          %add3A_802 = arith.addi %shift_right_arithmetic3A_799, %min3A_690 : vector<16xi32>
          %select_n3A_803 = arith.select %le3A_801, %add3A_802, %broadcast_in_dim3A_9 : vector<16xi1>, vector<16xi32>
          %le3A_804 = arith.cmpi sle, %add3A_693, %sub3A_796 : vector<16xi32>
          %jit3A_805 = arith.constant 1.000000e+00 : f32
          %jit3A_806 = arith.constant 0.000000e+00 : f32
          %broadcast_in_dim3A_807 = vector.broadcast %jit3A_805 : f32 to vector<16xf32>
          %broadcast_in_dim3A_808 = vector.broadcast %jit3A_806 : f32 to vector<16xf32>
          %select_n3A_809 = arith.select %le3A_804, %broadcast_in_dim3A_807, %broadcast_in_dim3A_808 : vector<16xi1>, vector<16xf32>
          %swap3A_810 = arith.index_cast %add3A_600 : i32 to index
          %swap3A_811 = tpu.vector_load %arg10[%swap3A_810] {strides = array<i32>} : memref<896xi32, #tpu.memory_space<vmem>>, vector<16xi32>,
          tpu.vector_store %arg10[%swap3A_810], %select_n3A_803 {strides = array<i32>} : memref<896xi32, #tpu.memory_space<vmem>>, vector<16xi32>,
          %mul3A_812 = arith.mulf %mul3A_800, %sub3A_720 : vector<16xf32>
          %swap3A_813 = arith.constant 2 : i32
          %swap3A_814 = arith.index_cast %swap3A_813 : i32 to index
          %swap3A_815 = arith.index_cast %add3A_600 : i32 to index
          %swap3A_816 = tpu.vector_load %arg16[%swap3A_814, %swap3A_815] {strides = array<i32>} : memref<8x896xf32, #tpu.memory_space<vmem>>, vector<16xf32>,
          tpu.vector_store %arg16[%swap3A_814, %swap3A_815], %mul3A_812 {strides = array<i32>} : memref<8x896xf32, #tpu.memory_space<vmem>>, vector<16xf32>,
          %mul3A_817 = arith.mulf %mul3A_800, %sub3A_662 : vector<16xf32>
          %mul3A_818 = arith.mulf %mul3A_817, %select_n3A_809 : vector<16xf32>
          %swap3A_819 = arith.constant 6 : i32
          %swap3A_820 = arith.index_cast %swap3A_819 : i32 to index
          %swap3A_821 = arith.index_cast %add3A_600 : i32 to index
          %swap3A_822 = tpu.vector_load %arg16[%swap3A_820, %swap3A_821] {strides = array<i32>} : memref<8x896xf32, #tpu.memory_space<vmem>>, vector<16xf32>,
          tpu.vector_store %arg16[%swap3A_820, %swap3A_821], %mul3A_818 {strides = array<i32>} : memref<8x896xf32, #tpu.memory_space<vmem>>, vector<16xf32>,
          %add3A_823 = arith.addi %mul3A_711, %min3A_705 : vector<16xi32>
          %gather3A_824 = tpu.vector_load_idx %arg6[%add3A_823] : memref<37256xi32, #tpu.memory_space<vmem>>[vector<16xi32>], vector<16xi32>,
          %and3A_825 = arith.constant 127 : i32
          %and3A_826 = vector.broadcast %and3A_825 : i32 to vector<16xi32>
          %and3A_827 = arith.andi %gather3A_824, %and3A_826 : vector<16xi32>
          %sub3A_828 = arith.constant 1 : i32
          %sub3A_829 = vector.broadcast %sub3A_828 : i32 to vector<16xi32>
          %sub3A_830 = arith.subi %and3A_827, %sub3A_829 : vector<16xi32>
          %shift_right_arithmetic3A_831 = arith.constant 7 : i32
          %shift_right_arithmetic3A_832 = vector.broadcast %shift_right_arithmetic3A_831 : i32 to vector<16xi32>
          %shift_right_arithmetic3A_833 = arith.shrsi %gather3A_824, %shift_right_arithmetic3A_832 : vector<16xi32>
          %mul3A_834 = arith.mulf %sub3A_666, %sub3A_664 : vector<16xf32>
          %le3A_835 = arith.cmpi sle, %min3A_690, %sub3A_830 : vector<16xi32>
          %add3A_836 = arith.addi %shift_right_arithmetic3A_833, %min3A_690 : vector<16xi32>
          %select_n3A_837 = arith.select %le3A_835, %add3A_836, %broadcast_in_dim3A_9 : vector<16xi1>, vector<16xi32>
          %le3A_838 = arith.cmpi sle, %add3A_693, %sub3A_830 : vector<16xi32>
          %jit3A_839 = arith.constant 1.000000e+00 : f32
          %jit3A_840 = arith.constant 0.000000e+00 : f32
          %broadcast_in_dim3A_841 = vector.broadcast %jit3A_839 : f32 to vector<16xf32>
          %broadcast_in_dim3A_842 = vector.broadcast %jit3A_840 : f32 to vector<16xf32>
          %select_n3A_843 = arith.select %le3A_838, %broadcast_in_dim3A_841, %broadcast_in_dim3A_842 : vector<16xi1>, vector<16xf32>
          %swap3A_844 = arith.index_cast %add3A_600 : i32 to index
          %swap3A_845 = tpu.vector_load %arg11[%swap3A_844] {strides = array<i32>} : memref<896xi32, #tpu.memory_space<vmem>>, vector<16xi32>,
          tpu.vector_store %arg11[%swap3A_844], %select_n3A_837 {strides = array<i32>} : memref<896xi32, #tpu.memory_space<vmem>>, vector<16xi32>,
          %mul3A_846 = arith.mulf %mul3A_834, %sub3A_720 : vector<16xf32>
          %swap3A_847 = arith.constant 3 : i32
          %swap3A_848 = arith.index_cast %swap3A_847 : i32 to index
          %swap3A_849 = arith.index_cast %add3A_600 : i32 to index
          %swap3A_850 = tpu.vector_load %arg16[%swap3A_848, %swap3A_849] {strides = array<i32>} : memref<8x896xf32, #tpu.memory_space<vmem>>, vector<16xf32>,
          tpu.vector_store %arg16[%swap3A_848, %swap3A_849], %mul3A_846 {strides = array<i32>} : memref<8x896xf32, #tpu.memory_space<vmem>>, vector<16xf32>,
          %mul3A_851 = arith.mulf %mul3A_834, %sub3A_662 : vector<16xf32>
          %mul3A_852 = arith.mulf %mul3A_851, %select_n3A_843 : vector<16xf32>
          %swap3A_853 = arith.constant 7 : i32
          %swap3A_854 = arith.index_cast %swap3A_853 : i32 to index
          %swap3A_855 = arith.index_cast %add3A_600 : i32 to index
          %swap3A_856 = tpu.vector_load %arg16[%swap3A_854, %swap3A_855] {strides = array<i32>} : memref<8x896xf32, #tpu.memory_space<vmem>>, vector<16xf32>,
          tpu.vector_store %arg16[%swap3A_854, %swap3A_855], %mul3A_852 {strides = array<i32>} : memref<8x896xf32, #tpu.memory_space<vmem>>, vector<16xf32>,
          %swap3A_857 = arith.constant 0 : i32
          %swap3A_858 = arith.index_cast %swap3A_857 : i32 to index
          %swap3A_859 = arith.index_cast %add3A_600 : i32 to index
          %swap3A_860 = tpu.vector_load %arg17[%swap3A_858, %swap3A_859] {strides = array<i32>} : memref<2x896xf32, #tpu.memory_space<vmem>>, vector<16xf32>,
          tpu.vector_store %arg17[%swap3A_858, %swap3A_859], %select_n3A_615 {strides = array<i32>} : memref<2x896xf32, #tpu.memory_space<vmem>>, vector<16xf32>,
          %mul3A_861 = arith.mulf %select_n3A_615, %select_n3A_638 : vector<16xf32>
          %swap3A_862 = arith.constant 1 : i32
          %swap3A_863 = arith.index_cast %swap3A_862 : i32 to index
          %swap3A_864 = arith.index_cast %add3A_600 : i32 to index
          %swap3A_865 = tpu.vector_load %arg17[%swap3A_863, %swap3A_864] {strides = array<i32>} : memref<2x896xf32, #tpu.memory_space<vmem>>, vector<16xf32>,
          tpu.vector_store %arg17[%swap3A_863, %swap3A_864], %mul3A_861 {strides = array<i32>} : memref<2x896xf32, #tpu.memory_space<vmem>>, vector<16xf32>,
          %mul3A_866 = arith.constant 112 : i32
          %mul3A_867 = arith.muli %scan3A_64, %mul3A_866 : i32
          %add3A_868 = arith.constant 48 : i32
          %add3A_869 = arith.addi %mul3A_867, %add3A_868 : i32
          %add3A_870 = arith.constant 48 : i32
          %add3A_871 = vector.broadcast %add3A_870 : i32 to vector<16xi32>
          %add3A_872 = arith.addi %iota3A, %add3A_871 : vector<16xi32>
          %convert_element_type3A_873 = arith.sitofp %add3A_872 : vector<16xi32> to vector<16xf32>
          %mul3A_874 = arith.mulf %convert_element_type3A_873, %convert_element_type3A_873 : vector<16xf32>
          %mul3A_875 = arith.mulf %broadcast_in_dim3A_69, %broadcast_in_dim3A_69 : vector<16xf32>
          %add3A_876 = arith.addf %mul3A_874, %mul3A_875 : vector<16xf32>
          %lt3A_877 = arith.constant 9.216000e+03 : f32
          %lt3A_878 = vector.broadcast %lt3A_877 : f32 to vector<16xf32>
          %lt3A_879 = arith.cmpf olt, %add3A_876, %lt3A_878 : vector<16xf32>
          %jit3A_880 = arith.constant 0.00520833349 : f32
          %jit3A_881 = arith.constant 0.000000e+00 : f32
          %broadcast_in_dim3A_882 = vector.broadcast %jit3A_880 : f32 to vector<16xf32>
          %broadcast_in_dim3A_883 = vector.broadcast %jit3A_881 : f32 to vector<16xf32>
          %select_n3A_884 = arith.select %lt3A_879, %broadcast_in_dim3A_882, %broadcast_in_dim3A_883 : vector<16xi1>, vector<16xf32>
          %get3A_885 = arith.constant 0 : i32
          %get3A_886 = arith.index_cast %scan3A_64 : i32 to index
          %get3A_887 = arith.index_cast %get3A_885 : i32 to index
          %get3A_888 = arith.constant 48 : index
          %get3A_889 = tpu.vector_load %arg7[%get3A_886, %get3A_887, %get3A_888] {strides = array<i32>} : memref<8x3x112xf32, #tpu.memory_space<vmem>>, vector<16xf32>,
          %get3A_890 = arith.constant 1 : i32
          %get3A_891 = arith.index_cast %scan3A_64 : i32 to index
          %get3A_892 = arith.index_cast %get3A_890 : i32 to index
          %get3A_893 = arith.constant 48 : index
          %get3A_894 = tpu.vector_load %arg7[%get3A_891, %get3A_892, %get3A_893] {strides = array<i32>} : memref<8x3x112xf32, #tpu.memory_space<vmem>>, vector<16xf32>,
          %get3A_895 = arith.constant 2 : i32
          %get3A_896 = arith.index_cast %scan3A_64 : i32 to index
          %get3A_897 = arith.index_cast %get3A_895 : i32 to index
          %get3A_898 = arith.constant 48 : index
          %get3A_899 = tpu.vector_load %arg7[%get3A_896, %get3A_897, %get3A_898] {strides = array<i32>} : memref<8x3x112xf32, #tpu.memory_space<vmem>>, vector<16xf32>,
          %lt3A_900 = arith.constant 0.000000e+00 : f32
          %lt3A_901 = vector.broadcast %lt3A_900 : f32 to vector<16xf32>
          %lt3A_902 = arith.cmpf olt, %get3A_889, %lt3A_901 : vector<16xf32>
          %jit3A_903 = arith.constant -1.000000e+00 : f32
          %jit3A_904 = arith.constant 1.000000e+00 : f32
          %broadcast_in_dim3A_905 = vector.broadcast %jit3A_903 : f32 to vector<16xf32>
          %broadcast_in_dim3A_906 = vector.broadcast %jit3A_904 : f32 to vector<16xf32>
          %select_n3A_907 = arith.select %lt3A_902, %broadcast_in_dim3A_905, %broadcast_in_dim3A_906 : vector<16xi1>, vector<16xf32>
          %mul3A_908 = arith.mulf %get3A_889, %select_n3A_907 : vector<16xf32>
          %mul3A_909 = arith.mulf %get3A_894, %select_n3A_907 : vector<16xf32>
          %mul3A_910 = arith.mulf %get3A_899, %select_n3A_907 : vector<16xf32>
          %convert_element_type3A_911 = arith.fptosi %mul3A_908 : vector<16xf32> to vector<16xi32>
          %convert_element_type3A_912 = arith.fptosi %mul3A_909 : vector<16xf32> to vector<16xi32>
          %convert_element_type3A_913 = arith.sitofp %convert_element_type3A_912 : vector<16xi32> to vector<16xf32>
          %lt3A_914 = arith.cmpf olt, %mul3A_909, %convert_element_type3A_913 : vector<16xf32>
          %jit3A_915 = arith.constant 1 : i32
          %jit3A_916 = arith.constant 0 : i32
          %broadcast_in_dim3A_917 = vector.broadcast %jit3A_915 : i32 to vector<16xi32>
          %broadcast_in_dim3A_918 = vector.broadcast %jit3A_916 : i32 to vector<16xi32>
          %select_n3A_919 = arith.select %lt3A_914, %broadcast_in_dim3A_917, %broadcast_in_dim3A_918 : vector<16xi1>, vector<16xi32>
          %sub3A_920 = arith.subi %convert_element_type3A_912, %select_n3A_919 : vector<16xi32>
          %convert_element_type3A_921 = arith.fptosi %mul3A_910 : vector<16xf32> to vector<16xi32>
          %convert_element_type3A_922 = arith.sitofp %convert_element_type3A_921 : vector<16xi32> to vector<16xf32>
          %lt3A_923 = arith.cmpf olt, %mul3A_910, %convert_element_type3A_922 : vector<16xf32>
          %jit3A_924 = arith.constant 1 : i32
          %jit3A_925 = arith.constant 0 : i32
          %broadcast_in_dim3A_926 = vector.broadcast %jit3A_924 : i32 to vector<16xi32>
          %broadcast_in_dim3A_927 = vector.broadcast %jit3A_925 : i32 to vector<16xi32>
          %select_n3A_928 = arith.select %lt3A_923, %broadcast_in_dim3A_926, %broadcast_in_dim3A_927 : vector<16xi1>, vector<16xi32>
          %sub3A_929 = arith.subi %convert_element_type3A_921, %select_n3A_928 : vector<16xi32>
          %convert_element_type3A_930 = arith.sitofp %convert_element_type3A_911 : vector<16xi32> to vector<16xf32>
          %sub3A_931 = arith.subf %mul3A_908, %convert_element_type3A_930 : vector<16xf32>
          %convert_element_type3A_932 = arith.sitofp %sub3A_920 : vector<16xi32> to vector<16xf32>
          %sub3A_933 = arith.subf %mul3A_909, %convert_element_type3A_932 : vector<16xf32>
          %convert_element_type3A_934 = arith.sitofp %sub3A_929 : vector<16xi32> to vector<16xf32>
          %sub3A_935 = arith.subf %mul3A_910, %convert_element_type3A_934 : vector<16xf32>
          %add3A_936 = arith.constant 96 : i32
          %add3A_937 = vector.broadcast %add3A_936 : i32 to vector<16xi32>
          %add3A_938 = arith.addi %sub3A_929, %add3A_937 : vector<16xi32>
          %jit3A_939 = arith.constant 0 : i32
          %jit3A_940 = arith.constant 192 : i32
          %max3A_941 = vector.broadcast %jit3A_939 : i32 to vector<16xi32>
          %max3A_942 = arith.maxsi %max3A_941, %add3A_938 : vector<16xi32>
          %min3A_943 = vector.broadcast %jit3A_940 : i32 to vector<16xi32>
          %min3A_944 = arith.minsi %min3A_943, %max3A_942 : vector<16xi32>
          %add3A_945 = arith.constant 96 : i32
          %add3A_946 = vector.broadcast %add3A_945 : i32 to vector<16xi32>
          %add3A_947 = arith.addi %sub3A_920, %add3A_946 : vector<16xi32>
          %jit3A_948 = arith.constant 0 : i32
          %jit3A_949 = arith.constant 192 : i32
          %max3A_950 = vector.broadcast %jit3A_948 : i32 to vector<16xi32>
          %max3A_951 = arith.maxsi %max3A_950, %add3A_947 : vector<16xi32>
          %min3A_952 = vector.broadcast %jit3A_949 : i32 to vector<16xi32>
          %min3A_953 = arith.minsi %min3A_952, %max3A_951 : vector<16xi32>
          %jit3A_954 = arith.constant 0 : i32
          %jit3A_955 = arith.constant 96 : i32
          %max3A_956 = vector.broadcast %jit3A_954 : i32 to vector<16xi32>
          %max3A_957 = arith.maxsi %max3A_956, %convert_element_type3A_911 : vector<16xi32>
          %min3A_958 = vector.broadcast %jit3A_955 : i32 to vector<16xi32>
          %min3A_959 = arith.minsi %min3A_958, %max3A_957 : vector<16xi32>
          %add3A_960 = arith.constant 1 : i32
          %add3A_961 = vector.broadcast %add3A_960 : i32 to vector<16xi32>
          %add3A_962 = arith.addi %min3A_959, %add3A_961 : vector<16xi32>
          %add3A_963 = arith.constant 1 : i32
          %add3A_964 = vector.broadcast %add3A_963 : i32 to vector<16xi32>
          %add3A_965 = arith.addi %min3A_944, %add3A_964 : vector<16xi32>
          %min3A_966 = arith.constant 192 : i32
          %min3A_967 = vector.broadcast %min3A_966 : i32 to vector<16xi32>
          %min3A_968 = arith.minsi %add3A_965, %min3A_967 : vector<16xi32>
          %add3A_969 = arith.constant 1 : i32
          %add3A_970 = vector.broadcast %add3A_969 : i32 to vector<16xi32>
          %add3A_971 = arith.addi %min3A_953, %add3A_970 : vector<16xi32>
          %min3A_972 = arith.constant 192 : i32
          %min3A_973 = vector.broadcast %min3A_972 : i32 to vector<16xi32>
          %min3A_974 = arith.minsi %add3A_971, %min3A_973 : vector<16xi32>
          %mul3A_975 = arith.constant 193 : i32
          %mul3A_976 = vector.broadcast %mul3A_975 : i32 to vector<16xi32>
          %mul3A_977 = arith.muli %min3A_944, %mul3A_976 : vector<16xi32>
          %mul3A_978 = arith.constant 193 : i32
          %mul3A_979 = vector.broadcast %mul3A_978 : i32 to vector<16xi32>
          %mul3A_980 = arith.muli %min3A_968, %mul3A_979 : vector<16xi32>
          %sub3A_981 = arith.constant 1.000000e+00 : f32
          %sub3A_982 = vector.broadcast %sub3A_981 : f32 to vector<16xf32>
          %sub3A_983 = arith.subf %sub3A_982, %sub3A_935 : vector<16xf32>
          %sub3A_984 = arith.constant 1.000000e+00 : f32
          %sub3A_985 = vector.broadcast %sub3A_984 : f32 to vector<16xf32>
          %sub3A_986 = arith.subf %sub3A_985, %sub3A_933 : vector<16xf32>
          %sub3A_987 = arith.constant 1.000000e+00 : f32
          %sub3A_988 = vector.broadcast %sub3A_987 : f32 to vector<16xf32>
          %sub3A_989 = arith.subf %sub3A_988, %sub3A_931 : vector<16xf32>
          %add3A_990 = arith.addi %mul3A_977, %min3A_953 : vector<16xi32>
          %gather3A_991 = tpu.vector_load_idx %arg6[%add3A_990] : memref<37256xi32, #tpu.memory_space<vmem>>[vector<16xi32>], vector<16xi32>,
          %and3A_992 = arith.constant 127 : i32
          %and3A_993 = vector.broadcast %and3A_992 : i32 to vector<16xi32>
          %and3A_994 = arith.andi %gather3A_991, %and3A_993 : vector<16xi32>
          %sub3A_995 = arith.constant 1 : i32
          %sub3A_996 = vector.broadcast %sub3A_995 : i32 to vector<16xi32>
          %sub3A_997 = arith.subi %and3A_994, %sub3A_996 : vector<16xi32>
          %shift_right_arithmetic3A_998 = arith.constant 7 : i32
          %shift_right_arithmetic3A_999 = vector.broadcast %shift_right_arithmetic3A_998 : i32 to vector<16xi32>
          %shift_right_arithmetic3A_1000 = arith.shrsi %gather3A_991, %shift_right_arithmetic3A_999 : vector<16xi32>
          %mul3A_1001 = arith.mulf %sub3A_983, %sub3A_986 : vector<16xf32>
          %le3A_1002 = arith.cmpi sle, %min3A_959, %sub3A_997 : vector<16xi32>
          %add3A_1003 = arith.addi %shift_right_arithmetic3A_1000, %min3A_959 : vector<16xi32>
          %select_n3A_1004 = arith.select %le3A_1002, %add3A_1003, %broadcast_in_dim3A_9 : vector<16xi1>, vector<16xi32>
          %le3A_1005 = arith.cmpi sle, %add3A_962, %sub3A_997 : vector<16xi32>
          %jit3A_1006 = arith.constant 1.000000e+00 : f32
          %jit3A_1007 = arith.constant 0.000000e+00 : f32
          %broadcast_in_dim3A_1008 = vector.broadcast %jit3A_1006 : f32 to vector<16xf32>
          %broadcast_in_dim3A_1009 = vector.broadcast %jit3A_1007 : f32 to vector<16xf32>
          %select_n3A_1010 = arith.select %le3A_1005, %broadcast_in_dim3A_1008, %broadcast_in_dim3A_1009 : vector<16xi1>, vector<16xf32>
          %swap3A_1011 = arith.index_cast %add3A_869 : i32 to index
          %swap3A_1012 = tpu.vector_load %arg8[%swap3A_1011] {strides = array<i32>} : memref<896xi32, #tpu.memory_space<vmem>>, vector<16xi32>,
          tpu.vector_store %arg8[%swap3A_1011], %select_n3A_1004 {strides = array<i32>} : memref<896xi32, #tpu.memory_space<vmem>>, vector<16xi32>,
          %mul3A_1013 = arith.mulf %mul3A_1001, %sub3A_989 : vector<16xf32>
          %swap3A_1014 = arith.constant 0 : i32
          %swap3A_1015 = arith.index_cast %swap3A_1014 : i32 to index
          %swap3A_1016 = arith.index_cast %add3A_869 : i32 to index
          %swap3A_1017 = tpu.vector_load %arg16[%swap3A_1015, %swap3A_1016] {strides = array<i32>} : memref<8x896xf32, #tpu.memory_space<vmem>>, vector<16xf32>,
          tpu.vector_store %arg16[%swap3A_1015, %swap3A_1016], %mul3A_1013 {strides = array<i32>} : memref<8x896xf32, #tpu.memory_space<vmem>>, vector<16xf32>,
          %mul3A_1018 = arith.mulf %mul3A_1001, %sub3A_931 : vector<16xf32>
          %mul3A_1019 = arith.mulf %mul3A_1018, %select_n3A_1010 : vector<16xf32>
          %swap3A_1020 = arith.constant 4 : i32
          %swap3A_1021 = arith.index_cast %swap3A_1020 : i32 to index
          %swap3A_1022 = arith.index_cast %add3A_869 : i32 to index
          %swap3A_1023 = tpu.vector_load %arg16[%swap3A_1021, %swap3A_1022] {strides = array<i32>} : memref<8x896xf32, #tpu.memory_space<vmem>>, vector<16xf32>,
          tpu.vector_store %arg16[%swap3A_1021, %swap3A_1022], %mul3A_1019 {strides = array<i32>} : memref<8x896xf32, #tpu.memory_space<vmem>>, vector<16xf32>,
          %add3A_1024 = arith.addi %mul3A_977, %min3A_974 : vector<16xi32>
          %gather3A_1025 = tpu.vector_load_idx %arg6[%add3A_1024] : memref<37256xi32, #tpu.memory_space<vmem>>[vector<16xi32>], vector<16xi32>,
          %and3A_1026 = arith.constant 127 : i32
          %and3A_1027 = vector.broadcast %and3A_1026 : i32 to vector<16xi32>
          %and3A_1028 = arith.andi %gather3A_1025, %and3A_1027 : vector<16xi32>
          %sub3A_1029 = arith.constant 1 : i32
          %sub3A_1030 = vector.broadcast %sub3A_1029 : i32 to vector<16xi32>
          %sub3A_1031 = arith.subi %and3A_1028, %sub3A_1030 : vector<16xi32>
          %shift_right_arithmetic3A_1032 = arith.constant 7 : i32
          %shift_right_arithmetic3A_1033 = vector.broadcast %shift_right_arithmetic3A_1032 : i32 to vector<16xi32>
          %shift_right_arithmetic3A_1034 = arith.shrsi %gather3A_1025, %shift_right_arithmetic3A_1033 : vector<16xi32>
          %mul3A_1035 = arith.mulf %sub3A_983, %sub3A_933 : vector<16xf32>
          %le3A_1036 = arith.cmpi sle, %min3A_959, %sub3A_1031 : vector<16xi32>
          %add3A_1037 = arith.addi %shift_right_arithmetic3A_1034, %min3A_959 : vector<16xi32>
          %select_n3A_1038 = arith.select %le3A_1036, %add3A_1037, %broadcast_in_dim3A_9 : vector<16xi1>, vector<16xi32>
          %le3A_1039 = arith.cmpi sle, %add3A_962, %sub3A_1031 : vector<16xi32>
          %jit3A_1040 = arith.constant 1.000000e+00 : f32
          %jit3A_1041 = arith.constant 0.000000e+00 : f32
          %broadcast_in_dim3A_1042 = vector.broadcast %jit3A_1040 : f32 to vector<16xf32>
          %broadcast_in_dim3A_1043 = vector.broadcast %jit3A_1041 : f32 to vector<16xf32>
          %select_n3A_1044 = arith.select %le3A_1039, %broadcast_in_dim3A_1042, %broadcast_in_dim3A_1043 : vector<16xi1>, vector<16xf32>
          %swap3A_1045 = arith.index_cast %add3A_869 : i32 to index
          %swap3A_1046 = tpu.vector_load %arg9[%swap3A_1045] {strides = array<i32>} : memref<896xi32, #tpu.memory_space<vmem>>, vector<16xi32>,
          tpu.vector_store %arg9[%swap3A_1045], %select_n3A_1038 {strides = array<i32>} : memref<896xi32, #tpu.memory_space<vmem>>, vector<16xi32>,
          %mul3A_1047 = arith.mulf %mul3A_1035, %sub3A_989 : vector<16xf32>
          %swap3A_1048 = arith.constant 1 : i32
          %swap3A_1049 = arith.index_cast %swap3A_1048 : i32 to index
          %swap3A_1050 = arith.index_cast %add3A_869 : i32 to index
          %swap3A_1051 = tpu.vector_load %arg16[%swap3A_1049, %swap3A_1050] {strides = array<i32>} : memref<8x896xf32, #tpu.memory_space<vmem>>, vector<16xf32>,
          tpu.vector_store %arg16[%swap3A_1049, %swap3A_1050], %mul3A_1047 {strides = array<i32>} : memref<8x896xf32, #tpu.memory_space<vmem>>, vector<16xf32>,
          %mul3A_1052 = arith.mulf %mul3A_1035, %sub3A_931 : vector<16xf32>
          %mul3A_1053 = arith.mulf %mul3A_1052, %select_n3A_1044 : vector<16xf32>
          %swap3A_1054 = arith.constant 5 : i32
          %swap3A_1055 = arith.index_cast %swap3A_1054 : i32 to index
          %swap3A_1056 = arith.index_cast %add3A_869 : i32 to index
          %swap3A_1057 = tpu.vector_load %arg16[%swap3A_1055, %swap3A_1056] {strides = array<i32>} : memref<8x896xf32, #tpu.memory_space<vmem>>, vector<16xf32>,
          tpu.vector_store %arg16[%swap3A_1055, %swap3A_1056], %mul3A_1053 {strides = array<i32>} : memref<8x896xf32, #tpu.memory_space<vmem>>, vector<16xf32>,
          %add3A_1058 = arith.addi %mul3A_980, %min3A_953 : vector<16xi32>
          %gather3A_1059 = tpu.vector_load_idx %arg6[%add3A_1058] : memref<37256xi32, #tpu.memory_space<vmem>>[vector<16xi32>], vector<16xi32>,
          %and3A_1060 = arith.constant 127 : i32
          %and3A_1061 = vector.broadcast %and3A_1060 : i32 to vector<16xi32>
          %and3A_1062 = arith.andi %gather3A_1059, %and3A_1061 : vector<16xi32>
          %sub3A_1063 = arith.constant 1 : i32
          %sub3A_1064 = vector.broadcast %sub3A_1063 : i32 to vector<16xi32>
          %sub3A_1065 = arith.subi %and3A_1062, %sub3A_1064 : vector<16xi32>
          %shift_right_arithmetic3A_1066 = arith.constant 7 : i32
          %shift_right_arithmetic3A_1067 = vector.broadcast %shift_right_arithmetic3A_1066 : i32 to vector<16xi32>
          %shift_right_arithmetic3A_1068 = arith.shrsi %gather3A_1059, %shift_right_arithmetic3A_1067 : vector<16xi32>
          %mul3A_1069 = arith.mulf %sub3A_935, %sub3A_986 : vector<16xf32>
          %le3A_1070 = arith.cmpi sle, %min3A_959, %sub3A_1065 : vector<16xi32>
          %add3A_1071 = arith.addi %shift_right_arithmetic3A_1068, %min3A_959 : vector<16xi32>
          %select_n3A_1072 = arith.select %le3A_1070, %add3A_1071, %broadcast_in_dim3A_9 : vector<16xi1>, vector<16xi32>
          %le3A_1073 = arith.cmpi sle, %add3A_962, %sub3A_1065 : vector<16xi32>
          %jit3A_1074 = arith.constant 1.000000e+00 : f32
          %jit3A_1075 = arith.constant 0.000000e+00 : f32
          %broadcast_in_dim3A_1076 = vector.broadcast %jit3A_1074 : f32 to vector<16xf32>
          %broadcast_in_dim3A_1077 = vector.broadcast %jit3A_1075 : f32 to vector<16xf32>
          %select_n3A_1078 = arith.select %le3A_1073, %broadcast_in_dim3A_1076, %broadcast_in_dim3A_1077 : vector<16xi1>, vector<16xf32>
          %swap3A_1079 = arith.index_cast %add3A_869 : i32 to index
          %swap3A_1080 = tpu.vector_load %arg10[%swap3A_1079] {strides = array<i32>} : memref<896xi32, #tpu.memory_space<vmem>>, vector<16xi32>,
          tpu.vector_store %arg10[%swap3A_1079], %select_n3A_1072 {strides = array<i32>} : memref<896xi32, #tpu.memory_space<vmem>>, vector<16xi32>,
          %mul3A_1081 = arith.mulf %mul3A_1069, %sub3A_989 : vector<16xf32>
          %swap3A_1082 = arith.constant 2 : i32
          %swap3A_1083 = arith.index_cast %swap3A_1082 : i32 to index
          %swap3A_1084 = arith.index_cast %add3A_869 : i32 to index
          %swap3A_1085 = tpu.vector_load %arg16[%swap3A_1083, %swap3A_1084] {strides = array<i32>} : memref<8x896xf32, #tpu.memory_space<vmem>>, vector<16xf32>,
          tpu.vector_store %arg16[%swap3A_1083, %swap3A_1084], %mul3A_1081 {strides = array<i32>} : memref<8x896xf32, #tpu.memory_space<vmem>>, vector<16xf32>,
          %mul3A_1086 = arith.mulf %mul3A_1069, %sub3A_931 : vector<16xf32>
          %mul3A_1087 = arith.mulf %mul3A_1086, %select_n3A_1078 : vector<16xf32>
          %swap3A_1088 = arith.constant 6 : i32
          %swap3A_1089 = arith.index_cast %swap3A_1088 : i32 to index
          %swap3A_1090 = arith.index_cast %add3A_869 : i32 to index
          %swap3A_1091 = tpu.vector_load %arg16[%swap3A_1089, %swap3A_1090] {strides = array<i32>} : memref<8x896xf32, #tpu.memory_space<vmem>>, vector<16xf32>,
          tpu.vector_store %arg16[%swap3A_1089, %swap3A_1090], %mul3A_1087 {strides = array<i32>} : memref<8x896xf32, #tpu.memory_space<vmem>>, vector<16xf32>,
          %add3A_1092 = arith.addi %mul3A_980, %min3A_974 : vector<16xi32>
          %gather3A_1093 = tpu.vector_load_idx %arg6[%add3A_1092] : memref<37256xi32, #tpu.memory_space<vmem>>[vector<16xi32>], vector<16xi32>,
          %and3A_1094 = arith.constant 127 : i32
          %and3A_1095 = vector.broadcast %and3A_1094 : i32 to vector<16xi32>
          %and3A_1096 = arith.andi %gather3A_1093, %and3A_1095 : vector<16xi32>
          %sub3A_1097 = arith.constant 1 : i32
          %sub3A_1098 = vector.broadcast %sub3A_1097 : i32 to vector<16xi32>
          %sub3A_1099 = arith.subi %and3A_1096, %sub3A_1098 : vector<16xi32>
          %shift_right_arithmetic3A_1100 = arith.constant 7 : i32
          %shift_right_arithmetic3A_1101 = vector.broadcast %shift_right_arithmetic3A_1100 : i32 to vector<16xi32>
          %shift_right_arithmetic3A_1102 = arith.shrsi %gather3A_1093, %shift_right_arithmetic3A_1101 : vector<16xi32>
          %mul3A_1103 = arith.mulf %sub3A_935, %sub3A_933 : vector<16xf32>
          %le3A_1104 = arith.cmpi sle, %min3A_959, %sub3A_1099 : vector<16xi32>
          %add3A_1105 = arith.addi %shift_right_arithmetic3A_1102, %min3A_959 : vector<16xi32>
          %select_n3A_1106 = arith.select %le3A_1104, %add3A_1105, %broadcast_in_dim3A_9 : vector<16xi1>, vector<16xi32>
          %le3A_1107 = arith.cmpi sle, %add3A_962, %sub3A_1099 : vector<16xi32>
          %jit3A_1108 = arith.constant 1.000000e+00 : f32
          %jit3A_1109 = arith.constant 0.000000e+00 : f32
          %broadcast_in_dim3A_1110 = vector.broadcast %jit3A_1108 : f32 to vector<16xf32>
          %broadcast_in_dim3A_1111 = vector.broadcast %jit3A_1109 : f32 to vector<16xf32>
          %select_n3A_1112 = arith.select %le3A_1107, %broadcast_in_dim3A_1110, %broadcast_in_dim3A_1111 : vector<16xi1>, vector<16xf32>
          %swap3A_1113 = arith.index_cast %add3A_869 : i32 to index
          %swap3A_1114 = tpu.vector_load %arg11[%swap3A_1113] {strides = array<i32>} : memref<896xi32, #tpu.memory_space<vmem>>, vector<16xi32>,
          tpu.vector_store %arg11[%swap3A_1113], %select_n3A_1106 {strides = array<i32>} : memref<896xi32, #tpu.memory_space<vmem>>, vector<16xi32>,
          %mul3A_1115 = arith.mulf %mul3A_1103, %sub3A_989 : vector<16xf32>
          %swap3A_1116 = arith.constant 3 : i32
          %swap3A_1117 = arith.index_cast %swap3A_1116 : i32 to index
          %swap3A_1118 = arith.index_cast %add3A_869 : i32 to index
          %swap3A_1119 = tpu.vector_load %arg16[%swap3A_1117, %swap3A_1118] {strides = array<i32>} : memref<8x896xf32, #tpu.memory_space<vmem>>, vector<16xf32>,
          tpu.vector_store %arg16[%swap3A_1117, %swap3A_1118], %mul3A_1115 {strides = array<i32>} : memref<8x896xf32, #tpu.memory_space<vmem>>, vector<16xf32>,
          %mul3A_1120 = arith.mulf %mul3A_1103, %sub3A_931 : vector<16xf32>
          %mul3A_1121 = arith.mulf %mul3A_1120, %select_n3A_1112 : vector<16xf32>
          %swap3A_1122 = arith.constant 7 : i32
          %swap3A_1123 = arith.index_cast %swap3A_1122 : i32 to index
          %swap3A_1124 = arith.index_cast %add3A_869 : i32 to index
          %swap3A_1125 = tpu.vector_load %arg16[%swap3A_1123, %swap3A_1124] {strides = array<i32>} : memref<8x896xf32, #tpu.memory_space<vmem>>, vector<16xf32>,
          tpu.vector_store %arg16[%swap3A_1123, %swap3A_1124], %mul3A_1121 {strides = array<i32>} : memref<8x896xf32, #tpu.memory_space<vmem>>, vector<16xf32>,
          %swap3A_1126 = arith.constant 0 : i32
          %swap3A_1127 = arith.index_cast %swap3A_1126 : i32 to index
          %swap3A_1128 = arith.index_cast %add3A_869 : i32 to index
          %swap3A_1129 = tpu.vector_load %arg17[%swap3A_1127, %swap3A_1128] {strides = array<i32>} : memref<2x896xf32, #tpu.memory_space<vmem>>, vector<16xf32>,
          tpu.vector_store %arg17[%swap3A_1127, %swap3A_1128], %select_n3A_884 {strides = array<i32>} : memref<2x896xf32, #tpu.memory_space<vmem>>, vector<16xf32>,
          %mul3A_1130 = arith.mulf %select_n3A_884, %select_n3A_907 : vector<16xf32>
          %swap3A_1131 = arith.constant 1 : i32
          %swap3A_1132 = arith.index_cast %swap3A_1131 : i32 to index
          %swap3A_1133 = arith.index_cast %add3A_869 : i32 to index
          %swap3A_1134 = tpu.vector_load %arg17[%swap3A_1132, %swap3A_1133] {strides = array<i32>} : memref<2x896xf32, #tpu.memory_space<vmem>>, vector<16xf32>,
          tpu.vector_store %arg17[%swap3A_1132, %swap3A_1133], %mul3A_1130 {strides = array<i32>} : memref<2x896xf32, #tpu.memory_space<vmem>>, vector<16xf32>,
          %mul3A_1135 = arith.constant 112 : i32
          %mul3A_1136 = arith.muli %scan3A_64, %mul3A_1135 : i32
          %add3A_1137 = arith.constant 64 : i32
          %add3A_1138 = arith.addi %mul3A_1136, %add3A_1137 : i32
          %add3A_1139 = arith.constant 64 : i32
          %add3A_1140 = vector.broadcast %add3A_1139 : i32 to vector<16xi32>
          %add3A_1141 = arith.addi %iota3A, %add3A_1140 : vector<16xi32>
          %convert_element_type3A_1142 = arith.sitofp %add3A_1141 : vector<16xi32> to vector<16xf32>
          %mul3A_1143 = arith.mulf %convert_element_type3A_1142, %convert_element_type3A_1142 : vector<16xf32>
          %mul3A_1144 = arith.mulf %broadcast_in_dim3A_69, %broadcast_in_dim3A_69 : vector<16xf32>
          %add3A_1145 = arith.addf %mul3A_1143, %mul3A_1144 : vector<16xf32>
          %lt3A_1146 = arith.constant 9.216000e+03 : f32
          %lt3A_1147 = vector.broadcast %lt3A_1146 : f32 to vector<16xf32>
          %lt3A_1148 = arith.cmpf olt, %add3A_1145, %lt3A_1147 : vector<16xf32>
          %jit3A_1149 = arith.constant 0.00520833349 : f32
          %jit3A_1150 = arith.constant 0.000000e+00 : f32
          %broadcast_in_dim3A_1151 = vector.broadcast %jit3A_1149 : f32 to vector<16xf32>
          %broadcast_in_dim3A_1152 = vector.broadcast %jit3A_1150 : f32 to vector<16xf32>
          %select_n3A_1153 = arith.select %lt3A_1148, %broadcast_in_dim3A_1151, %broadcast_in_dim3A_1152 : vector<16xi1>, vector<16xf32>
          %get3A_1154 = arith.constant 0 : i32
          %get3A_1155 = arith.index_cast %scan3A_64 : i32 to index
          %get3A_1156 = arith.index_cast %get3A_1154 : i32 to index
          %get3A_1157 = arith.constant 64 : index
          %get3A_1158 = tpu.vector_load %arg7[%get3A_1155, %get3A_1156, %get3A_1157] {strides = array<i32>} : memref<8x3x112xf32, #tpu.memory_space<vmem>>, vector<16xf32>,
          %get3A_1159 = arith.constant 1 : i32
          %get3A_1160 = arith.index_cast %scan3A_64 : i32 to index
          %get3A_1161 = arith.index_cast %get3A_1159 : i32 to index
          %get3A_1162 = arith.constant 64 : index
          %get3A_1163 = tpu.vector_load %arg7[%get3A_1160, %get3A_1161, %get3A_1162] {strides = array<i32>} : memref<8x3x112xf32, #tpu.memory_space<vmem>>, vector<16xf32>,
          %get3A_1164 = arith.constant 2 : i32
          %get3A_1165 = arith.index_cast %scan3A_64 : i32 to index
          %get3A_1166 = arith.index_cast %get3A_1164 : i32 to index
          %get3A_1167 = arith.constant 64 : index
          %get3A_1168 = tpu.vector_load %arg7[%get3A_1165, %get3A_1166, %get3A_1167] {strides = array<i32>} : memref<8x3x112xf32, #tpu.memory_space<vmem>>, vector<16xf32>,
          %lt3A_1169 = arith.constant 0.000000e+00 : f32
          %lt3A_1170 = vector.broadcast %lt3A_1169 : f32 to vector<16xf32>
          %lt3A_1171 = arith.cmpf olt, %get3A_1158, %lt3A_1170 : vector<16xf32>
          %jit3A_1172 = arith.constant -1.000000e+00 : f32
          %jit3A_1173 = arith.constant 1.000000e+00 : f32
          %broadcast_in_dim3A_1174 = vector.broadcast %jit3A_1172 : f32 to vector<16xf32>
          %broadcast_in_dim3A_1175 = vector.broadcast %jit3A_1173 : f32 to vector<16xf32>
          %select_n3A_1176 = arith.select %lt3A_1171, %broadcast_in_dim3A_1174, %broadcast_in_dim3A_1175 : vector<16xi1>, vector<16xf32>
          %mul3A_1177 = arith.mulf %get3A_1158, %select_n3A_1176 : vector<16xf32>
          %mul3A_1178 = arith.mulf %get3A_1163, %select_n3A_1176 : vector<16xf32>
          %mul3A_1179 = arith.mulf %get3A_1168, %select_n3A_1176 : vector<16xf32>
          %convert_element_type3A_1180 = arith.fptosi %mul3A_1177 : vector<16xf32> to vector<16xi32>
          %convert_element_type3A_1181 = arith.fptosi %mul3A_1178 : vector<16xf32> to vector<16xi32>
          %convert_element_type3A_1182 = arith.sitofp %convert_element_type3A_1181 : vector<16xi32> to vector<16xf32>
          %lt3A_1183 = arith.cmpf olt, %mul3A_1178, %convert_element_type3A_1182 : vector<16xf32>
          %jit3A_1184 = arith.constant 1 : i32
          %jit3A_1185 = arith.constant 0 : i32
          %broadcast_in_dim3A_1186 = vector.broadcast %jit3A_1184 : i32 to vector<16xi32>
          %broadcast_in_dim3A_1187 = vector.broadcast %jit3A_1185 : i32 to vector<16xi32>
          %select_n3A_1188 = arith.select %lt3A_1183, %broadcast_in_dim3A_1186, %broadcast_in_dim3A_1187 : vector<16xi1>, vector<16xi32>
          %sub3A_1189 = arith.subi %convert_element_type3A_1181, %select_n3A_1188 : vector<16xi32>
          %convert_element_type3A_1190 = arith.fptosi %mul3A_1179 : vector<16xf32> to vector<16xi32>
          %convert_element_type3A_1191 = arith.sitofp %convert_element_type3A_1190 : vector<16xi32> to vector<16xf32>
          %lt3A_1192 = arith.cmpf olt, %mul3A_1179, %convert_element_type3A_1191 : vector<16xf32>
          %jit3A_1193 = arith.constant 1 : i32
          %jit3A_1194 = arith.constant 0 : i32
          %broadcast_in_dim3A_1195 = vector.broadcast %jit3A_1193 : i32 to vector<16xi32>
          %broadcast_in_dim3A_1196 = vector.broadcast %jit3A_1194 : i32 to vector<16xi32>
          %select_n3A_1197 = arith.select %lt3A_1192, %broadcast_in_dim3A_1195, %broadcast_in_dim3A_1196 : vector<16xi1>, vector<16xi32>
          %sub3A_1198 = arith.subi %convert_element_type3A_1190, %select_n3A_1197 : vector<16xi32>
          %convert_element_type3A_1199 = arith.sitofp %convert_element_type3A_1180 : vector<16xi32> to vector<16xf32>
          %sub3A_1200 = arith.subf %mul3A_1177, %convert_element_type3A_1199 : vector<16xf32>
          %convert_element_type3A_1201 = arith.sitofp %sub3A_1189 : vector<16xi32> to vector<16xf32>
          %sub3A_1202 = arith.subf %mul3A_1178, %convert_element_type3A_1201 : vector<16xf32>
          %convert_element_type3A_1203 = arith.sitofp %sub3A_1198 : vector<16xi32> to vector<16xf32>
          %sub3A_1204 = arith.subf %mul3A_1179, %convert_element_type3A_1203 : vector<16xf32>
          %add3A_1205 = arith.constant 96 : i32
          %add3A_1206 = vector.broadcast %add3A_1205 : i32 to vector<16xi32>
          %add3A_1207 = arith.addi %sub3A_1198, %add3A_1206 : vector<16xi32>
          %jit3A_1208 = arith.constant 0 : i32
          %jit3A_1209 = arith.constant 192 : i32
          %max3A_1210 = vector.broadcast %jit3A_1208 : i32 to vector<16xi32>
          %max3A_1211 = arith.maxsi %max3A_1210, %add3A_1207 : vector<16xi32>
          %min3A_1212 = vector.broadcast %jit3A_1209 : i32 to vector<16xi32>
          %min3A_1213 = arith.minsi %min3A_1212, %max3A_1211 : vector<16xi32>
          %add3A_1214 = arith.constant 96 : i32
          %add3A_1215 = vector.broadcast %add3A_1214 : i32 to vector<16xi32>
          %add3A_1216 = arith.addi %sub3A_1189, %add3A_1215 : vector<16xi32>
          %jit3A_1217 = arith.constant 0 : i32
          %jit3A_1218 = arith.constant 192 : i32
          %max3A_1219 = vector.broadcast %jit3A_1217 : i32 to vector<16xi32>
          %max3A_1220 = arith.maxsi %max3A_1219, %add3A_1216 : vector<16xi32>
          %min3A_1221 = vector.broadcast %jit3A_1218 : i32 to vector<16xi32>
          %min3A_1222 = arith.minsi %min3A_1221, %max3A_1220 : vector<16xi32>
          %jit3A_1223 = arith.constant 0 : i32
          %jit3A_1224 = arith.constant 96 : i32
          %max3A_1225 = vector.broadcast %jit3A_1223 : i32 to vector<16xi32>
          %max3A_1226 = arith.maxsi %max3A_1225, %convert_element_type3A_1180 : vector<16xi32>
          %min3A_1227 = vector.broadcast %jit3A_1224 : i32 to vector<16xi32>
          %min3A_1228 = arith.minsi %min3A_1227, %max3A_1226 : vector<16xi32>
          %add3A_1229 = arith.constant 1 : i32
          %add3A_1230 = vector.broadcast %add3A_1229 : i32 to vector<16xi32>
          %add3A_1231 = arith.addi %min3A_1228, %add3A_1230 : vector<16xi32>
          %add3A_1232 = arith.constant 1 : i32
          %add3A_1233 = vector.broadcast %add3A_1232 : i32 to vector<16xi32>
          %add3A_1234 = arith.addi %min3A_1213, %add3A_1233 : vector<16xi32>
          %min3A_1235 = arith.constant 192 : i32
          %min3A_1236 = vector.broadcast %min3A_1235 : i32 to vector<16xi32>
          %min3A_1237 = arith.minsi %add3A_1234, %min3A_1236 : vector<16xi32>
          %add3A_1238 = arith.constant 1 : i32
          %add3A_1239 = vector.broadcast %add3A_1238 : i32 to vector<16xi32>
          %add3A_1240 = arith.addi %min3A_1222, %add3A_1239 : vector<16xi32>
          %min3A_1241 = arith.constant 192 : i32
          %min3A_1242 = vector.broadcast %min3A_1241 : i32 to vector<16xi32>
          %min3A_1243 = arith.minsi %add3A_1240, %min3A_1242 : vector<16xi32>
          %mul3A_1244 = arith.constant 193 : i32
          %mul3A_1245 = vector.broadcast %mul3A_1244 : i32 to vector<16xi32>
          %mul3A_1246 = arith.muli %min3A_1213, %mul3A_1245 : vector<16xi32>
          %mul3A_1247 = arith.constant 193 : i32
          %mul3A_1248 = vector.broadcast %mul3A_1247 : i32 to vector<16xi32>
          %mul3A_1249 = arith.muli %min3A_1237, %mul3A_1248 : vector<16xi32>
          %sub3A_1250 = arith.constant 1.000000e+00 : f32
          %sub3A_1251 = vector.broadcast %sub3A_1250 : f32 to vector<16xf32>
          %sub3A_1252 = arith.subf %sub3A_1251, %sub3A_1204 : vector<16xf32>
          %sub3A_1253 = arith.constant 1.000000e+00 : f32
          %sub3A_1254 = vector.broadcast %sub3A_1253 : f32 to vector<16xf32>
          %sub3A_1255 = arith.subf %sub3A_1254, %sub3A_1202 : vector<16xf32>
          %sub3A_1256 = arith.constant 1.000000e+00 : f32
          %sub3A_1257 = vector.broadcast %sub3A_1256 : f32 to vector<16xf32>
          %sub3A_1258 = arith.subf %sub3A_1257, %sub3A_1200 : vector<16xf32>
          %add3A_1259 = arith.addi %mul3A_1246, %min3A_1222 : vector<16xi32>
          %gather3A_1260 = tpu.vector_load_idx %arg6[%add3A_1259] : memref<37256xi32, #tpu.memory_space<vmem>>[vector<16xi32>], vector<16xi32>,
          %and3A_1261 = arith.constant 127 : i32
          %and3A_1262 = vector.broadcast %and3A_1261 : i32 to vector<16xi32>
          %and3A_1263 = arith.andi %gather3A_1260, %and3A_1262 : vector<16xi32>
          %sub3A_1264 = arith.constant 1 : i32
          %sub3A_1265 = vector.broadcast %sub3A_1264 : i32 to vector<16xi32>
          %sub3A_1266 = arith.subi %and3A_1263, %sub3A_1265 : vector<16xi32>
          %shift_right_arithmetic3A_1267 = arith.constant 7 : i32
          %shift_right_arithmetic3A_1268 = vector.broadcast %shift_right_arithmetic3A_1267 : i32 to vector<16xi32>
          %shift_right_arithmetic3A_1269 = arith.shrsi %gather3A_1260, %shift_right_arithmetic3A_1268 : vector<16xi32>
          %mul3A_1270 = arith.mulf %sub3A_1252, %sub3A_1255 : vector<16xf32>
          %le3A_1271 = arith.cmpi sle, %min3A_1228, %sub3A_1266 : vector<16xi32>
          %add3A_1272 = arith.addi %shift_right_arithmetic3A_1269, %min3A_1228 : vector<16xi32>
          %select_n3A_1273 = arith.select %le3A_1271, %add3A_1272, %broadcast_in_dim3A_9 : vector<16xi1>, vector<16xi32>
          %le3A_1274 = arith.cmpi sle, %add3A_1231, %sub3A_1266 : vector<16xi32>
          %jit3A_1275 = arith.constant 1.000000e+00 : f32
          %jit3A_1276 = arith.constant 0.000000e+00 : f32
          %broadcast_in_dim3A_1277 = vector.broadcast %jit3A_1275 : f32 to vector<16xf32>
          %broadcast_in_dim3A_1278 = vector.broadcast %jit3A_1276 : f32 to vector<16xf32>
          %select_n3A_1279 = arith.select %le3A_1274, %broadcast_in_dim3A_1277, %broadcast_in_dim3A_1278 : vector<16xi1>, vector<16xf32>
          %swap3A_1280 = arith.index_cast %add3A_1138 : i32 to index
          %swap3A_1281 = tpu.vector_load %arg8[%swap3A_1280] {strides = array<i32>} : memref<896xi32, #tpu.memory_space<vmem>>, vector<16xi32>,
          tpu.vector_store %arg8[%swap3A_1280], %select_n3A_1273 {strides = array<i32>} : memref<896xi32, #tpu.memory_space<vmem>>, vector<16xi32>,
          %mul3A_1282 = arith.mulf %mul3A_1270, %sub3A_1258 : vector<16xf32>
          %swap3A_1283 = arith.constant 0 : i32
          %swap3A_1284 = arith.index_cast %swap3A_1283 : i32 to index
          %swap3A_1285 = arith.index_cast %add3A_1138 : i32 to index
          %swap3A_1286 = tpu.vector_load %arg16[%swap3A_1284, %swap3A_1285] {strides = array<i32>} : memref<8x896xf32, #tpu.memory_space<vmem>>, vector<16xf32>,
          tpu.vector_store %arg16[%swap3A_1284, %swap3A_1285], %mul3A_1282 {strides = array<i32>} : memref<8x896xf32, #tpu.memory_space<vmem>>, vector<16xf32>,
          %mul3A_1287 = arith.mulf %mul3A_1270, %sub3A_1200 : vector<16xf32>
          %mul3A_1288 = arith.mulf %mul3A_1287, %select_n3A_1279 : vector<16xf32>
          %swap3A_1289 = arith.constant 4 : i32
          %swap3A_1290 = arith.index_cast %swap3A_1289 : i32 to index
          %swap3A_1291 = arith.index_cast %add3A_1138 : i32 to index
          %swap3A_1292 = tpu.vector_load %arg16[%swap3A_1290, %swap3A_1291] {strides = array<i32>} : memref<8x896xf32, #tpu.memory_space<vmem>>, vector<16xf32>,
          tpu.vector_store %arg16[%swap3A_1290, %swap3A_1291], %mul3A_1288 {strides = array<i32>} : memref<8x896xf32, #tpu.memory_space<vmem>>, vector<16xf32>,
          %add3A_1293 = arith.addi %mul3A_1246, %min3A_1243 : vector<16xi32>
          %gather3A_1294 = tpu.vector_load_idx %arg6[%add3A_1293] : memref<37256xi32, #tpu.memory_space<vmem>>[vector<16xi32>], vector<16xi32>,
          %and3A_1295 = arith.constant 127 : i32
          %and3A_1296 = vector.broadcast %and3A_1295 : i32 to vector<16xi32>
          %and3A_1297 = arith.andi %gather3A_1294, %and3A_1296 : vector<16xi32>
          %sub3A_1298 = arith.constant 1 : i32
          %sub3A_1299 = vector.broadcast %sub3A_1298 : i32 to vector<16xi32>
          %sub3A_1300 = arith.subi %and3A_1297, %sub3A_1299 : vector<16xi32>
          %shift_right_arithmetic3A_1301 = arith.constant 7 : i32
          %shift_right_arithmetic3A_1302 = vector.broadcast %shift_right_arithmetic3A_1301 : i32 to vector<16xi32>
          %shift_right_arithmetic3A_1303 = arith.shrsi %gather3A_1294, %shift_right_arithmetic3A_1302 : vector<16xi32>
          %mul3A_1304 = arith.mulf %sub3A_1252, %sub3A_1202 : vector<16xf32>
          %le3A_1305 = arith.cmpi sle, %min3A_1228, %sub3A_1300 : vector<16xi32>
          %add3A_1306 = arith.addi %shift_right_arithmetic3A_1303, %min3A_1228 : vector<16xi32>
          %select_n3A_1307 = arith.select %le3A_1305, %add3A_1306, %broadcast_in_dim3A_9 : vector<16xi1>, vector<16xi32>
          %le3A_1308 = arith.cmpi sle, %add3A_1231, %sub3A_1300 : vector<16xi32>
          %jit3A_1309 = arith.constant 1.000000e+00 : f32
          %jit3A_1310 = arith.constant 0.000000e+00 : f32
          %broadcast_in_dim3A_1311 = vector.broadcast %jit3A_1309 : f32 to vector<16xf32>
          %broadcast_in_dim3A_1312 = vector.broadcast %jit3A_1310 : f32 to vector<16xf32>
          %select_n3A_1313 = arith.select %le3A_1308, %broadcast_in_dim3A_1311, %broadcast_in_dim3A_1312 : vector<16xi1>, vector<16xf32>
          %swap3A_1314 = arith.index_cast %add3A_1138 : i32 to index
          %swap3A_1315 = tpu.vector_load %arg9[%swap3A_1314] {strides = array<i32>} : memref<896xi32, #tpu.memory_space<vmem>>, vector<16xi32>,
          tpu.vector_store %arg9[%swap3A_1314], %select_n3A_1307 {strides = array<i32>} : memref<896xi32, #tpu.memory_space<vmem>>, vector<16xi32>,
          %mul3A_1316 = arith.mulf %mul3A_1304, %sub3A_1258 : vector<16xf32>
          %swap3A_1317 = arith.constant 1 : i32
          %swap3A_1318 = arith.index_cast %swap3A_1317 : i32 to index
          %swap3A_1319 = arith.index_cast %add3A_1138 : i32 to index
          %swap3A_1320 = tpu.vector_load %arg16[%swap3A_1318, %swap3A_1319] {strides = array<i32>} : memref<8x896xf32, #tpu.memory_space<vmem>>, vector<16xf32>,
          tpu.vector_store %arg16[%swap3A_1318, %swap3A_1319], %mul3A_1316 {strides = array<i32>} : memref<8x896xf32, #tpu.memory_space<vmem>>, vector<16xf32>,
          %mul3A_1321 = arith.mulf %mul3A_1304, %sub3A_1200 : vector<16xf32>
          %mul3A_1322 = arith.mulf %mul3A_1321, %select_n3A_1313 : vector<16xf32>
          %swap3A_1323 = arith.constant 5 : i32
          %swap3A_1324 = arith.index_cast %swap3A_1323 : i32 to index
          %swap3A_1325 = arith.index_cast %add3A_1138 : i32 to index
          %swap3A_1326 = tpu.vector_load %arg16[%swap3A_1324, %swap3A_1325] {strides = array<i32>} : memref<8x896xf32, #tpu.memory_space<vmem>>, vector<16xf32>,
          tpu.vector_store %arg16[%swap3A_1324, %swap3A_1325], %mul3A_1322 {strides = array<i32>} : memref<8x896xf32, #tpu.memory_space<vmem>>, vector<16xf32>,
          %add3A_1327 = arith.addi %mul3A_1249, %min3A_1222 : vector<16xi32>
          %gather3A_1328 = tpu.vector_load_idx %arg6[%add3A_1327] : memref<37256xi32, #tpu.memory_space<vmem>>[vector<16xi32>], vector<16xi32>,
          %and3A_1329 = arith.constant 127 : i32
          %and3A_1330 = vector.broadcast %and3A_1329 : i32 to vector<16xi32>
          %and3A_1331 = arith.andi %gather3A_1328, %and3A_1330 : vector<16xi32>
          %sub3A_1332 = arith.constant 1 : i32
          %sub3A_1333 = vector.broadcast %sub3A_1332 : i32 to vector<16xi32>
          %sub3A_1334 = arith.subi %and3A_1331, %sub3A_1333 : vector<16xi32>
          %shift_right_arithmetic3A_1335 = arith.constant 7 : i32
          %shift_right_arithmetic3A_1336 = vector.broadcast %shift_right_arithmetic3A_1335 : i32 to vector<16xi32>
          %shift_right_arithmetic3A_1337 = arith.shrsi %gather3A_1328, %shift_right_arithmetic3A_1336 : vector<16xi32>
          %mul3A_1338 = arith.mulf %sub3A_1204, %sub3A_1255 : vector<16xf32>
          %le3A_1339 = arith.cmpi sle, %min3A_1228, %sub3A_1334 : vector<16xi32>
          %add3A_1340 = arith.addi %shift_right_arithmetic3A_1337, %min3A_1228 : vector<16xi32>
          %select_n3A_1341 = arith.select %le3A_1339, %add3A_1340, %broadcast_in_dim3A_9 : vector<16xi1>, vector<16xi32>
          %le3A_1342 = arith.cmpi sle, %add3A_1231, %sub3A_1334 : vector<16xi32>
          %jit3A_1343 = arith.constant 1.000000e+00 : f32
          %jit3A_1344 = arith.constant 0.000000e+00 : f32
          %broadcast_in_dim3A_1345 = vector.broadcast %jit3A_1343 : f32 to vector<16xf32>
          %broadcast_in_dim3A_1346 = vector.broadcast %jit3A_1344 : f32 to vector<16xf32>
          %select_n3A_1347 = arith.select %le3A_1342, %broadcast_in_dim3A_1345, %broadcast_in_dim3A_1346 : vector<16xi1>, vector<16xf32>
          %swap3A_1348 = arith.index_cast %add3A_1138 : i32 to index
          %swap3A_1349 = tpu.vector_load %arg10[%swap3A_1348] {strides = array<i32>} : memref<896xi32, #tpu.memory_space<vmem>>, vector<16xi32>,
          tpu.vector_store %arg10[%swap3A_1348], %select_n3A_1341 {strides = array<i32>} : memref<896xi32, #tpu.memory_space<vmem>>, vector<16xi32>,
          %mul3A_1350 = arith.mulf %mul3A_1338, %sub3A_1258 : vector<16xf32>
          %swap3A_1351 = arith.constant 2 : i32
          %swap3A_1352 = arith.index_cast %swap3A_1351 : i32 to index
          %swap3A_1353 = arith.index_cast %add3A_1138 : i32 to index
          %swap3A_1354 = tpu.vector_load %arg16[%swap3A_1352, %swap3A_1353] {strides = array<i32>} : memref<8x896xf32, #tpu.memory_space<vmem>>, vector<16xf32>,
          tpu.vector_store %arg16[%swap3A_1352, %swap3A_1353], %mul3A_1350 {strides = array<i32>} : memref<8x896xf32, #tpu.memory_space<vmem>>, vector<16xf32>,
          %mul3A_1355 = arith.mulf %mul3A_1338, %sub3A_1200 : vector<16xf32>
          %mul3A_1356 = arith.mulf %mul3A_1355, %select_n3A_1347 : vector<16xf32>
          %swap3A_1357 = arith.constant 6 : i32
          %swap3A_1358 = arith.index_cast %swap3A_1357 : i32 to index
          %swap3A_1359 = arith.index_cast %add3A_1138 : i32 to index
          %swap3A_1360 = tpu.vector_load %arg16[%swap3A_1358, %swap3A_1359] {strides = array<i32>} : memref<8x896xf32, #tpu.memory_space<vmem>>, vector<16xf32>,
          tpu.vector_store %arg16[%swap3A_1358, %swap3A_1359], %mul3A_1356 {strides = array<i32>} : memref<8x896xf32, #tpu.memory_space<vmem>>, vector<16xf32>,
          %add3A_1361 = arith.addi %mul3A_1249, %min3A_1243 : vector<16xi32>
          %gather3A_1362 = tpu.vector_load_idx %arg6[%add3A_1361] : memref<37256xi32, #tpu.memory_space<vmem>>[vector<16xi32>], vector<16xi32>,
          %and3A_1363 = arith.constant 127 : i32
          %and3A_1364 = vector.broadcast %and3A_1363 : i32 to vector<16xi32>
          %and3A_1365 = arith.andi %gather3A_1362, %and3A_1364 : vector<16xi32>
          %sub3A_1366 = arith.constant 1 : i32
          %sub3A_1367 = vector.broadcast %sub3A_1366 : i32 to vector<16xi32>
          %sub3A_1368 = arith.subi %and3A_1365, %sub3A_1367 : vector<16xi32>
          %shift_right_arithmetic3A_1369 = arith.constant 7 : i32
          %shift_right_arithmetic3A_1370 = vector.broadcast %shift_right_arithmetic3A_1369 : i32 to vector<16xi32>
          %shift_right_arithmetic3A_1371 = arith.shrsi %gather3A_1362, %shift_right_arithmetic3A_1370 : vector<16xi32>
          %mul3A_1372 = arith.mulf %sub3A_1204, %sub3A_1202 : vector<16xf32>
          %le3A_1373 = arith.cmpi sle, %min3A_1228, %sub3A_1368 : vector<16xi32>
          %add3A_1374 = arith.addi %shift_right_arithmetic3A_1371, %min3A_1228 : vector<16xi32>
          %select_n3A_1375 = arith.select %le3A_1373, %add3A_1374, %broadcast_in_dim3A_9 : vector<16xi1>, vector<16xi32>
          %le3A_1376 = arith.cmpi sle, %add3A_1231, %sub3A_1368 : vector<16xi32>
          %jit3A_1377 = arith.constant 1.000000e+00 : f32
          %jit3A_1378 = arith.constant 0.000000e+00 : f32
          %broadcast_in_dim3A_1379 = vector.broadcast %jit3A_1377 : f32 to vector<16xf32>
          %broadcast_in_dim3A_1380 = vector.broadcast %jit3A_1378 : f32 to vector<16xf32>
          %select_n3A_1381 = arith.select %le3A_1376, %broadcast_in_dim3A_1379, %broadcast_in_dim3A_1380 : vector<16xi1>, vector<16xf32>
          %swap3A_1382 = arith.index_cast %add3A_1138 : i32 to index
          %swap3A_1383 = tpu.vector_load %arg11[%swap3A_1382] {strides = array<i32>} : memref<896xi32, #tpu.memory_space<vmem>>, vector<16xi32>,
          tpu.vector_store %arg11[%swap3A_1382], %select_n3A_1375 {strides = array<i32>} : memref<896xi32, #tpu.memory_space<vmem>>, vector<16xi32>,
          %mul3A_1384 = arith.mulf %mul3A_1372, %sub3A_1258 : vector<16xf32>
          %swap3A_1385 = arith.constant 3 : i32
          %swap3A_1386 = arith.index_cast %swap3A_1385 : i32 to index
          %swap3A_1387 = arith.index_cast %add3A_1138 : i32 to index
          %swap3A_1388 = tpu.vector_load %arg16[%swap3A_1386, %swap3A_1387] {strides = array<i32>} : memref<8x896xf32, #tpu.memory_space<vmem>>, vector<16xf32>,
          tpu.vector_store %arg16[%swap3A_1386, %swap3A_1387], %mul3A_1384 {strides = array<i32>} : memref<8x896xf32, #tpu.memory_space<vmem>>, vector<16xf32>,
          %mul3A_1389 = arith.mulf %mul3A_1372, %sub3A_1200 : vector<16xf32>
          %mul3A_1390 = arith.mulf %mul3A_1389, %select_n3A_1381 : vector<16xf32>
          %swap3A_1391 = arith.constant 7 : i32
          %swap3A_1392 = arith.index_cast %swap3A_1391 : i32 to index
          %swap3A_1393 = arith.index_cast %add3A_1138 : i32 to index
          %swap3A_1394 = tpu.vector_load %arg16[%swap3A_1392, %swap3A_1393] {strides = array<i32>} : memref<8x896xf32, #tpu.memory_space<vmem>>, vector<16xf32>,
          tpu.vector_store %arg16[%swap3A_1392, %swap3A_1393], %mul3A_1390 {strides = array<i32>} : memref<8x896xf32, #tpu.memory_space<vmem>>, vector<16xf32>,
          %swap3A_1395 = arith.constant 0 : i32
          %swap3A_1396 = arith.index_cast %swap3A_1395 : i32 to index
          %swap3A_1397 = arith.index_cast %add3A_1138 : i32 to index
          %swap3A_1398 = tpu.vector_load %arg17[%swap3A_1396, %swap3A_1397] {strides = array<i32>} : memref<2x896xf32, #tpu.memory_space<vmem>>, vector<16xf32>,
          tpu.vector_store %arg17[%swap3A_1396, %swap3A_1397], %select_n3A_1153 {strides = array<i32>} : memref<2x896xf32, #tpu.memory_space<vmem>>, vector<16xf32>,
          %mul3A_1399 = arith.mulf %select_n3A_1153, %select_n3A_1176 : vector<16xf32>
          %swap3A_1400 = arith.constant 1 : i32
          %swap3A_1401 = arith.index_cast %swap3A_1400 : i32 to index
          %swap3A_1402 = arith.index_cast %add3A_1138 : i32 to index
          %swap3A_1403 = tpu.vector_load %arg17[%swap3A_1401, %swap3A_1402] {strides = array<i32>} : memref<2x896xf32, #tpu.memory_space<vmem>>, vector<16xf32>,
          tpu.vector_store %arg17[%swap3A_1401, %swap3A_1402], %mul3A_1399 {strides = array<i32>} : memref<2x896xf32, #tpu.memory_space<vmem>>, vector<16xf32>,
          %mul3A_1404 = arith.constant 112 : i32
          %mul3A_1405 = arith.muli %scan3A_64, %mul3A_1404 : i32
          %add3A_1406 = arith.constant 80 : i32
          %add3A_1407 = arith.addi %mul3A_1405, %add3A_1406 : i32
          %add3A_1408 = arith.constant 80 : i32
          %add3A_1409 = vector.broadcast %add3A_1408 : i32 to vector<16xi32>
          %add3A_1410 = arith.addi %iota3A, %add3A_1409 : vector<16xi32>
          %convert_element_type3A_1411 = arith.sitofp %add3A_1410 : vector<16xi32> to vector<16xf32>
          %mul3A_1412 = arith.mulf %convert_element_type3A_1411, %convert_element_type3A_1411 : vector<16xf32>
          %mul3A_1413 = arith.mulf %broadcast_in_dim3A_69, %broadcast_in_dim3A_69 : vector<16xf32>
          %add3A_1414 = arith.addf %mul3A_1412, %mul3A_1413 : vector<16xf32>
          %lt3A_1415 = arith.constant 9.216000e+03 : f32
          %lt3A_1416 = vector.broadcast %lt3A_1415 : f32 to vector<16xf32>
          %lt3A_1417 = arith.cmpf olt, %add3A_1414, %lt3A_1416 : vector<16xf32>
          %jit3A_1418 = arith.constant 0.00520833349 : f32
          %jit3A_1419 = arith.constant 0.000000e+00 : f32
          %broadcast_in_dim3A_1420 = vector.broadcast %jit3A_1418 : f32 to vector<16xf32>
          %broadcast_in_dim3A_1421 = vector.broadcast %jit3A_1419 : f32 to vector<16xf32>
          %select_n3A_1422 = arith.select %lt3A_1417, %broadcast_in_dim3A_1420, %broadcast_in_dim3A_1421 : vector<16xi1>, vector<16xf32>
          %get3A_1423 = arith.constant 0 : i32
          %get3A_1424 = arith.index_cast %scan3A_64 : i32 to index
          %get3A_1425 = arith.index_cast %get3A_1423 : i32 to index
          %get3A_1426 = arith.constant 80 : index
          %get3A_1427 = tpu.vector_load %arg7[%get3A_1424, %get3A_1425, %get3A_1426] {strides = array<i32>} : memref<8x3x112xf32, #tpu.memory_space<vmem>>, vector<16xf32>,
          %get3A_1428 = arith.constant 1 : i32
          %get3A_1429 = arith.index_cast %scan3A_64 : i32 to index
          %get3A_1430 = arith.index_cast %get3A_1428 : i32 to index
          %get3A_1431 = arith.constant 80 : index
          %get3A_1432 = tpu.vector_load %arg7[%get3A_1429, %get3A_1430, %get3A_1431] {strides = array<i32>} : memref<8x3x112xf32, #tpu.memory_space<vmem>>, vector<16xf32>,
          %get3A_1433 = arith.constant 2 : i32
          %get3A_1434 = arith.index_cast %scan3A_64 : i32 to index
          %get3A_1435 = arith.index_cast %get3A_1433 : i32 to index
          %get3A_1436 = arith.constant 80 : index
          %get3A_1437 = tpu.vector_load %arg7[%get3A_1434, %get3A_1435, %get3A_1436] {strides = array<i32>} : memref<8x3x112xf32, #tpu.memory_space<vmem>>, vector<16xf32>,
          %lt3A_1438 = arith.constant 0.000000e+00 : f32
          %lt3A_1439 = vector.broadcast %lt3A_1438 : f32 to vector<16xf32>
          %lt3A_1440 = arith.cmpf olt, %get3A_1427, %lt3A_1439 : vector<16xf32>
          %jit3A_1441 = arith.constant -1.000000e+00 : f32
          %jit3A_1442 = arith.constant 1.000000e+00 : f32
          %broadcast_in_dim3A_1443 = vector.broadcast %jit3A_1441 : f32 to vector<16xf32>
          %broadcast_in_dim3A_1444 = vector.broadcast %jit3A_1442 : f32 to vector<16xf32>
          %select_n3A_1445 = arith.select %lt3A_1440, %broadcast_in_dim3A_1443, %broadcast_in_dim3A_1444 : vector<16xi1>, vector<16xf32>
          %mul3A_1446 = arith.mulf %get3A_1427, %select_n3A_1445 : vector<16xf32>
          %mul3A_1447 = arith.mulf %get3A_1432, %select_n3A_1445 : vector<16xf32>
          %mul3A_1448 = arith.mulf %get3A_1437, %select_n3A_1445 : vector<16xf32>
          %convert_element_type3A_1449 = arith.fptosi %mul3A_1446 : vector<16xf32> to vector<16xi32>
          %convert_element_type3A_1450 = arith.fptosi %mul3A_1447 : vector<16xf32> to vector<16xi32>
          %convert_element_type3A_1451 = arith.sitofp %convert_element_type3A_1450 : vector<16xi32> to vector<16xf32>
          %lt3A_1452 = arith.cmpf olt, %mul3A_1447, %convert_element_type3A_1451 : vector<16xf32>
          %jit3A_1453 = arith.constant 1 : i32
          %jit3A_1454 = arith.constant 0 : i32
          %broadcast_in_dim3A_1455 = vector.broadcast %jit3A_1453 : i32 to vector<16xi32>
          %broadcast_in_dim3A_1456 = vector.broadcast %jit3A_1454 : i32 to vector<16xi32>
          %select_n3A_1457 = arith.select %lt3A_1452, %broadcast_in_dim3A_1455, %broadcast_in_dim3A_1456 : vector<16xi1>, vector<16xi32>
          %sub3A_1458 = arith.subi %convert_element_type3A_1450, %select_n3A_1457 : vector<16xi32>
          %convert_element_type3A_1459 = arith.fptosi %mul3A_1448 : vector<16xf32> to vector<16xi32>
          %convert_element_type3A_1460 = arith.sitofp %convert_element_type3A_1459 : vector<16xi32> to vector<16xf32>
          %lt3A_1461 = arith.cmpf olt, %mul3A_1448, %convert_element_type3A_1460 : vector<16xf32>
          %jit3A_1462 = arith.constant 1 : i32
          %jit3A_1463 = arith.constant 0 : i32
          %broadcast_in_dim3A_1464 = vector.broadcast %jit3A_1462 : i32 to vector<16xi32>
          %broadcast_in_dim3A_1465 = vector.broadcast %jit3A_1463 : i32 to vector<16xi32>
          %select_n3A_1466 = arith.select %lt3A_1461, %broadcast_in_dim3A_1464, %broadcast_in_dim3A_1465 : vector<16xi1>, vector<16xi32>
          %sub3A_1467 = arith.subi %convert_element_type3A_1459, %select_n3A_1466 : vector<16xi32>
          %convert_element_type3A_1468 = arith.sitofp %convert_element_type3A_1449 : vector<16xi32> to vector<16xf32>
          %sub3A_1469 = arith.subf %mul3A_1446, %convert_element_type3A_1468 : vector<16xf32>
          %convert_element_type3A_1470 = arith.sitofp %sub3A_1458 : vector<16xi32> to vector<16xf32>
          %sub3A_1471 = arith.subf %mul3A_1447, %convert_element_type3A_1470 : vector<16xf32>
          %convert_element_type3A_1472 = arith.sitofp %sub3A_1467 : vector<16xi32> to vector<16xf32>
          %sub3A_1473 = arith.subf %mul3A_1448, %convert_element_type3A_1472 : vector<16xf32>
          %add3A_1474 = arith.constant 96 : i32
          %add3A_1475 = vector.broadcast %add3A_1474 : i32 to vector<16xi32>
          %add3A_1476 = arith.addi %sub3A_1467, %add3A_1475 : vector<16xi32>
          %jit3A_1477 = arith.constant 0 : i32
          %jit3A_1478 = arith.constant 192 : i32
          %max3A_1479 = vector.broadcast %jit3A_1477 : i32 to vector<16xi32>
          %max3A_1480 = arith.maxsi %max3A_1479, %add3A_1476 : vector<16xi32>
          %min3A_1481 = vector.broadcast %jit3A_1478 : i32 to vector<16xi32>
          %min3A_1482 = arith.minsi %min3A_1481, %max3A_1480 : vector<16xi32>
          %add3A_1483 = arith.constant 96 : i32
          %add3A_1484 = vector.broadcast %add3A_1483 : i32 to vector<16xi32>
          %add3A_1485 = arith.addi %sub3A_1458, %add3A_1484 : vector<16xi32>
          %jit3A_1486 = arith.constant 0 : i32
          %jit3A_1487 = arith.constant 192 : i32
          %max3A_1488 = vector.broadcast %jit3A_1486 : i32 to vector<16xi32>
          %max3A_1489 = arith.maxsi %max3A_1488, %add3A_1485 : vector<16xi32>
          %min3A_1490 = vector.broadcast %jit3A_1487 : i32 to vector<16xi32>
          %min3A_1491 = arith.minsi %min3A_1490, %max3A_1489 : vector<16xi32>
          %jit3A_1492 = arith.constant 0 : i32
          %jit3A_1493 = arith.constant 96 : i32
          %max3A_1494 = vector.broadcast %jit3A_1492 : i32 to vector<16xi32>
          %max3A_1495 = arith.maxsi %max3A_1494, %convert_element_type3A_1449 : vector<16xi32>
          %min3A_1496 = vector.broadcast %jit3A_1493 : i32 to vector<16xi32>
          %min3A_1497 = arith.minsi %min3A_1496, %max3A_1495 : vector<16xi32>
          %add3A_1498 = arith.constant 1 : i32
          %add3A_1499 = vector.broadcast %add3A_1498 : i32 to vector<16xi32>
          %add3A_1500 = arith.addi %min3A_1497, %add3A_1499 : vector<16xi32>
          %add3A_1501 = arith.constant 1 : i32
          %add3A_1502 = vector.broadcast %add3A_1501 : i32 to vector<16xi32>
          %add3A_1503 = arith.addi %min3A_1482, %add3A_1502 : vector<16xi32>
          %min3A_1504 = arith.constant 192 : i32
          %min3A_1505 = vector.broadcast %min3A_1504 : i32 to vector<16xi32>
          %min3A_1506 = arith.minsi %add3A_1503, %min3A_1505 : vector<16xi32>
          %add3A_1507 = arith.constant 1 : i32
          %add3A_1508 = vector.broadcast %add3A_1507 : i32 to vector<16xi32>
          %add3A_1509 = arith.addi %min3A_1491, %add3A_1508 : vector<16xi32>
          %min3A_1510 = arith.constant 192 : i32
          %min3A_1511 = vector.broadcast %min3A_1510 : i32 to vector<16xi32>
          %min3A_1512 = arith.minsi %add3A_1509, %min3A_1511 : vector<16xi32>
          %mul3A_1513 = arith.constant 193 : i32
          %mul3A_1514 = vector.broadcast %mul3A_1513 : i32 to vector<16xi32>
          %mul3A_1515 = arith.muli %min3A_1482, %mul3A_1514 : vector<16xi32>
          %mul3A_1516 = arith.constant 193 : i32
          %mul3A_1517 = vector.broadcast %mul3A_1516 : i32 to vector<16xi32>
          %mul3A_1518 = arith.muli %min3A_1506, %mul3A_1517 : vector<16xi32>
          %sub3A_1519 = arith.constant 1.000000e+00 : f32
          %sub3A_1520 = vector.broadcast %sub3A_1519 : f32 to vector<16xf32>
          %sub3A_1521 = arith.subf %sub3A_1520, %sub3A_1473 : vector<16xf32>
          %sub3A_1522 = arith.constant 1.000000e+00 : f32
          %sub3A_1523 = vector.broadcast %sub3A_1522 : f32 to vector<16xf32>
          %sub3A_1524 = arith.subf %sub3A_1523, %sub3A_1471 : vector<16xf32>
          %sub3A_1525 = arith.constant 1.000000e+00 : f32
          %sub3A_1526 = vector.broadcast %sub3A_1525 : f32 to vector<16xf32>
          %sub3A_1527 = arith.subf %sub3A_1526, %sub3A_1469 : vector<16xf32>
          %add3A_1528 = arith.addi %mul3A_1515, %min3A_1491 : vector<16xi32>
          %gather3A_1529 = tpu.vector_load_idx %arg6[%add3A_1528] : memref<37256xi32, #tpu.memory_space<vmem>>[vector<16xi32>], vector<16xi32>,
          %and3A_1530 = arith.constant 127 : i32
          %and3A_1531 = vector.broadcast %and3A_1530 : i32 to vector<16xi32>
          %and3A_1532 = arith.andi %gather3A_1529, %and3A_1531 : vector<16xi32>
          %sub3A_1533 = arith.constant 1 : i32
          %sub3A_1534 = vector.broadcast %sub3A_1533 : i32 to vector<16xi32>
          %sub3A_1535 = arith.subi %and3A_1532, %sub3A_1534 : vector<16xi32>
          %shift_right_arithmetic3A_1536 = arith.constant 7 : i32
          %shift_right_arithmetic3A_1537 = vector.broadcast %shift_right_arithmetic3A_1536 : i32 to vector<16xi32>
          %shift_right_arithmetic3A_1538 = arith.shrsi %gather3A_1529, %shift_right_arithmetic3A_1537 : vector<16xi32>
          %mul3A_1539 = arith.mulf %sub3A_1521, %sub3A_1524 : vector<16xf32>
          %le3A_1540 = arith.cmpi sle, %min3A_1497, %sub3A_1535 : vector<16xi32>
          %add3A_1541 = arith.addi %shift_right_arithmetic3A_1538, %min3A_1497 : vector<16xi32>
          %select_n3A_1542 = arith.select %le3A_1540, %add3A_1541, %broadcast_in_dim3A_9 : vector<16xi1>, vector<16xi32>
          %le3A_1543 = arith.cmpi sle, %add3A_1500, %sub3A_1535 : vector<16xi32>
          %jit3A_1544 = arith.constant 1.000000e+00 : f32
          %jit3A_1545 = arith.constant 0.000000e+00 : f32
          %broadcast_in_dim3A_1546 = vector.broadcast %jit3A_1544 : f32 to vector<16xf32>
          %broadcast_in_dim3A_1547 = vector.broadcast %jit3A_1545 : f32 to vector<16xf32>
          %select_n3A_1548 = arith.select %le3A_1543, %broadcast_in_dim3A_1546, %broadcast_in_dim3A_1547 : vector<16xi1>, vector<16xf32>
          %swap3A_1549 = arith.index_cast %add3A_1407 : i32 to index
          %swap3A_1550 = tpu.vector_load %arg8[%swap3A_1549] {strides = array<i32>} : memref<896xi32, #tpu.memory_space<vmem>>, vector<16xi32>,
          tpu.vector_store %arg8[%swap3A_1549], %select_n3A_1542 {strides = array<i32>} : memref<896xi32, #tpu.memory_space<vmem>>, vector<16xi32>,
          %mul3A_1551 = arith.mulf %mul3A_1539, %sub3A_1527 : vector<16xf32>
          %swap3A_1552 = arith.constant 0 : i32
          %swap3A_1553 = arith.index_cast %swap3A_1552 : i32 to index
          %swap3A_1554 = arith.index_cast %add3A_1407 : i32 to index
          %swap3A_1555 = tpu.vector_load %arg16[%swap3A_1553, %swap3A_1554] {strides = array<i32>} : memref<8x896xf32, #tpu.memory_space<vmem>>, vector<16xf32>,
          tpu.vector_store %arg16[%swap3A_1553, %swap3A_1554], %mul3A_1551 {strides = array<i32>} : memref<8x896xf32, #tpu.memory_space<vmem>>, vector<16xf32>,
          %mul3A_1556 = arith.mulf %mul3A_1539, %sub3A_1469 : vector<16xf32>
          %mul3A_1557 = arith.mulf %mul3A_1556, %select_n3A_1548 : vector<16xf32>
          %swap3A_1558 = arith.constant 4 : i32
          %swap3A_1559 = arith.index_cast %swap3A_1558 : i32 to index
          %swap3A_1560 = arith.index_cast %add3A_1407 : i32 to index
          %swap3A_1561 = tpu.vector_load %arg16[%swap3A_1559, %swap3A_1560] {strides = array<i32>} : memref<8x896xf32, #tpu.memory_space<vmem>>, vector<16xf32>,
          tpu.vector_store %arg16[%swap3A_1559, %swap3A_1560], %mul3A_1557 {strides = array<i32>} : memref<8x896xf32, #tpu.memory_space<vmem>>, vector<16xf32>,
          %add3A_1562 = arith.addi %mul3A_1515, %min3A_1512 : vector<16xi32>
          %gather3A_1563 = tpu.vector_load_idx %arg6[%add3A_1562] : memref<37256xi32, #tpu.memory_space<vmem>>[vector<16xi32>], vector<16xi32>,
          %and3A_1564 = arith.constant 127 : i32
          %and3A_1565 = vector.broadcast %and3A_1564 : i32 to vector<16xi32>
          %and3A_1566 = arith.andi %gather3A_1563, %and3A_1565 : vector<16xi32>
          %sub3A_1567 = arith.constant 1 : i32
          %sub3A_1568 = vector.broadcast %sub3A_1567 : i32 to vector<16xi32>
          %sub3A_1569 = arith.subi %and3A_1566, %sub3A_1568 : vector<16xi32>
          %shift_right_arithmetic3A_1570 = arith.constant 7 : i32
          %shift_right_arithmetic3A_1571 = vector.broadcast %shift_right_arithmetic3A_1570 : i32 to vector<16xi32>
          %shift_right_arithmetic3A_1572 = arith.shrsi %gather3A_1563, %shift_right_arithmetic3A_1571 : vector<16xi32>
          %mul3A_1573 = arith.mulf %sub3A_1521, %sub3A_1471 : vector<16xf32>
          %le3A_1574 = arith.cmpi sle, %min3A_1497, %sub3A_1569 : vector<16xi32>
          %add3A_1575 = arith.addi %shift_right_arithmetic3A_1572, %min3A_1497 : vector<16xi32>
          %select_n3A_1576 = arith.select %le3A_1574, %add3A_1575, %broadcast_in_dim3A_9 : vector<16xi1>, vector<16xi32>
          %le3A_1577 = arith.cmpi sle, %add3A_1500, %sub3A_1569 : vector<16xi32>
          %jit3A_1578 = arith.constant 1.000000e+00 : f32
          %jit3A_1579 = arith.constant 0.000000e+00 : f32
          %broadcast_in_dim3A_1580 = vector.broadcast %jit3A_1578 : f32 to vector<16xf32>
          %broadcast_in_dim3A_1581 = vector.broadcast %jit3A_1579 : f32 to vector<16xf32>
          %select_n3A_1582 = arith.select %le3A_1577, %broadcast_in_dim3A_1580, %broadcast_in_dim3A_1581 : vector<16xi1>, vector<16xf32>
          %swap3A_1583 = arith.index_cast %add3A_1407 : i32 to index
          %swap3A_1584 = tpu.vector_load %arg9[%swap3A_1583] {strides = array<i32>} : memref<896xi32, #tpu.memory_space<vmem>>, vector<16xi32>,
          tpu.vector_store %arg9[%swap3A_1583], %select_n3A_1576 {strides = array<i32>} : memref<896xi32, #tpu.memory_space<vmem>>, vector<16xi32>,
          %mul3A_1585 = arith.mulf %mul3A_1573, %sub3A_1527 : vector<16xf32>
          %swap3A_1586 = arith.constant 1 : i32
          %swap3A_1587 = arith.index_cast %swap3A_1586 : i32 to index
          %swap3A_1588 = arith.index_cast %add3A_1407 : i32 to index
          %swap3A_1589 = tpu.vector_load %arg16[%swap3A_1587, %swap3A_1588] {strides = array<i32>} : memref<8x896xf32, #tpu.memory_space<vmem>>, vector<16xf32>,
          tpu.vector_store %arg16[%swap3A_1587, %swap3A_1588], %mul3A_1585 {strides = array<i32>} : memref<8x896xf32, #tpu.memory_space<vmem>>, vector<16xf32>,
          %mul3A_1590 = arith.mulf %mul3A_1573, %sub3A_1469 : vector<16xf32>
          %mul3A_1591 = arith.mulf %mul3A_1590, %select_n3A_1582 : vector<16xf32>
          %swap3A_1592 = arith.constant 5 : i32
          %swap3A_1593 = arith.index_cast %swap3A_1592 : i32 to index
          %swap3A_1594 = arith.index_cast %add3A_1407 : i32 to index
          %swap3A_1595 = tpu.vector_load %arg16[%swap3A_1593, %swap3A_1594] {strides = array<i32>} : memref<8x896xf32, #tpu.memory_space<vmem>>, vector<16xf32>,
          tpu.vector_store %arg16[%swap3A_1593, %swap3A_1594], %mul3A_1591 {strides = array<i32>} : memref<8x896xf32, #tpu.memory_space<vmem>>, vector<16xf32>,
          %add3A_1596 = arith.addi %mul3A_1518, %min3A_1491 : vector<16xi32>
          %gather3A_1597 = tpu.vector_load_idx %arg6[%add3A_1596] : memref<37256xi32, #tpu.memory_space<vmem>>[vector<16xi32>], vector<16xi32>,
          %and3A_1598 = arith.constant 127 : i32
          %and3A_1599 = vector.broadcast %and3A_1598 : i32 to vector<16xi32>
          %and3A_1600 = arith.andi %gather3A_1597, %and3A_1599 : vector<16xi32>
          %sub3A_1601 = arith.constant 1 : i32
          %sub3A_1602 = vector.broadcast %sub3A_1601 : i32 to vector<16xi32>
          %sub3A_1603 = arith.subi %and3A_1600, %sub3A_1602 : vector<16xi32>
          %shift_right_arithmetic3A_1604 = arith.constant 7 : i32
          %shift_right_arithmetic3A_1605 = vector.broadcast %shift_right_arithmetic3A_1604 : i32 to vector<16xi32>
          %shift_right_arithmetic3A_1606 = arith.shrsi %gather3A_1597, %shift_right_arithmetic3A_1605 : vector<16xi32>
          %mul3A_1607 = arith.mulf %sub3A_1473, %sub3A_1524 : vector<16xf32>
          %le3A_1608 = arith.cmpi sle, %min3A_1497, %sub3A_1603 : vector<16xi32>
          %add3A_1609 = arith.addi %shift_right_arithmetic3A_1606, %min3A_1497 : vector<16xi32>
          %select_n3A_1610 = arith.select %le3A_1608, %add3A_1609, %broadcast_in_dim3A_9 : vector<16xi1>, vector<16xi32>
          %le3A_1611 = arith.cmpi sle, %add3A_1500, %sub3A_1603 : vector<16xi32>
          %jit3A_1612 = arith.constant 1.000000e+00 : f32
          %jit3A_1613 = arith.constant 0.000000e+00 : f32
          %broadcast_in_dim3A_1614 = vector.broadcast %jit3A_1612 : f32 to vector<16xf32>
          %broadcast_in_dim3A_1615 = vector.broadcast %jit3A_1613 : f32 to vector<16xf32>
          %select_n3A_1616 = arith.select %le3A_1611, %broadcast_in_dim3A_1614, %broadcast_in_dim3A_1615 : vector<16xi1>, vector<16xf32>
          %swap3A_1617 = arith.index_cast %add3A_1407 : i32 to index
          %swap3A_1618 = tpu.vector_load %arg10[%swap3A_1617] {strides = array<i32>} : memref<896xi32, #tpu.memory_space<vmem>>, vector<16xi32>,
          tpu.vector_store %arg10[%swap3A_1617], %select_n3A_1610 {strides = array<i32>} : memref<896xi32, #tpu.memory_space<vmem>>, vector<16xi32>,
          %mul3A_1619 = arith.mulf %mul3A_1607, %sub3A_1527 : vector<16xf32>
          %swap3A_1620 = arith.constant 2 : i32
          %swap3A_1621 = arith.index_cast %swap3A_1620 : i32 to index
          %swap3A_1622 = arith.index_cast %add3A_1407 : i32 to index
          %swap3A_1623 = tpu.vector_load %arg16[%swap3A_1621, %swap3A_1622] {strides = array<i32>} : memref<8x896xf32, #tpu.memory_space<vmem>>, vector<16xf32>,
          tpu.vector_store %arg16[%swap3A_1621, %swap3A_1622], %mul3A_1619 {strides = array<i32>} : memref<8x896xf32, #tpu.memory_space<vmem>>, vector<16xf32>,
          %mul3A_1624 = arith.mulf %mul3A_1607, %sub3A_1469 : vector<16xf32>
          %mul3A_1625 = arith.mulf %mul3A_1624, %select_n3A_1616 : vector<16xf32>
          %swap3A_1626 = arith.constant 6 : i32
          %swap3A_1627 = arith.index_cast %swap3A_1626 : i32 to index
          %swap3A_1628 = arith.index_cast %add3A_1407 : i32 to index
          %swap3A_1629 = tpu.vector_load %arg16[%swap3A_1627, %swap3A_1628] {strides = array<i32>} : memref<8x896xf32, #tpu.memory_space<vmem>>, vector<16xf32>,
          tpu.vector_store %arg16[%swap3A_1627, %swap3A_1628], %mul3A_1625 {strides = array<i32>} : memref<8x896xf32, #tpu.memory_space<vmem>>, vector<16xf32>,
          %add3A_1630 = arith.addi %mul3A_1518, %min3A_1512 : vector<16xi32>
          %gather3A_1631 = tpu.vector_load_idx %arg6[%add3A_1630] : memref<37256xi32, #tpu.memory_space<vmem>>[vector<16xi32>], vector<16xi32>,
          %and3A_1632 = arith.constant 127 : i32
          %and3A_1633 = vector.broadcast %and3A_1632 : i32 to vector<16xi32>
          %and3A_1634 = arith.andi %gather3A_1631, %and3A_1633 : vector<16xi32>
          %sub3A_1635 = arith.constant 1 : i32
          %sub3A_1636 = vector.broadcast %sub3A_1635 : i32 to vector<16xi32>
          %sub3A_1637 = arith.subi %and3A_1634, %sub3A_1636 : vector<16xi32>
          %shift_right_arithmetic3A_1638 = arith.constant 7 : i32
          %shift_right_arithmetic3A_1639 = vector.broadcast %shift_right_arithmetic3A_1638 : i32 to vector<16xi32>
          %shift_right_arithmetic3A_1640 = arith.shrsi %gather3A_1631, %shift_right_arithmetic3A_1639 : vector<16xi32>
          %mul3A_1641 = arith.mulf %sub3A_1473, %sub3A_1471 : vector<16xf32>
          %le3A_1642 = arith.cmpi sle, %min3A_1497, %sub3A_1637 : vector<16xi32>
          %add3A_1643 = arith.addi %shift_right_arithmetic3A_1640, %min3A_1497 : vector<16xi32>
          %select_n3A_1644 = arith.select %le3A_1642, %add3A_1643, %broadcast_in_dim3A_9 : vector<16xi1>, vector<16xi32>
          %le3A_1645 = arith.cmpi sle, %add3A_1500, %sub3A_1637 : vector<16xi32>
          %jit3A_1646 = arith.constant 1.000000e+00 : f32
          %jit3A_1647 = arith.constant 0.000000e+00 : f32
          %broadcast_in_dim3A_1648 = vector.broadcast %jit3A_1646 : f32 to vector<16xf32>
          %broadcast_in_dim3A_1649 = vector.broadcast %jit3A_1647 : f32 to vector<16xf32>
          %select_n3A_1650 = arith.select %le3A_1645, %broadcast_in_dim3A_1648, %broadcast_in_dim3A_1649 : vector<16xi1>, vector<16xf32>
          %swap3A_1651 = arith.index_cast %add3A_1407 : i32 to index
          %swap3A_1652 = tpu.vector_load %arg11[%swap3A_1651] {strides = array<i32>} : memref<896xi32, #tpu.memory_space<vmem>>, vector<16xi32>,
          tpu.vector_store %arg11[%swap3A_1651], %select_n3A_1644 {strides = array<i32>} : memref<896xi32, #tpu.memory_space<vmem>>, vector<16xi32>,
          %mul3A_1653 = arith.mulf %mul3A_1641, %sub3A_1527 : vector<16xf32>
          %swap3A_1654 = arith.constant 3 : i32
          %swap3A_1655 = arith.index_cast %swap3A_1654 : i32 to index
          %swap3A_1656 = arith.index_cast %add3A_1407 : i32 to index
          %swap3A_1657 = tpu.vector_load %arg16[%swap3A_1655, %swap3A_1656] {strides = array<i32>} : memref<8x896xf32, #tpu.memory_space<vmem>>, vector<16xf32>,
          tpu.vector_store %arg16[%swap3A_1655, %swap3A_1656], %mul3A_1653 {strides = array<i32>} : memref<8x896xf32, #tpu.memory_space<vmem>>, vector<16xf32>,
          %mul3A_1658 = arith.mulf %mul3A_1641, %sub3A_1469 : vector<16xf32>
          %mul3A_1659 = arith.mulf %mul3A_1658, %select_n3A_1650 : vector<16xf32>
          %swap3A_1660 = arith.constant 7 : i32
          %swap3A_1661 = arith.index_cast %swap3A_1660 : i32 to index
          %swap3A_1662 = arith.index_cast %add3A_1407 : i32 to index
          %swap3A_1663 = tpu.vector_load %arg16[%swap3A_1661, %swap3A_1662] {strides = array<i32>} : memref<8x896xf32, #tpu.memory_space<vmem>>, vector<16xf32>,
          tpu.vector_store %arg16[%swap3A_1661, %swap3A_1662], %mul3A_1659 {strides = array<i32>} : memref<8x896xf32, #tpu.memory_space<vmem>>, vector<16xf32>,
          %swap3A_1664 = arith.constant 0 : i32
          %swap3A_1665 = arith.index_cast %swap3A_1664 : i32 to index
          %swap3A_1666 = arith.index_cast %add3A_1407 : i32 to index
          %swap3A_1667 = tpu.vector_load %arg17[%swap3A_1665, %swap3A_1666] {strides = array<i32>} : memref<2x896xf32, #tpu.memory_space<vmem>>, vector<16xf32>,
          tpu.vector_store %arg17[%swap3A_1665, %swap3A_1666], %select_n3A_1422 {strides = array<i32>} : memref<2x896xf32, #tpu.memory_space<vmem>>, vector<16xf32>,
          %mul3A_1668 = arith.mulf %select_n3A_1422, %select_n3A_1445 : vector<16xf32>
          %swap3A_1669 = arith.constant 1 : i32
          %swap3A_1670 = arith.index_cast %swap3A_1669 : i32 to index
          %swap3A_1671 = arith.index_cast %add3A_1407 : i32 to index
          %swap3A_1672 = tpu.vector_load %arg17[%swap3A_1670, %swap3A_1671] {strides = array<i32>} : memref<2x896xf32, #tpu.memory_space<vmem>>, vector<16xf32>,
          tpu.vector_store %arg17[%swap3A_1670, %swap3A_1671], %mul3A_1668 {strides = array<i32>} : memref<2x896xf32, #tpu.memory_space<vmem>>, vector<16xf32>,
          %mul3A_1673 = arith.constant 112 : i32
          %mul3A_1674 = arith.muli %scan3A_64, %mul3A_1673 : i32
          %add3A_1675 = arith.constant 96 : i32
          %add3A_1676 = arith.addi %mul3A_1674, %add3A_1675 : i32
          %add3A_1677 = arith.constant 96 : i32
          %add3A_1678 = vector.broadcast %add3A_1677 : i32 to vector<16xi32>
          %add3A_1679 = arith.addi %iota3A, %add3A_1678 : vector<16xi32>
          %convert_element_type3A_1680 = arith.sitofp %add3A_1679 : vector<16xi32> to vector<16xf32>
          %mul3A_1681 = arith.mulf %convert_element_type3A_1680, %convert_element_type3A_1680 : vector<16xf32>
          %mul3A_1682 = arith.mulf %broadcast_in_dim3A_69, %broadcast_in_dim3A_69 : vector<16xf32>
          %add3A_1683 = arith.addf %mul3A_1681, %mul3A_1682 : vector<16xf32>
          %lt3A_1684 = arith.constant 9.216000e+03 : f32
          %lt3A_1685 = vector.broadcast %lt3A_1684 : f32 to vector<16xf32>
          %lt3A_1686 = arith.cmpf olt, %add3A_1683, %lt3A_1685 : vector<16xf32>
          %jit3A_1687 = arith.constant 0.00520833349 : f32
          %jit3A_1688 = arith.constant 0.000000e+00 : f32
          %broadcast_in_dim3A_1689 = vector.broadcast %jit3A_1687 : f32 to vector<16xf32>
          %broadcast_in_dim3A_1690 = vector.broadcast %jit3A_1688 : f32 to vector<16xf32>
          %select_n3A_1691 = arith.select %lt3A_1686, %broadcast_in_dim3A_1689, %broadcast_in_dim3A_1690 : vector<16xi1>, vector<16xf32>
          %get3A_1692 = arith.constant 0 : i32
          %get3A_1693 = arith.index_cast %scan3A_64 : i32 to index
          %get3A_1694 = arith.index_cast %get3A_1692 : i32 to index
          %get3A_1695 = arith.constant 96 : index
          %get3A_1696 = tpu.vector_load %arg7[%get3A_1693, %get3A_1694, %get3A_1695] {strides = array<i32>} : memref<8x3x112xf32, #tpu.memory_space<vmem>>, vector<16xf32>,
          %get3A_1697 = arith.constant 1 : i32
          %get3A_1698 = arith.index_cast %scan3A_64 : i32 to index
          %get3A_1699 = arith.index_cast %get3A_1697 : i32 to index
          %get3A_1700 = arith.constant 96 : index
          %get3A_1701 = tpu.vector_load %arg7[%get3A_1698, %get3A_1699, %get3A_1700] {strides = array<i32>} : memref<8x3x112xf32, #tpu.memory_space<vmem>>, vector<16xf32>,
          %get3A_1702 = arith.constant 2 : i32
          %get3A_1703 = arith.index_cast %scan3A_64 : i32 to index
          %get3A_1704 = arith.index_cast %get3A_1702 : i32 to index
          %get3A_1705 = arith.constant 96 : index
          %get3A_1706 = tpu.vector_load %arg7[%get3A_1703, %get3A_1704, %get3A_1705] {strides = array<i32>} : memref<8x3x112xf32, #tpu.memory_space<vmem>>, vector<16xf32>,
          %lt3A_1707 = arith.constant 0.000000e+00 : f32
          %lt3A_1708 = vector.broadcast %lt3A_1707 : f32 to vector<16xf32>
          %lt3A_1709 = arith.cmpf olt, %get3A_1696, %lt3A_1708 : vector<16xf32>
          %jit3A_1710 = arith.constant -1.000000e+00 : f32
          %jit3A_1711 = arith.constant 1.000000e+00 : f32
          %broadcast_in_dim3A_1712 = vector.broadcast %jit3A_1710 : f32 to vector<16xf32>
          %broadcast_in_dim3A_1713 = vector.broadcast %jit3A_1711 : f32 to vector<16xf32>
          %select_n3A_1714 = arith.select %lt3A_1709, %broadcast_in_dim3A_1712, %broadcast_in_dim3A_1713 : vector<16xi1>, vector<16xf32>
          %mul3A_1715 = arith.mulf %get3A_1696, %select_n3A_1714 : vector<16xf32>
          %mul3A_1716 = arith.mulf %get3A_1701, %select_n3A_1714 : vector<16xf32>
          %mul3A_1717 = arith.mulf %get3A_1706, %select_n3A_1714 : vector<16xf32>
          %convert_element_type3A_1718 = arith.fptosi %mul3A_1715 : vector<16xf32> to vector<16xi32>
          %convert_element_type3A_1719 = arith.fptosi %mul3A_1716 : vector<16xf32> to vector<16xi32>
          %convert_element_type3A_1720 = arith.sitofp %convert_element_type3A_1719 : vector<16xi32> to vector<16xf32>
          %lt3A_1721 = arith.cmpf olt, %mul3A_1716, %convert_element_type3A_1720 : vector<16xf32>
          %jit3A_1722 = arith.constant 1 : i32
          %jit3A_1723 = arith.constant 0 : i32
          %broadcast_in_dim3A_1724 = vector.broadcast %jit3A_1722 : i32 to vector<16xi32>
          %broadcast_in_dim3A_1725 = vector.broadcast %jit3A_1723 : i32 to vector<16xi32>
          %select_n3A_1726 = arith.select %lt3A_1721, %broadcast_in_dim3A_1724, %broadcast_in_dim3A_1725 : vector<16xi1>, vector<16xi32>
          %sub3A_1727 = arith.subi %convert_element_type3A_1719, %select_n3A_1726 : vector<16xi32>
          %convert_element_type3A_1728 = arith.fptosi %mul3A_1717 : vector<16xf32> to vector<16xi32>
          %convert_element_type3A_1729 = arith.sitofp %convert_element_type3A_1728 : vector<16xi32> to vector<16xf32>
          %lt3A_1730 = arith.cmpf olt, %mul3A_1717, %convert_element_type3A_1729 : vector<16xf32>
          %jit3A_1731 = arith.constant 1 : i32
          %jit3A_1732 = arith.constant 0 : i32
          %broadcast_in_dim3A_1733 = vector.broadcast %jit3A_1731 : i32 to vector<16xi32>
          %broadcast_in_dim3A_1734 = vector.broadcast %jit3A_1732 : i32 to vector<16xi32>
          %select_n3A_1735 = arith.select %lt3A_1730, %broadcast_in_dim3A_1733, %broadcast_in_dim3A_1734 : vector<16xi1>, vector<16xi32>
          %sub3A_1736 = arith.subi %convert_element_type3A_1728, %select_n3A_1735 : vector<16xi32>
          %convert_element_type3A_1737 = arith.sitofp %convert_element_type3A_1718 : vector<16xi32> to vector<16xf32>
          %sub3A_1738 = arith.subf %mul3A_1715, %convert_element_type3A_1737 : vector<16xf32>
          %convert_element_type3A_1739 = arith.sitofp %sub3A_1727 : vector<16xi32> to vector<16xf32>
          %sub3A_1740 = arith.subf %mul3A_1716, %convert_element_type3A_1739 : vector<16xf32>
          %convert_element_type3A_1741 = arith.sitofp %sub3A_1736 : vector<16xi32> to vector<16xf32>
          %sub3A_1742 = arith.subf %mul3A_1717, %convert_element_type3A_1741 : vector<16xf32>
          %add3A_1743 = arith.constant 96 : i32
          %add3A_1744 = vector.broadcast %add3A_1743 : i32 to vector<16xi32>
          %add3A_1745 = arith.addi %sub3A_1736, %add3A_1744 : vector<16xi32>
          %jit3A_1746 = arith.constant 0 : i32
          %jit3A_1747 = arith.constant 192 : i32
          %max3A_1748 = vector.broadcast %jit3A_1746 : i32 to vector<16xi32>
          %max3A_1749 = arith.maxsi %max3A_1748, %add3A_1745 : vector<16xi32>
          %min3A_1750 = vector.broadcast %jit3A_1747 : i32 to vector<16xi32>
          %min3A_1751 = arith.minsi %min3A_1750, %max3A_1749 : vector<16xi32>
          %add3A_1752 = arith.constant 96 : i32
          %add3A_1753 = vector.broadcast %add3A_1752 : i32 to vector<16xi32>
          %add3A_1754 = arith.addi %sub3A_1727, %add3A_1753 : vector<16xi32>
          %jit3A_1755 = arith.constant 0 : i32
          %jit3A_1756 = arith.constant 192 : i32
          %max3A_1757 = vector.broadcast %jit3A_1755 : i32 to vector<16xi32>
          %max3A_1758 = arith.maxsi %max3A_1757, %add3A_1754 : vector<16xi32>
          %min3A_1759 = vector.broadcast %jit3A_1756 : i32 to vector<16xi32>
          %min3A_1760 = arith.minsi %min3A_1759, %max3A_1758 : vector<16xi32>
          %jit3A_1761 = arith.constant 0 : i32
          %jit3A_1762 = arith.constant 96 : i32
          %max3A_1763 = vector.broadcast %jit3A_1761 : i32 to vector<16xi32>
          %max3A_1764 = arith.maxsi %max3A_1763, %convert_element_type3A_1718 : vector<16xi32>
          %min3A_1765 = vector.broadcast %jit3A_1762 : i32 to vector<16xi32>
          %min3A_1766 = arith.minsi %min3A_1765, %max3A_1764 : vector<16xi32>
          %add3A_1767 = arith.constant 1 : i32
          %add3A_1768 = vector.broadcast %add3A_1767 : i32 to vector<16xi32>
          %add3A_1769 = arith.addi %min3A_1766, %add3A_1768 : vector<16xi32>
          %add3A_1770 = arith.constant 1 : i32
          %add3A_1771 = vector.broadcast %add3A_1770 : i32 to vector<16xi32>
          %add3A_1772 = arith.addi %min3A_1751, %add3A_1771 : vector<16xi32>
          %min3A_1773 = arith.constant 192 : i32
          %min3A_1774 = vector.broadcast %min3A_1773 : i32 to vector<16xi32>
          %min3A_1775 = arith.minsi %add3A_1772, %min3A_1774 : vector<16xi32>
          %add3A_1776 = arith.constant 1 : i32
          %add3A_1777 = vector.broadcast %add3A_1776 : i32 to vector<16xi32>
          %add3A_1778 = arith.addi %min3A_1760, %add3A_1777 : vector<16xi32>
          %min3A_1779 = arith.constant 192 : i32
          %min3A_1780 = vector.broadcast %min3A_1779 : i32 to vector<16xi32>
          %min3A_1781 = arith.minsi %add3A_1778, %min3A_1780 : vector<16xi32>
          %mul3A_1782 = arith.constant 193 : i32
          %mul3A_1783 = vector.broadcast %mul3A_1782 : i32 to vector<16xi32>
          %mul3A_1784 = arith.muli %min3A_1751, %mul3A_1783 : vector<16xi32>
          %mul3A_1785 = arith.constant 193 : i32
          %mul3A_1786 = vector.broadcast %mul3A_1785 : i32 to vector<16xi32>
          %mul3A_1787 = arith.muli %min3A_1775, %mul3A_1786 : vector<16xi32>
          %sub3A_1788 = arith.constant 1.000000e+00 : f32
          %sub3A_1789 = vector.broadcast %sub3A_1788 : f32 to vector<16xf32>
          %sub3A_1790 = arith.subf %sub3A_1789, %sub3A_1742 : vector<16xf32>
          %sub3A_1791 = arith.constant 1.000000e+00 : f32
          %sub3A_1792 = vector.broadcast %sub3A_1791 : f32 to vector<16xf32>
          %sub3A_1793 = arith.subf %sub3A_1792, %sub3A_1740 : vector<16xf32>
          %sub3A_1794 = arith.constant 1.000000e+00 : f32
          %sub3A_1795 = vector.broadcast %sub3A_1794 : f32 to vector<16xf32>
          %sub3A_1796 = arith.subf %sub3A_1795, %sub3A_1738 : vector<16xf32>
          %add3A_1797 = arith.addi %mul3A_1784, %min3A_1760 : vector<16xi32>
          %gather3A_1798 = tpu.vector_load_idx %arg6[%add3A_1797] : memref<37256xi32, #tpu.memory_space<vmem>>[vector<16xi32>], vector<16xi32>,
          %and3A_1799 = arith.constant 127 : i32
          %and3A_1800 = vector.broadcast %and3A_1799 : i32 to vector<16xi32>
          %and3A_1801 = arith.andi %gather3A_1798, %and3A_1800 : vector<16xi32>
          %sub3A_1802 = arith.constant 1 : i32
          %sub3A_1803 = vector.broadcast %sub3A_1802 : i32 to vector<16xi32>
          %sub3A_1804 = arith.subi %and3A_1801, %sub3A_1803 : vector<16xi32>
          %shift_right_arithmetic3A_1805 = arith.constant 7 : i32
          %shift_right_arithmetic3A_1806 = vector.broadcast %shift_right_arithmetic3A_1805 : i32 to vector<16xi32>
          %shift_right_arithmetic3A_1807 = arith.shrsi %gather3A_1798, %shift_right_arithmetic3A_1806 : vector<16xi32>
          %mul3A_1808 = arith.mulf %sub3A_1790, %sub3A_1793 : vector<16xf32>
          %le3A_1809 = arith.cmpi sle, %min3A_1766, %sub3A_1804 : vector<16xi32>
          %add3A_1810 = arith.addi %shift_right_arithmetic3A_1807, %min3A_1766 : vector<16xi32>
          %select_n3A_1811 = arith.select %le3A_1809, %add3A_1810, %broadcast_in_dim3A_9 : vector<16xi1>, vector<16xi32>
          %le3A_1812 = arith.cmpi sle, %add3A_1769, %sub3A_1804 : vector<16xi32>
          %jit3A_1813 = arith.constant 1.000000e+00 : f32
          %jit3A_1814 = arith.constant 0.000000e+00 : f32
          %broadcast_in_dim3A_1815 = vector.broadcast %jit3A_1813 : f32 to vector<16xf32>
          %broadcast_in_dim3A_1816 = vector.broadcast %jit3A_1814 : f32 to vector<16xf32>
          %select_n3A_1817 = arith.select %le3A_1812, %broadcast_in_dim3A_1815, %broadcast_in_dim3A_1816 : vector<16xi1>, vector<16xf32>
          %swap3A_1818 = arith.index_cast %add3A_1676 : i32 to index
          %swap3A_1819 = tpu.vector_load %arg8[%swap3A_1818] {strides = array<i32>} : memref<896xi32, #tpu.memory_space<vmem>>, vector<16xi32>,
          tpu.vector_store %arg8[%swap3A_1818], %select_n3A_1811 {strides = array<i32>} : memref<896xi32, #tpu.memory_space<vmem>>, vector<16xi32>,
          %mul3A_1820 = arith.mulf %mul3A_1808, %sub3A_1796 : vector<16xf32>
          %swap3A_1821 = arith.constant 0 : i32
          %swap3A_1822 = arith.index_cast %swap3A_1821 : i32 to index
          %swap3A_1823 = arith.index_cast %add3A_1676 : i32 to index
          %swap3A_1824 = tpu.vector_load %arg16[%swap3A_1822, %swap3A_1823] {strides = array<i32>} : memref<8x896xf32, #tpu.memory_space<vmem>>, vector<16xf32>,
          tpu.vector_store %arg16[%swap3A_1822, %swap3A_1823], %mul3A_1820 {strides = array<i32>} : memref<8x896xf32, #tpu.memory_space<vmem>>, vector<16xf32>,
          %mul3A_1825 = arith.mulf %mul3A_1808, %sub3A_1738 : vector<16xf32>
          %mul3A_1826 = arith.mulf %mul3A_1825, %select_n3A_1817 : vector<16xf32>
          %swap3A_1827 = arith.constant 4 : i32
          %swap3A_1828 = arith.index_cast %swap3A_1827 : i32 to index
          %swap3A_1829 = arith.index_cast %add3A_1676 : i32 to index
          %swap3A_1830 = tpu.vector_load %arg16[%swap3A_1828, %swap3A_1829] {strides = array<i32>} : memref<8x896xf32, #tpu.memory_space<vmem>>, vector<16xf32>,
          tpu.vector_store %arg16[%swap3A_1828, %swap3A_1829], %mul3A_1826 {strides = array<i32>} : memref<8x896xf32, #tpu.memory_space<vmem>>, vector<16xf32>,
          %add3A_1831 = arith.addi %mul3A_1784, %min3A_1781 : vector<16xi32>
          %gather3A_1832 = tpu.vector_load_idx %arg6[%add3A_1831] : memref<37256xi32, #tpu.memory_space<vmem>>[vector<16xi32>], vector<16xi32>,
          %and3A_1833 = arith.constant 127 : i32
          %and3A_1834 = vector.broadcast %and3A_1833 : i32 to vector<16xi32>
          %and3A_1835 = arith.andi %gather3A_1832, %and3A_1834 : vector<16xi32>
          %sub3A_1836 = arith.constant 1 : i32
          %sub3A_1837 = vector.broadcast %sub3A_1836 : i32 to vector<16xi32>
          %sub3A_1838 = arith.subi %and3A_1835, %sub3A_1837 : vector<16xi32>
          %shift_right_arithmetic3A_1839 = arith.constant 7 : i32
          %shift_right_arithmetic3A_1840 = vector.broadcast %shift_right_arithmetic3A_1839 : i32 to vector<16xi32>
          %shift_right_arithmetic3A_1841 = arith.shrsi %gather3A_1832, %shift_right_arithmetic3A_1840 : vector<16xi32>
          %mul3A_1842 = arith.mulf %sub3A_1790, %sub3A_1740 : vector<16xf32>
          %le3A_1843 = arith.cmpi sle, %min3A_1766, %sub3A_1838 : vector<16xi32>
          %add3A_1844 = arith.addi %shift_right_arithmetic3A_1841, %min3A_1766 : vector<16xi32>
          %select_n3A_1845 = arith.select %le3A_1843, %add3A_1844, %broadcast_in_dim3A_9 : vector<16xi1>, vector<16xi32>
          %le3A_1846 = arith.cmpi sle, %add3A_1769, %sub3A_1838 : vector<16xi32>
          %jit3A_1847 = arith.constant 1.000000e+00 : f32
          %jit3A_1848 = arith.constant 0.000000e+00 : f32
          %broadcast_in_dim3A_1849 = vector.broadcast %jit3A_1847 : f32 to vector<16xf32>
          %broadcast_in_dim3A_1850 = vector.broadcast %jit3A_1848 : f32 to vector<16xf32>
          %select_n3A_1851 = arith.select %le3A_1846, %broadcast_in_dim3A_1849, %broadcast_in_dim3A_1850 : vector<16xi1>, vector<16xf32>
          %swap3A_1852 = arith.index_cast %add3A_1676 : i32 to index
          %swap3A_1853 = tpu.vector_load %arg9[%swap3A_1852] {strides = array<i32>} : memref<896xi32, #tpu.memory_space<vmem>>, vector<16xi32>,
          tpu.vector_store %arg9[%swap3A_1852], %select_n3A_1845 {strides = array<i32>} : memref<896xi32, #tpu.memory_space<vmem>>, vector<16xi32>,
          %mul3A_1854 = arith.mulf %mul3A_1842, %sub3A_1796 : vector<16xf32>
          %swap3A_1855 = arith.constant 1 : i32
          %swap3A_1856 = arith.index_cast %swap3A_1855 : i32 to index
          %swap3A_1857 = arith.index_cast %add3A_1676 : i32 to index
          %swap3A_1858 = tpu.vector_load %arg16[%swap3A_1856, %swap3A_1857] {strides = array<i32>} : memref<8x896xf32, #tpu.memory_space<vmem>>, vector<16xf32>,
          tpu.vector_store %arg16[%swap3A_1856, %swap3A_1857], %mul3A_1854 {strides = array<i32>} : memref<8x896xf32, #tpu.memory_space<vmem>>, vector<16xf32>,
          %mul3A_1859 = arith.mulf %mul3A_1842, %sub3A_1738 : vector<16xf32>
          %mul3A_1860 = arith.mulf %mul3A_1859, %select_n3A_1851 : vector<16xf32>
          %swap3A_1861 = arith.constant 5 : i32
          %swap3A_1862 = arith.index_cast %swap3A_1861 : i32 to index
          %swap3A_1863 = arith.index_cast %add3A_1676 : i32 to index
          %swap3A_1864 = tpu.vector_load %arg16[%swap3A_1862, %swap3A_1863] {strides = array<i32>} : memref<8x896xf32, #tpu.memory_space<vmem>>, vector<16xf32>,
          tpu.vector_store %arg16[%swap3A_1862, %swap3A_1863], %mul3A_1860 {strides = array<i32>} : memref<8x896xf32, #tpu.memory_space<vmem>>, vector<16xf32>,
          %add3A_1865 = arith.addi %mul3A_1787, %min3A_1760 : vector<16xi32>
          %gather3A_1866 = tpu.vector_load_idx %arg6[%add3A_1865] : memref<37256xi32, #tpu.memory_space<vmem>>[vector<16xi32>], vector<16xi32>,
          %and3A_1867 = arith.constant 127 : i32
          %and3A_1868 = vector.broadcast %and3A_1867 : i32 to vector<16xi32>
          %and3A_1869 = arith.andi %gather3A_1866, %and3A_1868 : vector<16xi32>
          %sub3A_1870 = arith.constant 1 : i32
          %sub3A_1871 = vector.broadcast %sub3A_1870 : i32 to vector<16xi32>
          %sub3A_1872 = arith.subi %and3A_1869, %sub3A_1871 : vector<16xi32>
          %shift_right_arithmetic3A_1873 = arith.constant 7 : i32
          %shift_right_arithmetic3A_1874 = vector.broadcast %shift_right_arithmetic3A_1873 : i32 to vector<16xi32>
          %shift_right_arithmetic3A_1875 = arith.shrsi %gather3A_1866, %shift_right_arithmetic3A_1874 : vector<16xi32>
          %mul3A_1876 = arith.mulf %sub3A_1742, %sub3A_1793 : vector<16xf32>
          %le3A_1877 = arith.cmpi sle, %min3A_1766, %sub3A_1872 : vector<16xi32>
          %add3A_1878 = arith.addi %shift_right_arithmetic3A_1875, %min3A_1766 : vector<16xi32>
          %select_n3A_1879 = arith.select %le3A_1877, %add3A_1878, %broadcast_in_dim3A_9 : vector<16xi1>, vector<16xi32>
          %le3A_1880 = arith.cmpi sle, %add3A_1769, %sub3A_1872 : vector<16xi32>
          %jit3A_1881 = arith.constant 1.000000e+00 : f32
          %jit3A_1882 = arith.constant 0.000000e+00 : f32
          %broadcast_in_dim3A_1883 = vector.broadcast %jit3A_1881 : f32 to vector<16xf32>
          %broadcast_in_dim3A_1884 = vector.broadcast %jit3A_1882 : f32 to vector<16xf32>
          %select_n3A_1885 = arith.select %le3A_1880, %broadcast_in_dim3A_1883, %broadcast_in_dim3A_1884 : vector<16xi1>, vector<16xf32>
          %swap3A_1886 = arith.index_cast %add3A_1676 : i32 to index
          %swap3A_1887 = tpu.vector_load %arg10[%swap3A_1886] {strides = array<i32>} : memref<896xi32, #tpu.memory_space<vmem>>, vector<16xi32>,
          tpu.vector_store %arg10[%swap3A_1886], %select_n3A_1879 {strides = array<i32>} : memref<896xi32, #tpu.memory_space<vmem>>, vector<16xi32>,
          %mul3A_1888 = arith.mulf %mul3A_1876, %sub3A_1796 : vector<16xf32>
          %swap3A_1889 = arith.constant 2 : i32
          %swap3A_1890 = arith.index_cast %swap3A_1889 : i32 to index
          %swap3A_1891 = arith.index_cast %add3A_1676 : i32 to index
          %swap3A_1892 = tpu.vector_load %arg16[%swap3A_1890, %swap3A_1891] {strides = array<i32>} : memref<8x896xf32, #tpu.memory_space<vmem>>, vector<16xf32>,
          tpu.vector_store %arg16[%swap3A_1890, %swap3A_1891], %mul3A_1888 {strides = array<i32>} : memref<8x896xf32, #tpu.memory_space<vmem>>, vector<16xf32>,
          %mul3A_1893 = arith.mulf %mul3A_1876, %sub3A_1738 : vector<16xf32>
          %mul3A_1894 = arith.mulf %mul3A_1893, %select_n3A_1885 : vector<16xf32>
          %swap3A_1895 = arith.constant 6 : i32
          %swap3A_1896 = arith.index_cast %swap3A_1895 : i32 to index
          %swap3A_1897 = arith.index_cast %add3A_1676 : i32 to index
          %swap3A_1898 = tpu.vector_load %arg16[%swap3A_1896, %swap3A_1897] {strides = array<i32>} : memref<8x896xf32, #tpu.memory_space<vmem>>, vector<16xf32>,
          tpu.vector_store %arg16[%swap3A_1896, %swap3A_1897], %mul3A_1894 {strides = array<i32>} : memref<8x896xf32, #tpu.memory_space<vmem>>, vector<16xf32>,
          %add3A_1899 = arith.addi %mul3A_1787, %min3A_1781 : vector<16xi32>
          %gather3A_1900 = tpu.vector_load_idx %arg6[%add3A_1899] : memref<37256xi32, #tpu.memory_space<vmem>>[vector<16xi32>], vector<16xi32>,
          %and3A_1901 = arith.constant 127 : i32
          %and3A_1902 = vector.broadcast %and3A_1901 : i32 to vector<16xi32>
          %and3A_1903 = arith.andi %gather3A_1900, %and3A_1902 : vector<16xi32>
          %sub3A_1904 = arith.constant 1 : i32
          %sub3A_1905 = vector.broadcast %sub3A_1904 : i32 to vector<16xi32>
          %sub3A_1906 = arith.subi %and3A_1903, %sub3A_1905 : vector<16xi32>
          %shift_right_arithmetic3A_1907 = arith.constant 7 : i32
          %shift_right_arithmetic3A_1908 = vector.broadcast %shift_right_arithmetic3A_1907 : i32 to vector<16xi32>
          %shift_right_arithmetic3A_1909 = arith.shrsi %gather3A_1900, %shift_right_arithmetic3A_1908 : vector<16xi32>
          %mul3A_1910 = arith.mulf %sub3A_1742, %sub3A_1740 : vector<16xf32>
          %le3A_1911 = arith.cmpi sle, %min3A_1766, %sub3A_1906 : vector<16xi32>
          %add3A_1912 = arith.addi %shift_right_arithmetic3A_1909, %min3A_1766 : vector<16xi32>
          %select_n3A_1913 = arith.select %le3A_1911, %add3A_1912, %broadcast_in_dim3A_9 : vector<16xi1>, vector<16xi32>
          %le3A_1914 = arith.cmpi sle, %add3A_1769, %sub3A_1906 : vector<16xi32>
          %jit3A_1915 = arith.constant 1.000000e+00 : f32
          %jit3A_1916 = arith.constant 0.000000e+00 : f32
          %broadcast_in_dim3A_1917 = vector.broadcast %jit3A_1915 : f32 to vector<16xf32>
          %broadcast_in_dim3A_1918 = vector.broadcast %jit3A_1916 : f32 to vector<16xf32>
          %select_n3A_1919 = arith.select %le3A_1914, %broadcast_in_dim3A_1917, %broadcast_in_dim3A_1918 : vector<16xi1>, vector<16xf32>
          %swap3A_1920 = arith.index_cast %add3A_1676 : i32 to index
          %swap3A_1921 = tpu.vector_load %arg11[%swap3A_1920] {strides = array<i32>} : memref<896xi32, #tpu.memory_space<vmem>>, vector<16xi32>,
          tpu.vector_store %arg11[%swap3A_1920], %select_n3A_1913 {strides = array<i32>} : memref<896xi32, #tpu.memory_space<vmem>>, vector<16xi32>,
          %mul3A_1922 = arith.mulf %mul3A_1910, %sub3A_1796 : vector<16xf32>
          %swap3A_1923 = arith.constant 3 : i32
          %swap3A_1924 = arith.index_cast %swap3A_1923 : i32 to index
          %swap3A_1925 = arith.index_cast %add3A_1676 : i32 to index
          %swap3A_1926 = tpu.vector_load %arg16[%swap3A_1924, %swap3A_1925] {strides = array<i32>} : memref<8x896xf32, #tpu.memory_space<vmem>>, vector<16xf32>,
          tpu.vector_store %arg16[%swap3A_1924, %swap3A_1925], %mul3A_1922 {strides = array<i32>} : memref<8x896xf32, #tpu.memory_space<vmem>>, vector<16xf32>,
          %mul3A_1927 = arith.mulf %mul3A_1910, %sub3A_1738 : vector<16xf32>
          %mul3A_1928 = arith.mulf %mul3A_1927, %select_n3A_1919 : vector<16xf32>
          %swap3A_1929 = arith.constant 7 : i32
          %swap3A_1930 = arith.index_cast %swap3A_1929 : i32 to index
          %swap3A_1931 = arith.index_cast %add3A_1676 : i32 to index
          %swap3A_1932 = tpu.vector_load %arg16[%swap3A_1930, %swap3A_1931] {strides = array<i32>} : memref<8x896xf32, #tpu.memory_space<vmem>>, vector<16xf32>,
          tpu.vector_store %arg16[%swap3A_1930, %swap3A_1931], %mul3A_1928 {strides = array<i32>} : memref<8x896xf32, #tpu.memory_space<vmem>>, vector<16xf32>,
          %swap3A_1933 = arith.constant 0 : i32
          %swap3A_1934 = arith.index_cast %swap3A_1933 : i32 to index
          %swap3A_1935 = arith.index_cast %add3A_1676 : i32 to index
          %swap3A_1936 = tpu.vector_load %arg17[%swap3A_1934, %swap3A_1935] {strides = array<i32>} : memref<2x896xf32, #tpu.memory_space<vmem>>, vector<16xf32>,
          tpu.vector_store %arg17[%swap3A_1934, %swap3A_1935], %select_n3A_1691 {strides = array<i32>} : memref<2x896xf32, #tpu.memory_space<vmem>>, vector<16xf32>,
          %mul3A_1937 = arith.mulf %select_n3A_1691, %select_n3A_1714 : vector<16xf32>
          %swap3A_1938 = arith.constant 1 : i32
          %swap3A_1939 = arith.index_cast %swap3A_1938 : i32 to index
          %swap3A_1940 = arith.index_cast %add3A_1676 : i32 to index
          %swap3A_1941 = tpu.vector_load %arg17[%swap3A_1939, %swap3A_1940] {strides = array<i32>} : memref<2x896xf32, #tpu.memory_space<vmem>>, vector<16xf32>,
          tpu.vector_store %arg17[%swap3A_1939, %swap3A_1940], %mul3A_1937 {strides = array<i32>} : memref<2x896xf32, #tpu.memory_space<vmem>>, vector<16xf32>,
        }
        %scan3A_33 = arith.constant 8 : i32
        %dma_start3A = arith.constant 0 : i32
        %dma_start3A_34 = arith.constant 0 : i32
        %dma_start3A_35 = tpu.memref_slice %arg3[%dma_start3A, %dma_start3A_34] : memref<1866989x8xf32, #tpu.memory_space<hbm>> -> memref<1866989x8xf32, #tpu.memory_space<hbm>>
        tpu.enqueue_indirect_dma source(%dma_start3A_35 : memref<1866989x8xf32, #tpu.memory_space<hbm>>) target(%arg12 : memref<896x8xf32, #tpu.memory_space<vmem>>) offsets(%arg8 : memref<896xi32, #tpu.memory_space<vmem>>) semaphore(%arg19 : memref<!tpu.dma_semaphore, #tpu.memory_space<semaphore_mem>>)
        %dma_start3A_36 = arith.constant 0 : i32
        %dma_start3A_37 = arith.constant 0 : i32
        %dma_start3A_38 = tpu.memref_slice %arg3[%dma_start3A_36, %dma_start3A_37] : memref<1866989x8xf32, #tpu.memory_space<hbm>> -> memref<1866989x8xf32, #tpu.memory_space<hbm>>
        tpu.enqueue_indirect_dma source(%dma_start3A_38 : memref<1866989x8xf32, #tpu.memory_space<hbm>>) target(%arg13 : memref<896x8xf32, #tpu.memory_space<vmem>>) offsets(%arg9 : memref<896xi32, #tpu.memory_space<vmem>>) semaphore(%arg19 : memref<!tpu.dma_semaphore, #tpu.memory_space<semaphore_mem>>)
        %dma_start3A_39 = arith.constant 0 : i32
        %dma_start3A_40 = arith.constant 0 : i32
        %dma_start3A_41 = tpu.memref_slice %arg3[%dma_start3A_39, %dma_start3A_40] : memref<1866989x8xf32, #tpu.memory_space<hbm>> -> memref<1866989x8xf32, #tpu.memory_space<hbm>>
        tpu.enqueue_indirect_dma source(%dma_start3A_41 : memref<1866989x8xf32, #tpu.memory_space<hbm>>) target(%arg14 : memref<896x8xf32, #tpu.memory_space<vmem>>) offsets(%arg10 : memref<896xi32, #tpu.memory_space<vmem>>) semaphore(%arg19 : memref<!tpu.dma_semaphore, #tpu.memory_space<semaphore_mem>>)
        %dma_start3A_42 = arith.constant 0 : i32
        %dma_start3A_43 = arith.constant 0 : i32
        %dma_start3A_44 = tpu.memref_slice %arg3[%dma_start3A_42, %dma_start3A_43] : memref<1866989x8xf32, #tpu.memory_space<hbm>> -> memref<1866989x8xf32, #tpu.memory_space<hbm>>
        tpu.enqueue_indirect_dma source(%dma_start3A_44 : memref<1866989x8xf32, #tpu.memory_space<hbm>>) target(%arg15 : memref<896x8xf32, #tpu.memory_space<vmem>>) offsets(%arg11 : memref<896xi32, #tpu.memory_space<vmem>>) semaphore(%arg19 : memref<!tpu.dma_semaphore, #tpu.memory_space<semaphore_mem>>)
        %dma_wait3A = arith.constant 0 : i32
        %dma_wait3A_45 = arith.constant 0 : i32
        %dma_wait3A_46 = tpu.memref_slice %arg3[%dma_wait3A, %dma_wait3A_45] : memref<1866989x8xf32, #tpu.memory_space<hbm>> -> memref<1866989x8xf32, #tpu.memory_space<hbm>>
        tpu.wait_indirect_dma semaphore(%arg19 : memref<!tpu.dma_semaphore, #tpu.memory_space<semaphore_mem>>) src(%dma_wait3A_46 : memref<1866989x8xf32, #tpu.memory_space<hbm>>) dst(%arg12 : memref<896x8xf32, #tpu.memory_space<vmem>>)
        %dma_wait3A_47 = arith.constant 0 : i32
        %dma_wait3A_48 = arith.constant 0 : i32
        %dma_wait3A_49 = tpu.memref_slice %arg3[%dma_wait3A_47, %dma_wait3A_48] : memref<1866989x8xf32, #tpu.memory_space<hbm>> -> memref<1866989x8xf32, #tpu.memory_space<hbm>>
        tpu.wait_indirect_dma semaphore(%arg19 : memref<!tpu.dma_semaphore, #tpu.memory_space<semaphore_mem>>) src(%dma_wait3A_49 : memref<1866989x8xf32, #tpu.memory_space<hbm>>) dst(%arg13 : memref<896x8xf32, #tpu.memory_space<vmem>>)
        %dma_wait3A_50 = arith.constant 0 : i32
        %dma_wait3A_51 = arith.constant 0 : i32
        %dma_wait3A_52 = tpu.memref_slice %arg3[%dma_wait3A_50, %dma_wait3A_51] : memref<1866989x8xf32, #tpu.memory_space<hbm>> -> memref<1866989x8xf32, #tpu.memory_space<hbm>>
        tpu.wait_indirect_dma semaphore(%arg19 : memref<!tpu.dma_semaphore, #tpu.memory_space<semaphore_mem>>) src(%dma_wait3A_52 : memref<1866989x8xf32, #tpu.memory_space<hbm>>) dst(%arg14 : memref<896x8xf32, #tpu.memory_space<vmem>>)
        %dma_wait3A_53 = arith.constant 0 : i32
        %dma_wait3A_54 = arith.constant 0 : i32
        %dma_wait3A_55 = tpu.memref_slice %arg3[%dma_wait3A_53, %dma_wait3A_54] : memref<1866989x8xf32, #tpu.memory_space<hbm>> -> memref<1866989x8xf32, #tpu.memory_space<hbm>>
        tpu.wait_indirect_dma semaphore(%arg19 : memref<!tpu.dma_semaphore, #tpu.memory_space<semaphore_mem>>) src(%dma_wait3A_55 : memref<1866989x8xf32, #tpu.memory_space<hbm>>) dst(%arg15 : memref<896x8xf32, #tpu.memory_space<vmem>>)
        %scan3A_56 = arith.constant 0 : i32
        %scan3A_57 = arith.constant 0 : i32
        %scan3A_58 = arith.constant 8 : i32
        %scan3A_59 = arith.addi %scan3A_57, %scan3A_58 : i32
        %scan3A_60 = arith.constant 1 : i32
        scf.for %scan3A_64 = %scan3A_57 to %scan3A_59 step %scan3A_60  : i32 {
          %mul3A_65 = arith.constant 112 : i32
          %mul3A_66 = arith.muli %scan3A_64, %mul3A_65 : i32
          %add3A_67 = arith.constant 0 : i32
          %add3A_68 = arith.addi %mul3A_66, %add3A_67 : i32
          %mul3A_69 = arith.constant 112 : i32
          %mul3A_70 = arith.muli %scan3A_64, %mul3A_69 : i32
          %add3A_71 = arith.constant 0 : i32
          %add3A_72 = arith.addi %mul3A_70, %add3A_71 : i32
          %add3A_73 = vector.broadcast %add3A_72 : i32 to vector<16xi32>
          %add3A_74 = arith.addi %iota3A, %add3A_73 : vector<16xi32>
          %broadcast_in_dim3A_75 = arith.constant 0.000000e+00 : f32
          %broadcast_in_dim3A_76 = vector.broadcast %broadcast_in_dim3A_75 : f32 to vector<16xf32>
          %broadcast_in_dim3A_77 = arith.constant 0.000000e+00 : f32
          %broadcast_in_dim3A_78 = vector.broadcast %broadcast_in_dim3A_77 : f32 to vector<16xf32>
          %get3A = arith.constant 0 : i32
          %get3A_79 = arith.index_cast %get3A : i32 to index
          %get3A_80 = arith.index_cast %add3A_68 : i32 to index
          %get3A_81 = tpu.vector_load %arg16[%get3A_79, %get3A_80] {strides = array<i32>} : memref<8x896xf32, #tpu.memory_space<vmem>>, vector<16xf32>,
          %get3A_82 = arith.constant 4 : i32
          %get3A_83 = arith.index_cast %get3A_82 : i32 to index
          %get3A_84 = arith.index_cast %add3A_68 : i32 to index
          %get3A_85 = tpu.vector_load %arg16[%get3A_83, %get3A_84] {strides = array<i32>} : memref<8x896xf32, #tpu.memory_space<vmem>>, vector<16xf32>,
          %gather3A = tpu.vector_load_idx %arg12[%add3A_74, %broadcast_in_dim3A_1] : memref<896x8xf32, #tpu.memory_space<vmem>>[vector<16xi32>, vector<16xi32>], vector<16xf32>,
          %gather3A_86 = tpu.vector_load_idx %arg12[%add3A_74, %broadcast_in_dim3A_3] : memref<896x8xf32, #tpu.memory_space<vmem>>[vector<16xi32>, vector<16xi32>], vector<16xf32>,
          %gather3A_87 = tpu.vector_load_idx %arg12[%add3A_74, %broadcast_in_dim3A_5] : memref<896x8xf32, #tpu.memory_space<vmem>>[vector<16xi32>, vector<16xi32>], vector<16xf32>,
          %gather3A_88 = tpu.vector_load_idx %arg12[%add3A_74, %broadcast_in_dim3A_7] : memref<896x8xf32, #tpu.memory_space<vmem>>[vector<16xi32>, vector<16xi32>], vector<16xf32>,
          %mul3A_89 = arith.mulf %get3A_81, %gather3A : vector<16xf32>
          %add3A_90 = arith.addf %broadcast_in_dim3A_76, %mul3A_89 : vector<16xf32>
          %mul3A_91 = arith.mulf %get3A_85, %gather3A_87 : vector<16xf32>
          %add3A_92 = arith.addf %add3A_90, %mul3A_91 : vector<16xf32>
          %mul3A_93 = arith.mulf %get3A_81, %gather3A_86 : vector<16xf32>
          %add3A_94 = arith.addf %broadcast_in_dim3A_78, %mul3A_93 : vector<16xf32>
          %mul3A_95 = arith.mulf %get3A_85, %gather3A_88 : vector<16xf32>
          %add3A_96 = arith.addf %add3A_94, %mul3A_95 : vector<16xf32>
          %get3A_97 = arith.constant 1 : i32
          %get3A_98 = arith.index_cast %get3A_97 : i32 to index
          %get3A_99 = arith.index_cast %add3A_68 : i32 to index
          %get3A_100 = tpu.vector_load %arg16[%get3A_98, %get3A_99] {strides = array<i32>} : memref<8x896xf32, #tpu.memory_space<vmem>>, vector<16xf32>,
          %get3A_101 = arith.constant 5 : i32
          %get3A_102 = arith.index_cast %get3A_101 : i32 to index
          %get3A_103 = arith.index_cast %add3A_68 : i32 to index
          %get3A_104 = tpu.vector_load %arg16[%get3A_102, %get3A_103] {strides = array<i32>} : memref<8x896xf32, #tpu.memory_space<vmem>>, vector<16xf32>,
          %gather3A_105 = tpu.vector_load_idx %arg13[%add3A_74, %broadcast_in_dim3A_1] : memref<896x8xf32, #tpu.memory_space<vmem>>[vector<16xi32>, vector<16xi32>], vector<16xf32>,
          %gather3A_106 = tpu.vector_load_idx %arg13[%add3A_74, %broadcast_in_dim3A_3] : memref<896x8xf32, #tpu.memory_space<vmem>>[vector<16xi32>, vector<16xi32>], vector<16xf32>,
          %gather3A_107 = tpu.vector_load_idx %arg13[%add3A_74, %broadcast_in_dim3A_5] : memref<896x8xf32, #tpu.memory_space<vmem>>[vector<16xi32>, vector<16xi32>], vector<16xf32>,
          %gather3A_108 = tpu.vector_load_idx %arg13[%add3A_74, %broadcast_in_dim3A_7] : memref<896x8xf32, #tpu.memory_space<vmem>>[vector<16xi32>, vector<16xi32>], vector<16xf32>,
          %mul3A_109 = arith.mulf %get3A_100, %gather3A_105 : vector<16xf32>
          %add3A_110 = arith.addf %add3A_92, %mul3A_109 : vector<16xf32>
          %mul3A_111 = arith.mulf %get3A_104, %gather3A_107 : vector<16xf32>
          %add3A_112 = arith.addf %add3A_110, %mul3A_111 : vector<16xf32>
          %mul3A_113 = arith.mulf %get3A_100, %gather3A_106 : vector<16xf32>
          %add3A_114 = arith.addf %add3A_96, %mul3A_113 : vector<16xf32>
          %mul3A_115 = arith.mulf %get3A_104, %gather3A_108 : vector<16xf32>
          %add3A_116 = arith.addf %add3A_114, %mul3A_115 : vector<16xf32>
          %get3A_117 = arith.constant 2 : i32
          %get3A_118 = arith.index_cast %get3A_117 : i32 to index
          %get3A_119 = arith.index_cast %add3A_68 : i32 to index
          %get3A_120 = tpu.vector_load %arg16[%get3A_118, %get3A_119] {strides = array<i32>} : memref<8x896xf32, #tpu.memory_space<vmem>>, vector<16xf32>,
          %get3A_121 = arith.constant 6 : i32
          %get3A_122 = arith.index_cast %get3A_121 : i32 to index
          %get3A_123 = arith.index_cast %add3A_68 : i32 to index
          %get3A_124 = tpu.vector_load %arg16[%get3A_122, %get3A_123] {strides = array<i32>} : memref<8x896xf32, #tpu.memory_space<vmem>>, vector<16xf32>,
          %gather3A_125 = tpu.vector_load_idx %arg14[%add3A_74, %broadcast_in_dim3A_1] : memref<896x8xf32, #tpu.memory_space<vmem>>[vector<16xi32>, vector<16xi32>], vector<16xf32>,
          %gather3A_126 = tpu.vector_load_idx %arg14[%add3A_74, %broadcast_in_dim3A_3] : memref<896x8xf32, #tpu.memory_space<vmem>>[vector<16xi32>, vector<16xi32>], vector<16xf32>,
          %gather3A_127 = tpu.vector_load_idx %arg14[%add3A_74, %broadcast_in_dim3A_5] : memref<896x8xf32, #tpu.memory_space<vmem>>[vector<16xi32>, vector<16xi32>], vector<16xf32>,
          %gather3A_128 = tpu.vector_load_idx %arg14[%add3A_74, %broadcast_in_dim3A_7] : memref<896x8xf32, #tpu.memory_space<vmem>>[vector<16xi32>, vector<16xi32>], vector<16xf32>,
          %mul3A_129 = arith.mulf %get3A_120, %gather3A_125 : vector<16xf32>
          %add3A_130 = arith.addf %add3A_112, %mul3A_129 : vector<16xf32>
          %mul3A_131 = arith.mulf %get3A_124, %gather3A_127 : vector<16xf32>
          %add3A_132 = arith.addf %add3A_130, %mul3A_131 : vector<16xf32>
          %mul3A_133 = arith.mulf %get3A_120, %gather3A_126 : vector<16xf32>
          %add3A_134 = arith.addf %add3A_116, %mul3A_133 : vector<16xf32>
          %mul3A_135 = arith.mulf %get3A_124, %gather3A_128 : vector<16xf32>
          %add3A_136 = arith.addf %add3A_134, %mul3A_135 : vector<16xf32>
          %get3A_137 = arith.constant 3 : i32
          %get3A_138 = arith.index_cast %get3A_137 : i32 to index
          %get3A_139 = arith.index_cast %add3A_68 : i32 to index
          %get3A_140 = tpu.vector_load %arg16[%get3A_138, %get3A_139] {strides = array<i32>} : memref<8x896xf32, #tpu.memory_space<vmem>>, vector<16xf32>,
          %get3A_141 = arith.constant 7 : i32
          %get3A_142 = arith.index_cast %get3A_141 : i32 to index
          %get3A_143 = arith.index_cast %add3A_68 : i32 to index
          %get3A_144 = tpu.vector_load %arg16[%get3A_142, %get3A_143] {strides = array<i32>} : memref<8x896xf32, #tpu.memory_space<vmem>>, vector<16xf32>,
          %gather3A_145 = tpu.vector_load_idx %arg15[%add3A_74, %broadcast_in_dim3A_1] : memref<896x8xf32, #tpu.memory_space<vmem>>[vector<16xi32>, vector<16xi32>], vector<16xf32>,
          %gather3A_146 = tpu.vector_load_idx %arg15[%add3A_74, %broadcast_in_dim3A_3] : memref<896x8xf32, #tpu.memory_space<vmem>>[vector<16xi32>, vector<16xi32>], vector<16xf32>,
          %gather3A_147 = tpu.vector_load_idx %arg15[%add3A_74, %broadcast_in_dim3A_5] : memref<896x8xf32, #tpu.memory_space<vmem>>[vector<16xi32>, vector<16xi32>], vector<16xf32>,
          %gather3A_148 = tpu.vector_load_idx %arg15[%add3A_74, %broadcast_in_dim3A_7] : memref<896x8xf32, #tpu.memory_space<vmem>>[vector<16xi32>, vector<16xi32>], vector<16xf32>,
          %mul3A_149 = arith.mulf %get3A_140, %gather3A_145 : vector<16xf32>
          %add3A_150 = arith.addf %add3A_132, %mul3A_149 : vector<16xf32>
          %mul3A_151 = arith.mulf %get3A_144, %gather3A_147 : vector<16xf32>
          %add3A_152 = arith.addf %add3A_150, %mul3A_151 : vector<16xf32>
          %mul3A_153 = arith.mulf %get3A_140, %gather3A_146 : vector<16xf32>
          %add3A_154 = arith.addf %add3A_136, %mul3A_153 : vector<16xf32>
          %mul3A_155 = arith.mulf %get3A_144, %gather3A_148 : vector<16xf32>
          %add3A_156 = arith.addf %add3A_154, %mul3A_155 : vector<16xf32>
          %get3A_157 = arith.constant 0 : i32
          %get3A_158 = arith.index_cast %get3A_157 : i32 to index
          %get3A_159 = arith.index_cast %add3A_68 : i32 to index
          %get3A_160 = tpu.vector_load %arg17[%get3A_158, %get3A_159] {strides = array<i32>} : memref<2x896xf32, #tpu.memory_space<vmem>>, vector<16xf32>,
          %mul3A_161 = arith.mulf %add3A_152, %get3A_160 : vector<16xf32>
          %swap3A = arith.constant 0 : i32
          %swap3A_162 = arith.index_cast %scan3A_64 : i32 to index
          %swap3A_163 = arith.index_cast %swap3A : i32 to index
          %swap3A_164 = arith.constant 0 : index
          %swap3A_165 = tpu.vector_load %arg18[%swap3A_162, %swap3A_163, %swap3A_164] {strides = array<i32>} : memref<8x2x112xf32, #tpu.memory_space<vmem>>, vector<16xf32>,
          tpu.vector_store %arg18[%swap3A_162, %swap3A_163, %swap3A_164], %mul3A_161 {strides = array<i32>} : memref<8x2x112xf32, #tpu.memory_space<vmem>>, vector<16xf32>,
          %get3A_166 = arith.constant 1 : i32
          %get3A_167 = arith.index_cast %get3A_166 : i32 to index
          %get3A_168 = arith.index_cast %add3A_68 : i32 to index
          %get3A_169 = tpu.vector_load %arg17[%get3A_167, %get3A_168] {strides = array<i32>} : memref<2x896xf32, #tpu.memory_space<vmem>>, vector<16xf32>,
          %mul3A_170 = arith.mulf %add3A_156, %get3A_169 : vector<16xf32>
          %swap3A_171 = arith.constant 1 : i32
          %swap3A_172 = arith.index_cast %scan3A_64 : i32 to index
          %swap3A_173 = arith.index_cast %swap3A_171 : i32 to index
          %swap3A_174 = arith.constant 0 : index
          %swap3A_175 = tpu.vector_load %arg18[%swap3A_172, %swap3A_173, %swap3A_174] {strides = array<i32>} : memref<8x2x112xf32, #tpu.memory_space<vmem>>, vector<16xf32>,
          tpu.vector_store %arg18[%swap3A_172, %swap3A_173, %swap3A_174], %mul3A_170 {strides = array<i32>} : memref<8x2x112xf32, #tpu.memory_space<vmem>>, vector<16xf32>,
          %mul3A_176 = arith.constant 112 : i32
          %mul3A_177 = arith.muli %scan3A_64, %mul3A_176 : i32
          %add3A_178 = arith.constant 16 : i32
          %add3A_179 = arith.addi %mul3A_177, %add3A_178 : i32
          %mul3A_180 = arith.constant 112 : i32
          %mul3A_181 = arith.muli %scan3A_64, %mul3A_180 : i32
          %add3A_182 = arith.constant 16 : i32
          %add3A_183 = arith.addi %mul3A_181, %add3A_182 : i32
          %add3A_184 = vector.broadcast %add3A_183 : i32 to vector<16xi32>
          %add3A_185 = arith.addi %iota3A, %add3A_184 : vector<16xi32>
          %broadcast_in_dim3A_186 = arith.constant 0.000000e+00 : f32
          %broadcast_in_dim3A_187 = vector.broadcast %broadcast_in_dim3A_186 : f32 to vector<16xf32>
          %broadcast_in_dim3A_188 = arith.constant 0.000000e+00 : f32
          %broadcast_in_dim3A_189 = vector.broadcast %broadcast_in_dim3A_188 : f32 to vector<16xf32>
          %get3A_190 = arith.constant 0 : i32
          %get3A_191 = arith.index_cast %get3A_190 : i32 to index
          %get3A_192 = arith.index_cast %add3A_179 : i32 to index
          %get3A_193 = tpu.vector_load %arg16[%get3A_191, %get3A_192] {strides = array<i32>} : memref<8x896xf32, #tpu.memory_space<vmem>>, vector<16xf32>,
          %get3A_194 = arith.constant 4 : i32
          %get3A_195 = arith.index_cast %get3A_194 : i32 to index
          %get3A_196 = arith.index_cast %add3A_179 : i32 to index
          %get3A_197 = tpu.vector_load %arg16[%get3A_195, %get3A_196] {strides = array<i32>} : memref<8x896xf32, #tpu.memory_space<vmem>>, vector<16xf32>,
          %gather3A_198 = tpu.vector_load_idx %arg12[%add3A_185, %broadcast_in_dim3A_1] : memref<896x8xf32, #tpu.memory_space<vmem>>[vector<16xi32>, vector<16xi32>], vector<16xf32>,
          %gather3A_199 = tpu.vector_load_idx %arg12[%add3A_185, %broadcast_in_dim3A_3] : memref<896x8xf32, #tpu.memory_space<vmem>>[vector<16xi32>, vector<16xi32>], vector<16xf32>,
          %gather3A_200 = tpu.vector_load_idx %arg12[%add3A_185, %broadcast_in_dim3A_5] : memref<896x8xf32, #tpu.memory_space<vmem>>[vector<16xi32>, vector<16xi32>], vector<16xf32>,
          %gather3A_201 = tpu.vector_load_idx %arg12[%add3A_185, %broadcast_in_dim3A_7] : memref<896x8xf32, #tpu.memory_space<vmem>>[vector<16xi32>, vector<16xi32>], vector<16xf32>,
          %mul3A_202 = arith.mulf %get3A_193, %gather3A_198 : vector<16xf32>
          %add3A_203 = arith.addf %broadcast_in_dim3A_187, %mul3A_202 : vector<16xf32>
          %mul3A_204 = arith.mulf %get3A_197, %gather3A_200 : vector<16xf32>
          %add3A_205 = arith.addf %add3A_203, %mul3A_204 : vector<16xf32>
          %mul3A_206 = arith.mulf %get3A_193, %gather3A_199 : vector<16xf32>
          %add3A_207 = arith.addf %broadcast_in_dim3A_189, %mul3A_206 : vector<16xf32>
          %mul3A_208 = arith.mulf %get3A_197, %gather3A_201 : vector<16xf32>
          %add3A_209 = arith.addf %add3A_207, %mul3A_208 : vector<16xf32>
          %get3A_210 = arith.constant 1 : i32
          %get3A_211 = arith.index_cast %get3A_210 : i32 to index
          %get3A_212 = arith.index_cast %add3A_179 : i32 to index
          %get3A_213 = tpu.vector_load %arg16[%get3A_211, %get3A_212] {strides = array<i32>} : memref<8x896xf32, #tpu.memory_space<vmem>>, vector<16xf32>,
          %get3A_214 = arith.constant 5 : i32
          %get3A_215 = arith.index_cast %get3A_214 : i32 to index
          %get3A_216 = arith.index_cast %add3A_179 : i32 to index
          %get3A_217 = tpu.vector_load %arg16[%get3A_215, %get3A_216] {strides = array<i32>} : memref<8x896xf32, #tpu.memory_space<vmem>>, vector<16xf32>,
          %gather3A_218 = tpu.vector_load_idx %arg13[%add3A_185, %broadcast_in_dim3A_1] : memref<896x8xf32, #tpu.memory_space<vmem>>[vector<16xi32>, vector<16xi32>], vector<16xf32>,
          %gather3A_219 = tpu.vector_load_idx %arg13[%add3A_185, %broadcast_in_dim3A_3] : memref<896x8xf32, #tpu.memory_space<vmem>>[vector<16xi32>, vector<16xi32>], vector<16xf32>,
          %gather3A_220 = tpu.vector_load_idx %arg13[%add3A_185, %broadcast_in_dim3A_5] : memref<896x8xf32, #tpu.memory_space<vmem>>[vector<16xi32>, vector<16xi32>], vector<16xf32>,
          %gather3A_221 = tpu.vector_load_idx %arg13[%add3A_185, %broadcast_in_dim3A_7] : memref<896x8xf32, #tpu.memory_space<vmem>>[vector<16xi32>, vector<16xi32>], vector<16xf32>,
          %mul3A_222 = arith.mulf %get3A_213, %gather3A_218 : vector<16xf32>
          %add3A_223 = arith.addf %add3A_205, %mul3A_222 : vector<16xf32>
          %mul3A_224 = arith.mulf %get3A_217, %gather3A_220 : vector<16xf32>
          %add3A_225 = arith.addf %add3A_223, %mul3A_224 : vector<16xf32>
          %mul3A_226 = arith.mulf %get3A_213, %gather3A_219 : vector<16xf32>
          %add3A_227 = arith.addf %add3A_209, %mul3A_226 : vector<16xf32>
          %mul3A_228 = arith.mulf %get3A_217, %gather3A_221 : vector<16xf32>
          %add3A_229 = arith.addf %add3A_227, %mul3A_228 : vector<16xf32>
          %get3A_230 = arith.constant 2 : i32
          %get3A_231 = arith.index_cast %get3A_230 : i32 to index
          %get3A_232 = arith.index_cast %add3A_179 : i32 to index
          %get3A_233 = tpu.vector_load %arg16[%get3A_231, %get3A_232] {strides = array<i32>} : memref<8x896xf32, #tpu.memory_space<vmem>>, vector<16xf32>,
          %get3A_234 = arith.constant 6 : i32
          %get3A_235 = arith.index_cast %get3A_234 : i32 to index
          %get3A_236 = arith.index_cast %add3A_179 : i32 to index
          %get3A_237 = tpu.vector_load %arg16[%get3A_235, %get3A_236] {strides = array<i32>} : memref<8x896xf32, #tpu.memory_space<vmem>>, vector<16xf32>,
          %gather3A_238 = tpu.vector_load_idx %arg14[%add3A_185, %broadcast_in_dim3A_1] : memref<896x8xf32, #tpu.memory_space<vmem>>[vector<16xi32>, vector<16xi32>], vector<16xf32>,
          %gather3A_239 = tpu.vector_load_idx %arg14[%add3A_185, %broadcast_in_dim3A_3] : memref<896x8xf32, #tpu.memory_space<vmem>>[vector<16xi32>, vector<16xi32>], vector<16xf32>,
          %gather3A_240 = tpu.vector_load_idx %arg14[%add3A_185, %broadcast_in_dim3A_5] : memref<896x8xf32, #tpu.memory_space<vmem>>[vector<16xi32>, vector<16xi32>], vector<16xf32>,
          %gather3A_241 = tpu.vector_load_idx %arg14[%add3A_185, %broadcast_in_dim3A_7] : memref<896x8xf32, #tpu.memory_space<vmem>>[vector<16xi32>, vector<16xi32>], vector<16xf32>,
          %mul3A_242 = arith.mulf %get3A_233, %gather3A_238 : vector<16xf32>
          %add3A_243 = arith.addf %add3A_225, %mul3A_242 : vector<16xf32>
          %mul3A_244 = arith.mulf %get3A_237, %gather3A_240 : vector<16xf32>
          %add3A_245 = arith.addf %add3A_243, %mul3A_244 : vector<16xf32>
          %mul3A_246 = arith.mulf %get3A_233, %gather3A_239 : vector<16xf32>
          %add3A_247 = arith.addf %add3A_229, %mul3A_246 : vector<16xf32>
          %mul3A_248 = arith.mulf %get3A_237, %gather3A_241 : vector<16xf32>
          %add3A_249 = arith.addf %add3A_247, %mul3A_248 : vector<16xf32>
          %get3A_250 = arith.constant 3 : i32
          %get3A_251 = arith.index_cast %get3A_250 : i32 to index
          %get3A_252 = arith.index_cast %add3A_179 : i32 to index
          %get3A_253 = tpu.vector_load %arg16[%get3A_251, %get3A_252] {strides = array<i32>} : memref<8x896xf32, #tpu.memory_space<vmem>>, vector<16xf32>,
          %get3A_254 = arith.constant 7 : i32
          %get3A_255 = arith.index_cast %get3A_254 : i32 to index
          %get3A_256 = arith.index_cast %add3A_179 : i32 to index
          %get3A_257 = tpu.vector_load %arg16[%get3A_255, %get3A_256] {strides = array<i32>} : memref<8x896xf32, #tpu.memory_space<vmem>>, vector<16xf32>,
          %gather3A_258 = tpu.vector_load_idx %arg15[%add3A_185, %broadcast_in_dim3A_1] : memref<896x8xf32, #tpu.memory_space<vmem>>[vector<16xi32>, vector<16xi32>], vector<16xf32>,
          %gather3A_259 = tpu.vector_load_idx %arg15[%add3A_185, %broadcast_in_dim3A_3] : memref<896x8xf32, #tpu.memory_space<vmem>>[vector<16xi32>, vector<16xi32>], vector<16xf32>,
          %gather3A_260 = tpu.vector_load_idx %arg15[%add3A_185, %broadcast_in_dim3A_5] : memref<896x8xf32, #tpu.memory_space<vmem>>[vector<16xi32>, vector<16xi32>], vector<16xf32>,
          %gather3A_261 = tpu.vector_load_idx %arg15[%add3A_185, %broadcast_in_dim3A_7] : memref<896x8xf32, #tpu.memory_space<vmem>>[vector<16xi32>, vector<16xi32>], vector<16xf32>,
          %mul3A_262 = arith.mulf %get3A_253, %gather3A_258 : vector<16xf32>
          %add3A_263 = arith.addf %add3A_245, %mul3A_262 : vector<16xf32>
          %mul3A_264 = arith.mulf %get3A_257, %gather3A_260 : vector<16xf32>
          %add3A_265 = arith.addf %add3A_263, %mul3A_264 : vector<16xf32>
          %mul3A_266 = arith.mulf %get3A_253, %gather3A_259 : vector<16xf32>
          %add3A_267 = arith.addf %add3A_249, %mul3A_266 : vector<16xf32>
          %mul3A_268 = arith.mulf %get3A_257, %gather3A_261 : vector<16xf32>
          %add3A_269 = arith.addf %add3A_267, %mul3A_268 : vector<16xf32>
          %get3A_270 = arith.constant 0 : i32
          %get3A_271 = arith.index_cast %get3A_270 : i32 to index
          %get3A_272 = arith.index_cast %add3A_179 : i32 to index
          %get3A_273 = tpu.vector_load %arg17[%get3A_271, %get3A_272] {strides = array<i32>} : memref<2x896xf32, #tpu.memory_space<vmem>>, vector<16xf32>,
          %mul3A_274 = arith.mulf %add3A_265, %get3A_273 : vector<16xf32>
          %swap3A_275 = arith.constant 0 : i32
          %swap3A_276 = arith.index_cast %scan3A_64 : i32 to index
          %swap3A_277 = arith.index_cast %swap3A_275 : i32 to index
          %swap3A_278 = arith.constant 16 : index
          %swap3A_279 = tpu.vector_load %arg18[%swap3A_276, %swap3A_277, %swap3A_278] {strides = array<i32>} : memref<8x2x112xf32, #tpu.memory_space<vmem>>, vector<16xf32>,
          tpu.vector_store %arg18[%swap3A_276, %swap3A_277, %swap3A_278], %mul3A_274 {strides = array<i32>} : memref<8x2x112xf32, #tpu.memory_space<vmem>>, vector<16xf32>,
          %get3A_280 = arith.constant 1 : i32
          %get3A_281 = arith.index_cast %get3A_280 : i32 to index
          %get3A_282 = arith.index_cast %add3A_179 : i32 to index
          %get3A_283 = tpu.vector_load %arg17[%get3A_281, %get3A_282] {strides = array<i32>} : memref<2x896xf32, #tpu.memory_space<vmem>>, vector<16xf32>,
          %mul3A_284 = arith.mulf %add3A_269, %get3A_283 : vector<16xf32>
          %swap3A_285 = arith.constant 1 : i32
          %swap3A_286 = arith.index_cast %scan3A_64 : i32 to index
          %swap3A_287 = arith.index_cast %swap3A_285 : i32 to index
          %swap3A_288 = arith.constant 16 : index
          %swap3A_289 = tpu.vector_load %arg18[%swap3A_286, %swap3A_287, %swap3A_288] {strides = array<i32>} : memref<8x2x112xf32, #tpu.memory_space<vmem>>, vector<16xf32>,
          tpu.vector_store %arg18[%swap3A_286, %swap3A_287, %swap3A_288], %mul3A_284 {strides = array<i32>} : memref<8x2x112xf32, #tpu.memory_space<vmem>>, vector<16xf32>,
          %mul3A_290 = arith.constant 112 : i32
          %mul3A_291 = arith.muli %scan3A_64, %mul3A_290 : i32
          %add3A_292 = arith.constant 32 : i32
          %add3A_293 = arith.addi %mul3A_291, %add3A_292 : i32
          %mul3A_294 = arith.constant 112 : i32
          %mul3A_295 = arith.muli %scan3A_64, %mul3A_294 : i32
          %add3A_296 = arith.constant 32 : i32
          %add3A_297 = arith.addi %mul3A_295, %add3A_296 : i32
          %add3A_298 = vector.broadcast %add3A_297 : i32 to vector<16xi32>
          %add3A_299 = arith.addi %iota3A, %add3A_298 : vector<16xi32>
          %broadcast_in_dim3A_300 = arith.constant 0.000000e+00 : f32
          %broadcast_in_dim3A_301 = vector.broadcast %broadcast_in_dim3A_300 : f32 to vector<16xf32>
          %broadcast_in_dim3A_302 = arith.constant 0.000000e+00 : f32
          %broadcast_in_dim3A_303 = vector.broadcast %broadcast_in_dim3A_302 : f32 to vector<16xf32>
          %get3A_304 = arith.constant 0 : i32
          %get3A_305 = arith.index_cast %get3A_304 : i32 to index
          %get3A_306 = arith.index_cast %add3A_293 : i32 to index
          %get3A_307 = tpu.vector_load %arg16[%get3A_305, %get3A_306] {strides = array<i32>} : memref<8x896xf32, #tpu.memory_space<vmem>>, vector<16xf32>,
          %get3A_308 = arith.constant 4 : i32
          %get3A_309 = arith.index_cast %get3A_308 : i32 to index
          %get3A_310 = arith.index_cast %add3A_293 : i32 to index
          %get3A_311 = tpu.vector_load %arg16[%get3A_309, %get3A_310] {strides = array<i32>} : memref<8x896xf32, #tpu.memory_space<vmem>>, vector<16xf32>,
          %gather3A_312 = tpu.vector_load_idx %arg12[%add3A_299, %broadcast_in_dim3A_1] : memref<896x8xf32, #tpu.memory_space<vmem>>[vector<16xi32>, vector<16xi32>], vector<16xf32>,
          %gather3A_313 = tpu.vector_load_idx %arg12[%add3A_299, %broadcast_in_dim3A_3] : memref<896x8xf32, #tpu.memory_space<vmem>>[vector<16xi32>, vector<16xi32>], vector<16xf32>,
          %gather3A_314 = tpu.vector_load_idx %arg12[%add3A_299, %broadcast_in_dim3A_5] : memref<896x8xf32, #tpu.memory_space<vmem>>[vector<16xi32>, vector<16xi32>], vector<16xf32>,
          %gather3A_315 = tpu.vector_load_idx %arg12[%add3A_299, %broadcast_in_dim3A_7] : memref<896x8xf32, #tpu.memory_space<vmem>>[vector<16xi32>, vector<16xi32>], vector<16xf32>,
          %mul3A_316 = arith.mulf %get3A_307, %gather3A_312 : vector<16xf32>
          %add3A_317 = arith.addf %broadcast_in_dim3A_301, %mul3A_316 : vector<16xf32>
          %mul3A_318 = arith.mulf %get3A_311, %gather3A_314 : vector<16xf32>
          %add3A_319 = arith.addf %add3A_317, %mul3A_318 : vector<16xf32>
          %mul3A_320 = arith.mulf %get3A_307, %gather3A_313 : vector<16xf32>
          %add3A_321 = arith.addf %broadcast_in_dim3A_303, %mul3A_320 : vector<16xf32>
          %mul3A_322 = arith.mulf %get3A_311, %gather3A_315 : vector<16xf32>
          %add3A_323 = arith.addf %add3A_321, %mul3A_322 : vector<16xf32>
          %get3A_324 = arith.constant 1 : i32
          %get3A_325 = arith.index_cast %get3A_324 : i32 to index
          %get3A_326 = arith.index_cast %add3A_293 : i32 to index
          %get3A_327 = tpu.vector_load %arg16[%get3A_325, %get3A_326] {strides = array<i32>} : memref<8x896xf32, #tpu.memory_space<vmem>>, vector<16xf32>,
          %get3A_328 = arith.constant 5 : i32
          %get3A_329 = arith.index_cast %get3A_328 : i32 to index
          %get3A_330 = arith.index_cast %add3A_293 : i32 to index
          %get3A_331 = tpu.vector_load %arg16[%get3A_329, %get3A_330] {strides = array<i32>} : memref<8x896xf32, #tpu.memory_space<vmem>>, vector<16xf32>,
          %gather3A_332 = tpu.vector_load_idx %arg13[%add3A_299, %broadcast_in_dim3A_1] : memref<896x8xf32, #tpu.memory_space<vmem>>[vector<16xi32>, vector<16xi32>], vector<16xf32>,
          %gather3A_333 = tpu.vector_load_idx %arg13[%add3A_299, %broadcast_in_dim3A_3] : memref<896x8xf32, #tpu.memory_space<vmem>>[vector<16xi32>, vector<16xi32>], vector<16xf32>,
          %gather3A_334 = tpu.vector_load_idx %arg13[%add3A_299, %broadcast_in_dim3A_5] : memref<896x8xf32, #tpu.memory_space<vmem>>[vector<16xi32>, vector<16xi32>], vector<16xf32>,
          %gather3A_335 = tpu.vector_load_idx %arg13[%add3A_299, %broadcast_in_dim3A_7] : memref<896x8xf32, #tpu.memory_space<vmem>>[vector<16xi32>, vector<16xi32>], vector<16xf32>,
          %mul3A_336 = arith.mulf %get3A_327, %gather3A_332 : vector<16xf32>
          %add3A_337 = arith.addf %add3A_319, %mul3A_336 : vector<16xf32>
          %mul3A_338 = arith.mulf %get3A_331, %gather3A_334 : vector<16xf32>
          %add3A_339 = arith.addf %add3A_337, %mul3A_338 : vector<16xf32>
          %mul3A_340 = arith.mulf %get3A_327, %gather3A_333 : vector<16xf32>
          %add3A_341 = arith.addf %add3A_323, %mul3A_340 : vector<16xf32>
          %mul3A_342 = arith.mulf %get3A_331, %gather3A_335 : vector<16xf32>
          %add3A_343 = arith.addf %add3A_341, %mul3A_342 : vector<16xf32>
          %get3A_344 = arith.constant 2 : i32
          %get3A_345 = arith.index_cast %get3A_344 : i32 to index
          %get3A_346 = arith.index_cast %add3A_293 : i32 to index
          %get3A_347 = tpu.vector_load %arg16[%get3A_345, %get3A_346] {strides = array<i32>} : memref<8x896xf32, #tpu.memory_space<vmem>>, vector<16xf32>,
          %get3A_348 = arith.constant 6 : i32
          %get3A_349 = arith.index_cast %get3A_348 : i32 to index
          %get3A_350 = arith.index_cast %add3A_293 : i32 to index
          %get3A_351 = tpu.vector_load %arg16[%get3A_349, %get3A_350] {strides = array<i32>} : memref<8x896xf32, #tpu.memory_space<vmem>>, vector<16xf32>,
          %gather3A_352 = tpu.vector_load_idx %arg14[%add3A_299, %broadcast_in_dim3A_1] : memref<896x8xf32, #tpu.memory_space<vmem>>[vector<16xi32>, vector<16xi32>], vector<16xf32>,
          %gather3A_353 = tpu.vector_load_idx %arg14[%add3A_299, %broadcast_in_dim3A_3] : memref<896x8xf32, #tpu.memory_space<vmem>>[vector<16xi32>, vector<16xi32>], vector<16xf32>,
          %gather3A_354 = tpu.vector_load_idx %arg14[%add3A_299, %broadcast_in_dim3A_5] : memref<896x8xf32, #tpu.memory_space<vmem>>[vector<16xi32>, vector<16xi32>], vector<16xf32>,
          %gather3A_355 = tpu.vector_load_idx %arg14[%add3A_299, %broadcast_in_dim3A_7] : memref<896x8xf32, #tpu.memory_space<vmem>>[vector<16xi32>, vector<16xi32>], vector<16xf32>,
          %mul3A_356 = arith.mulf %get3A_347, %gather3A_352 : vector<16xf32>
          %add3A_357 = arith.addf %add3A_339, %mul3A_356 : vector<16xf32>
          %mul3A_358 = arith.mulf %get3A_351, %gather3A_354 : vector<16xf32>
          %add3A_359 = arith.addf %add3A_357, %mul3A_358 : vector<16xf32>
          %mul3A_360 = arith.mulf %get3A_347, %gather3A_353 : vector<16xf32>
          %add3A_361 = arith.addf %add3A_343, %mul3A_360 : vector<16xf32>
          %mul3A_362 = arith.mulf %get3A_351, %gather3A_355 : vector<16xf32>
          %add3A_363 = arith.addf %add3A_361, %mul3A_362 : vector<16xf32>
          %get3A_364 = arith.constant 3 : i32
          %get3A_365 = arith.index_cast %get3A_364 : i32 to index
          %get3A_366 = arith.index_cast %add3A_293 : i32 to index
          %get3A_367 = tpu.vector_load %arg16[%get3A_365, %get3A_366] {strides = array<i32>} : memref<8x896xf32, #tpu.memory_space<vmem>>, vector<16xf32>,
          %get3A_368 = arith.constant 7 : i32
          %get3A_369 = arith.index_cast %get3A_368 : i32 to index
          %get3A_370 = arith.index_cast %add3A_293 : i32 to index
          %get3A_371 = tpu.vector_load %arg16[%get3A_369, %get3A_370] {strides = array<i32>} : memref<8x896xf32, #tpu.memory_space<vmem>>, vector<16xf32>,
          %gather3A_372 = tpu.vector_load_idx %arg15[%add3A_299, %broadcast_in_dim3A_1] : memref<896x8xf32, #tpu.memory_space<vmem>>[vector<16xi32>, vector<16xi32>], vector<16xf32>,
          %gather3A_373 = tpu.vector_load_idx %arg15[%add3A_299, %broadcast_in_dim3A_3] : memref<896x8xf32, #tpu.memory_space<vmem>>[vector<16xi32>, vector<16xi32>], vector<16xf32>,
          %gather3A_374 = tpu.vector_load_idx %arg15[%add3A_299, %broadcast_in_dim3A_5] : memref<896x8xf32, #tpu.memory_space<vmem>>[vector<16xi32>, vector<16xi32>], vector<16xf32>,
          %gather3A_375 = tpu.vector_load_idx %arg15[%add3A_299, %broadcast_in_dim3A_7] : memref<896x8xf32, #tpu.memory_space<vmem>>[vector<16xi32>, vector<16xi32>], vector<16xf32>,
          %mul3A_376 = arith.mulf %get3A_367, %gather3A_372 : vector<16xf32>
          %add3A_377 = arith.addf %add3A_359, %mul3A_376 : vector<16xf32>
          %mul3A_378 = arith.mulf %get3A_371, %gather3A_374 : vector<16xf32>
          %add3A_379 = arith.addf %add3A_377, %mul3A_378 : vector<16xf32>
          %mul3A_380 = arith.mulf %get3A_367, %gather3A_373 : vector<16xf32>
          %add3A_381 = arith.addf %add3A_363, %mul3A_380 : vector<16xf32>
          %mul3A_382 = arith.mulf %get3A_371, %gather3A_375 : vector<16xf32>
          %add3A_383 = arith.addf %add3A_381, %mul3A_382 : vector<16xf32>
          %get3A_384 = arith.constant 0 : i32
          %get3A_385 = arith.index_cast %get3A_384 : i32 to index
          %get3A_386 = arith.index_cast %add3A_293 : i32 to index
          %get3A_387 = tpu.vector_load %arg17[%get3A_385, %get3A_386] {strides = array<i32>} : memref<2x896xf32, #tpu.memory_space<vmem>>, vector<16xf32>,
          %mul3A_388 = arith.mulf %add3A_379, %get3A_387 : vector<16xf32>
          %swap3A_389 = arith.constant 0 : i32
          %swap3A_390 = arith.index_cast %scan3A_64 : i32 to index
          %swap3A_391 = arith.index_cast %swap3A_389 : i32 to index
          %swap3A_392 = arith.constant 32 : index
          %swap3A_393 = tpu.vector_load %arg18[%swap3A_390, %swap3A_391, %swap3A_392] {strides = array<i32>} : memref<8x2x112xf32, #tpu.memory_space<vmem>>, vector<16xf32>,
          tpu.vector_store %arg18[%swap3A_390, %swap3A_391, %swap3A_392], %mul3A_388 {strides = array<i32>} : memref<8x2x112xf32, #tpu.memory_space<vmem>>, vector<16xf32>,
          %get3A_394 = arith.constant 1 : i32
          %get3A_395 = arith.index_cast %get3A_394 : i32 to index
          %get3A_396 = arith.index_cast %add3A_293 : i32 to index
          %get3A_397 = tpu.vector_load %arg17[%get3A_395, %get3A_396] {strides = array<i32>} : memref<2x896xf32, #tpu.memory_space<vmem>>, vector<16xf32>,
          %mul3A_398 = arith.mulf %add3A_383, %get3A_397 : vector<16xf32>
          %swap3A_399 = arith.constant 1 : i32
          %swap3A_400 = arith.index_cast %scan3A_64 : i32 to index
          %swap3A_401 = arith.index_cast %swap3A_399 : i32 to index
          %swap3A_402 = arith.constant 32 : index
          %swap3A_403 = tpu.vector_load %arg18[%swap3A_400, %swap3A_401, %swap3A_402] {strides = array<i32>} : memref<8x2x112xf32, #tpu.memory_space<vmem>>, vector<16xf32>,
          tpu.vector_store %arg18[%swap3A_400, %swap3A_401, %swap3A_402], %mul3A_398 {strides = array<i32>} : memref<8x2x112xf32, #tpu.memory_space<vmem>>, vector<16xf32>,
          %mul3A_404 = arith.constant 112 : i32
          %mul3A_405 = arith.muli %scan3A_64, %mul3A_404 : i32
          %add3A_406 = arith.constant 48 : i32
          %add3A_407 = arith.addi %mul3A_405, %add3A_406 : i32
          %mul3A_408 = arith.constant 112 : i32
          %mul3A_409 = arith.muli %scan3A_64, %mul3A_408 : i32
          %add3A_410 = arith.constant 48 : i32
          %add3A_411 = arith.addi %mul3A_409, %add3A_410 : i32
          %add3A_412 = vector.broadcast %add3A_411 : i32 to vector<16xi32>
          %add3A_413 = arith.addi %iota3A, %add3A_412 : vector<16xi32>
          %broadcast_in_dim3A_414 = arith.constant 0.000000e+00 : f32
          %broadcast_in_dim3A_415 = vector.broadcast %broadcast_in_dim3A_414 : f32 to vector<16xf32>
          %broadcast_in_dim3A_416 = arith.constant 0.000000e+00 : f32
          %broadcast_in_dim3A_417 = vector.broadcast %broadcast_in_dim3A_416 : f32 to vector<16xf32>
          %get3A_418 = arith.constant 0 : i32
          %get3A_419 = arith.index_cast %get3A_418 : i32 to index
          %get3A_420 = arith.index_cast %add3A_407 : i32 to index
          %get3A_421 = tpu.vector_load %arg16[%get3A_419, %get3A_420] {strides = array<i32>} : memref<8x896xf32, #tpu.memory_space<vmem>>, vector<16xf32>,
          %get3A_422 = arith.constant 4 : i32
          %get3A_423 = arith.index_cast %get3A_422 : i32 to index
          %get3A_424 = arith.index_cast %add3A_407 : i32 to index
          %get3A_425 = tpu.vector_load %arg16[%get3A_423, %get3A_424] {strides = array<i32>} : memref<8x896xf32, #tpu.memory_space<vmem>>, vector<16xf32>,
          %gather3A_426 = tpu.vector_load_idx %arg12[%add3A_413, %broadcast_in_dim3A_1] : memref<896x8xf32, #tpu.memory_space<vmem>>[vector<16xi32>, vector<16xi32>], vector<16xf32>,
          %gather3A_427 = tpu.vector_load_idx %arg12[%add3A_413, %broadcast_in_dim3A_3] : memref<896x8xf32, #tpu.memory_space<vmem>>[vector<16xi32>, vector<16xi32>], vector<16xf32>,
          %gather3A_428 = tpu.vector_load_idx %arg12[%add3A_413, %broadcast_in_dim3A_5] : memref<896x8xf32, #tpu.memory_space<vmem>>[vector<16xi32>, vector<16xi32>], vector<16xf32>,
          %gather3A_429 = tpu.vector_load_idx %arg12[%add3A_413, %broadcast_in_dim3A_7] : memref<896x8xf32, #tpu.memory_space<vmem>>[vector<16xi32>, vector<16xi32>], vector<16xf32>,
          %mul3A_430 = arith.mulf %get3A_421, %gather3A_426 : vector<16xf32>
          %add3A_431 = arith.addf %broadcast_in_dim3A_415, %mul3A_430 : vector<16xf32>
          %mul3A_432 = arith.mulf %get3A_425, %gather3A_428 : vector<16xf32>
          %add3A_433 = arith.addf %add3A_431, %mul3A_432 : vector<16xf32>
          %mul3A_434 = arith.mulf %get3A_421, %gather3A_427 : vector<16xf32>
          %add3A_435 = arith.addf %broadcast_in_dim3A_417, %mul3A_434 : vector<16xf32>
          %mul3A_436 = arith.mulf %get3A_425, %gather3A_429 : vector<16xf32>
          %add3A_437 = arith.addf %add3A_435, %mul3A_436 : vector<16xf32>
          %get3A_438 = arith.constant 1 : i32
          %get3A_439 = arith.index_cast %get3A_438 : i32 to index
          %get3A_440 = arith.index_cast %add3A_407 : i32 to index
          %get3A_441 = tpu.vector_load %arg16[%get3A_439, %get3A_440] {strides = array<i32>} : memref<8x896xf32, #tpu.memory_space<vmem>>, vector<16xf32>,
          %get3A_442 = arith.constant 5 : i32
          %get3A_443 = arith.index_cast %get3A_442 : i32 to index
          %get3A_444 = arith.index_cast %add3A_407 : i32 to index
          %get3A_445 = tpu.vector_load %arg16[%get3A_443, %get3A_444] {strides = array<i32>} : memref<8x896xf32, #tpu.memory_space<vmem>>, vector<16xf32>,
          %gather3A_446 = tpu.vector_load_idx %arg13[%add3A_413, %broadcast_in_dim3A_1] : memref<896x8xf32, #tpu.memory_space<vmem>>[vector<16xi32>, vector<16xi32>], vector<16xf32>,
          %gather3A_447 = tpu.vector_load_idx %arg13[%add3A_413, %broadcast_in_dim3A_3] : memref<896x8xf32, #tpu.memory_space<vmem>>[vector<16xi32>, vector<16xi32>], vector<16xf32>,
          %gather3A_448 = tpu.vector_load_idx %arg13[%add3A_413, %broadcast_in_dim3A_5] : memref<896x8xf32, #tpu.memory_space<vmem>>[vector<16xi32>, vector<16xi32>], vector<16xf32>,
          %gather3A_449 = tpu.vector_load_idx %arg13[%add3A_413, %broadcast_in_dim3A_7] : memref<896x8xf32, #tpu.memory_space<vmem>>[vector<16xi32>, vector<16xi32>], vector<16xf32>,
          %mul3A_450 = arith.mulf %get3A_441, %gather3A_446 : vector<16xf32>
          %add3A_451 = arith.addf %add3A_433, %mul3A_450 : vector<16xf32>
          %mul3A_452 = arith.mulf %get3A_445, %gather3A_448 : vector<16xf32>
          %add3A_453 = arith.addf %add3A_451, %mul3A_452 : vector<16xf32>
          %mul3A_454 = arith.mulf %get3A_441, %gather3A_447 : vector<16xf32>
          %add3A_455 = arith.addf %add3A_437, %mul3A_454 : vector<16xf32>
          %mul3A_456 = arith.mulf %get3A_445, %gather3A_449 : vector<16xf32>
          %add3A_457 = arith.addf %add3A_455, %mul3A_456 : vector<16xf32>
          %get3A_458 = arith.constant 2 : i32
          %get3A_459 = arith.index_cast %get3A_458 : i32 to index
          %get3A_460 = arith.index_cast %add3A_407 : i32 to index
          %get3A_461 = tpu.vector_load %arg16[%get3A_459, %get3A_460] {strides = array<i32>} : memref<8x896xf32, #tpu.memory_space<vmem>>, vector<16xf32>,
          %get3A_462 = arith.constant 6 : i32
          %get3A_463 = arith.index_cast %get3A_462 : i32 to index
          %get3A_464 = arith.index_cast %add3A_407 : i32 to index
          %get3A_465 = tpu.vector_load %arg16[%get3A_463, %get3A_464] {strides = array<i32>} : memref<8x896xf32, #tpu.memory_space<vmem>>, vector<16xf32>,
          %gather3A_466 = tpu.vector_load_idx %arg14[%add3A_413, %broadcast_in_dim3A_1] : memref<896x8xf32, #tpu.memory_space<vmem>>[vector<16xi32>, vector<16xi32>], vector<16xf32>,
          %gather3A_467 = tpu.vector_load_idx %arg14[%add3A_413, %broadcast_in_dim3A_3] : memref<896x8xf32, #tpu.memory_space<vmem>>[vector<16xi32>, vector<16xi32>], vector<16xf32>,
          %gather3A_468 = tpu.vector_load_idx %arg14[%add3A_413, %broadcast_in_dim3A_5] : memref<896x8xf32, #tpu.memory_space<vmem>>[vector<16xi32>, vector<16xi32>], vector<16xf32>,
          %gather3A_469 = tpu.vector_load_idx %arg14[%add3A_413, %broadcast_in_dim3A_7] : memref<896x8xf32, #tpu.memory_space<vmem>>[vector<16xi32>, vector<16xi32>], vector<16xf32>,
          %mul3A_470 = arith.mulf %get3A_461, %gather3A_466 : vector<16xf32>
          %add3A_471 = arith.addf %add3A_453, %mul3A_470 : vector<16xf32>
          %mul3A_472 = arith.mulf %get3A_465, %gather3A_468 : vector<16xf32>
          %add3A_473 = arith.addf %add3A_471, %mul3A_472 : vector<16xf32>
          %mul3A_474 = arith.mulf %get3A_461, %gather3A_467 : vector<16xf32>
          %add3A_475 = arith.addf %add3A_457, %mul3A_474 : vector<16xf32>
          %mul3A_476 = arith.mulf %get3A_465, %gather3A_469 : vector<16xf32>
          %add3A_477 = arith.addf %add3A_475, %mul3A_476 : vector<16xf32>
          %get3A_478 = arith.constant 3 : i32
          %get3A_479 = arith.index_cast %get3A_478 : i32 to index
          %get3A_480 = arith.index_cast %add3A_407 : i32 to index
          %get3A_481 = tpu.vector_load %arg16[%get3A_479, %get3A_480] {strides = array<i32>} : memref<8x896xf32, #tpu.memory_space<vmem>>, vector<16xf32>,
          %get3A_482 = arith.constant 7 : i32
          %get3A_483 = arith.index_cast %get3A_482 : i32 to index
          %get3A_484 = arith.index_cast %add3A_407 : i32 to index
          %get3A_485 = tpu.vector_load %arg16[%get3A_483, %get3A_484] {strides = array<i32>} : memref<8x896xf32, #tpu.memory_space<vmem>>, vector<16xf32>,
          %gather3A_486 = tpu.vector_load_idx %arg15[%add3A_413, %broadcast_in_dim3A_1] : memref<896x8xf32, #tpu.memory_space<vmem>>[vector<16xi32>, vector<16xi32>], vector<16xf32>,
          %gather3A_487 = tpu.vector_load_idx %arg15[%add3A_413, %broadcast_in_dim3A_3] : memref<896x8xf32, #tpu.memory_space<vmem>>[vector<16xi32>, vector<16xi32>], vector<16xf32>,
          %gather3A_488 = tpu.vector_load_idx %arg15[%add3A_413, %broadcast_in_dim3A_5] : memref<896x8xf32, #tpu.memory_space<vmem>>[vector<16xi32>, vector<16xi32>], vector<16xf32>,
          %gather3A_489 = tpu.vector_load_idx %arg15[%add3A_413, %broadcast_in_dim3A_7] : memref<896x8xf32, #tpu.memory_space<vmem>>[vector<16xi32>, vector<16xi32>], vector<16xf32>,
          %mul3A_490 = arith.mulf %get3A_481, %gather3A_486 : vector<16xf32>
          %add3A_491 = arith.addf %add3A_473, %mul3A_490 : vector<16xf32>
          %mul3A_492 = arith.mulf %get3A_485, %gather3A_488 : vector<16xf32>
          %add3A_493 = arith.addf %add3A_491, %mul3A_492 : vector<16xf32>
          %mul3A_494 = arith.mulf %get3A_481, %gather3A_487 : vector<16xf32>
          %add3A_495 = arith.addf %add3A_477, %mul3A_494 : vector<16xf32>
          %mul3A_496 = arith.mulf %get3A_485, %gather3A_489 : vector<16xf32>
          %add3A_497 = arith.addf %add3A_495, %mul3A_496 : vector<16xf32>
          %get3A_498 = arith.constant 0 : i32
          %get3A_499 = arith.index_cast %get3A_498 : i32 to index
          %get3A_500 = arith.index_cast %add3A_407 : i32 to index
          %get3A_501 = tpu.vector_load %arg17[%get3A_499, %get3A_500] {strides = array<i32>} : memref<2x896xf32, #tpu.memory_space<vmem>>, vector<16xf32>,
          %mul3A_502 = arith.mulf %add3A_493, %get3A_501 : vector<16xf32>
          %swap3A_503 = arith.constant 0 : i32
          %swap3A_504 = arith.index_cast %scan3A_64 : i32 to index
          %swap3A_505 = arith.index_cast %swap3A_503 : i32 to index
          %swap3A_506 = arith.constant 48 : index
          %swap3A_507 = tpu.vector_load %arg18[%swap3A_504, %swap3A_505, %swap3A_506] {strides = array<i32>} : memref<8x2x112xf32, #tpu.memory_space<vmem>>, vector<16xf32>,
          tpu.vector_store %arg18[%swap3A_504, %swap3A_505, %swap3A_506], %mul3A_502 {strides = array<i32>} : memref<8x2x112xf32, #tpu.memory_space<vmem>>, vector<16xf32>,
          %get3A_508 = arith.constant 1 : i32
          %get3A_509 = arith.index_cast %get3A_508 : i32 to index
          %get3A_510 = arith.index_cast %add3A_407 : i32 to index
          %get3A_511 = tpu.vector_load %arg17[%get3A_509, %get3A_510] {strides = array<i32>} : memref<2x896xf32, #tpu.memory_space<vmem>>, vector<16xf32>,
          %mul3A_512 = arith.mulf %add3A_497, %get3A_511 : vector<16xf32>
          %swap3A_513 = arith.constant 1 : i32
          %swap3A_514 = arith.index_cast %scan3A_64 : i32 to index
          %swap3A_515 = arith.index_cast %swap3A_513 : i32 to index
          %swap3A_516 = arith.constant 48 : index
          %swap3A_517 = tpu.vector_load %arg18[%swap3A_514, %swap3A_515, %swap3A_516] {strides = array<i32>} : memref<8x2x112xf32, #tpu.memory_space<vmem>>, vector<16xf32>,
          tpu.vector_store %arg18[%swap3A_514, %swap3A_515, %swap3A_516], %mul3A_512 {strides = array<i32>} : memref<8x2x112xf32, #tpu.memory_space<vmem>>, vector<16xf32>,
          %mul3A_518 = arith.constant 112 : i32
          %mul3A_519 = arith.muli %scan3A_64, %mul3A_518 : i32
          %add3A_520 = arith.constant 64 : i32
          %add3A_521 = arith.addi %mul3A_519, %add3A_520 : i32
          %mul3A_522 = arith.constant 112 : i32
          %mul3A_523 = arith.muli %scan3A_64, %mul3A_522 : i32
          %add3A_524 = arith.constant 64 : i32
          %add3A_525 = arith.addi %mul3A_523, %add3A_524 : i32
          %add3A_526 = vector.broadcast %add3A_525 : i32 to vector<16xi32>
          %add3A_527 = arith.addi %iota3A, %add3A_526 : vector<16xi32>
          %broadcast_in_dim3A_528 = arith.constant 0.000000e+00 : f32
          %broadcast_in_dim3A_529 = vector.broadcast %broadcast_in_dim3A_528 : f32 to vector<16xf32>
          %broadcast_in_dim3A_530 = arith.constant 0.000000e+00 : f32
          %broadcast_in_dim3A_531 = vector.broadcast %broadcast_in_dim3A_530 : f32 to vector<16xf32>
          %get3A_532 = arith.constant 0 : i32
          %get3A_533 = arith.index_cast %get3A_532 : i32 to index
          %get3A_534 = arith.index_cast %add3A_521 : i32 to index
          %get3A_535 = tpu.vector_load %arg16[%get3A_533, %get3A_534] {strides = array<i32>} : memref<8x896xf32, #tpu.memory_space<vmem>>, vector<16xf32>,
          %get3A_536 = arith.constant 4 : i32
          %get3A_537 = arith.index_cast %get3A_536 : i32 to index
          %get3A_538 = arith.index_cast %add3A_521 : i32 to index
          %get3A_539 = tpu.vector_load %arg16[%get3A_537, %get3A_538] {strides = array<i32>} : memref<8x896xf32, #tpu.memory_space<vmem>>, vector<16xf32>,
          %gather3A_540 = tpu.vector_load_idx %arg12[%add3A_527, %broadcast_in_dim3A_1] : memref<896x8xf32, #tpu.memory_space<vmem>>[vector<16xi32>, vector<16xi32>], vector<16xf32>,
          %gather3A_541 = tpu.vector_load_idx %arg12[%add3A_527, %broadcast_in_dim3A_3] : memref<896x8xf32, #tpu.memory_space<vmem>>[vector<16xi32>, vector<16xi32>], vector<16xf32>,
          %gather3A_542 = tpu.vector_load_idx %arg12[%add3A_527, %broadcast_in_dim3A_5] : memref<896x8xf32, #tpu.memory_space<vmem>>[vector<16xi32>, vector<16xi32>], vector<16xf32>,
          %gather3A_543 = tpu.vector_load_idx %arg12[%add3A_527, %broadcast_in_dim3A_7] : memref<896x8xf32, #tpu.memory_space<vmem>>[vector<16xi32>, vector<16xi32>], vector<16xf32>,
          %mul3A_544 = arith.mulf %get3A_535, %gather3A_540 : vector<16xf32>
          %add3A_545 = arith.addf %broadcast_in_dim3A_529, %mul3A_544 : vector<16xf32>
          %mul3A_546 = arith.mulf %get3A_539, %gather3A_542 : vector<16xf32>
          %add3A_547 = arith.addf %add3A_545, %mul3A_546 : vector<16xf32>
          %mul3A_548 = arith.mulf %get3A_535, %gather3A_541 : vector<16xf32>
          %add3A_549 = arith.addf %broadcast_in_dim3A_531, %mul3A_548 : vector<16xf32>
          %mul3A_550 = arith.mulf %get3A_539, %gather3A_543 : vector<16xf32>
          %add3A_551 = arith.addf %add3A_549, %mul3A_550 : vector<16xf32>
          %get3A_552 = arith.constant 1 : i32
          %get3A_553 = arith.index_cast %get3A_552 : i32 to index
          %get3A_554 = arith.index_cast %add3A_521 : i32 to index
          %get3A_555 = tpu.vector_load %arg16[%get3A_553, %get3A_554] {strides = array<i32>} : memref<8x896xf32, #tpu.memory_space<vmem>>, vector<16xf32>,
          %get3A_556 = arith.constant 5 : i32
          %get3A_557 = arith.index_cast %get3A_556 : i32 to index
          %get3A_558 = arith.index_cast %add3A_521 : i32 to index
          %get3A_559 = tpu.vector_load %arg16[%get3A_557, %get3A_558] {strides = array<i32>} : memref<8x896xf32, #tpu.memory_space<vmem>>, vector<16xf32>,
          %gather3A_560 = tpu.vector_load_idx %arg13[%add3A_527, %broadcast_in_dim3A_1] : memref<896x8xf32, #tpu.memory_space<vmem>>[vector<16xi32>, vector<16xi32>], vector<16xf32>,
          %gather3A_561 = tpu.vector_load_idx %arg13[%add3A_527, %broadcast_in_dim3A_3] : memref<896x8xf32, #tpu.memory_space<vmem>>[vector<16xi32>, vector<16xi32>], vector<16xf32>,
          %gather3A_562 = tpu.vector_load_idx %arg13[%add3A_527, %broadcast_in_dim3A_5] : memref<896x8xf32, #tpu.memory_space<vmem>>[vector<16xi32>, vector<16xi32>], vector<16xf32>,
          %gather3A_563 = tpu.vector_load_idx %arg13[%add3A_527, %broadcast_in_dim3A_7] : memref<896x8xf32, #tpu.memory_space<vmem>>[vector<16xi32>, vector<16xi32>], vector<16xf32>,
          %mul3A_564 = arith.mulf %get3A_555, %gather3A_560 : vector<16xf32>
          %add3A_565 = arith.addf %add3A_547, %mul3A_564 : vector<16xf32>
          %mul3A_566 = arith.mulf %get3A_559, %gather3A_562 : vector<16xf32>
          %add3A_567 = arith.addf %add3A_565, %mul3A_566 : vector<16xf32>
          %mul3A_568 = arith.mulf %get3A_555, %gather3A_561 : vector<16xf32>
          %add3A_569 = arith.addf %add3A_551, %mul3A_568 : vector<16xf32>
          %mul3A_570 = arith.mulf %get3A_559, %gather3A_563 : vector<16xf32>
          %add3A_571 = arith.addf %add3A_569, %mul3A_570 : vector<16xf32>
          %get3A_572 = arith.constant 2 : i32
          %get3A_573 = arith.index_cast %get3A_572 : i32 to index
          %get3A_574 = arith.index_cast %add3A_521 : i32 to index
          %get3A_575 = tpu.vector_load %arg16[%get3A_573, %get3A_574] {strides = array<i32>} : memref<8x896xf32, #tpu.memory_space<vmem>>, vector<16xf32>,
          %get3A_576 = arith.constant 6 : i32
          %get3A_577 = arith.index_cast %get3A_576 : i32 to index
          %get3A_578 = arith.index_cast %add3A_521 : i32 to index
          %get3A_579 = tpu.vector_load %arg16[%get3A_577, %get3A_578] {strides = array<i32>} : memref<8x896xf32, #tpu.memory_space<vmem>>, vector<16xf32>,
          %gather3A_580 = tpu.vector_load_idx %arg14[%add3A_527, %broadcast_in_dim3A_1] : memref<896x8xf32, #tpu.memory_space<vmem>>[vector<16xi32>, vector<16xi32>], vector<16xf32>,
          %gather3A_581 = tpu.vector_load_idx %arg14[%add3A_527, %broadcast_in_dim3A_3] : memref<896x8xf32, #tpu.memory_space<vmem>>[vector<16xi32>, vector<16xi32>], vector<16xf32>,
          %gather3A_582 = tpu.vector_load_idx %arg14[%add3A_527, %broadcast_in_dim3A_5] : memref<896x8xf32, #tpu.memory_space<vmem>>[vector<16xi32>, vector<16xi32>], vector<16xf32>,
          %gather3A_583 = tpu.vector_load_idx %arg14[%add3A_527, %broadcast_in_dim3A_7] : memref<896x8xf32, #tpu.memory_space<vmem>>[vector<16xi32>, vector<16xi32>], vector<16xf32>,
          %mul3A_584 = arith.mulf %get3A_575, %gather3A_580 : vector<16xf32>
          %add3A_585 = arith.addf %add3A_567, %mul3A_584 : vector<16xf32>
          %mul3A_586 = arith.mulf %get3A_579, %gather3A_582 : vector<16xf32>
          %add3A_587 = arith.addf %add3A_585, %mul3A_586 : vector<16xf32>
          %mul3A_588 = arith.mulf %get3A_575, %gather3A_581 : vector<16xf32>
          %add3A_589 = arith.addf %add3A_571, %mul3A_588 : vector<16xf32>
          %mul3A_590 = arith.mulf %get3A_579, %gather3A_583 : vector<16xf32>
          %add3A_591 = arith.addf %add3A_589, %mul3A_590 : vector<16xf32>
          %get3A_592 = arith.constant 3 : i32
          %get3A_593 = arith.index_cast %get3A_592 : i32 to index
          %get3A_594 = arith.index_cast %add3A_521 : i32 to index
          %get3A_595 = tpu.vector_load %arg16[%get3A_593, %get3A_594] {strides = array<i32>} : memref<8x896xf32, #tpu.memory_space<vmem>>, vector<16xf32>,
          %get3A_596 = arith.constant 7 : i32
          %get3A_597 = arith.index_cast %get3A_596 : i32 to index
          %get3A_598 = arith.index_cast %add3A_521 : i32 to index
          %get3A_599 = tpu.vector_load %arg16[%get3A_597, %get3A_598] {strides = array<i32>} : memref<8x896xf32, #tpu.memory_space<vmem>>, vector<16xf32>,
          %gather3A_600 = tpu.vector_load_idx %arg15[%add3A_527, %broadcast_in_dim3A_1] : memref<896x8xf32, #tpu.memory_space<vmem>>[vector<16xi32>, vector<16xi32>], vector<16xf32>,
          %gather3A_601 = tpu.vector_load_idx %arg15[%add3A_527, %broadcast_in_dim3A_3] : memref<896x8xf32, #tpu.memory_space<vmem>>[vector<16xi32>, vector<16xi32>], vector<16xf32>,
          %gather3A_602 = tpu.vector_load_idx %arg15[%add3A_527, %broadcast_in_dim3A_5] : memref<896x8xf32, #tpu.memory_space<vmem>>[vector<16xi32>, vector<16xi32>], vector<16xf32>,
          %gather3A_603 = tpu.vector_load_idx %arg15[%add3A_527, %broadcast_in_dim3A_7] : memref<896x8xf32, #tpu.memory_space<vmem>>[vector<16xi32>, vector<16xi32>], vector<16xf32>,
          %mul3A_604 = arith.mulf %get3A_595, %gather3A_600 : vector<16xf32>
          %add3A_605 = arith.addf %add3A_587, %mul3A_604 : vector<16xf32>
          %mul3A_606 = arith.mulf %get3A_599, %gather3A_602 : vector<16xf32>
          %add3A_607 = arith.addf %add3A_605, %mul3A_606 : vector<16xf32>
          %mul3A_608 = arith.mulf %get3A_595, %gather3A_601 : vector<16xf32>
          %add3A_609 = arith.addf %add3A_591, %mul3A_608 : vector<16xf32>
          %mul3A_610 = arith.mulf %get3A_599, %gather3A_603 : vector<16xf32>
          %add3A_611 = arith.addf %add3A_609, %mul3A_610 : vector<16xf32>
          %get3A_612 = arith.constant 0 : i32
          %get3A_613 = arith.index_cast %get3A_612 : i32 to index
          %get3A_614 = arith.index_cast %add3A_521 : i32 to index
          %get3A_615 = tpu.vector_load %arg17[%get3A_613, %get3A_614] {strides = array<i32>} : memref<2x896xf32, #tpu.memory_space<vmem>>, vector<16xf32>,
          %mul3A_616 = arith.mulf %add3A_607, %get3A_615 : vector<16xf32>
          %swap3A_617 = arith.constant 0 : i32
          %swap3A_618 = arith.index_cast %scan3A_64 : i32 to index
          %swap3A_619 = arith.index_cast %swap3A_617 : i32 to index
          %swap3A_620 = arith.constant 64 : index
          %swap3A_621 = tpu.vector_load %arg18[%swap3A_618, %swap3A_619, %swap3A_620] {strides = array<i32>} : memref<8x2x112xf32, #tpu.memory_space<vmem>>, vector<16xf32>,
          tpu.vector_store %arg18[%swap3A_618, %swap3A_619, %swap3A_620], %mul3A_616 {strides = array<i32>} : memref<8x2x112xf32, #tpu.memory_space<vmem>>, vector<16xf32>,
          %get3A_622 = arith.constant 1 : i32
          %get3A_623 = arith.index_cast %get3A_622 : i32 to index
          %get3A_624 = arith.index_cast %add3A_521 : i32 to index
          %get3A_625 = tpu.vector_load %arg17[%get3A_623, %get3A_624] {strides = array<i32>} : memref<2x896xf32, #tpu.memory_space<vmem>>, vector<16xf32>,
          %mul3A_626 = arith.mulf %add3A_611, %get3A_625 : vector<16xf32>
          %swap3A_627 = arith.constant 1 : i32
          %swap3A_628 = arith.index_cast %scan3A_64 : i32 to index
          %swap3A_629 = arith.index_cast %swap3A_627 : i32 to index
          %swap3A_630 = arith.constant 64 : index
          %swap3A_631 = tpu.vector_load %arg18[%swap3A_628, %swap3A_629, %swap3A_630] {strides = array<i32>} : memref<8x2x112xf32, #tpu.memory_space<vmem>>, vector<16xf32>,
          tpu.vector_store %arg18[%swap3A_628, %swap3A_629, %swap3A_630], %mul3A_626 {strides = array<i32>} : memref<8x2x112xf32, #tpu.memory_space<vmem>>, vector<16xf32>,
          %mul3A_632 = arith.constant 112 : i32
          %mul3A_633 = arith.muli %scan3A_64, %mul3A_632 : i32
          %add3A_634 = arith.constant 80 : i32
          %add3A_635 = arith.addi %mul3A_633, %add3A_634 : i32
          %mul3A_636 = arith.constant 112 : i32
          %mul3A_637 = arith.muli %scan3A_64, %mul3A_636 : i32
          %add3A_638 = arith.constant 80 : i32
          %add3A_639 = arith.addi %mul3A_637, %add3A_638 : i32
          %add3A_640 = vector.broadcast %add3A_639 : i32 to vector<16xi32>
          %add3A_641 = arith.addi %iota3A, %add3A_640 : vector<16xi32>
          %broadcast_in_dim3A_642 = arith.constant 0.000000e+00 : f32
          %broadcast_in_dim3A_643 = vector.broadcast %broadcast_in_dim3A_642 : f32 to vector<16xf32>
          %broadcast_in_dim3A_644 = arith.constant 0.000000e+00 : f32
          %broadcast_in_dim3A_645 = vector.broadcast %broadcast_in_dim3A_644 : f32 to vector<16xf32>
          %get3A_646 = arith.constant 0 : i32
          %get3A_647 = arith.index_cast %get3A_646 : i32 to index
          %get3A_648 = arith.index_cast %add3A_635 : i32 to index
          %get3A_649 = tpu.vector_load %arg16[%get3A_647, %get3A_648] {strides = array<i32>} : memref<8x896xf32, #tpu.memory_space<vmem>>, vector<16xf32>,
          %get3A_650 = arith.constant 4 : i32
          %get3A_651 = arith.index_cast %get3A_650 : i32 to index
          %get3A_652 = arith.index_cast %add3A_635 : i32 to index
          %get3A_653 = tpu.vector_load %arg16[%get3A_651, %get3A_652] {strides = array<i32>} : memref<8x896xf32, #tpu.memory_space<vmem>>, vector<16xf32>,
          %gather3A_654 = tpu.vector_load_idx %arg12[%add3A_641, %broadcast_in_dim3A_1] : memref<896x8xf32, #tpu.memory_space<vmem>>[vector<16xi32>, vector<16xi32>], vector<16xf32>,
          %gather3A_655 = tpu.vector_load_idx %arg12[%add3A_641, %broadcast_in_dim3A_3] : memref<896x8xf32, #tpu.memory_space<vmem>>[vector<16xi32>, vector<16xi32>], vector<16xf32>,
          %gather3A_656 = tpu.vector_load_idx %arg12[%add3A_641, %broadcast_in_dim3A_5] : memref<896x8xf32, #tpu.memory_space<vmem>>[vector<16xi32>, vector<16xi32>], vector<16xf32>,
          %gather3A_657 = tpu.vector_load_idx %arg12[%add3A_641, %broadcast_in_dim3A_7] : memref<896x8xf32, #tpu.memory_space<vmem>>[vector<16xi32>, vector<16xi32>], vector<16xf32>,
          %mul3A_658 = arith.mulf %get3A_649, %gather3A_654 : vector<16xf32>
          %add3A_659 = arith.addf %broadcast_in_dim3A_643, %mul3A_658 : vector<16xf32>
          %mul3A_660 = arith.mulf %get3A_653, %gather3A_656 : vector<16xf32>
          %add3A_661 = arith.addf %add3A_659, %mul3A_660 : vector<16xf32>
          %mul3A_662 = arith.mulf %get3A_649, %gather3A_655 : vector<16xf32>
          %add3A_663 = arith.addf %broadcast_in_dim3A_645, %mul3A_662 : vector<16xf32>
          %mul3A_664 = arith.mulf %get3A_653, %gather3A_657 : vector<16xf32>
          %add3A_665 = arith.addf %add3A_663, %mul3A_664 : vector<16xf32>
          %get3A_666 = arith.constant 1 : i32
          %get3A_667 = arith.index_cast %get3A_666 : i32 to index
          %get3A_668 = arith.index_cast %add3A_635 : i32 to index
          %get3A_669 = tpu.vector_load %arg16[%get3A_667, %get3A_668] {strides = array<i32>} : memref<8x896xf32, #tpu.memory_space<vmem>>, vector<16xf32>,
          %get3A_670 = arith.constant 5 : i32
          %get3A_671 = arith.index_cast %get3A_670 : i32 to index
          %get3A_672 = arith.index_cast %add3A_635 : i32 to index
          %get3A_673 = tpu.vector_load %arg16[%get3A_671, %get3A_672] {strides = array<i32>} : memref<8x896xf32, #tpu.memory_space<vmem>>, vector<16xf32>,
          %gather3A_674 = tpu.vector_load_idx %arg13[%add3A_641, %broadcast_in_dim3A_1] : memref<896x8xf32, #tpu.memory_space<vmem>>[vector<16xi32>, vector<16xi32>], vector<16xf32>,
          %gather3A_675 = tpu.vector_load_idx %arg13[%add3A_641, %broadcast_in_dim3A_3] : memref<896x8xf32, #tpu.memory_space<vmem>>[vector<16xi32>, vector<16xi32>], vector<16xf32>,
          %gather3A_676 = tpu.vector_load_idx %arg13[%add3A_641, %broadcast_in_dim3A_5] : memref<896x8xf32, #tpu.memory_space<vmem>>[vector<16xi32>, vector<16xi32>], vector<16xf32>,
          %gather3A_677 = tpu.vector_load_idx %arg13[%add3A_641, %broadcast_in_dim3A_7] : memref<896x8xf32, #tpu.memory_space<vmem>>[vector<16xi32>, vector<16xi32>], vector<16xf32>,
          %mul3A_678 = arith.mulf %get3A_669, %gather3A_674 : vector<16xf32>
          %add3A_679 = arith.addf %add3A_661, %mul3A_678 : vector<16xf32>
          %mul3A_680 = arith.mulf %get3A_673, %gather3A_676 : vector<16xf32>
          %add3A_681 = arith.addf %add3A_679, %mul3A_680 : vector<16xf32>
          %mul3A_682 = arith.mulf %get3A_669, %gather3A_675 : vector<16xf32>
          %add3A_683 = arith.addf %add3A_665, %mul3A_682 : vector<16xf32>
          %mul3A_684 = arith.mulf %get3A_673, %gather3A_677 : vector<16xf32>
          %add3A_685 = arith.addf %add3A_683, %mul3A_684 : vector<16xf32>
          %get3A_686 = arith.constant 2 : i32
          %get3A_687 = arith.index_cast %get3A_686 : i32 to index
          %get3A_688 = arith.index_cast %add3A_635 : i32 to index
          %get3A_689 = tpu.vector_load %arg16[%get3A_687, %get3A_688] {strides = array<i32>} : memref<8x896xf32, #tpu.memory_space<vmem>>, vector<16xf32>,
          %get3A_690 = arith.constant 6 : i32
          %get3A_691 = arith.index_cast %get3A_690 : i32 to index
          %get3A_692 = arith.index_cast %add3A_635 : i32 to index
          %get3A_693 = tpu.vector_load %arg16[%get3A_691, %get3A_692] {strides = array<i32>} : memref<8x896xf32, #tpu.memory_space<vmem>>, vector<16xf32>,
          %gather3A_694 = tpu.vector_load_idx %arg14[%add3A_641, %broadcast_in_dim3A_1] : memref<896x8xf32, #tpu.memory_space<vmem>>[vector<16xi32>, vector<16xi32>], vector<16xf32>,
          %gather3A_695 = tpu.vector_load_idx %arg14[%add3A_641, %broadcast_in_dim3A_3] : memref<896x8xf32, #tpu.memory_space<vmem>>[vector<16xi32>, vector<16xi32>], vector<16xf32>,
          %gather3A_696 = tpu.vector_load_idx %arg14[%add3A_641, %broadcast_in_dim3A_5] : memref<896x8xf32, #tpu.memory_space<vmem>>[vector<16xi32>, vector<16xi32>], vector<16xf32>,
          %gather3A_697 = tpu.vector_load_idx %arg14[%add3A_641, %broadcast_in_dim3A_7] : memref<896x8xf32, #tpu.memory_space<vmem>>[vector<16xi32>, vector<16xi32>], vector<16xf32>,
          %mul3A_698 = arith.mulf %get3A_689, %gather3A_694 : vector<16xf32>
          %add3A_699 = arith.addf %add3A_681, %mul3A_698 : vector<16xf32>
          %mul3A_700 = arith.mulf %get3A_693, %gather3A_696 : vector<16xf32>
          %add3A_701 = arith.addf %add3A_699, %mul3A_700 : vector<16xf32>
          %mul3A_702 = arith.mulf %get3A_689, %gather3A_695 : vector<16xf32>
          %add3A_703 = arith.addf %add3A_685, %mul3A_702 : vector<16xf32>
          %mul3A_704 = arith.mulf %get3A_693, %gather3A_697 : vector<16xf32>
          %add3A_705 = arith.addf %add3A_703, %mul3A_704 : vector<16xf32>
          %get3A_706 = arith.constant 3 : i32
          %get3A_707 = arith.index_cast %get3A_706 : i32 to index
          %get3A_708 = arith.index_cast %add3A_635 : i32 to index
          %get3A_709 = tpu.vector_load %arg16[%get3A_707, %get3A_708] {strides = array<i32>} : memref<8x896xf32, #tpu.memory_space<vmem>>, vector<16xf32>,
          %get3A_710 = arith.constant 7 : i32
          %get3A_711 = arith.index_cast %get3A_710 : i32 to index
          %get3A_712 = arith.index_cast %add3A_635 : i32 to index
          %get3A_713 = tpu.vector_load %arg16[%get3A_711, %get3A_712] {strides = array<i32>} : memref<8x896xf32, #tpu.memory_space<vmem>>, vector<16xf32>,
          %gather3A_714 = tpu.vector_load_idx %arg15[%add3A_641, %broadcast_in_dim3A_1] : memref<896x8xf32, #tpu.memory_space<vmem>>[vector<16xi32>, vector<16xi32>], vector<16xf32>,
          %gather3A_715 = tpu.vector_load_idx %arg15[%add3A_641, %broadcast_in_dim3A_3] : memref<896x8xf32, #tpu.memory_space<vmem>>[vector<16xi32>, vector<16xi32>], vector<16xf32>,
          %gather3A_716 = tpu.vector_load_idx %arg15[%add3A_641, %broadcast_in_dim3A_5] : memref<896x8xf32, #tpu.memory_space<vmem>>[vector<16xi32>, vector<16xi32>], vector<16xf32>,
          %gather3A_717 = tpu.vector_load_idx %arg15[%add3A_641, %broadcast_in_dim3A_7] : memref<896x8xf32, #tpu.memory_space<vmem>>[vector<16xi32>, vector<16xi32>], vector<16xf32>,
          %mul3A_718 = arith.mulf %get3A_709, %gather3A_714 : vector<16xf32>
          %add3A_719 = arith.addf %add3A_701, %mul3A_718 : vector<16xf32>
          %mul3A_720 = arith.mulf %get3A_713, %gather3A_716 : vector<16xf32>
          %add3A_721 = arith.addf %add3A_719, %mul3A_720 : vector<16xf32>
          %mul3A_722 = arith.mulf %get3A_709, %gather3A_715 : vector<16xf32>
          %add3A_723 = arith.addf %add3A_705, %mul3A_722 : vector<16xf32>
          %mul3A_724 = arith.mulf %get3A_713, %gather3A_717 : vector<16xf32>
          %add3A_725 = arith.addf %add3A_723, %mul3A_724 : vector<16xf32>
          %get3A_726 = arith.constant 0 : i32
          %get3A_727 = arith.index_cast %get3A_726 : i32 to index
          %get3A_728 = arith.index_cast %add3A_635 : i32 to index
          %get3A_729 = tpu.vector_load %arg17[%get3A_727, %get3A_728] {strides = array<i32>} : memref<2x896xf32, #tpu.memory_space<vmem>>, vector<16xf32>,
          %mul3A_730 = arith.mulf %add3A_721, %get3A_729 : vector<16xf32>
          %swap3A_731 = arith.constant 0 : i32
          %swap3A_732 = arith.index_cast %scan3A_64 : i32 to index
          %swap3A_733 = arith.index_cast %swap3A_731 : i32 to index
          %swap3A_734 = arith.constant 80 : index
          %swap3A_735 = tpu.vector_load %arg18[%swap3A_732, %swap3A_733, %swap3A_734] {strides = array<i32>} : memref<8x2x112xf32, #tpu.memory_space<vmem>>, vector<16xf32>,
          tpu.vector_store %arg18[%swap3A_732, %swap3A_733, %swap3A_734], %mul3A_730 {strides = array<i32>} : memref<8x2x112xf32, #tpu.memory_space<vmem>>, vector<16xf32>,
          %get3A_736 = arith.constant 1 : i32
          %get3A_737 = arith.index_cast %get3A_736 : i32 to index
          %get3A_738 = arith.index_cast %add3A_635 : i32 to index
          %get3A_739 = tpu.vector_load %arg17[%get3A_737, %get3A_738] {strides = array<i32>} : memref<2x896xf32, #tpu.memory_space<vmem>>, vector<16xf32>,
          %mul3A_740 = arith.mulf %add3A_725, %get3A_739 : vector<16xf32>
          %swap3A_741 = arith.constant 1 : i32
          %swap3A_742 = arith.index_cast %scan3A_64 : i32 to index
          %swap3A_743 = arith.index_cast %swap3A_741 : i32 to index
          %swap3A_744 = arith.constant 80 : index
          %swap3A_745 = tpu.vector_load %arg18[%swap3A_742, %swap3A_743, %swap3A_744] {strides = array<i32>} : memref<8x2x112xf32, #tpu.memory_space<vmem>>, vector<16xf32>,
          tpu.vector_store %arg18[%swap3A_742, %swap3A_743, %swap3A_744], %mul3A_740 {strides = array<i32>} : memref<8x2x112xf32, #tpu.memory_space<vmem>>, vector<16xf32>,
          %mul3A_746 = arith.constant 112 : i32
          %mul3A_747 = arith.muli %scan3A_64, %mul3A_746 : i32
          %add3A_748 = arith.constant 96 : i32
          %add3A_749 = arith.addi %mul3A_747, %add3A_748 : i32
          %mul3A_750 = arith.constant 112 : i32
          %mul3A_751 = arith.muli %scan3A_64, %mul3A_750 : i32
          %add3A_752 = arith.constant 96 : i32
          %add3A_753 = arith.addi %mul3A_751, %add3A_752 : i32
          %add3A_754 = vector.broadcast %add3A_753 : i32 to vector<16xi32>
          %add3A_755 = arith.addi %iota3A, %add3A_754 : vector<16xi32>
          %broadcast_in_dim3A_756 = arith.constant 0.000000e+00 : f32
          %broadcast_in_dim3A_757 = vector.broadcast %broadcast_in_dim3A_756 : f32 to vector<16xf32>
          %broadcast_in_dim3A_758 = arith.constant 0.000000e+00 : f32
          %broadcast_in_dim3A_759 = vector.broadcast %broadcast_in_dim3A_758 : f32 to vector<16xf32>
          %get3A_760 = arith.constant 0 : i32
          %get3A_761 = arith.index_cast %get3A_760 : i32 to index
          %get3A_762 = arith.index_cast %add3A_749 : i32 to index
          %get3A_763 = tpu.vector_load %arg16[%get3A_761, %get3A_762] {strides = array<i32>} : memref<8x896xf32, #tpu.memory_space<vmem>>, vector<16xf32>,
          %get3A_764 = arith.constant 4 : i32
          %get3A_765 = arith.index_cast %get3A_764 : i32 to index
          %get3A_766 = arith.index_cast %add3A_749 : i32 to index
          %get3A_767 = tpu.vector_load %arg16[%get3A_765, %get3A_766] {strides = array<i32>} : memref<8x896xf32, #tpu.memory_space<vmem>>, vector<16xf32>,
          %gather3A_768 = tpu.vector_load_idx %arg12[%add3A_755, %broadcast_in_dim3A_1] : memref<896x8xf32, #tpu.memory_space<vmem>>[vector<16xi32>, vector<16xi32>], vector<16xf32>,
          %gather3A_769 = tpu.vector_load_idx %arg12[%add3A_755, %broadcast_in_dim3A_3] : memref<896x8xf32, #tpu.memory_space<vmem>>[vector<16xi32>, vector<16xi32>], vector<16xf32>,
          %gather3A_770 = tpu.vector_load_idx %arg12[%add3A_755, %broadcast_in_dim3A_5] : memref<896x8xf32, #tpu.memory_space<vmem>>[vector<16xi32>, vector<16xi32>], vector<16xf32>,
          %gather3A_771 = tpu.vector_load_idx %arg12[%add3A_755, %broadcast_in_dim3A_7] : memref<896x8xf32, #tpu.memory_space<vmem>>[vector<16xi32>, vector<16xi32>], vector<16xf32>,
          %mul3A_772 = arith.mulf %get3A_763, %gather3A_768 : vector<16xf32>
          %add3A_773 = arith.addf %broadcast_in_dim3A_757, %mul3A_772 : vector<16xf32>
          %mul3A_774 = arith.mulf %get3A_767, %gather3A_770 : vector<16xf32>
          %add3A_775 = arith.addf %add3A_773, %mul3A_774 : vector<16xf32>
          %mul3A_776 = arith.mulf %get3A_763, %gather3A_769 : vector<16xf32>
          %add3A_777 = arith.addf %broadcast_in_dim3A_759, %mul3A_776 : vector<16xf32>
          %mul3A_778 = arith.mulf %get3A_767, %gather3A_771 : vector<16xf32>
          %add3A_779 = arith.addf %add3A_777, %mul3A_778 : vector<16xf32>
          %get3A_780 = arith.constant 1 : i32
          %get3A_781 = arith.index_cast %get3A_780 : i32 to index
          %get3A_782 = arith.index_cast %add3A_749 : i32 to index
          %get3A_783 = tpu.vector_load %arg16[%get3A_781, %get3A_782] {strides = array<i32>} : memref<8x896xf32, #tpu.memory_space<vmem>>, vector<16xf32>,
          %get3A_784 = arith.constant 5 : i32
          %get3A_785 = arith.index_cast %get3A_784 : i32 to index
          %get3A_786 = arith.index_cast %add3A_749 : i32 to index
          %get3A_787 = tpu.vector_load %arg16[%get3A_785, %get3A_786] {strides = array<i32>} : memref<8x896xf32, #tpu.memory_space<vmem>>, vector<16xf32>,
          %gather3A_788 = tpu.vector_load_idx %arg13[%add3A_755, %broadcast_in_dim3A_1] : memref<896x8xf32, #tpu.memory_space<vmem>>[vector<16xi32>, vector<16xi32>], vector<16xf32>,
          %gather3A_789 = tpu.vector_load_idx %arg13[%add3A_755, %broadcast_in_dim3A_3] : memref<896x8xf32, #tpu.memory_space<vmem>>[vector<16xi32>, vector<16xi32>], vector<16xf32>,
          %gather3A_790 = tpu.vector_load_idx %arg13[%add3A_755, %broadcast_in_dim3A_5] : memref<896x8xf32, #tpu.memory_space<vmem>>[vector<16xi32>, vector<16xi32>], vector<16xf32>,
          %gather3A_791 = tpu.vector_load_idx %arg13[%add3A_755, %broadcast_in_dim3A_7] : memref<896x8xf32, #tpu.memory_space<vmem>>[vector<16xi32>, vector<16xi32>], vector<16xf32>,
          %mul3A_792 = arith.mulf %get3A_783, %gather3A_788 : vector<16xf32>
          %add3A_793 = arith.addf %add3A_775, %mul3A_792 : vector<16xf32>
          %mul3A_794 = arith.mulf %get3A_787, %gather3A_790 : vector<16xf32>
          %add3A_795 = arith.addf %add3A_793, %mul3A_794 : vector<16xf32>
          %mul3A_796 = arith.mulf %get3A_783, %gather3A_789 : vector<16xf32>
          %add3A_797 = arith.addf %add3A_779, %mul3A_796 : vector<16xf32>
          %mul3A_798 = arith.mulf %get3A_787, %gather3A_791 : vector<16xf32>
          %add3A_799 = arith.addf %add3A_797, %mul3A_798 : vector<16xf32>
          %get3A_800 = arith.constant 2 : i32
          %get3A_801 = arith.index_cast %get3A_800 : i32 to index
          %get3A_802 = arith.index_cast %add3A_749 : i32 to index
          %get3A_803 = tpu.vector_load %arg16[%get3A_801, %get3A_802] {strides = array<i32>} : memref<8x896xf32, #tpu.memory_space<vmem>>, vector<16xf32>,
          %get3A_804 = arith.constant 6 : i32
          %get3A_805 = arith.index_cast %get3A_804 : i32 to index
          %get3A_806 = arith.index_cast %add3A_749 : i32 to index
          %get3A_807 = tpu.vector_load %arg16[%get3A_805, %get3A_806] {strides = array<i32>} : memref<8x896xf32, #tpu.memory_space<vmem>>, vector<16xf32>,
          %gather3A_808 = tpu.vector_load_idx %arg14[%add3A_755, %broadcast_in_dim3A_1] : memref<896x8xf32, #tpu.memory_space<vmem>>[vector<16xi32>, vector<16xi32>], vector<16xf32>,
          %gather3A_809 = tpu.vector_load_idx %arg14[%add3A_755, %broadcast_in_dim3A_3] : memref<896x8xf32, #tpu.memory_space<vmem>>[vector<16xi32>, vector<16xi32>], vector<16xf32>,
          %gather3A_810 = tpu.vector_load_idx %arg14[%add3A_755, %broadcast_in_dim3A_5] : memref<896x8xf32, #tpu.memory_space<vmem>>[vector<16xi32>, vector<16xi32>], vector<16xf32>,
          %gather3A_811 = tpu.vector_load_idx %arg14[%add3A_755, %broadcast_in_dim3A_7] : memref<896x8xf32, #tpu.memory_space<vmem>>[vector<16xi32>, vector<16xi32>], vector<16xf32>,
          %mul3A_812 = arith.mulf %get3A_803, %gather3A_808 : vector<16xf32>
          %add3A_813 = arith.addf %add3A_795, %mul3A_812 : vector<16xf32>
          %mul3A_814 = arith.mulf %get3A_807, %gather3A_810 : vector<16xf32>
          %add3A_815 = arith.addf %add3A_813, %mul3A_814 : vector<16xf32>
          %mul3A_816 = arith.mulf %get3A_803, %gather3A_809 : vector<16xf32>
          %add3A_817 = arith.addf %add3A_799, %mul3A_816 : vector<16xf32>
          %mul3A_818 = arith.mulf %get3A_807, %gather3A_811 : vector<16xf32>
          %add3A_819 = arith.addf %add3A_817, %mul3A_818 : vector<16xf32>
          %get3A_820 = arith.constant 3 : i32
          %get3A_821 = arith.index_cast %get3A_820 : i32 to index
          %get3A_822 = arith.index_cast %add3A_749 : i32 to index
          %get3A_823 = tpu.vector_load %arg16[%get3A_821, %get3A_822] {strides = array<i32>} : memref<8x896xf32, #tpu.memory_space<vmem>>, vector<16xf32>,
          %get3A_824 = arith.constant 7 : i32
          %get3A_825 = arith.index_cast %get3A_824 : i32 to index
          %get3A_826 = arith.index_cast %add3A_749 : i32 to index
          %get3A_827 = tpu.vector_load %arg16[%get3A_825, %get3A_826] {strides = array<i32>} : memref<8x896xf32, #tpu.memory_space<vmem>>, vector<16xf32>,
          %gather3A_828 = tpu.vector_load_idx %arg15[%add3A_755, %broadcast_in_dim3A_1] : memref<896x8xf32, #tpu.memory_space<vmem>>[vector<16xi32>, vector<16xi32>], vector<16xf32>,
          %gather3A_829 = tpu.vector_load_idx %arg15[%add3A_755, %broadcast_in_dim3A_3] : memref<896x8xf32, #tpu.memory_space<vmem>>[vector<16xi32>, vector<16xi32>], vector<16xf32>,
          %gather3A_830 = tpu.vector_load_idx %arg15[%add3A_755, %broadcast_in_dim3A_5] : memref<896x8xf32, #tpu.memory_space<vmem>>[vector<16xi32>, vector<16xi32>], vector<16xf32>,
          %gather3A_831 = tpu.vector_load_idx %arg15[%add3A_755, %broadcast_in_dim3A_7] : memref<896x8xf32, #tpu.memory_space<vmem>>[vector<16xi32>, vector<16xi32>], vector<16xf32>,
          %mul3A_832 = arith.mulf %get3A_823, %gather3A_828 : vector<16xf32>
          %add3A_833 = arith.addf %add3A_815, %mul3A_832 : vector<16xf32>
          %mul3A_834 = arith.mulf %get3A_827, %gather3A_830 : vector<16xf32>
          %add3A_835 = arith.addf %add3A_833, %mul3A_834 : vector<16xf32>
          %mul3A_836 = arith.mulf %get3A_823, %gather3A_829 : vector<16xf32>
          %add3A_837 = arith.addf %add3A_819, %mul3A_836 : vector<16xf32>
          %mul3A_838 = arith.mulf %get3A_827, %gather3A_831 : vector<16xf32>
          %add3A_839 = arith.addf %add3A_837, %mul3A_838 : vector<16xf32>
          %get3A_840 = arith.constant 0 : i32
          %get3A_841 = arith.index_cast %get3A_840 : i32 to index
          %get3A_842 = arith.index_cast %add3A_749 : i32 to index
          %get3A_843 = tpu.vector_load %arg17[%get3A_841, %get3A_842] {strides = array<i32>} : memref<2x896xf32, #tpu.memory_space<vmem>>, vector<16xf32>,
          %mul3A_844 = arith.mulf %add3A_835, %get3A_843 : vector<16xf32>
          %swap3A_845 = arith.constant 0 : i32
          %swap3A_846 = arith.index_cast %scan3A_64 : i32 to index
          %swap3A_847 = arith.index_cast %swap3A_845 : i32 to index
          %swap3A_848 = arith.constant 96 : index
          %swap3A_849 = tpu.vector_load %arg18[%swap3A_846, %swap3A_847, %swap3A_848] {strides = array<i32>} : memref<8x2x112xf32, #tpu.memory_space<vmem>>, vector<16xf32>,
          tpu.vector_store %arg18[%swap3A_846, %swap3A_847, %swap3A_848], %mul3A_844 {strides = array<i32>} : memref<8x2x112xf32, #tpu.memory_space<vmem>>, vector<16xf32>,
          %get3A_850 = arith.constant 1 : i32
          %get3A_851 = arith.index_cast %get3A_850 : i32 to index
          %get3A_852 = arith.index_cast %add3A_749 : i32 to index
          %get3A_853 = tpu.vector_load %arg17[%get3A_851, %get3A_852] {strides = array<i32>} : memref<2x896xf32, #tpu.memory_space<vmem>>, vector<16xf32>,
          %mul3A_854 = arith.mulf %add3A_839, %get3A_853 : vector<16xf32>
          %swap3A_855 = arith.constant 1 : i32
          %swap3A_856 = arith.index_cast %scan3A_64 : i32 to index
          %swap3A_857 = arith.index_cast %swap3A_855 : i32 to index
          %swap3A_858 = arith.constant 96 : index
          %swap3A_859 = tpu.vector_load %arg18[%swap3A_856, %swap3A_857, %swap3A_858] {strides = array<i32>} : memref<8x2x112xf32, #tpu.memory_space<vmem>>, vector<16xf32>,
          tpu.vector_store %arg18[%swap3A_856, %swap3A_857, %swap3A_858], %mul3A_854 {strides = array<i32>} : memref<8x2x112xf32, #tpu.memory_space<vmem>>, vector<16xf32>,
        }
        %scan3A_61 = arith.constant 8 : i32
        %mul3A_62 = arith.constant 8 : i32
        %mul3A_63 = arith.muli %scan3A_25, %mul3A_62 : i32
        "tpu.region"() ({
          %run_scoped3A = tpu.sem_alloc : memref<!tpu.dma_semaphore, #tpu.memory_space<semaphore_mem>>
          %dma_start3A_64 = arith.constant 0 : i32
          %dma_start3A_65 = arith.constant 0 : i32
          %dma_start3A_66 = tpu.memref_slice %arg5[%add3A_18, %mul3A_63, %dma_start3A_64, %dma_start3A_65] : memref<128x200x2x112xf32, #tpu.memory_space<hbm>> -> memref<1x8x2x112xf32, #tpu.memory_space<hbm>>
          %dma_start3A_67 = tpu.memref_squeeze %dma_start3A_66 : memref<1x8x2x112xf32, #tpu.memory_space<hbm>> -> memref<8x2x112xf32, #tpu.memory_space<hbm>>
          %dma_start3A_68 = arith.constant 0 : i32
          %dma_start3A_69 = arith.constant 0 : i32
          %dma_start3A_70 = tpu.memref_slice %arg5[%add3A_18, %mul3A_63, %dma_start3A_68, %dma_start3A_69] : memref<128x200x2x112xf32, #tpu.memory_space<hbm>> -> memref<1x8x2x112xf32, #tpu.memory_space<hbm>>
          %dma_start3A_71 = tpu.memref_squeeze %dma_start3A_70 : memref<1x8x2x112xf32, #tpu.memory_space<hbm>> -> memref<8x2x112xf32, #tpu.memory_space<hbm>>
          tpu.enqueue_dma source(%arg18 : memref<8x2x112xf32, #tpu.memory_space<vmem>>) target(%dma_start3A_71 : memref<8x2x112xf32, #tpu.memory_space<hbm>>) target_semaphore(%run_scoped3A : memref<!tpu.dma_semaphore, #tpu.memory_space<semaphore_mem>>)
          %dma_wait3A_72 = arith.constant 0 : i32
          %dma_wait3A_73 = arith.constant 0 : i32
          %dma_wait3A_74 = tpu.memref_slice %arg5[%add3A_18, %mul3A_63, %dma_wait3A_72, %dma_wait3A_73] : memref<128x200x2x112xf32, #tpu.memory_space<hbm>> -> memref<1x8x2x112xf32, #tpu.memory_space<hbm>>
          %dma_wait3A_75 = tpu.memref_squeeze %dma_wait3A_74 : memref<1x8x2x112xf32, #tpu.memory_space<hbm>> -> memref<8x2x112xf32, #tpu.memory_space<hbm>>
          %dma_wait3A_76 = arith.constant 0 : i32
          %dma_wait3A_77 = arith.constant 0 : i32
          %dma_wait3A_78 = tpu.memref_slice %arg5[%add3A_18, %mul3A_63, %dma_wait3A_76, %dma_wait3A_77] : memref<128x200x2x112xf32, #tpu.memory_space<hbm>> -> memref<1x8x2x112xf32, #tpu.memory_space<hbm>>
          %dma_wait3A_79 = tpu.memref_squeeze %dma_wait3A_78 : memref<1x8x2x112xf32, #tpu.memory_space<hbm>> -> memref<8x2x112xf32, #tpu.memory_space<hbm>>
          tpu.wait_dma2 semaphore(%run_scoped3A : memref<!tpu.dma_semaphore, #tpu.memory_space<semaphore_mem>>) src(%arg18 : memref<8x2x112xf32, #tpu.memory_space<vmem>>) dst(%dma_wait3A_79 : memref<8x2x112xf32, #tpu.memory_space<hbm>>)
          tpu.yield
        }) : () -> ()
      }
      %scan3A_24 = arith.constant 25 : i32
    }
    %scan3A_14 = arith.constant 4 : i32
    return
  }
}

</mosaic_0001>

<sc_bundles>
// kernel: _projector.3.cloned.1.call-start
scs
__scs_entry_jumppad:
0x0: {  	(pc) =	sbr.rel $0x88, $3  }
0x1: {  	(tag) =	ssettag $0x0;
	lr =	simm.s32 $0x1  }
0x2: {  	[smem:$0x3F9F] =	sst lr;
	_ =	strace $0xD0000000  }
0x3: {  	_ = 	snop  }
0x4: {  	_ = 	snop  }
0x5: {  	_ = 	snop  }
0x6: {  	_ = 	snop  }
0x7: {  	_ = 	snop  }
__scs_overlays_trampoline_lowered:
0x8: {  	[smem:$0x3FAE] =	sst s0  }
0x9: {  	[smem:$0x3FAF] =	sst s1  }
0xa: {  	[smem:$0x3FB0] =	sst s2  }
0xb: {  	[smem:$0x3FB1] =	sst s3  }
0xc: {  	[smem:$0x3FB2] =	sst s4  }
0xd: {  	[smem:$0x3FB3] =	sst s5  }
0xe: {  	[smem:$0x3FB4] =	sst s6  }
0xf: {  	[smem:$0x3FB5] =	sst s7  }
0x10: {  	[smem:$0x3FB6] =	sst s8  }
0x11: {  	[smem:$0x3FB7] =	sst s9;
	s0 =	simm.s32 @!p0 $0x0  }
0x12: {  	s1 =	sld [smem:$0x3F9D];
	s0 =	simm.s32 @p0 $0x1  }
0x13: {  	[smem:$0x3FB8] =	sst s0;
	s0 =	simm.s32 @!p1 $0x0  }
0x14: {  	s2 =	sld [smem:$0x3F9C];
	s0 =	simm.s32 @p1 $0x1  }
0x15: {  	[smem:$0x3FB9] =	sst s0;
	s0 =	simm.s32 @!p2 $0x0  }
0x16: {  	s3 =	sld [smem:$0x3FDB];
	s0 =	simm.s32 @p2 $0x1  }
0x17: {  	s4 =	simm.s32 $0x1BF5;
	[smem:$0x3FBB] =	sst s0  }
0x18: {  	s0 =	sld [smem:$0x3F9E];
	_ =	swait.ge [sflag:s4], $0x0  }
0x19: {  	s7 =	sld [smem:$0x3F9F]  }
0x1a: {  	s8 =	sadd.s32 $0xFFFFE003, lr  }
0x1b: {  	s9 =	sadd.s32 $0xFFFFFEF7, lr;
	s5 =	simm.s32 $0xFFFFFFFF;
	p2 =	slt.u32 s8, $0xFFFFF086  }
0x1c: {  	p1 =	slt.u32 s9, $0xF7A;
	s5 =	simm.s32 @!p2 $0x0  }
0x1d: {  	s5 =	simm.s32 @p1 $0x1;
	p0 =	seq.s32 s7, s2  }
0x1e: {  	s7 =	smul.u32 @!p0 $0xF7A, s2;
	p2 =	seq.s32 @!p0 s5, $0x0  }
0x1f: {  	s9 =	smul.u32 $0xF7A, s1;
	s8 =	simm.s32 @!p0 $0x1BF5;
	p2 =	por !p2, p0  }
0x20: {  	[sflag:s8] =	ssyncset.s32 @!p0 $0xFFFFF086;
	s6 =	sadd.s32 @!p0 s3, s7;
	s7 =	simm.s32 @!p0 $0x108  }
0x21: {  	s3 =	sadd.s32 s3, s9;
	s6 =	sadd.s32 @!p0 $0x88, s6;
	s7 =	simm.s32 @p2 $0x1082  }
0x22: {  	[simem:s7], [sflag:s8] =	dma.local @!p0 [hbm:s6], $0xF7A  }
0x23: {  	s9 =	sor.u32 $0xD0000000, s2;
	s6 =	simm.s32 $0x108;
	_ =	swait.ge @!p0 [sflag:s8], $0x0  }
0x24: {  	s3 =	sadd.s32 $0x88, s3;
	s6 =	simm.s32 @!p1 $0x1082;
	[sflag:s4] =	ssyncset.s32 $0xFFFFF086  }
0x25: {  	[simem:s6], [sflag:s4] =	dma.local [hbm:s3], $0xF7A  }
0x26: {  	[smem:$0x3F9F] =	sst s1;
	(tag) =	ssettag s2;
	_ =	strace s9  }
0x27: {  	s1 =	sld [smem:$0x3FAF]  }
0x28: {  	s2 =	sld [smem:$0x3FB0]  }
0x29: {  	s4 =	sld [smem:$0x3FB2]  }
0x2a: {  	p0 =	seq.s32 s5, $0x0;
	s5 =	sld [smem:$0x3FB3]  }
0x2b: {  	s6 =	sld [smem:$0x3FB4]  }
0x2c: {  	s7 =	sld [smem:$0x3FB5]  }
0x2d: {  	s3 =	simm.s32 $0x108;
	s8 =	sld [smem:$0x3FB6]  }
0x2e: {  	s3 =	simm.s32 @!p0 $0x1082;
	s9 =	sld [smem:$0x3FB7]  }
0x2f: {  	lr =	sadd.s32 s0, s3;
	s0 =	sld [smem:$0x3FAE]  }
0x30: {  	s3 =	sld [smem:$0x3FB1]  }
0x31: {  	[smem:$0x3FBA] =	sst s10  }
0x32: {  	s10 =	sld [smem:$0x3FB8];
	_ =	sdelay $0x3  }
0x33: {  	p0 =	seq.s32 s10, $0x1;
	s10 =	sld [smem:$0x3FBA];
	_ =	sdelay $0x3  }
0x34: {  	[smem:$0x3FBA] =	sst s10  }
0x35: {  	s10 =	sld [smem:$0x3FB9];
	_ =	sdelay $0x3  }
0x36: {  	p1 =	seq.s32 s10, $0x1;
	s10 =	sld [smem:$0x3FBA];
	_ =	sdelay $0x3  }
0x37: {  	[smem:$0x3FBA] =	sst s10  }
0x38: {  	s10 =	sld [smem:$0x3FBB]  }
0x39: {  	_ = 	snop;
	(pc) =	sbr.ind lr, $3  }
0x3a: {  	_ = 	snop  }
0x3b: {  	_ = 	snop  }
0x3c: {  	p2 =	seq.s32 s10, $0x1;
	s10 =	sld [smem:$0x3FBA]  }
0x3d: {  	_ =	shalt  }
0x3e: {  	_ =	shalt  }
0x3f: {  	_ =	shalt  }
0x40: {  	_ =	shalt  }
0x41: {  	_ =	shalt  }
0x42: {  	_ =	shalt  }
0x43: {  	_ =	shalt  }
0x44: {  	_ =	shalt  }
0x45: {  	_ =	shalt  }
0x46: {  	_ =	shalt  }
0x47: {  	_ =	shalt  }
0x48: {  	_ =	shalt  }
0x49: {  	_ =	shalt  }
0x4a: {  	_ =	shalt  }
0x4b: {  	_ =	shalt  }
0x4c: {  	_ =	shalt  }
0x4d: {  	_ =	shalt  }
0x4e: {  	_ =	shalt  }
0x4f: {  	_ =	shalt  }
0x50: {  	_ =	shalt  }
0x51: {  	_ =	shalt  }
0x52: {  	_ =	shalt  }
0x53: {  	_ =	shalt  }
0x54: {  	_ =	shalt  }
0x55: {  	_ =	shalt  }
0x56: {  	_ =	shalt  }
0x57: {  	_ =	shalt  }
0x58: {  	_ =	shalt  }
0x59: {  	_ =	shalt  }
0x5a: {  	_ =	shalt  }
0x5b: {  	_ =	shalt  }
0x5c: {  	_ =	shalt  }
0x5d: {  	_ =	shalt  }
0x5e: {  	_ =	shalt  }
0x5f: {  	_ =	shalt  }
0x60: {  	_ =	shalt  }
0x61: {  	_ =	shalt  }
0x62: {  	_ =	shalt  }
0x63: {  	_ =	shalt  }
0x64: {  	_ =	shalt  }
0x65: {  	_ =	shalt  }
0x66: {  	_ =	shalt  }
0x67: {  	_ =	shalt  }
0x68: {  	_ =	shalt  }
0x69: {  	_ =	shalt  }
0x6a: {  	_ =	shalt  }
0x6b: {  	_ =	shalt  }
0x6c: {  	_ =	shalt  }
0x6d: {  	_ =	shalt  }
0x6e: {  	_ =	shalt  }
0x6f: {  	_ =	shalt  }
0x70: {  	_ =	shalt  }
0x71: {  	_ =	shalt  }
0x72: {  	_ =	shalt  }
0x73: {  	_ =	shalt  }
0x74: {  	_ =	shalt  }
0x75: {  	_ =	shalt  }
0x76: {  	_ =	shalt  }
0x77: {  	_ =	shalt  }
0x78: {  	_ =	shalt  }
0x79: {  	_ =	shalt  }
0x7a: {  	_ =	shalt  }
0x7b: {  	_ =	shalt  }
0x7c: {  	_ =	shalt  }
0x7d: {  	_ =	shalt  }
0x7e: {  	_ =	shalt  }
0x7f: {  	_ =	shalt  }
0x80: {  	_ =	shalt  }
0x81: {  	_ =	shalt  }
0x82: {  	_ =	shalt  }
0x83: {  	_ =	shalt  }
0x84: {  	_ =	shalt  }
0x85: {  	_ =	shalt  }
0x86: {  	_ =	shalt  }
0x87: {  	_ =	shalt  }
.Lfunc_end0:
.L_simem_size_0:
called_computation.1_lowered:
.L_overlay_start_0:
0x88: {  	s2 =	sld [smem:$0x3FD9]  }
0x89: {  	s3 =	sld [smem:$0x3FFE];
	_ =	sdelay $0x1  }
0x8a: {  	s1 =	srdreg.scid  }
0x8b: {  	s0 =	sand.u32 $0x1, s1  }
0x8c: {  	s17 =	sshll.u32 s0, $0xA;
	s2 =	sadd.s32 s3, s2  }
0x8d: {  	s2 =	sadd.s32 s2, s17  }
0x8e: {  	[smem:$0x3FC6] =	sst s2  }
0x8f: {  	_ = 	snop  }
0x90: {  	s2 =	sld [smem:$0x3FD0];
	(tm) =	ssettm $0x1  }
0x91: {  	s18 =	sld [smem:$0x3FFB];
	_ =	sdelay $0x3  }
0x92: {  	_ =	strace s18  }
0x93: {  	s3 =	sld [smem:$0x3FFC];
	_ =	sdelay $0x3  }
0x94: {  	_ =	strace s3  }
0x95: {  	s3 =	sld [smem:$0x3FFD];
	_ =	sdelay $0x3  }
0x96: {  	_ =	strace s3  }
0x97: {  	_ =	strace $0x8FFFFFFF  }
0x98: {  	s19 =	sld [smem:$0x3FDB];
	_ =	sdelay $0x1  }
0x99: {  	s4 =	simm.s32 $_scs_section_size  }
0x9a: {  	s5 =	simm.s32 $_size__tile_overlayer_lowered;
	s6 =	simm.s32 $_tile_overlayer_lowered  }
0x9b: {  	s22 =	simm.s32 $0x1BFF;
	s21 =	sshll.u32 s6, $0x1;
	s3 =	sadd.s32 s4, s19  }
0x9c: {  	s7 =	simm.s32 $0x0;
	s20 =	sshll.u32 s5, $0x1;
	s5 =	sadd.s32 s21, s3  }
0x9d: {  	[timem:s7], [sflag:s22] =	dma.local [hbm:s5], s20  }
0x9e: {  	_ =	swait.ge [sflag:s22], s20  }
0x9f: {  	s4 =	ssub.s32 $0x0, s20;
	[sflag:s22] =	ssyncset.done $0x0  }
0xa0: {  	[sflag:s22] =	ssyncadd.s32 s4;
	_ =	sdelay $0x1  }
0xa1: {  	s23 =	simm.s32 $0x1B8B  }
0xa2: {  	_ =	swait.ge [sflag:s23], $0x1  }
0xa3: {  	[sflag:s23] =	ssyncset.done $0x0  }
0xa4: {  	s25 =	simm.s32 $0x1B8E;
	s24 =	sld [smem:$0x3FFE];
	[sflag:s23] =	ssyncadd.s32 $0xFFFFFFFF  }
0xa5: {  	s26 =	simm.s32 $execute0_lowered;
	[smem:$0x3FD2] =	sst s25  }
0xa6: {  	s5 =	sshll.u32 s26, $0x1;
	_ =	strace $0x80000049;
	[dreg:$0x1] =	wrdreg $0xFFFFFFFF  }
0xa7: {  	s28 =	simm.s32 $_size_execute0_lowered;
	s3 =	sadd.s32 s3, s5;
	[dreg:$0x0] =	wrdreg $0x0  }
0xa8: {  	s5 =	sshll.u32 s28, $0x1;
	[dreg:$0x2] =	wrdreg s3  }
0xa9: {  	[dreg:$0x3] =	wrdreg s5  }
0xaa: {  	[dreg:$0x4] =	wrdreg $0xC0  }
0xab: {  	_ =	task [dreg:s7], $0x5FFFF  }
0xac: {  	[dreg:$0x1] =	wrdreg $0xFFFFFFFF  }
0xad: {  	[dreg:$0x0] =	wrdreg $0x60  }
0xae: {  	[dreg:$0x2] =	wrdreg s24  }
0xaf: {  	[dreg:$0x3] =	wrdreg s2  }
0xb0: {  	[dreg:$0x4] =	wrdreg $0x9  }
0xb1: {  	_ =	task.clear_ibuf [dreg:s7], $0x5FFFF;
	_ =	strace $0x90000049  }
0xb2: {  	s29 =	simm.s32 $0x9;
	_ =	strace $0x8000004B  }
0xb3: {  	_ =	swait.ge [sflag:s29], $0x1  }
0xb4: {  	[sflag:s29] =	ssyncadd.s32 $0xFFFFFFFF  }
0xb5: {  	_ =	strace $0x9000004B  }
0xb6: {  	_ =	sfence  }
0xb7: {  	s30 =	sld [smem:$0x0];
	_ =	sdelay $0x2  }
0xb8: {  	s31 =	sshll.u32 s1, $0xD;
	s1 =	sshrl.u32 s1, $0x2  }
0xb9: {  	s3 =	sand.u32 $0x4000, s31;
	s1 =	sadd.s32 s1, s30  }
0xba: {  	s0 =	sor.u32 s3, s0;
	s1 =	sshll.u32 s1, $0x11  }
0xbb: {  	s0 =	sor.u32 s1, s0  }
0xbc: {  	s0 =	sadd.s32 $0x8F2B, s0  }
0xbd: {  	[sflag:s0] =	ssyncadd.remote.s32 $0x1  }
0xbe: {  	_ =	sfence.sel $0xFFFF  }
0xbf: {  	[dreg:$0x0] =	wrdreg $0xFFFFFFFF;
	(pc) =	sbr.abs _section_cstart, $3  }
0xc0: {  	[dreg:$0x1] =	wrdreg $0xFFFFFFFF  }
0xc1: {  	_ =	task.clear_ibuf [dreg:s7], $0x2FFFF;
	_ =	strace $0x9FFFFFFF  }
0xc2: {  	(tm) =	ssettm $0x7FFFFFFF  }
0xc3: {  	_ =	shalt  }
tec
execute0_lowered:
.L_overlay_start_1:
0x0: {  	(tag) =	ssettag $0x1  }
0x1: {  	v0 =	vimm.f32 $2.250000000e+02;
	vm14 =	vcmask $0x300;
	vm13 =	vcmask $0x704  }
0x2: {  	vm12 =	vcmask $0xB08;
	vm11 =	vcmask $0xF0C;
	vm10 =	vcmask $0x1310  }
0x3: {  	vm9 =	vcmask $0x1714;
	vm8 =	vcmask $0x1B18;
	vm7 =	vcmask $0x1F1C  }
0x4: {  	vm6 =	vcmask $0x2320;
	vm5 =	vcmask $0x2724;
	vm4 =	vcmask $0x2B28  }
0x5: {  	vm3 =	vcmask $0x2F2C;
	vm2 =	vcmask $0x3330;
	vm1 =	vcmask $0x3734  }
0x6: {  	v1 =	vimm.f32 $9.610000000e+02;
	vm0 =	vcmask $0x3B38;
	v2 =	vimm.f32 $2.209000000e+03  }
0x7: {  	v5 =	vimm.f32 $3.969000000e+03;
	v7 =	vimm.f32 $9.025000000e+03;
	v11 =	vlaneseq.u32  }
0x8: {  	v0 =	vsel vm14, $0x0, v0;
	v1 =	vsel vm14, $0x43800000, v1;
	v2 =	vsel vm14, $0x44800000, v2  }
0x9: {  	v5 =	vsel vm14, $0x45100000, v5;
	v7 =	vsel vm14, $0x45C80000, v7;
	v0 =	vsel vm13, $0x3F800000, v0  }
0xa: {  	v3 =	vsel vm13, $0x43908000, v1;
	v1 =	vimm.f32 $0.0e+00;
	v4 =	vsel vm13, $0x44882000, v2  }
0xb: {  	v2 =	vimm.f32 $1.000000000e+00;
	v5 =	vsel vm13, $0x45161000, v5;
	v0 =	vsel vm12, $0x40800000, v0  }
0xc: {  	v3 =	vsel vm12, $0x43A20000, v3;
	v4 =	vsel vm12, $0x44908000, v4;
	v5 =	vsel vm12, $0x451C4000, v5  }
0xd: {  	v0 =	vsel vm11, $0x41100000, v0;
	v3 =	vsel vm11, $0x43B48000, v3;
	v4 =	vsel vm11, $0x44992000, v4  }
0xe: {  	v5 =	vsel vm11, $0x45229000, v5;
	v0 =	vsel vm10, $0x41800000, v0;
	v3 =	vsel vm10, $0x43C80000, v3  }
0xf: {  	v4 =	vsel vm10, $0x44A20000, v4;
	v5 =	vsel vm10, $0x45290000, v5;
	v0 =	vsel vm9, $0x41C80000, v0  }
0x10: {  	v3 =	vsel vm9, $0x43DC8000, v3;
	v4 =	vsel vm9, $0x44AB2000, v4;
	v5 =	vsel vm9, $0x452F9000, v5  }
0x11: {  	v0 =	vsel vm8, $0x42100000, v0;
	v3 =	vsel vm8, $0x43F20000, v3;
	v4 =	vsel vm8, $0x44B48000, v4  }
0x12: {  	v5 =	vsel vm8, $0x45364000, v5;
	v0 =	vsel vm7, $0x42440000, v0;
	v3 =	vsel vm7, $0x44044000, v3  }
0x13: {  	v4 =	vsel vm7, $0x44BE2000, v4;
	v5 =	vsel vm7, $0x453D1000, v5;
	v0 =	vsel vm6, $0x42800000, v0  }
0x14: {  	v3 =	vsel vm6, $0x44100000, v3;
	v4 =	vsel vm6, $0x44C80000, v4;
	v5 =	vsel vm6, $0x45440000, v5  }
0x15: {  	v0 =	vsel vm5, $0x42A20000, v0;
	v3 =	vsel vm5, $0x441C4000, v3;
	v4 =	vsel vm5, $0x44D22000, v4  }
0x16: {  	v0 =	vsel vm4, $0x42C80000, v0;
	v3 =	vsel vm4, $0x44290000, v3;
	v4 =	vsel vm4, $0x44DC8000, v4  }
0x17: {  	v0 =	vsel vm3, $0x42F20000, v0;
	v3 =	vsel vm3, $0x44364000, v3;
	v4 =	vsel vm3, $0x44E72000, v4  }
0x18: {  	v0 =	vsel vm2, $0x43100000, v0;
	v3 =	vsel vm2, $0x44440000, v3;
	v4 =	vsel vm2, $0x44F20000, v4  }
0x19: {  	v0 =	vsel vm1, $0x43290000, v0;
	v6 =	vsel vm1, $0x44FD2000, v4;
	v4 =	vsel vm5, $0x454B1000, v5  }
0x1a: {  	v3 =	vsel vm1, $0x44524000, v3;
	v5 =	vimm.f32 $6.241000000e+03;
	v4 =	vsel vm4, $0x45524000, v4  }
0x1b: {  	v0 =	vsel vm0, $0x43440000, v0;
	v5 =	vsel vm14, $0x45800000, v5;
	v4 =	vsel vm3, $0x45599000, v4  }
0x1c: {  	v8 =	vsel vm2, $0x45610000, v4;
	v4 =	vsel vm13, $0x45840800, v5;
	v5 =	vsel vm13, $0x45CD0800, v7  }
0x1d: {  	s11 =	simm.s32 $0x380;
	v3 =	vsel vm0, $0x44610000, v3;
	v7 =	vimm.f32 $1.232100000e+04;
	v5 =	vsel vm12, $0x45D22000, v5  }
0x1e: {  	s12 =	simm.s32 $0x9C08;
	s13 =	simm.s32 $0xAA08;
	v4 =	vsel vm12, $0x45882000, v4;
	v7 =	vsel vm14, $0x46100000, v7;
	v5 =	vsel vm11, $0x45D74800, v5  }
0x1f: {  	v4 =	vsel vm11, $0x458C4800, v4;
	v7 =	vsel vm13, $0x46130400, v7;
	v5 =	vsel vm10, $0x45DC8000, v5  }
0x20: {  	s14 =	simm.s32 $0x9F88;
	s15 =	simm.s32 $0xC608;
	v4 =	vsel vm10, $0x45908000, v4;
	v7 =	vsel vm12, $0x46161000, v7;
	v5 =	vsel vm9, $0x45E1C800, v5  }
0x21: {  	v4 =	vsel vm9, $0x4594C800, v4;
	v7 =	vsel vm11, $0x46192400, v7;
	v5 =	vsel vm8, $0x45E72000, v5  }
0x22: {  	s16 =	simm.s32 $0xA308;
	s17 =	simm.s32 $0xE208;
	v4 =	vsel vm8, $0x45992000, v4;
	v7 =	vsel vm10, $0x461C4000, v7;
	v5 =	vsel vm7, $0x45EC8800, v5  }
0x23: {  	v4 =	vsel vm7, $0x459D8800, v4;
	v7 =	vsel vm9, $0x461F6400, v7;
	v5 =	vsel vm6, $0x45F20000, v5  }
0x24: {  	s18 =	simm.s32 $0xA688;
	s19 =	simm.s32 $0xFE08;
	v4 =	vsel vm6, $0x45A20000, v4;
	v7 =	vsel vm8, $0x46229000, v7;
	v5 =	vsel vm5, $0x45F78800, v5  }
0x25: {  	s0 =	rddreg [dreg:$0x0];
	s1 =	simm.s32 $0x0;
	v4 =	vsel vm5, $0x45A68800, v4;
	v7 =	vsel vm7, $0x4625C400, v7;
	v5 =	vsel vm4, $0x45FD2000, v5  }
0x26: {  	s2 =	srdreg.scid;
	s21 =	simm.s32 $0x13D08;
	[smem:$0x7FF] =	sst s1;
	v4 =	vsel vm4, $0x45AB2000, v4;
	v7 =	vsel vm6, $0x46290000, v7;
	v5 =	vsel vm3, $0x46016400, v5  }
0x27: {  	s7 =	stileid.u32;
	s10 =	simm.s32 $0x2;
	s20 =	simm.s32 $0x1;
	v4 =	vsel vm3, $0x45AFC800, v4;
	v7 =	vsel vm5, $0x462C4400, v7;
	v5 =	vsel vm2, $0x46044000, v5  }
0x28: {  	s22 =	simm.s32 $0x0;
	s3 =	sadd.s32 $0x1E48400, s0;
	s2 =	sand.u32 $0x1, s2;
	v4 =	vsel vm2, $0x45B48000, v4;
	v10 =	vsel vm1, $0x46072400, v5;
	v5 =	vsel vm4, $0x462F9000, v7  }
0x29: {  	s26 =	simm.s32 $0x0;
	s4 =	sadd.s32 $0x3600, s0;
	s6 =	ssub.s32 $0x2, s2;
	v9 =	vsel vm1, $0x45B94800, v4;
	v7 =	vsel vm1, $0x45689000, v8;
	v8 =	vsel vm3, $0x4632E400, v5  }
0x2a: {  	s5 =	sadd.s32 $0x1CB400, s0;
	s31 =	sshll.u32 s7, $0x3;
	s30 =	sshrl.u32 s6, $0x1;
	v4 =	vimm.s32 $0x0;
	v5 =	vsel vm0, $0x45044000, v6;
	v8 =	vsel vm2, $0x46364000, v8  }
0x2b: {  	s7 =	simm.s32 $0x9188;
	s2 =	sshll.u32 s2, $0x2;
	s0 =	ssub.s32 s6, s30;
	v6 =	vsel vm0, $0x45704000, v7;
	v7 =	vsel vm0, $0x45BE2000, v9;
	v9 =	vsel vm1, $0x4639A400, v8  }
0x2c: {  	_ =	strace $0x8000004A;
	s8 =	sor.u32 s2, s31;
	s9 =	smax.u32 s0, $0x1;
	v8 =	vsel vm0, $0x460A1000, v10;
	v10 =	vmul.u32 $0x8, v11;
	v9 =	vsel vm0, $0x463D1000, v9  }
.LBB2_1:
0x2d: {  	s0 =	rddreg [dreg:$0x1]  }
0x2e: {  	[tilespmem:s1], [sflag:$0x2] =	stream.linear.gather [hbm4b:s0+s1], $0x9188, $0x38;
	[tilespmem:$0x14408] =	vst v63  }
0x2f: {  	_ =	swait.ge [sflag:s10], $0x9188  }
0x30: {  	[sflag:s10] =	ssyncset.done $0x0  }
0x31: {  	s23 =	simm.s32 $0x0;
	[sflag:s10] =	ssyncadd.s32 $0xFFFF6E78  }
.LBB2_2:
0x32: {  	s0 =	sadd.s32 s8, s23  }
0x33: {  	s24 =	smul.u32 $0x10680, s0  }
0x34: {  	s28 =	simm.s32 $0xFFFFFFA0;
	s29 =	simm.s32 $0x0;
	s25 =	smul.u32 $0xAF00, s0  }
.LBB2_3:
0x35: {  	s0 =	smul.u32 $0xA80, s29;
	_ =	sdelay $0x1  }
0x36: {  	s0 =	sadd.s32 s24, s0  }
0x37: {  	s0 =	sshrl.u32 s0, $0x3  }
0x38: {  	s0 =	sadd.s32 s3, s0  }
0x39: {  	[tilespmem:s7], [sflag:$0x2] =	stream.linear.gather [hbm4b:s0+s26], $0xA80, $0x38;
	[tilespmem:$0x14408] =	vst v63  }
0x3a: {  	_ =	swait.ge [sflag:s10], $0xA80  }
0x3b: {  	s30 =	simm.s32 $0x9228;
	[sflag:s10] =	ssyncset.done $0x0  }
0x3c: {  	s31 =	smov.u32 s28;
	s2 =	simm.s32 $0x0;
	[sflag:s10] =	ssyncadd.s32 $0xFFFFF580  }
.LBB2_4:
0x3d: {  	v11 =	vld [tilespmem:s30+$0xFFFFFF60];
	_ =	sdelay $0x1  }
0x3e: {  	v12 =	vld [tilespmem:s30+$0x40];
	_ =	sdelay $0x1  }
0x3f: {  	v13 =	vld [tilespmem:s30+$0xFFFFFFD0]  }
0x40: {  	vm0 =	vlt.f32 v11, $0.0e+00  }
0x41: {  	v14 =	vsel vm0, $0xBF800000, v2  }
0x42: {  	v12 =	vmul.f32 v14, v12;
	_ =	sdelay $0x1  }
0x43: {  	v13 =	vmul.f32 v14, v13;
	v15 =	vtrunc.f32 v12  }
0x44: {  	v16 =	vcvt.f32.s32 v15;
	vm9 =	vlt.f32 v12, v15  }
0x45: {  	v52 =	vtrunc.f32 v13;
	v17 =	vsel vm9, $0xFFFFFFFF, v4  }
0x46: {  	v18 =	vcvt.f32.s32 v52;
	vm10 =	vlt.f32 v13, v52;
	v53 =	vadd.s32 v16, v17  }
0x47: {  	v54 =	vsel vm10, $0xFFFFFFFF, v4;
	v17 =	vadd.s32 $0x60, v53  }
0x48: {  	v16 =	vadd.s32 v18, v54;
	vm11 =	vgt.s32 v17, $0x0  }
0x49: {  	v18 =	vadd.s32 $0x60, v16;
	v17 =	vnsel vm11, $0x0, v17  }
0x4a: {  	vm12 =	vgt.s32 v18, $0x0;
	v19 =	vmin.u32 v17, $0xC0  }
0x4b: {  	v18 =	vnsel vm12, $0x0, v18;
	v19 =	vmul.u32 $0xC1, v19  }
0x4c: {  	v20 =	vmin.u32 v18, $0xC0  }
0x4d: {  	v11 =	vmul.f32 v14, v11;
	v21 =	vadd.s32 v20, v19;
	_ =	sdelay $0x1  }
0x4e: {  	v22 =	vtrunc.f32 v11  }
0x4f: {  	v16 =	vcvt.s32.f32 v16;
	v15 =	vcvt.s32.f32 v53  }
0x50: {  	v22 =	vcvt.f32.s32 v22  }
0x51: {  	v13 =	vsub.f32 v13, v16;
	v12 =	vsub.f32 v12, v15;
	v21 =	vld.idx.msk [tilespmem:v21+s1+$0x0], $0xffff  }
0x52: {  	v23 =	vcvt.s32.f32 v22  }
0x53: {  	vm13 =	vgt.s32 v22, $0x0;
	v57 =	vsub.f32 $1.000000000e+00, v12;
	v58 =	vsub.f32 $1.000000000e+00, v13  }
0x54: {  	v55 =	vnsel vm13, $0x0, v22;
	v11 =	vsub.f32 v11, v23  }
0x55: {  	v15 =	vmin.u32 v55, $0x60;
	v56 =	vmin.u32 v18, $0xBF;
	v25 =	vmul.f32 v58, v57  }
0x56: {  	v23 =	vsub.f32 $1.000000000e+00, v11;
	v16 =	vadd.s32 $0x1, v56;
	v24 =	vand.u32 $0x7F, v21  }
0x57: {  	v19 =	vadd.s32 v16, v19;
	v59 =	vmul.f32 v25, v11;
	v26 =	vadd.s32 $0xFFFFFFFF, v24  }
0x58: {  	v25 =	vmul.f32 v25, v23;
	v21 =	vshra.s32 v21, $0x7;
	vm1 =	vlt.s32 v15, v26  }
0x59: {  	s6 =	sshra.s32 s2, $0x2;
	vm14 =	vlt.u32 v15, v24;
	v21 =	vadd.s32 v21, v15;
	v26 =	vsel vm1, $0x3F800000, v1  }
0x5a: {  	[tilespmem:s6+$0x11A08] =	vst v25;
	v21 =	vnsel vm14, $0x1C7CEC, v21;
	v60 =	vmul.f32 v59, v26  }
0x5b: {  	[tilespmem:s6+$0x9C08] =	vst v21  }
0x5c: {  	[tilespmem:s6+$0x12808] =	vst v60  }
0x5d: {  	v19 =	vld.idx.msk [tilespmem:v19+s1+$0x0], $0xffff;
	_ =	sdelay $0x1  }
0x5e: {  	v17 =	vmin.u32 v17, $0xBF  }
0x5f: {  	v17 =	vmul.u32 $0xC1, v17  }
0x60: {  	v18 =	vmul.f32 v57, v13  }
0x61: {  	v17 =	vadd.s32 $0xC1, v17;
	v61 =	vand.u32 $0x7F, v19  }
0x62: {  	v20 =	vadd.s32 v20, v17;
	v63 =	vmul.f32 v18, v11;
	v62 =	vadd.s32 $0xFFFFFFFF, v61  }
0x63: {  	v18 =	vmul.f32 v18, v23;
	v19 =	vshra.s32 v19, $0x7;
	vm4 =	vlt.s32 v15, v62  }
0x64: {  	vm15 =	vlt.u32 v15, v61;
	v19 =	vadd.s32 v15, v19;
	v24 =	vsel vm4, $0x3F800000, v1  }
0x65: {  	[tilespmem:s6+$0x11D88] =	vst v18;
	v19 =	vnsel vm15, $0x1C7CEC, v19;
	v26 =	vmul.f32 v63, v24  }
0x66: {  	[tilespmem:s6+$0x9F88] =	vst v19  }
0x67: {  	[tilespmem:s6+$0x12B88] =	vst v26  }
0x68: {  	v18 =	vld.idx.msk [tilespmem:v20+s1+$0x0], $0xffff;
	_ =	sdelay $0x3  }
0x69: {  	v28 =	vmul.f32 v58, v12  }
0x6a: {  	v27 =	vand.u32 $0x7F, v18  }
0x6b: {  	v16 =	vadd.s32 v16, v17;
	v30 =	vmul.f32 v28, v11;
	v29 =	vadd.s32 $0xFFFFFFFF, v27  }
0x6c: {  	v20 =	vmul.f32 v28, v23;
	v18 =	vshra.s32 v18, $0x7;
	vm6 =	vlt.s32 v15, v29  }
0x6d: {  	vm5 =	vlt.u32 v15, v27;
	v18 =	vadd.s32 v15, v18;
	v32 =	vsel vm6, $0x3F800000, v1  }
0x6e: {  	[tilespmem:s6+$0x12108] =	vst v20;
	v31 =	vnsel vm5, $0x1C7CEC, v18;
	v33 =	vmul.f32 v32, v30  }
0x6f: {  	[tilespmem:s6+$0xA308] =	vst v31  }
0x70: {  	[tilespmem:s6+$0x12F08] =	vst v33  }
0x71: {  	s0 =	scvt.s32.f32 s31;
	v16 =	vld.idx.msk [tilespmem:v16+s1+$0x0], $0xffff;
	_ =	sdelay $0x1  }
0x72: {  	s0 =	smul.f32 s0, s0;
	_ =	sdelay $0x1  }
0x73: {  	v34 =	vadd.f32 s0, v0;
	v12 =	vmul.f32 v13, v12  }
0x74: {  	v35 =	vand.u32 $0x7F, v16  }
0x75: {  	vm9 =	vlt.f32 v34, $9.216000000e+03;
	v11 =	vmul.f32 v12, v11;
	v36 =	vadd.s32 $0xFFFFFFFF, v35  }
0x76: {  	v12 =	vmul.f32 v12, v23;
	v16 =	vshra.s32 v16, $0x7;
	vm8 =	vlt.s32 v15, v36  }
0x77: {  	vm7 =	vlt.u32 v15, v35;
	v16 =	vadd.s32 v15, v16;
	v15 =	vsel vm8, $0x3F800000, v1  }
0x78: {  	v38 =	vsel vm9, $0x3BAAAAAB, v1;
	[tilespmem:s6+$0x12488] =	vst v12;
	v11 =	vmul.f32 v15, v11  }
0x79: {  	[tilespmem:s6+$0x13608] =	vst v38  }
0x7a: {  	v37 =	vnsel vm7, $0x1C7CEC, v16;
	[tilespmem:s6+$0x13288] =	vst v11;
	v11 =	vmul.f32 v14, v38  }
0x7b: {  	[tilespmem:s6+$0xA688] =	vst v37  }
0x7c: {  	[tilespmem:s6+$0x13988] =	vst v11  }
0x7d: {  	v11 =	vld [tilespmem:s30+$0xFFFFFF70];
	_ =	sdelay $0x1  }
0x7e: {  	v12 =	vld [tilespmem:s30+$0x50];
	_ =	sdelay $0x1  }
0x7f: {  	v13 =	vld [tilespmem:s30+$0xFFFFFFE0]  }
0x80: {  	vm10 =	vlt.f32 v11, $0.0e+00  }
0x81: {  	v39 =	vsel vm10, $0xBF800000, v2  }
0x82: {  	v12 =	vmul.f32 v39, v12;
	_ =	sdelay $0x1  }
0x83: {  	v13 =	vmul.f32 v39, v13;
	v40 =	vtrunc.f32 v12  }
0x84: {  	v41 =	vcvt.f32.s32 v40;
	vm11 =	vlt.f32 v12, v40  }
0x85: {  	v42 =	vtrunc.f32 v13;
	v43 =	vsel vm11, $0xFFFFFFFF, v4  }
0x86: {  	v44 =	vcvt.f32.s32 v42;
	vm12 =	vlt.f32 v13, v42;
	v45 =	vadd.s32 v41, v43  }
0x87: {  	v46 =	vsel vm12, $0xFFFFFFFF, v4;
	v17 =	vadd.s32 $0x60, v45  }
0x88: {  	v16 =	vadd.s32 v44, v46;
	vm13 =	vgt.s32 v17, $0x0  }
0x89: {  	v18 =	vadd.s32 $0x60, v16;
	v17 =	vnsel vm13, $0x0, v17  }
0x8a: {  	vm14 =	vgt.s32 v18, $0x0;
	v47 =	vmin.u32 v17, $0xC0  }
0x8b: {  	v18 =	vnsel vm14, $0x0, v18;
	v19 =	vmul.u32 $0xC1, v47  }
0x8c: {  	v48 =	vmin.u32 v18, $0xC0  }
0x8d: {  	v11 =	vmul.f32 v39, v11;
	v49 =	vadd.s32 v48, v19;
	_ =	sdelay $0x1  }
0x8e: {  	v50 =	vtrunc.f32 v11  }
0x8f: {  	v16 =	vcvt.s32.f32 v16;
	v15 =	vcvt.s32.f32 v45  }
0x90: {  	v22 =	vcvt.f32.s32 v50  }
0x91: {  	v13 =	vsub.f32 v13, v16;
	v12 =	vsub.f32 v12, v15;
	v21 =	vld.idx.msk [tilespmem:v49+s1+$0x0], $0xffff  }
0x92: {  	v51 =	vcvt.s32.f32 v22  }
0x93: {  	vm15 =	vgt.s32 v22, $0x0;
	v54 =	vsub.f32 $1.000000000e+00, v12;
	v55 =	vsub.f32 $1.000000000e+00, v13  }
0x94: {  	v52 =	vnsel vm15, $0x0, v22;
	v11 =	vsub.f32 v11, v51  }
0x95: {  	v15 =	vmin.u32 v52, $0x60;
	v53 =	vmin.u32 v18, $0xBF;
	v57 =	vmul.f32 v55, v54  }
0x96: {  	v23 =	vsub.f32 $1.000000000e+00, v11;
	v16 =	vadd.s32 $0x1, v53;
	v56 =	vand.u32 $0x7F, v21  }
0x97: {  	v19 =	vadd.s32 v16, v19;
	v59 =	vmul.f32 v57, v11;
	v58 =	vadd.s32 $0xFFFFFFFF, v56  }
0x98: {  	v25 =	vmul.f32 v57, v23;
	v21 =	vshra.s32 v21, $0x7;
	vm5 =	vlt.s32 v15, v58  }
0x99: {  	vm4 =	vlt.u32 v15, v56;
	v21 =	vadd.s32 v21, v15;
	v26 =	vsel vm5, $0x3F800000, v1  }
0x9a: {  	[tilespmem:s6+$0x11A18] =	vst v25;
	v21 =	vnsel vm4, $0x1C7CEC, v21;
	v60 =	vmul.f32 v59, v26  }
0x9b: {  	[tilespmem:s6+$0x9C18] =	vst v21  }
0x9c: {  	[tilespmem:s6+$0x12818] =	vst v60  }
0x9d: {  	v19 =	vld.idx.msk [tilespmem:v19+s1+$0x0], $0xffff;
	_ =	sdelay $0x1  }
0x9e: {  	v17 =	vmin.u32 v17, $0xBF  }
0x9f: {  	v17 =	vmul.u32 $0xC1, v17  }
0xa0: {  	v18 =	vmul.f32 v54, v13  }
0xa1: {  	v17 =	vadd.s32 $0xC1, v17;
	v61 =	vand.u32 $0x7F, v19  }
0xa2: {  	v20 =	vadd.s32 v48, v17;
	v63 =	vmul.f32 v18, v11;
	v62 =	vadd.s32 $0xFFFFFFFF, v61  }
0xa3: {  	v18 =	vmul.f32 v18, v23;
	v19 =	vshra.s32 v19, $0x7;
	vm7 =	vlt.s32 v15, v62  }
0xa4: {  	vm6 =	vlt.u32 v15, v61;
	v19 =	vadd.s32 v15, v19;
	v24 =	vsel vm7, $0x3F800000, v1  }
0xa5: {  	[tilespmem:s6+$0x11D98] =	vst v18;
	v19 =	vnsel vm6, $0x1C7CEC, v19;
	v24 =	vmul.f32 v63, v24  }
0xa6: {  	[tilespmem:s6+$0x9F98] =	vst v19  }
0xa7: {  	[tilespmem:s6+$0x12B98] =	vst v24  }
0xa8: {  	v18 =	vld.idx.msk [tilespmem:v20+s1+$0x0], $0xffff;
	_ =	sdelay $0x3  }
0xa9: {  	v26 =	vmul.f32 v55, v12  }
0xaa: {  	v25 =	vand.u32 $0x7F, v18  }
0xab: {  	v16 =	vadd.s32 v16, v17;
	v28 =	vmul.f32 v26, v11;
	v27 =	vadd.s32 $0xFFFFFFFF, v25  }
0xac: {  	v20 =	vmul.f32 v26, v23;
	v18 =	vshra.s32 v18, $0x7;
	vm9 =	vlt.s32 v15, v27  }
0xad: {  	vm8 =	vlt.u32 v15, v25;
	v18 =	vadd.s32 v15, v18;
	v30 =	vsel vm9, $0x3F800000, v1  }
0xae: {  	[tilespmem:s6+$0x12118] =	vst v20;
	v29 =	vnsel vm8, $0x1C7CEC, v18;
	v31 =	vmul.f32 v30, v28  }
0xaf: {  	[tilespmem:s6+$0xA318] =	vst v29  }
0xb0: {  	[tilespmem:s6+$0x12F18] =	vst v31  }
0xb1: {  	v16 =	vld.idx.msk [tilespmem:v16+s1+$0x0], $0xffff;
	_ =	sdelay $0x3  }
0xb2: {  	v32 =	vadd.f32 s0, v3;
	v12 =	vmul.f32 v13, v12  }
0xb3: {  	v33 =	vand.u32 $0x7F, v16  }
0xb4: {  	vm12 =	vlt.f32 v32, $9.216000000e+03;
	v11 =	vmul.f32 v12, v11;
	v34 =	vadd.s32 $0xFFFFFFFF, v33  }
0xb5: {  	v12 =	vmul.f32 v12, v23;
	v16 =	vshra.s32 v16, $0x7;
	vm11 =	vlt.s32 v15, v34  }
0xb6: {  	vm10 =	vlt.u32 v15, v33;
	v16 =	vadd.s32 v15, v16;
	v15 =	vsel vm11, $0x3F800000, v1  }
0xb7: {  	v36 =	vsel vm12, $0x3BAAAAAB, v1;
	[tilespmem:s6+$0x12498] =	vst v12;
	v11 =	vmul.f32 v15, v11  }
0xb8: {  	[tilespmem:s6+$0x13618] =	vst v36  }
0xb9: {  	v35 =	vnsel vm10, $0x1C7CEC, v16;
	[tilespmem:s6+$0x13298] =	vst v11;
	v11 =	vmul.f32 v39, v36  }
0xba: {  	[tilespmem:s6+$0xA698] =	vst v35  }
0xbb: {  	[tilespmem:s6+$0x13998] =	vst v11  }
0xbc: {  	v11 =	vld [tilespmem:s30+$0xFFFFFF80];
	_ =	sdelay $0x1  }
0xbd: {  	v12 =	vld [tilespmem:s30+$0x60];
	_ =	sdelay $0x1  }
0xbe: {  	v13 =	vld [tilespmem:s30+$0xFFFFFFF0]  }
0xbf: {  	vm13 =	vlt.f32 v11, $0.0e+00  }
0xc0: {  	v37 =	vsel vm13, $0xBF800000, v2  }
0xc1: {  	v12 =	vmul.f32 v37, v12;
	_ =	sdelay $0x1  }
0xc2: {  	v13 =	vmul.f32 v37, v13;
	v38 =	vtrunc.f32 v12  }
0xc3: {  	v39 =	vcvt.f32.s32 v38;
	vm14 =	vlt.f32 v12, v38  }
0xc4: {  	v40 =	vtrunc.f32 v13;
	v41 =	vsel vm14, $0xFFFFFFFF, v4  }
0xc5: {  	v42 =	vcvt.f32.s32 v40;
	vm15 =	vlt.f32 v13, v40;
	v43 =	vadd.s32 v39, v41  }
0xc6: {  	v44 =	vsel vm15, $0xFFFFFFFF, v4;
	v17 =	vadd.s32 $0x60, v43  }
0xc7: {  	v16 =	vadd.s32 v42, v44;
	vm4 =	vgt.s32 v17, $0x0  }
0xc8: {  	v18 =	vadd.s32 $0x60, v16;
	v17 =	vnsel vm4, $0x0, v17  }
0xc9: {  	vm5 =	vgt.s32 v18, $0x0;
	v45 =	vmin.u32 v17, $0xC0  }
0xca: {  	v18 =	vnsel vm5, $0x0, v18;
	v19 =	vmul.u32 $0xC1, v45  }
0xcb: {  	v46 =	vmin.u32 v18, $0xC0  }
0xcc: {  	v11 =	vmul.f32 v37, v11;
	v47 =	vadd.s32 v46, v19;
	_ =	sdelay $0x1  }
0xcd: {  	v48 =	vtrunc.f32 v11  }
0xce: {  	v16 =	vcvt.s32.f32 v16;
	v15 =	vcvt.s32.f32 v43  }
0xcf: {  	v22 =	vcvt.f32.s32 v48  }
0xd0: {  	v13 =	vsub.f32 v13, v16;
	v12 =	vsub.f32 v12, v15;
	v21 =	vld.idx.msk [tilespmem:v47+s1+$0x0], $0xffff  }
0xd1: {  	v49 =	vcvt.s32.f32 v22  }
0xd2: {  	vm6 =	vgt.s32 v22, $0x0;
	v52 =	vsub.f32 $1.000000000e+00, v12;
	v53 =	vsub.f32 $1.000000000e+00, v13  }
0xd3: {  	v50 =	vnsel vm6, $0x0, v22;
	v11 =	vsub.f32 v11, v49  }
0xd4: {  	v15 =	vmin.u32 v50, $0x60;
	v51 =	vmin.u32 v18, $0xBF;
	v55 =	vmul.f32 v53, v52  }
0xd5: {  	v23 =	vsub.f32 $1.000000000e+00, v11;
	v16 =	vadd.s32 $0x1, v51;
	v54 =	vand.u32 $0x7F, v21  }
0xd6: {  	v19 =	vadd.s32 v16, v19;
	v57 =	vmul.f32 v55, v11;
	v56 =	vadd.s32 $0xFFFFFFFF, v54  }
0xd7: {  	v25 =	vmul.f32 v55, v23;
	v21 =	vshra.s32 v21, $0x7;
	vm8 =	vlt.s32 v15, v56  }
0xd8: {  	vm7 =	vlt.u32 v15, v54;
	v21 =	vadd.s32 v21, v15;
	v26 =	vsel vm8, $0x3F800000, v1  }
0xd9: {  	[tilespmem:s6+$0x11A28] =	vst v25;
	v21 =	vnsel vm7, $0x1C7CEC, v21;
	v58 =	vmul.f32 v57, v26  }
0xda: {  	[tilespmem:s6+$0x9C28] =	vst v21  }
0xdb: {  	[tilespmem:s6+$0x12828] =	vst v58  }
0xdc: {  	v19 =	vld.idx.msk [tilespmem:v19+s1+$0x0], $0xffff;
	_ =	sdelay $0x1  }
0xdd: {  	v17 =	vmin.u32 v17, $0xBF  }
0xde: {  	v17 =	vmul.u32 $0xC1, v17  }
0xdf: {  	v18 =	vmul.f32 v52, v13  }
0xe0: {  	v17 =	vadd.s32 $0xC1, v17;
	v59 =	vand.u32 $0x7F, v19  }
0xe1: {  	v20 =	vadd.s32 v46, v17;
	v61 =	vmul.f32 v18, v11;
	v60 =	vadd.s32 $0xFFFFFFFF, v59  }
0xe2: {  	v18 =	vmul.f32 v18, v23;
	v19 =	vshra.s32 v19, $0x7;
	vm10 =	vlt.s32 v15, v60  }
0xe3: {  	vm9 =	vlt.u32 v15, v59;
	v19 =	vadd.s32 v15, v19;
	v24 =	vsel vm10, $0x3F800000, v1  }
0xe4: {  	[tilespmem:s6+$0x11DA8] =	vst v18;
	v19 =	vnsel vm9, $0x1C7CEC, v19;
	v62 =	vmul.f32 v61, v24  }
0xe5: {  	[tilespmem:s6+$0x9FA8] =	vst v19  }
0xe6: {  	[tilespmem:s6+$0x12BA8] =	vst v62  }
0xe7: {  	v18 =	vld.idx.msk [tilespmem:v20+s1+$0x0], $0xffff;
	_ =	sdelay $0x3  }
0xe8: {  	v24 =	vmul.f32 v53, v12  }
0xe9: {  	v63 =	vand.u32 $0x7F, v18  }
0xea: {  	v16 =	vadd.s32 v16, v17;
	v26 =	vmul.f32 v24, v11;
	v25 =	vadd.s32 $0xFFFFFFFF, v63  }
0xeb: {  	v20 =	vmul.f32 v24, v23;
	v18 =	vshra.s32 v18, $0x7;
	vm12 =	vlt.s32 v15, v25  }
0xec: {  	vm11 =	vlt.u32 v15, v63;
	v18 =	vadd.s32 v15, v18;
	v28 =	vsel vm12, $0x3F800000, v1  }
0xed: {  	[tilespmem:s6+$0x12128] =	vst v20;
	v27 =	vnsel vm11, $0x1C7CEC, v18;
	v29 =	vmul.f32 v28, v26  }
0xee: {  	[tilespmem:s6+$0xA328] =	vst v27  }
0xef: {  	[tilespmem:s6+$0x12F28] =	vst v29  }
0xf0: {  	v16 =	vld.idx.msk [tilespmem:v16+s1+$0x0], $0xffff;
	_ =	sdelay $0x3  }
0xf1: {  	v30 =	vadd.f32 s0, v5;
	v12 =	vmul.f32 v13, v12  }
0xf2: {  	v31 =	vand.u32 $0x7F, v16  }
0xf3: {  	vm15 =	vlt.f32 v30, $9.216000000e+03;
	v11 =	vmul.f32 v12, v11;
	v32 =	vadd.s32 $0xFFFFFFFF, v31  }
0xf4: {  	v12 =	vmul.f32 v12, v23;
	v16 =	vshra.s32 v16, $0x7;
	vm14 =	vlt.s32 v15, v32  }
0xf5: {  	vm13 =	vlt.u32 v15, v31;
	v16 =	vadd.s32 v15, v16;
	v15 =	vsel vm14, $0x3F800000, v1  }
0xf6: {  	v34 =	vsel vm15, $0x3BAAAAAB, v1;
	[tilespmem:s6+$0x124A8] =	vst v12;
	v11 =	vmul.f32 v15, v11  }
0xf7: {  	[tilespmem:s6+$0x13628] =	vst v34  }
0xf8: {  	v33 =	vnsel vm13, $0x1C7CEC, v16;
	[tilespmem:s6+$0x132A8] =	vst v11;
	v11 =	vmul.f32 v37, v34  }
0xf9: {  	[tilespmem:s6+$0xA6A8] =	vst v33  }
0xfa: {  	[tilespmem:s6+$0x139A8] =	vst v11  }
0xfb: {  	v11 =	vld [tilespmem:s30+$0xFFFFFF90];
	_ =	sdelay $0x1  }
0xfc: {  	v12 =	vld [tilespmem:s30+$0x70];
	_ =	sdelay $0x1  }
0xfd: {  	v13 =	vld [tilespmem:s30+$0x0]  }
0xfe: {  	vm4 =	vlt.f32 v11, $0.0e+00  }
0xff: {  	v35 =	vsel vm4, $0xBF800000, v2  }
0x100: {  	v12 =	vmul.f32 v35, v12;
	_ =	sdelay $0x1  }
0x101: {  	v13 =	vmul.f32 v35, v13;
	v36 =	vtrunc.f32 v12  }
0x102: {  	v37 =	vcvt.f32.s32 v36;
	vm5 =	vlt.f32 v12, v36  }
0x103: {  	v38 =	vtrunc.f32 v13;
	v39 =	vsel vm5, $0xFFFFFFFF, v4  }
0x104: {  	v40 =	vcvt.f32.s32 v38;
	vm6 =	vlt.f32 v13, v38;
	v41 =	vadd.s32 v37, v39  }
0x105: {  	v42 =	vsel vm6, $0xFFFFFFFF, v4;
	v17 =	vadd.s32 $0x60, v41  }
0x106: {  	v16 =	vadd.s32 v40, v42;
	vm7 =	vgt.s32 v17, $0x0  }
0x107: {  	v18 =	vadd.s32 $0x60, v16;
	v17 =	vnsel vm7, $0x0, v17  }
0x108: {  	vm8 =	vgt.s32 v18, $0x0;
	v43 =	vmin.u32 v17, $0xC0  }
0x109: {  	v18 =	vnsel vm8, $0x0, v18;
	v19 =	vmul.u32 $0xC1, v43  }
0x10a: {  	v44 =	vmin.u32 v18, $0xC0  }
0x10b: {  	v11 =	vmul.f32 v35, v11;
	v45 =	vadd.s32 v44, v19;
	_ =	sdelay $0x1  }
0x10c: {  	v46 =	vtrunc.f32 v11  }
0x10d: {  	v16 =	vcvt.s32.f32 v16;
	v15 =	vcvt.s32.f32 v41  }
0x10e: {  	v22 =	vcvt.f32.s32 v46  }
0x10f: {  	v13 =	vsub.f32 v13, v16;
	v12 =	vsub.f32 v12, v15;
	v21 =	vld.idx.msk [tilespmem:v45+s1+$0x0], $0xffff  }
0x110: {  	v47 =	vcvt.s32.f32 v22  }
0x111: {  	vm9 =	vgt.s32 v22, $0x0;
	v50 =	vsub.f32 $1.000000000e+00, v12;
	v51 =	vsub.f32 $1.000000000e+00, v13  }
0x112: {  	v48 =	vnsel vm9, $0x0, v22;
	v11 =	vsub.f32 v11, v47  }
0x113: {  	v15 =	vmin.u32 v48, $0x60;
	v49 =	vmin.u32 v18, $0xBF;
	v53 =	vmul.f32 v51, v50  }
0x114: {  	v23 =	vsub.f32 $1.000000000e+00, v11;
	v16 =	vadd.s32 $0x1, v49;
	v52 =	vand.u32 $0x7F, v21  }
0x115: {  	v19 =	vadd.s32 v16, v19;
	v55 =	vmul.f32 v53, v11;
	v54 =	vadd.s32 $0xFFFFFFFF, v52  }
0x116: {  	v25 =	vmul.f32 v53, v23;
	v21 =	vshra.s32 v21, $0x7;
	vm11 =	vlt.s32 v15, v54  }
0x117: {  	vm10 =	vlt.u32 v15, v52;
	v21 =	vadd.s32 v21, v15;
	v26 =	vsel vm11, $0x3F800000, v1  }
0x118: {  	[tilespmem:s6+$0x11A38] =	vst v25;
	v21 =	vnsel vm10, $0x1C7CEC, v21;
	v56 =	vmul.f32 v55, v26  }
0x119: {  	[tilespmem:s6+$0x9C38] =	vst v21  }
0x11a: {  	[tilespmem:s6+$0x12838] =	vst v56  }
0x11b: {  	v19 =	vld.idx.msk [tilespmem:v19+s1+$0x0], $0xffff;
	_ =	sdelay $0x1  }
0x11c: {  	v17 =	vmin.u32 v17, $0xBF  }
0x11d: {  	v17 =	vmul.u32 $0xC1, v17  }
0x11e: {  	v18 =	vmul.f32 v50, v13  }
0x11f: {  	v17 =	vadd.s32 $0xC1, v17;
	v57 =	vand.u32 $0x7F, v19  }
0x120: {  	v20 =	vadd.s32 v44, v17;
	v59 =	vmul.f32 v18, v11;
	v58 =	vadd.s32 $0xFFFFFFFF, v57  }
0x121: {  	v18 =	vmul.f32 v18, v23;
	v19 =	vshra.s32 v19, $0x7;
	vm13 =	vlt.s32 v15, v58  }
0x122: {  	vm12 =	vlt.u32 v15, v57;
	v19 =	vadd.s32 v15, v19;
	v24 =	vsel vm13, $0x3F800000, v1  }
0x123: {  	[tilespmem:s6+$0x11DB8] =	vst v18;
	v19 =	vnsel vm12, $0x1C7CEC, v19;
	v60 =	vmul.f32 v59, v24  }
0x124: {  	[tilespmem:s6+$0x9FB8] =	vst v19  }
0x125: {  	[tilespmem:s6+$0x12BB8] =	vst v60  }
0x126: {  	v18 =	vld.idx.msk [tilespmem:v20+s1+$0x0], $0xffff;
	_ =	sdelay $0x3  }
0x127: {  	v62 =	vmul.f32 v51, v12  }
0x128: {  	v61 =	vand.u32 $0x7F, v18  }
0x129: {  	v16 =	vadd.s32 v16, v17;
	v24 =	vmul.f32 v62, v11;
	v63 =	vadd.s32 $0xFFFFFFFF, v61  }
0x12a: {  	v20 =	vmul.f32 v62, v23;
	v18 =	vshra.s32 v18, $0x7;
	vm15 =	vlt.s32 v15, v63  }
0x12b: {  	vm14 =	vlt.u32 v15, v61;
	v18 =	vadd.s32 v15, v18;
	v26 =	vsel vm15, $0x3F800000, v1  }
0x12c: {  	[tilespmem:s6+$0x12138] =	vst v20;
	v25 =	vnsel vm14, $0x1C7CEC, v18;
	v27 =	vmul.f32 v26, v24  }
0x12d: {  	[tilespmem:s6+$0xA338] =	vst v25  }
0x12e: {  	[tilespmem:s6+$0x12F38] =	vst v27  }
0x12f: {  	v16 =	vld.idx.msk [tilespmem:v16+s1+$0x0], $0xffff;
	_ =	sdelay $0x3  }
0x130: {  	v28 =	vadd.f32 s0, v6;
	v12 =	vmul.f32 v13, v12  }
0x131: {  	v29 =	vand.u32 $0x7F, v16  }
0x132: {  	vm6 =	vlt.f32 v28, $9.216000000e+03;
	v11 =	vmul.f32 v12, v11;
	v30 =	vadd.s32 $0xFFFFFFFF, v29  }
0x133: {  	v12 =	vmul.f32 v12, v23;
	v16 =	vshra.s32 v16, $0x7;
	vm5 =	vlt.s32 v15, v30  }
0x134: {  	vm4 =	vlt.u32 v15, v29;
	v16 =	vadd.s32 v15, v16;
	v15 =	vsel vm5, $0x3F800000, v1  }
0x135: {  	v32 =	vsel vm6, $0x3BAAAAAB, v1;
	[tilespmem:s6+$0x124B8] =	vst v12;
	v11 =	vmul.f32 v15, v11  }
0x136: {  	[tilespmem:s6+$0x13638] =	vst v32  }
0x137: {  	v31 =	vnsel vm4, $0x1C7CEC, v16;
	[tilespmem:s6+$0x132B8] =	vst v11;
	v11 =	vmul.f32 v35, v32  }
0x138: {  	[tilespmem:s6+$0xA6B8] =	vst v31  }
0x139: {  	[tilespmem:s6+$0x139B8] =	vst v11  }
0x13a: {  	v11 =	vld [tilespmem:s30+$0xFFFFFFA0];
	_ =	sdelay $0x1  }
0x13b: {  	v12 =	vld [tilespmem:s30+$0x80];
	_ =	sdelay $0x1  }
0x13c: {  	v13 =	vld [tilespmem:s30+$0x10]  }
0x13d: {  	vm7 =	vlt.f32 v11, $0.0e+00  }
0x13e: {  	v33 =	vsel vm7, $0xBF800000, v2  }
0x13f: {  	v12 =	vmul.f32 v33, v12;
	_ =	sdelay $0x1  }
0x140: {  	v13 =	vmul.f32 v33, v13;
	v34 =	vtrunc.f32 v12  }
0x141: {  	v35 =	vcvt.f32.s32 v34;
	vm8 =	vlt.f32 v12, v34  }
0x142: {  	v36 =	vtrunc.f32 v13;
	v37 =	vsel vm8, $0xFFFFFFFF, v4  }
0x143: {  	v38 =	vcvt.f32.s32 v36;
	vm9 =	vlt.f32 v13, v36;
	v39 =	vadd.s32 v35, v37  }
0x144: {  	v40 =	vsel vm9, $0xFFFFFFFF, v4;
	v17 =	vadd.s32 $0x60, v39  }
0x145: {  	v16 =	vadd.s32 v38, v40;
	vm10 =	vgt.s32 v17, $0x0  }
0x146: {  	v18 =	vadd.s32 $0x60, v16;
	v17 =	vnsel vm10, $0x0, v17  }
0x147: {  	vm11 =	vgt.s32 v18, $0x0;
	v41 =	vmin.u32 v17, $0xC0  }
0x148: {  	v18 =	vnsel vm11, $0x0, v18;
	v19 =	vmul.u32 $0xC1, v41  }
0x149: {  	v42 =	vmin.u32 v18, $0xC0  }
0x14a: {  	v11 =	vmul.f32 v33, v11;
	v43 =	vadd.s32 v42, v19;
	_ =	sdelay $0x1  }
0x14b: {  	v44 =	vtrunc.f32 v11  }
0x14c: {  	v16 =	vcvt.s32.f32 v16;
	v15 =	vcvt.s32.f32 v39  }
0x14d: {  	v22 =	vcvt.f32.s32 v44  }
0x14e: {  	v13 =	vsub.f32 v13, v16;
	v12 =	vsub.f32 v12, v15;
	v21 =	vld.idx.msk [tilespmem:v43+s1+$0x0], $0xffff  }
0x14f: {  	v45 =	vcvt.s32.f32 v22  }
0x150: {  	vm12 =	vgt.s32 v22, $0x0;
	v48 =	vsub.f32 $1.000000000e+00, v12;
	v49 =	vsub.f32 $1.000000000e+00, v13  }
0x151: {  	v46 =	vnsel vm12, $0x0, v22;
	v11 =	vsub.f32 v11, v45  }
0x152: {  	v15 =	vmin.u32 v46, $0x60;
	v47 =	vmin.u32 v18, $0xBF;
	v51 =	vmul.f32 v49, v48  }
0x153: {  	v23 =	vsub.f32 $1.000000000e+00, v11;
	v16 =	vadd.s32 $0x1, v47;
	v50 =	vand.u32 $0x7F, v21  }
0x154: {  	v19 =	vadd.s32 v16, v19;
	v53 =	vmul.f32 v51, v11;
	v52 =	vadd.s32 $0xFFFFFFFF, v50  }
0x155: {  	v25 =	vmul.f32 v51, v23;
	v21 =	vshra.s32 v21, $0x7;
	vm14 =	vlt.s32 v15, v52  }
0x156: {  	vm13 =	vlt.u32 v15, v50;
	v21 =	vadd.s32 v21, v15;
	v26 =	vsel vm14, $0x3F800000, v1  }
0x157: {  	[tilespmem:s6+$0x11A48] =	vst v25;
	v21 =	vnsel vm13, $0x1C7CEC, v21;
	v54 =	vmul.f32 v53, v26  }
0x158: {  	[tilespmem:s6+$0x9C48] =	vst v21  }
0x159: {  	[tilespmem:s6+$0x12848] =	vst v54  }
0x15a: {  	v19 =	vld.idx.msk [tilespmem:v19+s1+$0x0], $0xffff;
	_ =	sdelay $0x1  }
0x15b: {  	v17 =	vmin.u32 v17, $0xBF  }
0x15c: {  	v17 =	vmul.u32 $0xC1, v17  }
0x15d: {  	v18 =	vmul.f32 v48, v13  }
0x15e: {  	v17 =	vadd.s32 $0xC1, v17;
	v55 =	vand.u32 $0x7F, v19  }
0x15f: {  	v20 =	vadd.s32 v42, v17;
	v57 =	vmul.f32 v18, v11;
	v56 =	vadd.s32 $0xFFFFFFFF, v55  }
0x160: {  	v18 =	vmul.f32 v18, v23;
	v19 =	vshra.s32 v19, $0x7;
	vm4 =	vlt.s32 v15, v56  }
0x161: {  	vm15 =	vlt.u32 v15, v55;
	v19 =	vadd.s32 v15, v19;
	v24 =	vsel vm4, $0x3F800000, v1  }
0x162: {  	[tilespmem:s6+$0x11DC8] =	vst v18;
	v19 =	vnsel vm15, $0x1C7CEC, v19;
	v58 =	vmul.f32 v57, v24  }
0x163: {  	[tilespmem:s6+$0x9FC8] =	vst v19  }
0x164: {  	[tilespmem:s6+$0x12BC8] =	vst v58  }
0x165: {  	v18 =	vld.idx.msk [tilespmem:v20+s1+$0x0], $0xffff;
	_ =	sdelay $0x3  }
0x166: {  	v60 =	vmul.f32 v49, v12  }
0x167: {  	v59 =	vand.u32 $0x7F, v18  }
0x168: {  	v16 =	vadd.s32 v16, v17;
	v62 =	vmul.f32 v60, v11;
	v61 =	vadd.s32 $0xFFFFFFFF, v59  }
0x169: {  	v20 =	vmul.f32 v60, v23;
	v18 =	vshra.s32 v18, $0x7;
	vm6 =	vlt.s32 v15, v61  }
0x16a: {  	vm5 =	vlt.u32 v15, v59;
	v18 =	vadd.s32 v15, v18;
	v24 =	vsel vm6, $0x3F800000, v1  }
0x16b: {  	[tilespmem:s6+$0x12148] =	vst v20;
	v63 =	vnsel vm5, $0x1C7CEC, v18;
	v25 =	vmul.f32 v24, v62  }
0x16c: {  	[tilespmem:s6+$0xA348] =	vst v63  }
0x16d: {  	[tilespmem:s6+$0x12F48] =	vst v25  }
0x16e: {  	v16 =	vld.idx.msk [tilespmem:v16+s1+$0x0], $0xffff;
	_ =	sdelay $0x3  }
0x16f: {  	v12 =	vmul.f32 v13, v12  }
0x170: {  	v26 =	vadd.f32 s0, v7;
	v27 =	vand.u32 $0x7F, v16  }
0x171: {  	v11 =	vmul.f32 v12, v11;
	v12 =	vmul.f32 v12, v23;
	v28 =	vadd.s32 $0xFFFFFFFF, v27  }
0x172: {  	vm9 =	vlt.f32 v26, $9.216000000e+03;
	v16 =	vshra.s32 v16, $0x7;
	vm8 =	vlt.s32 v15, v28  }
0x173: {  	vm7 =	vlt.u32 v15, v27;
	v16 =	vadd.s32 v15, v16;
	v15 =	vsel vm8, $0x3F800000, v1  }
0x174: {  	v30 =	vsel vm9, $0x3BAAAAAB, v1;
	[tilespmem:s6+$0x124C8] =	vst v12;
	v11 =	vmul.f32 v15, v11  }
0x175: {  	[tilespmem:s6+$0x13648] =	vst v30  }
0x176: {  	v29 =	vnsel vm7, $0x1C7CEC, v16;
	[tilespmem:s6+$0x132C8] =	vst v11;
	v11 =	vmul.f32 v33, v30  }
0x177: {  	[tilespmem:s6+$0xA6C8] =	vst v29  }
0x178: {  	[tilespmem:s6+$0x139C8] =	vst v11  }
0x179: {  	v11 =	vld [tilespmem:s30+$0xFFFFFFB0];
	_ =	sdelay $0x1  }
0x17a: {  	v12 =	vld [tilespmem:s30+$0x90];
	_ =	sdelay $0x1  }
0x17b: {  	v13 =	vld [tilespmem:s30+$0x20]  }
0x17c: {  	vm10 =	vlt.f32 v11, $0.0e+00  }
0x17d: {  	v31 =	vsel vm10, $0xBF800000, v2  }
0x17e: {  	v12 =	vmul.f32 v31, v12;
	_ =	sdelay $0x1  }
0x17f: {  	v13 =	vmul.f32 v31, v13;
	v32 =	vtrunc.f32 v12  }
0x180: {  	v33 =	vcvt.f32.s32 v32;
	vm11 =	vlt.f32 v12, v32  }
0x181: {  	v34 =	vtrunc.f32 v13;
	v35 =	vsel vm11, $0xFFFFFFFF, v4  }
0x182: {  	v36 =	vcvt.f32.s32 v34;
	vm12 =	vlt.f32 v13, v34;
	v37 =	vadd.s32 v33, v35  }
0x183: {  	v38 =	vsel vm12, $0xFFFFFFFF, v4;
	v17 =	vadd.s32 $0x60, v37  }
0x184: {  	v16 =	vadd.s32 v36, v38;
	vm13 =	vgt.s32 v17, $0x0  }
0x185: {  	v18 =	vadd.s32 $0x60, v16;
	v17 =	vnsel vm13, $0x0, v17  }
0x186: {  	vm14 =	vgt.s32 v18, $0x0;
	v39 =	vmin.u32 v17, $0xC0  }
0x187: {  	v18 =	vnsel vm14, $0x0, v18;
	v19 =	vmul.u32 $0xC1, v39  }
0x188: {  	v40 =	vmin.u32 v18, $0xC0  }
0x189: {  	v11 =	vmul.f32 v31, v11;
	v41 =	vadd.s32 v40, v19;
	_ =	sdelay $0x1  }
0x18a: {  	v42 =	vtrunc.f32 v11  }
0x18b: {  	v16 =	vcvt.s32.f32 v16;
	v15 =	vcvt.s32.f32 v37  }
0x18c: {  	v22 =	vcvt.f32.s32 v42  }
0x18d: {  	v13 =	vsub.f32 v13, v16;
	v12 =	vsub.f32 v12, v15;
	v21 =	vld.idx.msk [tilespmem:v41+s1+$0x0], $0xffff  }
0x18e: {  	v43 =	vcvt.s32.f32 v22  }
0x18f: {  	vm15 =	vgt.s32 v22, $0x0;
	v46 =	vsub.f32 $1.000000000e+00, v12;
	v47 =	vsub.f32 $1.000000000e+00, v13  }
0x190: {  	v44 =	vnsel vm15, $0x0, v22;
	v11 =	vsub.f32 v11, v43  }
0x191: {  	v15 =	vmin.u32 v44, $0x60;
	v45 =	vmin.u32 v18, $0xBF;
	v49 =	vmul.f32 v47, v46  }
0x192: {  	v23 =	vsub.f32 $1.000000000e+00, v11;
	v16 =	vadd.s32 $0x1, v45;
	v48 =	vand.u32 $0x7F, v21  }
0x193: {  	v19 =	vadd.s32 v16, v19;
	v51 =	vmul.f32 v49, v11;
	v50 =	vadd.s32 $0xFFFFFFFF, v48  }
0x194: {  	v25 =	vmul.f32 v49, v23;
	v21 =	vshra.s32 v21, $0x7;
	vm5 =	vlt.s32 v15, v50  }
0x195: {  	vm4 =	vlt.u32 v15, v48;
	v21 =	vadd.s32 v21, v15;
	v26 =	vsel vm5, $0x3F800000, v1  }
0x196: {  	[tilespmem:s6+$0x11A58] =	vst v25;
	v21 =	vnsel vm4, $0x1C7CEC, v21;
	v52 =	vmul.f32 v51, v26  }
0x197: {  	[tilespmem:s6+$0x9C58] =	vst v21  }
0x198: {  	[tilespmem:s6+$0x12858] =	vst v52  }
0x199: {  	v19 =	vld.idx.msk [tilespmem:v19+s1+$0x0], $0xffff;
	_ =	sdelay $0x1  }
0x19a: {  	v17 =	vmin.u32 v17, $0xBF  }
0x19b: {  	v17 =	vmul.u32 $0xC1, v17  }
0x19c: {  	v18 =	vmul.f32 v46, v13  }
0x19d: {  	v17 =	vadd.s32 $0xC1, v17;
	v53 =	vand.u32 $0x7F, v19  }
0x19e: {  	v20 =	vadd.s32 v40, v17;
	v55 =	vmul.f32 v18, v11;
	v54 =	vadd.s32 $0xFFFFFFFF, v53  }
0x19f: {  	v18 =	vmul.f32 v18, v23;
	v19 =	vshra.s32 v19, $0x7;
	vm7 =	vlt.s32 v15, v54  }
0x1a0: {  	vm6 =	vlt.u32 v15, v53;
	v19 =	vadd.s32 v15, v19;
	v24 =	vsel vm7, $0x3F800000, v1  }
0x1a1: {  	[tilespmem:s6+$0x11DD8] =	vst v18;
	v19 =	vnsel vm6, $0x1C7CEC, v19;
	v56 =	vmul.f32 v55, v24  }
0x1a2: {  	[tilespmem:s6+$0x9FD8] =	vst v19  }
0x1a3: {  	[tilespmem:s6+$0x12BD8] =	vst v56  }
0x1a4: {  	v18 =	vld.idx.msk [tilespmem:v20+s1+$0x0], $0xffff;
	_ =	sdelay $0x3  }
0x1a5: {  	v58 =	vmul.f32 v47, v12  }
0x1a6: {  	v57 =	vand.u32 $0x7F, v18  }
0x1a7: {  	v16 =	vadd.s32 v16, v17;
	v60 =	vmul.f32 v58, v11;
	v59 =	vadd.s32 $0xFFFFFFFF, v57  }
0x1a8: {  	v20 =	vmul.f32 v58, v23;
	v18 =	vshra.s32 v18, $0x7;
	vm9 =	vlt.s32 v15, v59  }
0x1a9: {  	vm8 =	vlt.u32 v15, v57;
	v18 =	vadd.s32 v15, v18;
	v62 =	vsel vm9, $0x3F800000, v1  }
0x1aa: {  	[tilespmem:s6+$0x12158] =	vst v20;
	v61 =	vnsel vm8, $0x1C7CEC, v18;
	v63 =	vmul.f32 v62, v60  }
0x1ab: {  	[tilespmem:s6+$0xA358] =	vst v61  }
0x1ac: {  	[tilespmem:s6+$0x12F58] =	vst v63  }
0x1ad: {  	v16 =	vld.idx.msk [tilespmem:v16+s1+$0x0], $0xffff;
	_ =	sdelay $0x3  }
0x1ae: {  	v12 =	vmul.f32 v13, v12  }
0x1af: {  	v21 =	vadd.f32 s0, v8;
	v22 =	vand.u32 $0x7F, v16  }
0x1b0: {  	v11 =	vmul.f32 v12, v11;
	v12 =	vmul.f32 v12, v23;
	v24 =	vadd.s32 $0xFFFFFFFF, v22  }
0x1b1: {  	vm12 =	vlt.f32 v21, $9.216000000e+03;
	v16 =	vshra.s32 v16, $0x7;
	vm11 =	vlt.s32 v15, v24  }
0x1b2: {  	vm10 =	vlt.u32 v15, v22;
	v16 =	vadd.s32 v15, v16;
	v15 =	vsel vm11, $0x3F800000, v1  }
0x1b3: {  	v26 =	vsel vm12, $0x3BAAAAAB, v1;
	[tilespmem:s6+$0x124D8] =	vst v12;
	v11 =	vmul.f32 v15, v11  }
0x1b4: {  	[tilespmem:s6+$0x13658] =	vst v26  }
0x1b5: {  	v25 =	vnsel vm10, $0x1C7CEC, v16;
	[tilespmem:s6+$0x132D8] =	vst v11;
	v11 =	vmul.f32 v31, v26  }
0x1b6: {  	[tilespmem:s6+$0xA6D8] =	vst v25  }
0x1b7: {  	[tilespmem:s6+$0x139D8] =	vst v11  }
0x1b8: {  	v11 =	vld [tilespmem:s30+$0xFFFFFFC0];
	_ =	sdelay $0x1  }
0x1b9: {  	v12 =	vld [tilespmem:s30+$0xA0];
	_ =	sdelay $0x1  }
0x1ba: {  	v13 =	vld [tilespmem:s30+$0x30]  }
0x1bb: {  	vm13 =	vlt.f32 v11, $0.0e+00  }
0x1bc: {  	v14 =	vsel vm13, $0xBF800000, v2  }
0x1bd: {  	v12 =	vmul.f32 v14, v12;
	_ =	sdelay $0x1  }
0x1be: {  	v13 =	vmul.f32 v14, v13;
	v27 =	vtrunc.f32 v12  }
0x1bf: {  	v28 =	vcvt.f32.s32 v27;
	vm14 =	vlt.f32 v12, v27  }
0x1c0: {  	v29 =	vtrunc.f32 v13;
	v30 =	vsel vm14, $0xFFFFFFFF, v4  }
0x1c1: {  	v31 =	vcvt.f32.s32 v29;
	vm15 =	vlt.f32 v13, v29;
	v32 =	vadd.s32 v28, v30  }
0x1c2: {  	v33 =	vsel vm15, $0xFFFFFFFF, v4;
	v17 =	vadd.s32 $0x60, v32  }
0x1c3: {  	v16 =	vadd.s32 v31, v33;
	vm4 =	vgt.s32 v17, $0x0  }
0x1c4: {  	v18 =	vadd.s32 $0x60, v16;
	v17 =	vnsel vm4, $0x0, v17  }
0x1c5: {  	vm5 =	vgt.s32 v18, $0x0;
	v34 =	vmin.u32 v17, $0xC0  }
0x1c6: {  	v18 =	vnsel vm5, $0x0, v18;
	v19 =	vmul.u32 $0xC1, v34  }
0x1c7: {  	v35 =	vmin.u32 v18, $0xC0  }
0x1c8: {  	v11 =	vmul.f32 v14, v11;
	v36 =	vadd.s32 v35, v19;
	_ =	sdelay $0x1  }
0x1c9: {  	v37 =	vtrunc.f32 v11  }
0x1ca: {  	v16 =	vcvt.s32.f32 v16;
	v15 =	vcvt.s32.f32 v32  }
0x1cb: {  	v22 =	vcvt.f32.s32 v37  }
0x1cc: {  	v13 =	vsub.f32 v13, v16;
	v12 =	vsub.f32 v12, v15;
	v21 =	vld.idx.msk [tilespmem:v36+s1+$0x0], $0xffff  }
0x1cd: {  	v38 =	vcvt.s32.f32 v22  }
0x1ce: {  	vm6 =	vgt.s32 v22, $0x0;
	v41 =	vsub.f32 $1.000000000e+00, v12;
	v42 =	vsub.f32 $1.000000000e+00, v13  }
0x1cf: {  	v39 =	vnsel vm6, $0x0, v22;
	v11 =	vsub.f32 v11, v38  }
0x1d0: {  	v15 =	vmin.u32 v39, $0x60;
	v40 =	vmin.u32 v18, $0xBF;
	v44 =	vmul.f32 v42, v41  }
0x1d1: {  	v23 =	vsub.f32 $1.000000000e+00, v11;
	v16 =	vadd.s32 $0x1, v40;
	v43 =	vand.u32 $0x7F, v21  }
0x1d2: {  	v19 =	vadd.s32 v16, v19;
	v46 =	vmul.f32 v44, v11;
	v45 =	vadd.s32 $0xFFFFFFFF, v43  }
0x1d3: {  	v25 =	vmul.f32 v44, v23;
	v21 =	vshra.s32 v21, $0x7;
	vm8 =	vlt.s32 v15, v45  }
0x1d4: {  	vm7 =	vlt.u32 v15, v43;
	v21 =	vadd.s32 v21, v15;
	v26 =	vsel vm8, $0x3F800000, v1  }
0x1d5: {  	[tilespmem:s6+$0x11A68] =	vst v25;
	v21 =	vnsel vm7, $0x1C7CEC, v21;
	v47 =	vmul.f32 v46, v26  }
0x1d6: {  	[tilespmem:s6+$0x9C68] =	vst v21  }
0x1d7: {  	[tilespmem:s6+$0x12868] =	vst v47  }
0x1d8: {  	v19 =	vld.idx.msk [tilespmem:v19+s1+$0x0], $0xffff;
	_ =	sdelay $0x1  }
0x1d9: {  	v17 =	vmin.u32 v17, $0xBF  }
0x1da: {  	v17 =	vmul.u32 $0xC1, v17  }
0x1db: {  	v18 =	vmul.f32 v41, v13  }
0x1dc: {  	v17 =	vadd.s32 $0xC1, v17;
	v48 =	vand.u32 $0x7F, v19  }
0x1dd: {  	v20 =	vadd.s32 v35, v17;
	v50 =	vmul.f32 v18, v11;
	v49 =	vadd.s32 $0xFFFFFFFF, v48  }
0x1de: {  	v18 =	vmul.f32 v18, v23;
	v19 =	vshra.s32 v19, $0x7;
	vm10 =	vlt.s32 v15, v49  }
0x1df: {  	vm9 =	vlt.u32 v15, v48;
	v19 =	vadd.s32 v15, v19;
	v24 =	vsel vm10, $0x3F800000, v1  }
0x1e0: {  	[tilespmem:s6+$0x11DE8] =	vst v18;
	v19 =	vnsel vm9, $0x1C7CEC, v19;
	v51 =	vmul.f32 v50, v24  }
0x1e1: {  	[tilespmem:s6+$0x9FE8] =	vst v19  }
0x1e2: {  	[tilespmem:s6+$0x12BE8] =	vst v51  }
0x1e3: {  	v18 =	vld.idx.msk [tilespmem:v20+s1+$0x0], $0xffff;
	_ =	sdelay $0x3  }
0x1e4: {  	v53 =	vmul.f32 v42, v12  }
0x1e5: {  	v52 =	vand.u32 $0x7F, v18  }
0x1e6: {  	v16 =	vadd.s32 v16, v17;
	v55 =	vmul.f32 v53, v11;
	v54 =	vadd.s32 $0xFFFFFFFF, v52  }
0x1e7: {  	v20 =	vmul.f32 v53, v23;
	v18 =	vshra.s32 v18, $0x7;
	vm12 =	vlt.s32 v15, v54  }
0x1e8: {  	vm11 =	vlt.u32 v15, v52;
	v18 =	vadd.s32 v15, v18;
	v57 =	vsel vm12, $0x3F800000, v1  }
0x1e9: {  	[tilespmem:s6+$0x12168] =	vst v20;
	v56 =	vnsel vm11, $0x1C7CEC, v18;
	v58 =	vmul.f32 v57, v55  }
0x1ea: {  	[tilespmem:s6+$0xA368] =	vst v56  }
0x1eb: {  	[tilespmem:s6+$0x12F68] =	vst v58  }
0x1ec: {  	v16 =	vld.idx.msk [tilespmem:v16+s1+$0x0], $0xffff;
	_ =	sdelay $0x3  }
0x1ed: {  	v59 =	vadd.f32 s0, v9;
	v12 =	vmul.f32 v13, v12  }
0x1ee: {  	v60 =	vand.u32 $0x7F, v16  }
0x1ef: {  	vm15 =	vlt.f32 v59, $9.216000000e+03;
	v11 =	vmul.f32 v12, v11;
	v61 =	vadd.s32 $0xFFFFFFFF, v60  }
0x1f0: {  	v12 =	vmul.f32 v12, v23;
	v16 =	vshra.s32 v16, $0x7;
	vm14 =	vlt.s32 v15, v61  }
0x1f1: {  	p0 =	sne.s32 s2, $0xC40;
	vm13 =	vlt.u32 v15, v60;
	v16 =	vadd.s32 v15, v16;
	v15 =	vsel vm14, $0x3F800000, v1  }
.Ltmp0:
0x1f2: {  	v63 =	vsel vm15, $0x3BAAAAAB, v1;
	[tilespmem:s6+$0x124E8] =	vst v12;
	v11 =	vmul.f32 v15, v11;
	(pc) =	sbr.rel @p0 .LBB2_4-.Ltmp0, $4  }
0x1f3: {  	[tilespmem:s6+$0x13668] =	vst v63  }
0x1f4: {  	v62 =	vnsel vm13, $0x1C7CEC, v16;
	[tilespmem:s6+$0x132E8] =	vst v11;
	v11 =	vmul.f32 v14, v63  }
0x1f5: {  	[tilespmem:s6+$0xA6E8] =	vst v62  }
0x1f6: {  	s31 =	sadd.s32 $0x1, s31;
	s2 =	sadd.s32 $0x1C0, s2;
	s30 =	sadd.s32 $0x150, s30;
	[tilespmem:s6+$0x139E8] =	vst v11  }
0x1f7: {  	[tilespmem:s13], [sflag:$0x1] =	stream.indirect.gather [hbm4b:s4+s11], $0x8, s12, s11, $0xb8;
	[tilespmem:$0x14408] =	vst v63  }
0x1f8: {  	_ = 	snop  }
0x1f9: {  	[tilespmem:s15], [sflag:$0x1] =	stream.indirect.gather [hbm4b:s4+s11], $0x8, s14, s11, $0xb8;
	[tilespmem:$0x14408] =	vst v63  }
0x1fa: {  	_ = 	snop  }
0x1fb: {  	[tilespmem:s17], [sflag:$0x1] =	stream.indirect.gather [hbm4b:s4+s11], $0x8, s16, s11, $0xb8;
	[tilespmem:$0x14408] =	vst v63  }
0x1fc: {  	_ = 	snop  }
0x1fd: {  	[tilespmem:s19], [sflag:$0x1] =	stream.indirect.gather [hbm4b:s4+s11], $0x8, s18, s11, $0xb8;
	[tilespmem:$0x14408] =	vst v63  }
0x1fe: {  	_ =	swait.ge [sflag:s20], $0x1C00  }
0x1ff: {  	[sflag:s20] =	ssyncset.done $0x0  }
0x200: {  	[sflag:s20] =	ssyncadd.s32 $0xFFFFE400  }
0x201: {  	_ =	swait.ge [sflag:s20], $0x1C00  }
0x202: {  	[sflag:s20] =	ssyncset.done $0x0  }
0x203: {  	[sflag:s20] =	ssyncadd.s32 $0xFFFFE400  }
0x204: {  	_ =	swait.ge [sflag:s20], $0x1C00  }
0x205: {  	[sflag:s20] =	ssyncset.done $0x0  }
0x206: {  	[sflag:s20] =	ssyncadd.s32 $0xFFFFE400  }
0x207: {  	_ =	swait.ge [sflag:s20], $0x1C00  }
0x208: {  	s0 =	simm.s32 $0x60;
	s2 =	simm.s32 $0x13D78;
	[sflag:s20] =	ssyncset.done $0x0  }
0x209: {  	s6 =	simm.s32 $0x139E8;
	s30 =	simm.s32 $0x12808;
	[sflag:s20] =	ssyncadd.s32 $0xFFFFE400  }
.LBB2_6:
0x20a: {  	s31 =	sadd.s32 $0xFFFFFFA0, s0  }
0x20b: {  	v11 =	vmov s31  }
0x20c: {  	v11 =	vshll.u32 v11, $0x3  }
0x20d: {  	v14 =	vld [tilespmem:s30+$0xFFFFF200];
	v11 =	vor.u32 v10, v11  }
0x20e: {  	v16 =	vld [tilespmem:s30+$0x0]  }
0x20f: {  	v21 =	vld [tilespmem:s30+$0xFFFFF580];
	v13 =	vor.u32 $0x2, v11  }
0x210: {  	v22 =	vld [tilespmem:s30+$0x380]  }
0x211: {  	v27 =	vld [tilespmem:s30+$0xFFFFF900]  }
0x212: {  	v17 =	vld.idx.msk [tilespmem:v11+s13+$0x0], $0xffff  }
0x213: {  	v63 =	vld [tilespmem:s30+$0x700]  }
0x214: {  	v19 =	vld.idx.msk [tilespmem:v13+s13+$0x0], $0xffff  }
0x215: {  	v31 =	vld [tilespmem:s30+$0xFFFFFC80];
	v12 =	vor.u32 $0x1, v11  }
0x216: {  	v15 =	vor.u32 $0x3, v11;
	v23 =	vld.idx.msk [tilespmem:v11+s15+$0x0], $0xffff  }
0x217: {  	v33 =	vld [tilespmem:s30+$0xA80];
	v17 =	vmul.f32 v17, v14  }
0x218: {  	v25 =	vld.idx.msk [tilespmem:v13+s15+$0x0], $0xffff  }
0x219: {  	v28 =	vld.idx.msk [tilespmem:v11+s17+$0x0], $0xffff;
	v19 =	vmul.f32 v19, v16;
	v17 =	vadd.f32 $0.0e+00, v17  }
0x21a: {  	v18 =	vld.idx.msk [tilespmem:v12+s13+$0x0], $0xffff  }
0x21b: {  	v20 =	vld.idx.msk [tilespmem:v15+s13+$0x0], $0xffff;
	v62 =	vmul.f32 v23, v21;
	v17 =	vadd.f32 v19, v17  }
0x21c: {  	v29 =	vld.idx.msk [tilespmem:v13+s17+$0x0], $0xffff  }
0x21d: {  	v11 =	vld.idx.msk [tilespmem:v11+s19+$0x0], $0xffff;
	v30 =	vmul.f32 v25, v22;
	v17 =	vadd.f32 v62, v17  }
0x21e: {  	v24 =	vld.idx.msk [tilespmem:v12+s15+$0x0], $0xffff  }
0x21f: {  	v26 =	vld.idx.msk [tilespmem:v15+s15+$0x0], $0xffff;
	v32 =	vmul.f32 v28, v27;
	v14 =	vmul.f32 v18, v14;
	v17 =	vadd.f32 v30, v17  }
0x220: {  	v13 =	vld.idx.msk [tilespmem:v13+s19+$0x0], $0xffff;
	v16 =	vmul.f32 v20, v16  }
0x221: {  	v34 =	vmul.f32 v29, v63;
	v14 =	vadd.f32 $0.0e+00, v14;
	v17 =	vadd.f32 v32, v17  }
0x222: {  	v36 =	vld.idx.msk [tilespmem:v12+s17+$0x0], $0xffff;
	v11 =	vmul.f32 v11, v31  }
0x223: {  	v38 =	vld [tilespmem:s6+$0xFFFFFC20];
	v35 =	vmul.f32 v24, v21;
	v14 =	vadd.f32 v16, v14;
	v17 =	vadd.f32 v34, v17  }
0x224: {  	v37 =	vld.idx.msk [tilespmem:v15+s17+$0x0], $0xffff;
	v39 =	vmul.f32 v26, v22  }
0x225: {  	v13 =	vmul.f32 v13, v33;
	v14 =	vadd.f32 v35, v14;
	v11 =	vadd.f32 v11, v17  }
0x226: {  	v12 =	vld.idx.msk [tilespmem:v12+s19+$0x0], $0xffff  }
0x227: {  	v40 =	vmul.f32 v36, v27;
	v14 =	vadd.f32 v39, v14;
	v11 =	vadd.f32 v13, v11  }
0x228: {  	v41 =	vld.idx.msk [tilespmem:v15+s19+$0x0], $0xffff  }
0x229: {  	v42 =	vmul.f32 v37, v63;
	v14 =	vadd.f32 v40, v14;
	v11 =	vmul.f32 v38, v11;
	_ =	sdelay $0x1  }
0x22a: {  	v12 =	vmul.f32 v12, v31;
	v14 =	vadd.f32 v42, v14;
	[tilespmem:s2+$0xFFFFFF90] =	vst v11  }
0x22b: {  	v11 =	vld [tilespmem:s6+$0xFFFFFFA0]  }
0x22c: {  	v12 =	vadd.f32 v12, v14;
	v13 =	vmul.f32 v41, v33  }
0x22d: {  	s31 =	sadd.s32 $0xFFFFFFB0, s0  }
0x22e: {  	v43 =	vmov s31;
	v12 =	vadd.f32 v13, v12  }
0x22f: {  	v13 =	vshll.u32 v43, $0x3  }
0x230: {  	v44 =	vor.u32 v10, v13;
	v11 =	vmul.f32 v11, v12  }
0x231: {  	v13 =	vor.u32 $0x1, v44  }
0x232: {  	v46 =	vor.u32 $0x3, v44;
	[tilespmem:s2+$0x0] =	vst v11  }
0x233: {  	v45 =	vld [tilespmem:s30+$0xFFFFF210]  }
0x234: {  	v47 =	vld [tilespmem:s30+$0x10]  }
0x235: {  	v11 =	vor.u32 $0x2, v44;
	v48 =	vld.idx.msk [tilespmem:v44+s13+$0x0], $0xffff  }
0x236: {  	v49 =	vld.idx.msk [tilespmem:v13+s13+$0x0], $0xffff  }
0x237: {  	v51 =	vld.idx.msk [tilespmem:v46+s13+$0x0], $0xffff  }
0x238: {  	v52 =	vld [tilespmem:s30+$0xFFFFF590]  }
0x239: {  	v53 =	vld [tilespmem:s30+$0x390]  }
0x23a: {  	v50 =	vld.idx.msk [tilespmem:v11+s13+$0x0], $0xffff  }
0x23b: {  	v54 =	vld.idx.msk [tilespmem:v44+s15+$0x0], $0xffff  }
0x23c: {  	v55 =	vld.idx.msk [tilespmem:v13+s15+$0x0], $0xffff  }
0x23d: {  	v57 =	vld.idx.msk [tilespmem:v46+s15+$0x0], $0xffff;
	v17 =	vmul.f32 v48, v45  }
0x23e: {  	v56 =	vld.idx.msk [tilespmem:v11+s15+$0x0], $0xffff  }
0x23f: {  	v58 =	vld [tilespmem:s30+$0xFFFFF910];
	v17 =	vadd.f32 $0.0e+00, v17;
	v19 =	vmul.f32 v50, v47  }
0x240: {  	v59 =	vld.idx.msk [tilespmem:v44+s17+$0x0], $0xffff  }
0x241: {  	v61 =	vld [tilespmem:s30+$0x710];
	v60 =	vmul.f32 v54, v52;
	v17 =	vadd.f32 v19, v17  }
0x242: {  	v62 =	vld.idx.msk [tilespmem:v11+s17+$0x0], $0xffff  }
0x243: {  	v30 =	vld [tilespmem:s30+$0xFFFFFC90];
	v63 =	vmul.f32 v56, v53;
	v17 =	vadd.f32 v60, v17  }
0x244: {  	v12 =	vld.idx.msk [tilespmem:v44+s19+$0x0], $0xffff  }
0x245: {  	v32 =	vld [tilespmem:s30+$0xA90];
	v14 =	vmul.f32 v49, v45;
	v31 =	vmul.f32 v59, v58;
	v17 =	vadd.f32 v63, v17  }
0x246: {  	v11 =	vld.idx.msk [tilespmem:v11+s19+$0x0], $0xffff;
	v16 =	vmul.f32 v51, v47  }
0x247: {  	v14 =	vadd.f32 $0.0e+00, v14;
	v33 =	vmul.f32 v62, v61;
	v17 =	vadd.f32 v31, v17  }
0x248: {  	v35 =	vld.idx.msk [tilespmem:v13+s17+$0x0], $0xffff;
	v34 =	vmul.f32 v55, v52  }
0x249: {  	v36 =	vld.idx.msk [tilespmem:v46+s17+$0x0], $0xffff;
	v12 =	vmul.f32 v12, v30;
	v14 =	vadd.f32 v16, v14;
	v17 =	vadd.f32 v33, v17  }
0x24a: {  	v37 =	vld [tilespmem:s6+$0xFFFFFC30];
	v38 =	vmul.f32 v57, v53  }
0x24b: {  	v11 =	vmul.f32 v11, v32;
	v14 =	vadd.f32 v34, v14;
	v12 =	vadd.f32 v12, v17  }
0x24c: {  	v13 =	vld.idx.msk [tilespmem:v13+s19+$0x0], $0xffff  }
0x24d: {  	v39 =	vmul.f32 v35, v58;
	v14 =	vadd.f32 v38, v14;
	v11 =	vadd.f32 v11, v12  }
0x24e: {  	v40 =	vld.idx.msk [tilespmem:v46+s19+$0x0], $0xffff  }
0x24f: {  	v41 =	vmul.f32 v36, v61;
	v14 =	vadd.f32 v39, v14;
	v11 =	vmul.f32 v37, v11;
	_ =	sdelay $0x1  }
0x250: {  	v13 =	vmul.f32 v13, v30;
	v14 =	vadd.f32 v41, v14;
	[tilespmem:s2+$0xFFFFFFA0] =	vst v11  }
0x251: {  	v11 =	vld [tilespmem:s6+$0xFFFFFFB0]  }
0x252: {  	v13 =	vadd.f32 v13, v14;
	v12 =	vmul.f32 v40, v32  }
0x253: {  	s31 =	sadd.s32 $0xFFFFFFC0, s0  }
0x254: {  	v42 =	vmov s31;
	v12 =	vadd.f32 v12, v13  }
0x255: {  	v13 =	vshll.u32 v42, $0x3  }
0x256: {  	v43 =	vor.u32 v10, v13;
	v11 =	vmul.f32 v11, v12  }
0x257: {  	v13 =	vor.u32 $0x1, v43  }
0x258: {  	v45 =	vor.u32 $0x3, v43;
	[tilespmem:s2+$0x10] =	vst v11  }
0x259: {  	v44 =	vld [tilespmem:s30+$0xFFFFF220]  }
0x25a: {  	v46 =	vld [tilespmem:s30+$0x20]  }
0x25b: {  	v11 =	vor.u32 $0x2, v43;
	v47 =	vld.idx.msk [tilespmem:v43+s13+$0x0], $0xffff  }
0x25c: {  	v48 =	vld.idx.msk [tilespmem:v13+s13+$0x0], $0xffff  }
0x25d: {  	v50 =	vld.idx.msk [tilespmem:v45+s13+$0x0], $0xffff  }
0x25e: {  	v51 =	vld [tilespmem:s30+$0xFFFFF5A0]  }
0x25f: {  	v52 =	vld [tilespmem:s30+$0x3A0]  }
0x260: {  	v49 =	vld.idx.msk [tilespmem:v11+s13+$0x0], $0xffff  }
0x261: {  	v53 =	vld.idx.msk [tilespmem:v43+s15+$0x0], $0xffff  }
0x262: {  	v54 =	vld.idx.msk [tilespmem:v13+s15+$0x0], $0xffff  }
0x263: {  	v56 =	vld.idx.msk [tilespmem:v45+s15+$0x0], $0xffff;
	v17 =	vmul.f32 v47, v44  }
0x264: {  	v55 =	vld.idx.msk [tilespmem:v11+s15+$0x0], $0xffff  }
0x265: {  	v57 =	vld [tilespmem:s30+$0xFFFFF920];
	v17 =	vadd.f32 $0.0e+00, v17;
	v19 =	vmul.f32 v49, v46  }
0x266: {  	v58 =	vld.idx.msk [tilespmem:v43+s17+$0x0], $0xffff  }
0x267: {  	v60 =	vld [tilespmem:s30+$0x720];
	v59 =	vmul.f32 v53, v51;
	v17 =	vadd.f32 v19, v17  }
0x268: {  	v61 =	vld.idx.msk [tilespmem:v11+s17+$0x0], $0xffff  }
0x269: {  	v63 =	vld [tilespmem:s30+$0xFFFFFCA0];
	v62 =	vmul.f32 v55, v52;
	v17 =	vadd.f32 v59, v17  }
0x26a: {  	v12 =	vld.idx.msk [tilespmem:v43+s19+$0x0], $0xffff  }
0x26b: {  	v31 =	vld [tilespmem:s30+$0xAA0];
	v14 =	vmul.f32 v48, v44;
	v30 =	vmul.f32 v58, v57;
	v17 =	vadd.f32 v62, v17  }
0x26c: {  	v11 =	vld.idx.msk [tilespmem:v11+s19+$0x0], $0xffff;
	v16 =	vmul.f32 v50, v46  }
0x26d: {  	v14 =	vadd.f32 $0.0e+00, v14;
	v32 =	vmul.f32 v61, v60;
	v17 =	vadd.f32 v30, v17  }
0x26e: {  	v34 =	vld.idx.msk [tilespmem:v13+s17+$0x0], $0xffff;
	v33 =	vmul.f32 v54, v51  }
0x26f: {  	v35 =	vld.idx.msk [tilespmem:v45+s17+$0x0], $0xffff;
	v12 =	vmul.f32 v12, v63;
	v14 =	vadd.f32 v16, v14;
	v17 =	vadd.f32 v32, v17  }
0x270: {  	v36 =	vld [tilespmem:s6+$0xFFFFFC40];
	v37 =	vmul.f32 v56, v52  }
0x271: {  	v11 =	vmul.f32 v11, v31;
	v14 =	vadd.f32 v33, v14;
	v12 =	vadd.f32 v12, v17  }
0x272: {  	v13 =	vld.idx.msk [tilespmem:v13+s19+$0x0], $0xffff  }
0x273: {  	v38 =	vmul.f32 v34, v57;
	v14 =	vadd.f32 v37, v14;
	v11 =	vadd.f32 v11, v12  }
0x274: {  	v39 =	vld.idx.msk [tilespmem:v45+s19+$0x0], $0xffff  }
0x275: {  	v40 =	vmul.f32 v35, v60;
	v14 =	vadd.f32 v38, v14;
	v11 =	vmul.f32 v36, v11;
	_ =	sdelay $0x1  }
0x276: {  	v13 =	vmul.f32 v13, v63;
	v14 =	vadd.f32 v40, v14;
	[tilespmem:s2+$0xFFFFFFB0] =	vst v11  }
0x277: {  	v11 =	vld [tilespmem:s6+$0xFFFFFFC0]  }
0x278: {  	v13 =	vadd.f32 v13, v14;
	v12 =	vmul.f32 v39, v31  }
0x279: {  	s31 =	sadd.s32 $0xFFFFFFD0, s0  }
0x27a: {  	v41 =	vmov s31;
	v12 =	vadd.f32 v12, v13  }
0x27b: {  	v13 =	vshll.u32 v41, $0x3  }
0x27c: {  	v42 =	vor.u32 v10, v13;
	v11 =	vmul.f32 v11, v12  }
0x27d: {  	v13 =	vor.u32 $0x1, v42  }
0x27e: {  	v44 =	vor.u32 $0x3, v42;
	[tilespmem:s2+$0x20] =	vst v11  }
0x27f: {  	v43 =	vld [tilespmem:s30+$0xFFFFF230]  }
0x280: {  	v45 =	vld [tilespmem:s30+$0x30]  }
0x281: {  	v11 =	vor.u32 $0x2, v42;
	v46 =	vld.idx.msk [tilespmem:v42+s13+$0x0], $0xffff  }
0x282: {  	v47 =	vld.idx.msk [tilespmem:v13+s13+$0x0], $0xffff  }
0x283: {  	v49 =	vld.idx.msk [tilespmem:v44+s13+$0x0], $0xffff  }
0x284: {  	v50 =	vld [tilespmem:s30+$0xFFFFF5B0]  }
0x285: {  	v51 =	vld [tilespmem:s30+$0x3B0]  }
0x286: {  	v48 =	vld.idx.msk [tilespmem:v11+s13+$0x0], $0xffff  }
0x287: {  	v52 =	vld.idx.msk [tilespmem:v42+s15+$0x0], $0xffff  }
0x288: {  	v53 =	vld.idx.msk [tilespmem:v13+s15+$0x0], $0xffff  }
0x289: {  	v55 =	vld.idx.msk [tilespmem:v44+s15+$0x0], $0xffff;
	v17 =	vmul.f32 v46, v43  }
0x28a: {  	v54 =	vld.idx.msk [tilespmem:v11+s15+$0x0], $0xffff  }
0x28b: {  	v56 =	vld [tilespmem:s30+$0xFFFFF930];
	v17 =	vadd.f32 $0.0e+00, v17;
	v19 =	vmul.f32 v48, v45  }
0x28c: {  	v57 =	vld.idx.msk [tilespmem:v42+s17+$0x0], $0xffff  }
0x28d: {  	v59 =	vld [tilespmem:s30+$0x730];
	v58 =	vmul.f32 v52, v50;
	v17 =	vadd.f32 v19, v17  }
0x28e: {  	v60 =	vld.idx.msk [tilespmem:v11+s17+$0x0], $0xffff  }
0x28f: {  	v62 =	vld [tilespmem:s30+$0xFFFFFCB0];
	v61 =	vmul.f32 v54, v51;
	v17 =	vadd.f32 v58, v17  }
0x290: {  	v12 =	vld.idx.msk [tilespmem:v42+s19+$0x0], $0xffff  }
0x291: {  	v28 =	vld [tilespmem:s30+$0xAB0];
	v14 =	vmul.f32 v47, v43;
	v63 =	vmul.f32 v57, v56;
	v17 =	vadd.f32 v61, v17  }
0x292: {  	v11 =	vld.idx.msk [tilespmem:v11+s19+$0x0], $0xffff;
	v16 =	vmul.f32 v49, v45  }
0x293: {  	v14 =	vadd.f32 $0.0e+00, v14;
	v30 =	vmul.f32 v60, v59;
	v17 =	vadd.f32 v63, v17  }
0x294: {  	v32 =	vld.idx.msk [tilespmem:v13+s17+$0x0], $0xffff;
	v31 =	vmul.f32 v53, v50  }
0x295: {  	v33 =	vld.idx.msk [tilespmem:v44+s17+$0x0], $0xffff;
	v12 =	vmul.f32 v12, v62;
	v14 =	vadd.f32 v16, v14;
	v17 =	vadd.f32 v30, v17  }
0x296: {  	v34 =	vld [tilespmem:s6+$0xFFFFFC50];
	v35 =	vmul.f32 v55, v51  }
0x297: {  	v11 =	vmul.f32 v11, v28;
	v14 =	vadd.f32 v31, v14;
	v12 =	vadd.f32 v12, v17  }
0x298: {  	v13 =	vld.idx.msk [tilespmem:v13+s19+$0x0], $0xffff  }
0x299: {  	v36 =	vmul.f32 v32, v56;
	v14 =	vadd.f32 v35, v14;
	v11 =	vadd.f32 v11, v12  }
0x29a: {  	v37 =	vld.idx.msk [tilespmem:v44+s19+$0x0], $0xffff  }
0x29b: {  	v38 =	vmul.f32 v33, v59;
	v14 =	vadd.f32 v36, v14;
	v11 =	vmul.f32 v34, v11;
	_ =	sdelay $0x1  }
0x29c: {  	v13 =	vmul.f32 v13, v62;
	v14 =	vadd.f32 v38, v14;
	[tilespmem:s2+$0xFFFFFFC0] =	vst v11  }
0x29d: {  	v11 =	vld [tilespmem:s6+$0xFFFFFFD0]  }
0x29e: {  	v13 =	vadd.f32 v13, v14;
	v12 =	vmul.f32 v37, v28  }
0x29f: {  	s31 =	sadd.s32 $0xFFFFFFE0, s0  }
0x2a0: {  	v39 =	vmov s31;
	v12 =	vadd.f32 v12, v13  }
0x2a1: {  	v13 =	vshll.u32 v39, $0x3  }
0x2a2: {  	v40 =	vor.u32 v10, v13;
	v11 =	vmul.f32 v11, v12  }
0x2a3: {  	v13 =	vor.u32 $0x1, v40  }
0x2a4: {  	v42 =	vor.u32 $0x3, v40;
	[tilespmem:s2+$0x30] =	vst v11  }
0x2a5: {  	v41 =	vld [tilespmem:s30+$0xFFFFF240]  }
0x2a6: {  	v43 =	vld [tilespmem:s30+$0x40]  }
0x2a7: {  	v11 =	vor.u32 $0x2, v40;
	v44 =	vld.idx.msk [tilespmem:v40+s13+$0x0], $0xffff  }
0x2a8: {  	v45 =	vld.idx.msk [tilespmem:v13+s13+$0x0], $0xffff  }
0x2a9: {  	v47 =	vld.idx.msk [tilespmem:v42+s13+$0x0], $0xffff  }
0x2aa: {  	v48 =	vld [tilespmem:s30+$0xFFFFF5C0]  }
0x2ab: {  	v49 =	vld [tilespmem:s30+$0x3C0]  }
0x2ac: {  	v46 =	vld.idx.msk [tilespmem:v11+s13+$0x0], $0xffff  }
0x2ad: {  	v50 =	vld.idx.msk [tilespmem:v40+s15+$0x0], $0xffff  }
0x2ae: {  	v51 =	vld.idx.msk [tilespmem:v13+s15+$0x0], $0xffff  }
0x2af: {  	v53 =	vld.idx.msk [tilespmem:v42+s15+$0x0], $0xffff;
	v17 =	vmul.f32 v44, v41  }
0x2b0: {  	v52 =	vld.idx.msk [tilespmem:v11+s15+$0x0], $0xffff  }
0x2b1: {  	v54 =	vld [tilespmem:s30+$0xFFFFF940];
	v17 =	vadd.f32 $0.0e+00, v17;
	v19 =	vmul.f32 v46, v43  }
0x2b2: {  	v55 =	vld.idx.msk [tilespmem:v40+s17+$0x0], $0xffff  }
0x2b3: {  	v57 =	vld [tilespmem:s30+$0x740];
	v56 =	vmul.f32 v50, v48;
	v17 =	vadd.f32 v19, v17  }
0x2b4: {  	v58 =	vld.idx.msk [tilespmem:v11+s17+$0x0], $0xffff  }
0x2b5: {  	v60 =	vld [tilespmem:s30+$0xFFFFFCC0];
	v59 =	vmul.f32 v52, v49;
	v17 =	vadd.f32 v56, v17  }
0x2b6: {  	v12 =	vld.idx.msk [tilespmem:v40+s19+$0x0], $0xffff  }
0x2b7: {  	v62 =	vld [tilespmem:s30+$0xAC0];
	v14 =	vmul.f32 v45, v41;
	v61 =	vmul.f32 v55, v54;
	v17 =	vadd.f32 v59, v17  }
0x2b8: {  	v11 =	vld.idx.msk [tilespmem:v11+s19+$0x0], $0xffff;
	v16 =	vmul.f32 v47, v43  }
0x2b9: {  	v14 =	vadd.f32 $0.0e+00, v14;
	v63 =	vmul.f32 v58, v57;
	v17 =	vadd.f32 v61, v17  }
0x2ba: {  	v29 =	vld.idx.msk [tilespmem:v13+s17+$0x0], $0xffff;
	v28 =	vmul.f32 v51, v48  }
0x2bb: {  	v30 =	vld.idx.msk [tilespmem:v42+s17+$0x0], $0xffff;
	v12 =	vmul.f32 v12, v60;
	v14 =	vadd.f32 v16, v14;
	v17 =	vadd.f32 v63, v17  }
0x2bc: {  	v31 =	vld [tilespmem:s6+$0xFFFFFC60];
	v32 =	vmul.f32 v53, v49  }
0x2bd: {  	v11 =	vmul.f32 v11, v62;
	v14 =	vadd.f32 v28, v14;
	v12 =	vadd.f32 v12, v17  }
0x2be: {  	v13 =	vld.idx.msk [tilespmem:v13+s19+$0x0], $0xffff  }
0x2bf: {  	v33 =	vmul.f32 v29, v54;
	v14 =	vadd.f32 v32, v14;
	v11 =	vadd.f32 v11, v12  }
0x2c0: {  	v34 =	vld.idx.msk [tilespmem:v42+s19+$0x0], $0xffff  }
0x2c1: {  	v35 =	vmul.f32 v30, v57;
	v14 =	vadd.f32 v33, v14;
	v11 =	vmul.f32 v31, v11;
	_ =	sdelay $0x1  }
0x2c2: {  	v13 =	vmul.f32 v13, v60;
	v14 =	vadd.f32 v35, v14;
	[tilespmem:s2+$0xFFFFFFD0] =	vst v11  }
0x2c3: {  	v11 =	vld [tilespmem:s6+$0xFFFFFFE0]  }
0x2c4: {  	v13 =	vadd.f32 v13, v14;
	v12 =	vmul.f32 v34, v62  }
0x2c5: {  	s31 =	sadd.s32 $0xFFFFFFF0, s0  }
0x2c6: {  	v36 =	vmov s31;
	v12 =	vadd.f32 v12, v13  }
0x2c7: {  	v13 =	vshll.u32 v36, $0x3  }
0x2c8: {  	v37 =	vor.u32 v10, v13;
	v11 =	vmul.f32 v11, v12  }
0x2c9: {  	v13 =	vor.u32 $0x1, v37  }
0x2ca: {  	v39 =	vor.u32 $0x3, v37;
	[tilespmem:s2+$0x40] =	vst v11  }
0x2cb: {  	v38 =	vld [tilespmem:s30+$0xFFFFF250]  }
0x2cc: {  	v40 =	vld [tilespmem:s30+$0x50]  }
0x2cd: {  	v11 =	vor.u32 $0x2, v37;
	v41 =	vld.idx.msk [tilespmem:v37+s13+$0x0], $0xffff  }
0x2ce: {  	v42 =	vld.idx.msk [tilespmem:v13+s13+$0x0], $0xffff  }
0x2cf: {  	v44 =	vld.idx.msk [tilespmem:v39+s13+$0x0], $0xffff  }
0x2d0: {  	v45 =	vld [tilespmem:s30+$0xFFFFF5D0]  }
0x2d1: {  	v46 =	vld [tilespmem:s30+$0x3D0]  }
0x2d2: {  	v43 =	vld.idx.msk [tilespmem:v11+s13+$0x0], $0xffff  }
0x2d3: {  	v47 =	vld.idx.msk [tilespmem:v37+s15+$0x0], $0xffff  }
0x2d4: {  	v48 =	vld.idx.msk [tilespmem:v13+s15+$0x0], $0xffff  }
0x2d5: {  	v50 =	vld.idx.msk [tilespmem:v39+s15+$0x0], $0xffff;
	v17 =	vmul.f32 v41, v38  }
0x2d6: {  	v49 =	vld.idx.msk [tilespmem:v11+s15+$0x0], $0xffff  }
0x2d7: {  	v51 =	vld [tilespmem:s30+$0xFFFFF950];
	v17 =	vadd.f32 $0.0e+00, v17;
	v19 =	vmul.f32 v43, v40  }
0x2d8: {  	v52 =	vld.idx.msk [tilespmem:v37+s17+$0x0], $0xffff  }
0x2d9: {  	v54 =	vld [tilespmem:s30+$0x750];
	v53 =	vmul.f32 v47, v45;
	v17 =	vadd.f32 v19, v17  }
0x2da: {  	v55 =	vld.idx.msk [tilespmem:v11+s17+$0x0], $0xffff  }
0x2db: {  	v57 =	vld [tilespmem:s30+$0xFFFFFCD0];
	v56 =	vmul.f32 v49, v46;
	v17 =	vadd.f32 v53, v17  }
0x2dc: {  	v12 =	vld.idx.msk [tilespmem:v37+s19+$0x0], $0xffff  }
0x2dd: {  	v59 =	vld [tilespmem:s30+$0xAD0];
	v14 =	vmul.f32 v42, v38;
	v58 =	vmul.f32 v52, v51;
	v17 =	vadd.f32 v56, v17  }
0x2de: {  	v11 =	vld.idx.msk [tilespmem:v11+s19+$0x0], $0xffff;
	v16 =	vmul.f32 v44, v40  }
0x2df: {  	v14 =	vadd.f32 $0.0e+00, v14;
	v60 =	vmul.f32 v55, v54;
	v17 =	vadd.f32 v58, v17  }
0x2e0: {  	v62 =	vld.idx.msk [tilespmem:v13+s17+$0x0], $0xffff;
	v61 =	vmul.f32 v48, v45  }
0x2e1: {  	v63 =	vld.idx.msk [tilespmem:v39+s17+$0x0], $0xffff;
	v12 =	vmul.f32 v12, v57;
	v14 =	vadd.f32 v16, v14;
	v17 =	vadd.f32 v60, v17  }
0x2e2: {  	v24 =	vld [tilespmem:s6+$0xFFFFFC70];
	v26 =	vmul.f32 v50, v46  }
0x2e3: {  	v11 =	vmul.f32 v11, v59;
	v14 =	vadd.f32 v61, v14;
	v12 =	vadd.f32 v12, v17  }
0x2e4: {  	v13 =	vld.idx.msk [tilespmem:v13+s19+$0x0], $0xffff  }
0x2e5: {  	v28 =	vmul.f32 v62, v51;
	v14 =	vadd.f32 v26, v14;
	v11 =	vadd.f32 v11, v12  }
0x2e6: {  	v29 =	vld.idx.msk [tilespmem:v39+s19+$0x0], $0xffff  }
0x2e7: {  	v30 =	vmul.f32 v63, v54;
	v14 =	vadd.f32 v28, v14;
	v11 =	vmul.f32 v24, v11;
	_ =	sdelay $0x1  }
0x2e8: {  	v13 =	vmul.f32 v13, v57;
	v14 =	vadd.f32 v30, v14;
	[tilespmem:s2+$0xFFFFFFE0] =	vst v11  }
0x2e9: {  	v11 =	vld [tilespmem:s6+$0xFFFFFFF0]  }
0x2ea: {  	v13 =	vadd.f32 v13, v14;
	v12 =	vmul.f32 v29, v59;
	_ =	sdelay $0x1  }
0x2eb: {  	v31 =	vmov s0;
	v12 =	vadd.f32 v12, v13  }
0x2ec: {  	v13 =	vshll.u32 v31, $0x3  }
0x2ed: {  	v32 =	vor.u32 v10, v13;
	v11 =	vmul.f32 v11, v12  }
0x2ee: {  	v13 =	vor.u32 $0x1, v32  }
0x2ef: {  	v34 =	vor.u32 $0x3, v32;
	[tilespmem:s2+$0x50] =	vst v11  }
0x2f0: {  	v33 =	vld [tilespmem:s30+$0xFFFFF260]  }
0x2f1: {  	v35 =	vld [tilespmem:s30+$0x60]  }
0x2f2: {  	v11 =	vor.u32 $0x2, v32;
	v36 =	vld.idx.msk [tilespmem:v32+s13+$0x0], $0xffff  }
0x2f3: {  	v37 =	vld.idx.msk [tilespmem:v13+s13+$0x0], $0xffff  }
0x2f4: {  	v39 =	vld.idx.msk [tilespmem:v34+s13+$0x0], $0xffff  }
0x2f5: {  	v40 =	vld [tilespmem:s30+$0xFFFFF5E0]  }
0x2f6: {  	v41 =	vld [tilespmem:s30+$0x3E0]  }
0x2f7: {  	v38 =	vld.idx.msk [tilespmem:v11+s13+$0x0], $0xffff  }
0x2f8: {  	v42 =	vld.idx.msk [tilespmem:v32+s15+$0x0], $0xffff  }
0x2f9: {  	v43 =	vld.idx.msk [tilespmem:v13+s15+$0x0], $0xffff  }
0x2fa: {  	v45 =	vld.idx.msk [tilespmem:v34+s15+$0x0], $0xffff;
	v17 =	vmul.f32 v36, v33  }
0x2fb: {  	v44 =	vld.idx.msk [tilespmem:v11+s15+$0x0], $0xffff  }
0x2fc: {  	v46 =	vld [tilespmem:s30+$0xFFFFF960];
	v17 =	vadd.f32 $0.0e+00, v17;
	v19 =	vmul.f32 v38, v35  }
0x2fd: {  	v47 =	vld.idx.msk [tilespmem:v32+s17+$0x0], $0xffff  }
0x2fe: {  	v49 =	vld [tilespmem:s30+$0x760];
	v48 =	vmul.f32 v42, v40;
	v17 =	vadd.f32 v19, v17  }
0x2ff: {  	v50 =	vld.idx.msk [tilespmem:v11+s17+$0x0], $0xffff  }
0x300: {  	v52 =	vld [tilespmem:s30+$0xFFFFFCE0];
	v51 =	vmul.f32 v44, v41;
	v17 =	vadd.f32 v48, v17  }
0x301: {  	v12 =	vld.idx.msk [tilespmem:v32+s19+$0x0], $0xffff  }
0x302: {  	v54 =	vld [tilespmem:s30+$0xAE0];
	v14 =	vmul.f32 v37, v33;
	v53 =	vmul.f32 v47, v46;
	v17 =	vadd.f32 v51, v17  }
0x303: {  	v11 =	vld.idx.msk [tilespmem:v11+s19+$0x0], $0xffff;
	v16 =	vmul.f32 v39, v35  }
0x304: {  	v14 =	vadd.f32 $0.0e+00, v14;
	v55 =	vmul.f32 v50, v49;
	v17 =	vadd.f32 v53, v17  }
0x305: {  	v57 =	vld.idx.msk [tilespmem:v13+s17+$0x0], $0xffff;
	v56 =	vmul.f32 v43, v40  }
0x306: {  	v58 =	vld.idx.msk [tilespmem:v34+s17+$0x0], $0xffff;
	v12 =	vmul.f32 v12, v52;
	v14 =	vadd.f32 v16, v14;
	v17 =	vadd.f32 v55, v17  }
0x307: {  	v59 =	vld [tilespmem:s6+$0xFFFFFC80];
	v60 =	vmul.f32 v45, v41  }
0x308: {  	v11 =	vmul.f32 v11, v54;
	v14 =	vadd.f32 v56, v14;
	v12 =	vadd.f32 v12, v17  }
0x309: {  	v13 =	vld.idx.msk [tilespmem:v13+s19+$0x0], $0xffff  }
0x30a: {  	v61 =	vmul.f32 v57, v46;
	v14 =	vadd.f32 v60, v14;
	v11 =	vadd.f32 v11, v12  }
0x30b: {  	v62 =	vld.idx.msk [tilespmem:v34+s19+$0x0], $0xffff  }
0x30c: {  	v63 =	vmul.f32 v58, v49;
	v14 =	vadd.f32 v61, v14;
	v11 =	vmul.f32 v59, v11;
	_ =	sdelay $0x1  }
0x30d: {  	v13 =	vmul.f32 v13, v52;
	v14 =	vadd.f32 v63, v14;
	[tilespmem:s2+$0xFFFFFFF0] =	vst v11  }
0x30e: {  	v11 =	vld [tilespmem:s6+$0x0]  }
0x30f: {  	v13 =	vadd.f32 v13, v14;
	v12 =	vmul.f32 v62, v54  }
0x310: {  	p0 =	sne.s32 s0, $0x370  }
.Ltmp1:
0x311: {  	v12 =	vadd.f32 v12, v13;
	(pc) =	sbr.rel @p0 .LBB2_6-.Ltmp1, $4  }
0x312: {  	_ = 	snop  }
0x313: {  	v11 =	vmul.f32 v11, v12  }
0x314: {  	s0 =	sadd.s32 $0x70, s0  }
0x315: {  	s30 =	sadd.s32 $0x70, s30;
	s6 =	sadd.s32 $0x70, s6;
	[tilespmem:s2+$0x60] =	vst v11;
	s2 =	sadd.s32 $0xE0, s2  }
0x316: {  	s0 =	smul.u32 $0x700, s29;
	_ =	sdelay $0x1  }
0x317: {  	s29 =	sadd.s32 $0x1, s29;
	s0 =	sadd.s32 s25, s0  }
0x318: {  	p0 =	sne.s32 s29, $0x19;
	s0 =	sshrl.u32 s0, $0x3  }
.Ltmp2:
0x319: {  	s0 =	sadd.s32 s5, s0;
	(pc) =	sbr.rel @p0 .LBB2_3-.Ltmp2, $4  }
0x31a: {  	[hbm4b:s0+s1] =	stream.linear.scatter [tilespmem:s21], [sflag:$0x2], $0x700, $0x38;
	[tilespmem:$0x14408] =	vst v63  }
0x31b: {  	_ =	swait.ge [sflag:s10], $0x700  }
0x31c: {  	[sflag:s10] =	ssyncset.done $0x0  }
0x31d: {  	s28 =	sadd.s32 $0x8, s28;
	[sflag:s10] =	ssyncadd.s32 $0xFFFFF900  }
0x31e: {  	s23 =	sadd.s32 $0x1, s23  }
0x31f: {  	p0 =	sne.s32 s23, $0x4  }
.Ltmp3:
0x320: {  	_ = 	snop;
	(pc) =	sbr.rel @p0 .LBB2_2-.Ltmp3, $1  }
0x321: {  	_ =	sdelay $0x3  }
0x322: {  	s22 =	sadd.s32 $0x1, s22  }
0x323: {  	p0 =	sne.s32 s22, s9  }
.Ltmp4:
0x324: {  	_ = 	snop;
	(pc) =	sbr.rel @p0 .LBB2_1-.Ltmp4, $1  }
0x325: {  	_ =	sdelay $0x3  }
0x326: {  	_ =	sfence.sel $0x180000  }
0x327: {  	[bflag:$0x0] =	sbarrier.arrive $0xFFFF  }
0x328: {  	_ =	strace $0x9000004A  }
0x329: {  	s0 =	stileid.u32;
	[bflag:$0x2] =	sbarrier.arrive $0xFFFF  }
0x32a: {  	p0 =	sne.s32 s0, $0x0;
	s0 =	rddreg [dreg:$0x2]  }
0x32b: {  	s0 =	sadd.s32 @!p0 $0x100000, s0  }
0x32c: {  	[sflag:s0] =	ssyncadd.tile.s32 @!p0 $0x1;
	_ =	shalt  }
.Lfunc_end2:
_tile_overlayer_lowered:
.L_overlay_start_2:
0x32d: {  	(tag) =	ssettag $0x2  }
0x32e: {  	s0 =	rddreg [dreg:$0x0];
	s2 =	stileid.u32  }
0x32f: {  	s1 =	rddreg [dreg:$0x1];
	p0 =	sne.s32 s2, $0x0  }
0x330: {  	s3 =	rddreg [dreg:$0x2];
	[bflag:$0x3] =	sbarrier.arrive $0xFFFF;
	s2 =	simm.s32 @!p0 $0x1C02  }
0x331: {  	[timem:s3], [sflag:s2] =	dma.local @!p0 [hbm:s0], s1  }
0x332: {  	s0 =	simm.s32 @!p0 $0x2  }
0x333: {  	_ =	swait.ge @!p0 [sflag:s0], s1  }
0x334: {  	s1 =	ssub.s32 @!p0 $0x0, s1;
	[sflag:s0] =	ssyncset.done @!p0 $0x0  }
0x335: {  	[sflag:s0] =	ssyncadd.s32 @!p0 s1  }
0x336: {  	[bflag:$0x3] =	sbarrier.arrive $0xFFFF  }
0x337: {  	_ =	shalt  }

// kernel: sparse-core-data-format-call.cloned.1.call-start
scs
called_computation_lowered:
.L_overlay_start_0:
0x0: {  	s1 =	sld [smem:$0x3FD9]  }
0x1: {  	s2 =	sld [smem:$0x3FFE];
	_ =	sdelay $0x1  }
0x2: {  	s3 =	srdreg.scid  }
0x3: {  	s0 =	sand.u32 $0x1, s3  }
0x4: {  	s17 =	sshll.u32 s0, $0xA;
	s1 =	sadd.s32 s2, s1  }
0x5: {  	s1 =	sadd.s32 s1, s17  }
0x6: {  	[smem:$0x3FC6] =	sst s1  }
0x7: {  	_ = 	snop  }
0x8: {  	(tm) =	ssettm $0x1  }
0x9: {  	s18 =	sld [smem:$0x3FFB];
	_ =	sdelay $0x3  }
0xa: {  	_ =	strace s18  }
0xb: {  	s1 =	sld [smem:$0x3FFC];
	_ =	sdelay $0x3  }
0xc: {  	_ =	strace s1  }
0xd: {  	s1 =	sld [smem:$0x3FFD];
	_ =	sdelay $0x3  }
0xe: {  	_ =	strace s1  }
0xf: {  	_ =	strace $0x8FFFFFFF  }
0x10: {  	s19 =	sld [smem:$0x3FDB];
	_ =	sdelay $0x1  }
0x11: {  	s20 =	simm.s32 $_scs_section_size  }
0x12: {  	s4 =	simm.s32 $_size__tile_overlayer_lowered;
	s5 =	simm.s32 $_tile_overlayer_lowered  }
0x13: {  	s23 =	simm.s32 $0x1BFF;
	s22 =	sshll.u32 s5, $0x1;
	s1 =	sadd.s32 s20, s19  }
0x14: {  	s6 =	simm.s32 $0x0;
	s21 =	sshll.u32 s4, $0x1;
	s4 =	sadd.s32 s22, s1  }
0x15: {  	[timem:s6], [sflag:s23] =	dma.local [hbm:s4], s21  }
0x16: {  	_ =	swait.ge [sflag:s23], s21  }
0x17: {  	s2 =	ssub.s32 $0x0, s21;
	[sflag:s23] =	ssyncset.done $0x0  }
0x18: {  	[sflag:s23] =	ssyncadd.s32 s2;
	_ =	sdelay $0x1  }
0x19: {  	s24 =	simm.s32 $0x1B8B  }
0x1a: {  	_ =	swait.ge [sflag:s24], $0x1  }
0x1b: {  	[sflag:s24] =	ssyncset.done $0x0  }
0x1c: {  	s26 =	simm.s32 $0x1B8E;
	s25 =	sld [smem:$0x3FFE];
	[sflag:s24] =	ssyncadd.s32 $0xFFFFFFFF  }
0x1d: {  	s27 =	simm.s32 $execute0_lowered;
	[smem:$0x3FD2] =	sst s26  }
0x1e: {  	s4 =	sshll.u32 s27, $0x1;
	_ =	strace $0x80000046;
	[dreg:$0x1] =	wrdreg $0xFFFFFFFF  }
0x1f: {  	s28 =	simm.s32 $_size_execute0_lowered;
	s1 =	sadd.s32 s1, s4;
	[dreg:$0x0] =	wrdreg $0x0  }
0x20: {  	s4 =	sshll.u32 s28, $0x1;
	[dreg:$0x2] =	wrdreg s1  }
0x21: {  	[dreg:$0x3] =	wrdreg s4  }
0x22: {  	[dreg:$0x4] =	wrdreg $0xC0  }
0x23: {  	_ =	task [dreg:s6], $0x5FFFF  }
0x24: {  	[dreg:$0x1] =	wrdreg $0xFFFFFFFF  }
0x25: {  	[dreg:$0x0] =	wrdreg $0x60  }
0x26: {  	[dreg:$0x2] =	wrdreg s25  }
0x27: {  	[dreg:$0x3] =	wrdreg $0x9  }
0x28: {  	_ =	task.clear_ibuf [dreg:s6], $0x4FFFF;
	_ =	strace $0x90000046  }
0x29: {  	s29 =	simm.s32 $0x9;
	_ =	strace $0x80000048  }
0x2a: {  	_ =	swait.ge [sflag:s29], $0x1  }
0x2b: {  	[sflag:s29] =	ssyncadd.s32 $0xFFFFFFFF  }
0x2c: {  	_ =	strace $0x90000048  }
0x2d: {  	_ =	sfence  }
0x2e: {  	s30 =	sld [smem:$0x0];
	_ =	sdelay $0x2  }
0x2f: {  	s31 =	sshll.u32 s3, $0xD;
	s3 =	sshrl.u32 s3, $0x2  }
0x30: {  	s2 =	sand.u32 $0x4000, s31;
	s1 =	sadd.s32 s3, s30  }
0x31: {  	s0 =	sor.u32 s2, s0;
	s1 =	sshll.u32 s1, $0x11  }
0x32: {  	s0 =	sor.u32 s1, s0  }
0x33: {  	s0 =	sadd.s32 $0x8F2B, s0  }
0x34: {  	[sflag:s0] =	ssyncadd.remote.s32 $0x1  }
0x35: {  	_ =	sfence.sel $0xFFFF  }
0x36: {  	[dreg:$0x0] =	wrdreg $0xFFFFFFFF;
	(pc) =	sbr.abs _section_cstart, $3  }
0x37: {  	[dreg:$0x1] =	wrdreg $0xFFFFFFFF  }
0x38: {  	_ =	task.clear_ibuf [dreg:s6], $0x2FFFF;
	_ =	strace $0x9FFFFFFF  }
0x39: {  	(tm) =	ssettm $0x7FFFFFFF  }
tec
execute0_lowered:
.L_overlay_start_1:
0x0: {  	(tag) =	ssettag $0x1  }
0x1: {  	s0 =	srdreg.scid  }
0x2: {  	s5 =	rddreg [dreg:$0x0];
	s1 =	stileid.u32;
	s4 =	simm.s32 $0x1  }
0x3: {  	s6 =	simm.s32 $0x2;
	s15 =	simm.s32 $0x0;
	p0 =	por $0x0, $0x0  }
0x4: {  	s8 =	simm.s32 $0x80;
	s14 =	simm.s32 $0x0;
	s2 =	sshll.u32 s0, $0x4  }
0x5: {  	s9 =	simm.s32 $0x0;
	s10 =	simm.s32 $0x0;
	s2 =	sand.u32 $0x10, s2  }
.Ltmp0:
0x6: {  	s12 =	simm.s32 $0x0;
	s3 =	sor.u32 s1, s2;
	(pc) =	sbr.rel .LBB1_1-.Ltmp0, $4  }
0x7: {  	s0 =	rddreg [dreg:$0x1];
	_ =	strace $0x80000047;
	s3 =	sshll.u32 s3, $0x8  }
0x8: {  	s13 =	simm.s32 $0x0;
	[sflag:s4] =	ssyncpa.u1 $0x0;
	s7 =	ssub.s32 $0x1C7C00, s3  }
0x9: {  	s2 =	sadd.s32 $0x3600, s5;
	[sflag:s6] =	ssyncpa.u1 $0x0;
	s6 =	sshrl.u32 s7, $0xD  }
0xa: {  	s5 =	sadd.s32 $0x1CB400, s5;
	s11 =	smov.u32 s3;
	s7 =	sadd.s32 $0x2, s6  }
.LBB1_5:
0xb: {  	p1 =	slt.u32 s13, $0x2  }
0xc: {  	s17 =	smov.u32 s15;
	p2 =	sgt.s32 @!p1 s15, $0x1C7BF0;
	s16 =	sshra.s32 @!p1 s15, $0x1F  }
0xd: {  	p3 =	sgt.s32 @!p1 s14, $0x78;
	s18 =	sshra.s32 @!p1 s14, $0x1F;
	p2 =	por !p2, p1  }
0xe: {  	s15 =	sand.u32 @!p1 s16, s15;
	p3 =	por !p3, p1;
	s16 =	smov.u32 s14  }
0xf: {  	s14 =	sand.u32 @!p1 s18, s14;
	s17 =	simm.s32 @p2 $0x1C7BF0;
	s16 =	simm.s32 @p3 $0x78  }
0x10: {  	s15 =	ssub.s32 @!p1 s17, s15;
	s14 =	ssub.s32 @!p1 s16, s14  }
0x11: {  	s18 =	smov.u32 s12;
	s16 =	sadd.s32 @!p1 $0xFFE38410, s15;
	s17 =	sadd.s32 @!p1 $0xFFFFFF88, s14  }
0x12: {  	s15 =	ssub.s32 @!p1 $0x1C7CF0, s15;
	p2 =	sgt.s32 @!p1 s16, $0xFF;
	p3 =	sgt.s32 @!p1 s17, $0x7  }
0x13: {  	s14 =	ssub.s32 @!p1 $0x80, s14;
	p2 =	por !p2, p1;
	p3 =	por !p3, p1  }
0x14: {  	s16 =	sadd.s32 $0x2000, s11;
	s15 =	simm.s32 @!p2 $0x0;
	s14 =	simm.s32 @!p3 $0x0  }
0x15: {  	p2 =	sgt.s32 s16, $0x1C7CEC;
	s14 =	smul.u32 @!p1 s14, s15;
	s15 =	sadd.s32 $0x8, s12  }
0x16: {  	s18 =	smov.u32 @p2 s15  }
0x17: {  	s16 =	smov.u32 @p2 s3;
	p2 =	sgt.s32 s18, $0x7  }
0x18: {  	s18 =	simm.s32 @p2 $0x0;
	p2 =	sne.s32 s13, s7  }
.Ltmp1:
0x19: {  	p0 =	por !p0, !p0;
	s17 =	simm.s32 @!p1 $0x2;
	(pc) =	sbr.rel @!p2 .LBB1_6-.Ltmp1, $4  }
0x1a: {  	s15 =	smov.u32 s9;
	s9 =	smov.u32 s11;
	s14 =	sand.u32 @!p1 $0x3FFFFFFF, s14  }
0x1b: {  	s11 =	smov.u32 s16;
	_ =	swait.ge @!p1 [sflag:s17], s14;
	s19 =	ssub.s32 @!p1 $0x0, s14  }
0x1c: {  	s14 =	smov.u32 s10;
	s13 =	sadd.s32 $0x1, s13;
	[sflag:s17] =	ssyncset.done @!p1 $0x0  }
0x1d: {  	s10 =	smov.u32 s12;
	s12 =	smov.u32 s18;
	[sflag:s17] =	ssyncadd.s32 @!p1 s19  }
.LBB1_1:
0x1e: {  	p1 =	sgt.u32 s13, s6  }
0x1f: {  	s16 =	sshrl.u32 @!p1 s12, $0x3  }
0x20: {  	s17 =	sshll.u32 @!p1 s11, $0x3;
	s16 =	smul.u32 @!p1 $0xE3E800, s16  }
0x21: {  	s18 =	sshll.u32 @!p1 s12, $0x7;
	s17 =	sand.u32 @!p1 $0xFFFFFC00, s17  }
0x22: {  	s16 =	sadd.s32 @!p1 s16, s17;
	s17 =	sand.u32 @!p1 $0x380, s18  }
0x23: {  	s16 =	sor.u32 @!p1 s17, s16  }
0x24: {  	s17 =	sshrl.u32 @!p1 s16, $0x8  }
0x25: {  	s17 =	smulhi.u32 @!p1 $0x11F8E8D, s17;
	_ =	sdelay $0x1  }
0x26: {  	s17 =	sshrl.u32 @!p1 s17, $0x5  }
0x27: {  	s18 =	sand.u32 @!p1 $0x7F, s11;
	s19 =	smul.u32 @!p1 $0x1C7D00, s17  }
0x28: {  	s16 =	sor.u32 @!p1 s18, s16  }
0x29: {  	s17 =	sand.u32 @!p1 $0x7, s17;
	s16 =	ssub.s32 @!p1 s16, s19  }
0x2a: {  	s18 =	sxor.u32 @!p1 $0xFFFFFFFF, s13;
	s17 =	smul.u32 @!p1 $0x38FA0, s17;
	s19 =	sshrl.u32 @!p1 s16, $0x3  }
0x2b: {  	s18 =	sshll.u32 @!p1 s18, $0xB;
	s19 =	sadd.s32 @!p1 s2, s19  }
0x2c: {  	s18 =	sand.u32 @!p1 $0x800, s18;
	s16 =	sand.u32 @!p1 $0x7, s16;
	s17 =	sadd.s32 @!p1 s17, s19  }
0x2d: {  	[tilespmem:s18], [sflag:$0x1] =	stream.linear.gather @!p1 [hbm4b:s17+s16], $0x800, $0x38;
	[tilespmem:$0x2200] =	vst v63  }
0x2e: {  	p1 =	seq.s32 s13, $0x0  }
0x2f: {  	p2 =	sge.u32 @!p1 s13, s7  }
0x30: {  	p1 =	por p1, p2  }
.Ltmp2:
0x31: {  	_ = 	snop;
	(pc) =	sbr.rel @p1 .LBB1_5-.Ltmp2, $1  }
0x32: {  	_ =	sdelay $0x3  }
0x33: {  	s16 =	simm.s32 $0x1  }
0x34: {  	s21 =	sand.u32 $0x1, s13;
	s17 =	simm.s32 $0x0;
	_ =	swait.ge [sflag:s4], $0x800  }
0x35: {  	s16 =	simm.s32 @!p0 $0x0;
	s19 =	sshll.u32 s21, $0xB;
	s18 =	sand.u32 $0x300, s17  }
0x36: {  	[sflag:s4] =	ssyncset.done $0x0;
	s17 =	sand.u32 $0x80, s17;
	s18 =	sadd.s32 s18, s19  }
0x37: {  	s20 =	sshll.u32 s16, $0xB;
	[sflag:s4] =	ssyncadd.s32 $0xFFFFF800;
	s17 =	sadd.s32 s17, s18  }
0x38: {  	s16 =	smul.u32 $0x2400, s16;
	s20 =	sor.u32 $0x410, s20;
	v0 =	vld [tilespmem:s17+$0x400]  }
0x39: {  	v1 =	vld [tilespmem:s20+$0xFFFFFBF0]  }
0x3a: {  	s16 =	sshrl.u32 s16, $0x2;
	v2 =	vld [tilespmem:s20+$0xFFFFFC00]  }
0x3b: {  	v3 =	vld [tilespmem:s20+$0xFFFFFC10];
	s17 =	sor.u32 $0x1000, s16  }
0x3c: {  	v4 =	vld [tilespmem:s20+$0xFFFFFC20];
	s18 =	sadd.s32 $0x0, s17  }
0x3d: {  	v5 =	vld [tilespmem:s20+$0xFFFFFC30];
	[tilespmem:s18+$0x480 ss:$0x9] =	vst.msk $0xffff, v0  }
0x3e: {  	[tilespmem:s18+$0x0 ss:$0x9] =	vst.msk $0xffff, v1;
	v0 =	vld [tilespmem:s20+$0xFFFFFC40]  }
0x3f: {  	[tilespmem:s18+$0x90 ss:$0x9] =	vst.msk $0xffff, v2;
	v1 =	vld [tilespmem:s20+$0xFFFFFC50]  }
0x40: {  	v6 =	vld [tilespmem:s20+$0xFFFFFC60];
	[tilespmem:s18+$0x120 ss:$0x9] =	vst.msk $0xffff, v3  }
0x41: {  	[tilespmem:s18+$0x1B0 ss:$0x9] =	vst.msk $0xffff, v4;
	v3 =	vld [tilespmem:s20+$0x0]  }
0x42: {  	s31 =	smul.u32 $0x2400, s21;
	[tilespmem:s18+$0x240 ss:$0x9] =	vst.msk $0xffff, v5;
	v2 =	vld [tilespmem:s20+$0x10]  }
0x43: {  	[tilespmem:s18+$0x2D0 ss:$0x9] =	vst.msk $0xffff, v0;
	v0 =	vld [tilespmem:s20+$0x20]  }
0x44: {  	s22 =	simm.s32 $0x80;
	s23 =	simm.s32 $0x8;
	s16 =	sshrl.u32 s31, $0x2;
	[tilespmem:s18+$0x360 ss:$0x9] =	vst.msk $0xffff, v1;
	v1 =	vld [tilespmem:s20+$0x30]  }
0x45: {  	s21 =	simm.s32 $0x4;
	s24 =	sand.u32 $0x300, s22;
	s16 =	sor.u32 $0x1000, s16;
	[tilespmem:s18+$0x3F0 ss:$0x9] =	vst.msk $0xffff, v6;
	v4 =	vld [tilespmem:s20+$0x40]  }
.LBB1_3:
0x46: {  	p1 =	sne.s32 s23, $0x1C;
	s25 =	sand.u32 $0x80, s22;
	s24 =	sadd.s32 s24, s19;
	[tilespmem:s18+$0x510 ss:$0x9] =	vst.msk $0xffff, v3;
	v3 =	vld [tilespmem:s20+$0x50]  }
0x47: {  	s24 =	sadd.s32 s25, s24;
	[tilespmem:s18+$0x5A0 ss:$0x9] =	vst.msk $0xffff, v2;
	v2 =	vld [tilespmem:s20+$0x60]  }
0x48: {  	s20 =	sadd.s32 $0x80, s20;
	v5 =	vld [tilespmem:s24+$0x400];
	[tilespmem:s18+$0x630 ss:$0x9] =	vst.msk $0xffff, v0  }
0x49: {  	v0 =	vld [tilespmem:s20+$0xFFFFFBF0];
	[tilespmem:s18+$0x6C0 ss:$0x9] =	vst.msk $0xffff, v1  }
0x4a: {  	v1 =	vld [tilespmem:s20+$0xFFFFFC00];
	[tilespmem:s18+$0x750 ss:$0x9] =	vst.msk $0xffff, v4  }
0x4b: {  	s24 =	sshra.s32 s21, $0x2;
	s21 =	smov.u32 s23;
	v4 =	vld [tilespmem:s20+$0xFFFFFC10];
	[tilespmem:s18+$0x7E0 ss:$0x9] =	vst.msk $0xffff, v3  }
0x4c: {  	v3 =	vld [tilespmem:s20+$0xFFFFFC20];
	[tilespmem:s18+$0x870 ss:$0x9] =	vst.msk $0xffff, v2;
	s18 =	sadd.s32 s24, s17  }
0x4d: {  	v2 =	vld [tilespmem:s20+$0xFFFFFC30];
	[tilespmem:s18+$0x480 ss:$0x9] =	vst.msk $0xffff, v5  }
0x4e: {  	[tilespmem:s18+$0x0 ss:$0x9] =	vst.msk $0xffff, v0;
	v0 =	vld [tilespmem:s20+$0xFFFFFC40]  }
0x4f: {  	[tilespmem:s18+$0x90 ss:$0x9] =	vst.msk $0xffff, v1;
	v1 =	vld [tilespmem:s20+$0xFFFFFC50]  }
0x50: {  	[tilespmem:s18+$0x120 ss:$0x9] =	vst.msk $0xffff, v4;
	v4 =	vld [tilespmem:s20+$0xFFFFFC60]  }
.Ltmp3:
0x51: {  	[tilespmem:s18+$0x1B0 ss:$0x9] =	vst.msk $0xffff, v3;
	v3 =	vld [tilespmem:s20+$0x0];
	(pc) =	sbr.rel @p1 .LBB1_3-.Ltmp3, $4  }
0x52: {  	[tilespmem:s18+$0x240 ss:$0x9] =	vst.msk $0xffff, v2;
	v2 =	vld [tilespmem:s20+$0x10]  }
0x53: {  	[tilespmem:s18+$0x2D0 ss:$0x9] =	vst.msk $0xffff, v0;
	v0 =	vld [tilespmem:s20+$0x20]  }
0x54: {  	s22 =	sadd.s32 $0x80, s22;
	[tilespmem:s18+$0x360 ss:$0x9] =	vst.msk $0xffff, v1;
	v1 =	vld [tilespmem:s20+$0x30]  }
0x55: {  	s23 =	sadd.s32 $0x4, s23;
	s24 =	sand.u32 $0x300, s22;
	[tilespmem:s18+$0x3F0 ss:$0x9] =	vst.msk $0xffff, v4;
	v4 =	vld [tilespmem:s20+$0x40]  }
0x56: {  	v5 =	vld [tilespmem:s20+$0x50]  }
0x57: {  	[tilespmem:s18+$0x510 ss:$0x9] =	vst.msk $0xffff, v3;
	v47 =	vld [tilespmem:s20+$0x60];
	s29 =	sadd.s32 $0x80, s20  }
0x58: {  	[tilespmem:s18+$0x5A0 ss:$0x9] =	vst.msk $0xffff, v2;
	v49 =	vld [tilespmem:s29+$0xFFFFFBF0]  }
0x59: {  	v50 =	vld [tilespmem:s29+$0xFFFFFC00];
	[tilespmem:s18+$0x630 ss:$0x9] =	vst.msk $0xffff, v0  }
0x5a: {  	v51 =	vld [tilespmem:s29+$0xFFFFFC10];
	[tilespmem:s18+$0x6C0 ss:$0x9] =	vst.msk $0xffff, v1  }
0x5b: {  	v52 =	vld [tilespmem:s29+$0xFFFFFC20];
	[tilespmem:s18+$0x750 ss:$0x9] =	vst.msk $0xffff, v4  }
0x5c: {  	s30 =	sshra.s32 s21, $0x2;
	v53 =	vld [tilespmem:s29+$0xFFFFFC30];
	[tilespmem:s18+$0x7E0 ss:$0x9] =	vst.msk $0xffff, v5  }
0x5d: {  	s17 =	sadd.s32 s30, s17;
	v54 =	vld [tilespmem:s29+$0xFFFFFC40];
	[tilespmem:s18+$0x870 ss:$0x9] =	vst.msk $0xffff, v47  }
0x5e: {  	s22 =	sand.u32 $0x80, s22;
	v55 =	vld [tilespmem:s29+$0xFFFFFC50];
	[tilespmem:s17+$0x90 ss:$0x9] =	vst.msk $0xffff, v50  }
0x5f: {  	s19 =	sadd.s32 s24, s19;
	s31 =	sshll.u32 s9, $0x7;
	s21 =	sshll.u32 s10, $0x3;
	v56 =	vld [tilespmem:s29+$0xFFFFFC60];
	[tilespmem:s17+$0x120 ss:$0x9] =	vst.msk $0xffff, v51  }
0x60: {  	p1 =	sgt.s32 s9, $0x1C7BF0;
	s23 =	sshra.s32 s9, $0x1F;
	s27 =	sshrl.u32 s10, $0x3;
	v57 =	vld [tilespmem:s29+$0x0];
	[tilespmem:s17+$0x1B0 ss:$0x9] =	vst.msk $0xffff, v52  }
0x61: {  	s19 =	sadd.s32 s22, s19;
	s22 =	sand.u32 $0xFFFFFC00, s31;
	s20 =	sand.u32 $0xFFFFFC00, s21;
	v58 =	vld [tilespmem:s29+$0x10];
	[tilespmem:s17+$0x240 ss:$0x9] =	vst.msk $0xffff, v53  }
0x62: {  	v59 =	vld [tilespmem:s29+$0x20];
	s21 =	sand.u32 s23, s9;
	s20 =	sadd.s32 s20, s22;
	s18 =	sand.u32 $0x380, s31;
	[tilespmem:s17+$0x2D0 ss:$0x9] =	vst.msk $0xffff, v54  }
0x63: {  	v60 =	vld [tilespmem:s29+$0x30];
	s23 =	sshra.s32 s10, $0x1F;
	s18 =	sor.u32 s18, s20;
	s20 =	smov.u32 s9;
	[tilespmem:s17+$0x360 ss:$0x9] =	vst.msk $0xffff, v55  }
0x64: {  	v61 =	vld [tilespmem:s29+$0x40];
	[tilespmem:s17+$0x3F0 ss:$0x9] =	vst.msk $0xffff, v56;
	s18 =	sshrl.u32 s18, $0x7;
	s20 =	simm.s32 @!p1 $0x1C7BF0;
	p1 =	sgt.s32 s10, $0x78  }
0x65: {  	v62 =	vld [tilespmem:s29+$0x50];
	[tilespmem:s17+$0x510 ss:$0x9] =	vst.msk $0xffff, v57;
	s24 =	smulhi.u32 $0x23F1E5D, s18;
	s20 =	ssub.s32 s20, s21;
	s21 =	smov.u32 s10  }
0x66: {  	v63 =	vld [tilespmem:s29+$0x60];
	s23 =	sand.u32 s23, s10;
	[tilespmem:s17+$0x5A0 ss:$0x9] =	vst.msk $0xffff, v58;
	s21 =	simm.s32 @!p1 $0x78;
	s25 =	sadd.s32 $0xFFE38410, s20  }
0x67: {  	v48 =	vld [tilespmem:s19+$0x400];
	[tilespmem:s17+$0x0 ss:$0x9] =	vst.msk $0xffff, v49;
	s19 =	ssub.s32 $0x1C7CF0, s20;
	s22 =	sshrl.u32 s24, $0xE;
	s21 =	ssub.s32 s21, s23  }
0x68: {  	[tilespmem:s17+$0x630 ss:$0x9] =	vst.msk $0xffff, v59;
	p1 =	sgt.s32 s25, $0xFF;
	s22 =	smul.u32 $0x1C7CF0, s22;
	s26 =	sadd.s32 $0xFFFFFF88, s21  }
0x69: {  	[tilespmem:s17+$0x6C0 ss:$0x9] =	vst.msk $0xffff, v60;
	s19 =	simm.s32 @p1 $0x0;
	s20 =	ssub.s32 $0x80, s21;
	p1 =	sgt.s32 s26, $0x7  }
.Ltmp4:
0x6a: {  	s28 =	sand.u32 $0xF, s27;
	[tilespmem:s17+$0x750 ss:$0x9] =	vst.msk $0xffff, v61;
	s20 =	simm.s32 @p1 $0x0;
	(pc) =	sbr.rel .LBB1_5-.Ltmp4, $4  }
0x6b: {  	s29 =	sand.u32 $0x7, s10;
	[tilespmem:s17+$0x7E0 ss:$0x9] =	vst.msk $0xffff, v62;
	s18 =	ssub.s32 s18, s22;
	s19 =	smul.u32 s20, s19  }
0x6c: {  	[tilespmem:s17+$0x870 ss:$0x9] =	vst.msk $0xffff, v63;
	s21 =	sshll.u32 s29, $0x12;
	s18 =	sshll.u32 s18, $0x4;
	s20 =	sadd.s32 s5, s28  }
0x6d: {  	[tilespmem:s17+$0x480 ss:$0x9] =	vst.msk $0xffff, v48;
	s31 =	sor.u32 $0x8, s21;
	s18 =	sadd.s32 s18, s20;
	s30 =	sand.u32 $0x3FFFFFFF, s19  }
0x6e: {  	[hbm4b:s18+s31] =	stream.strided.scatter [tilespmem:s16], [sflag:$0x2], s30, s8, s31, $0x0;
	[tilespmem:$0x2200] =	vst v63  }
.LBB1_6:
0x6f: {  	_ =	sfence.sel $0x180000  }
0x70: {  	s2 =	simm.s32 $0x1;
	[bflag:$0x0] =	sbarrier.arrive $0xFFFF  }
0x71: {  	s31 =	simm.s32 $0x2;
	[sflag:s2] =	ssyncpa.u1 $0x1  }
0x72: {  	[sflag:s31] =	ssyncpa.u1 $0x1  }
0x73: {  	p0 =	sne.s32 s1, $0x0;
	_ =	strace $0x90000047  }
0x74: {  	s0 =	sadd.s32 @!p0 $0x100000, s0;
	[bflag:$0x2] =	sbarrier.arrive $0xFFFF  }
0x75: {  	[sflag:s0] =	ssyncadd.tile.s32 @!p0 $0x1;
	_ =	shalt  }
.Lfunc_end1:
_tile_overlayer_lowered:
.L_overlay_start_2:
0x76: {  	(tag) =	ssettag $0x2  }
0x77: {  	s0 =	rddreg [dreg:$0x0];
	s2 =	stileid.u32  }
0x78: {  	s1 =	rddreg [dreg:$0x1];
	p0 =	sne.s32 s2, $0x0  }
0x79: {  	s3 =	rddreg [dreg:$0x2];
	[bflag:$0x3] =	sbarrier.arrive $0xFFFF;
	s2 =	simm.s32 @!p0 $0x1C01  }
0x7a: {  	[timem:s3], [sflag:s2] =	dma.local @!p0 [hbm:s0], s1  }
0x7b: {  	s0 =	simm.s32 @!p0 $0x1  }
0x7c: {  	_ =	swait.ge @!p0 [sflag:s0], s1  }
0x7d: {  	s1 =	ssub.s32 @!p0 $0x0, s1;
	[sflag:s0] =	ssyncset.done @!p0 $0x0  }
0x7e: {  	[sflag:s0] =	ssyncadd.s32 @!p0 s1  }
0x7f: {  	[bflag:$0x3] =	sbarrier.arrive $0xFFFF  }
0x80: {  	_ =	shalt  }

</sc_bundles>
